<compile_context>
chip_gen: v7x
topology: tpu7x:2x2x1
jax: 0.10.2.dev20260603
libtpu: 0.0.44.dev20260713+nightly
codegen_flags: <defaults>
</compile_context>

<pallas_src>
import jax
import jax.numpy as jnp
from jax import lax
from jax.experimental import pallas as pl
from jax.experimental.pallas import tpu as pltpu
from jax.experimental.pallas import tpu_sc as plsc

_EMBED = 128
_MAX_LEN = 200
_NUM_ITEMS = 100000
_BATCH = 1024

_NC, _NS = 2, 16
_NW = _NC * _NS
_ROWS = _BATCH * _MAX_LEN
_CHUNK = 128
_NCHUNK = _ROWS // _CHUNK
_CPW = _NCHUNK // _NW
_NV = _EMBED // 16
_PE2 = _MAX_LEN + _CHUNK
_NB = 5


def _body(ridx_hbm, sidx_hbm, t0_hbm, tm_hbm, pe_hbm, emb_hbm, out_hbm,
          ridx_v, sidx_v, pe2_sh, t0_v, tm_v, e0_v, eN_v, ob,
          gsem0, gsem1, gsem2, gsem3, gsem4,
          osem0, osem1, osem2, osem3, osem4):
    gsems = (gsem0, gsem1, gsem2, gsem3, gsem4)
    osems = (osem0, osem1, osem2, osem3, osem4)
    sid = lax.axis_index("s")
    w = sid * _NC + lax.axis_index("c")
    base = w * _CPW
    pltpu.sync_copy(ridx_hbm.at[pl.ds(base, _CPW)], ridx_v)
    pltpu.sync_copy(sidx_hbm.at[pl.ds(base, _CPW)], sidx_v)
    pltpu.sync_copy(t0_hbm, t0_v)
    pltpu.sync_copy(tm_hbm, tm_v)
    pltpu.sync_copy(emb_hbm.at[pl.ds(0, 1)], e0_v)
    pltpu.sync_copy(emb_hbm.at[pl.ds(_NUM_ITEMS - 1, 1)], eN_v)

    @pl.when(sid == 0)
    def _stage_pe_shared():
        bounce = ob.at[_NB - 1]
        pltpu.sync_copy(pe_hbm.at[pl.ds(0, _CHUNK)], bounce)
        pltpu.sync_copy(bounce, pe2_sh.at[pl.ds(0, _CHUNK)])
        pltpu.sync_copy(bounce, pe2_sh.at[pl.ds(_MAX_LEN, _CHUNK)])
        rest = _MAX_LEN - _CHUNK
        pltpu.sync_copy(pe_hbm.at[pl.ds(_CHUNK, rest)],
                        bounce.at[pl.ds(0, rest)])
        pltpu.sync_copy(bounce.at[pl.ds(0, rest)],
                        pe2_sh.at[pl.ds(_CHUNK, rest)])

    plsc.subcore_barrier()

    d0r = [t0_v[0, pl.ds(16 * j, 16)] - e0_v[0, pl.ds(16 * j, 16)]
           for j in range(_NV)]
    dmr = [tm_v[0, pl.ds(16 * j, 16)] - eN_v[0, pl.ds(16 * j, 16)]
           for j in range(_NV)]
    zf = jnp.zeros((16,), jnp.float32)

    def start_chunk(c, b):
        tc = (c * _CHUNK) % _MAX_LEN
        pltpu.sync_copy(pe2_sh.at[pl.ds(tc, _CHUNK)], ob.at[b])
        pltpu.async_copy(emb_hbm.at[sidx_v.at[c]], ob.at[b], gsems[b],
                         add=True)

    def fixup(c, b):
        obb = ob.at[b]
        m = None
        for k in range(_NV):
            iv = ridx_v[c, pl.ds(16 * k, 16)]
            mk = (iv == 0) | (iv == _NUM_ITEMS + 1)
            m = mk if m is None else (m | mk)
        any_spec = jnp.any(m)

        @pl.when(any_spec)
        def _slow():
            @pl.loop(0, _CHUNK)
            def _row(l):
                iv = plsc.load_gather(
                    ridx_v,
                    [jnp.full((16,), c, jnp.int32), jnp.full((16,), l, jnp.int32)])
                f0 = iv == 0
                fm = iv == _NUM_ITEMS + 1

                @pl.when(jnp.any(f0 | fm))
                def _patch():
                    for j in range(_NV):
                        v = obb[l, pl.ds(16 * j, 16)]
                        v = v + jnp.where(f0, d0r[j], jnp.where(fm, dmr[j], zf))
                        obb[l, pl.ds(16 * j, 16)] = v

    def out_slice(c):
        return out_hbm.at[pl.ds((base + c) * _CHUNK, _CHUNK)]

    for j in range(_NB - 2):
        start_chunk(j, j)

    @pl.loop(0, _CPW, step=_NB)
    def _ring(c0):
        for j in range(_NB):
            c = c0 + j
            pltpu.make_async_copy(emb_hbm.at[sidx_v.at[c]], ob.at[j],
                                  gsems[j]).wait()
            fixup(c, j)
            pltpu.async_copy(ob.at[j], out_slice(c), osems[j])

            d = c + _NB - 2
            bd = (j + _NB - 2) % _NB

            @pl.when(d < _CPW)
            def _issue():
                @pl.when(c >= 2)
                def _wait_prev_out():
                    pltpu.make_async_copy(ob.at[bd], out_slice(c - 2),
                                          osems[bd]).wait()

                start_chunk(d, bd)

    for j in range(_NB):
        c = _CPW - _NB + j
        pltpu.make_async_copy(ob.at[j], out_slice(c), osems[j]).wait()


def kernel(sequence, token_0, token_mask, pe_weight, embeddings):
    emb_out = jnp.copy(embeddings)
    seq = sequence.reshape(_NCHUNK, _CHUNK).astype(jnp.int32)
    sidx = jnp.clip(seq - 1, 0, _NUM_ITEMS - 1)
    mesh = plsc.VectorSubcoreMesh(core_axis_name="c", subcore_axis_name="s",
                                  num_cores=_NC, num_subcores=_NS)
    out = pl.kernel(
        _body,
        out_type=jax.ShapeDtypeStruct((_ROWS, _EMBED), jnp.float32),
        mesh=mesh,
        scratch_types=[
            pltpu.VMEM((_CPW, _CHUNK), jnp.int32),
            pltpu.VMEM((_CPW, _CHUNK), jnp.int32),
            pltpu.VMEM_SHARED((_PE2, _EMBED), jnp.float32),
            pltpu.VMEM((1, _EMBED), jnp.float32),
            pltpu.VMEM((1, _EMBED), jnp.float32),
            pltpu.VMEM((1, _EMBED), jnp.float32),
            pltpu.VMEM((1, _EMBED), jnp.float32),
            pltpu.VMEM((_NB, _CHUNK, _EMBED), jnp.float32),
        ] + [pltpu.SemaphoreType.DMA] * (2 * _NB),
        compiler_params=pltpu.CompilerParams(use_tc_tiling_on_sc=False,
                                             needs_layout_passes=False),
    )(seq, sidx, token_0, token_mask, pe_weight, embeddings)
    x = out.reshape(_BATCH, _MAX_LEN, _EMBED)
    return (x, emb_out)

# --- scband reference (transcript-rebuilt; emitter-appended) ---
"""Pipeline reference for scband-bert4-rec-embedding-59468117181001 (READ-ONLY COPY).

The authoritative reference and input builder live on the scoring server;
editing this copy changes nothing except your own understanding.
"""

import jax, jax.numpy as jnp
import numpy as np

EMBED = 128
MAX_LEN = 200
NUM_ITEMS = 100000
BATCH = 1024


def setup_inputs(seed: int = 0) -> dict:
    key = jax.random.key(seed)
    k1, k2, k3, k4 = jax.random.split(key, 4)
    # forward arg: item id sequence; valid range [0, NUM_ITEMS+2) over the concatenated table
    sequence = jax.random.randint(k1, (BATCH, MAX_LEN), 0, NUM_ITEMS + 2, dtype=jnp.int64 if jax.config.jax_enable_x64 else jnp.int32)
    # learned params
    token_0 = jnp.zeros((1, EMBED), dtype=jnp.float32)  # requires_grad=False in torch
    # xavier_normal_ for (1, EMBED): std = sqrt(2/(fan_in+fan_out)) = sqrt(2/(1+EMBED))
    token_mask = jax.random.normal(k2, (1, EMBED), dtype=jnp.float32) * float(np.sqrt(2.0 / (1 + EMBED)))
    pe_weight = jax.random.normal(k3, (MAX_LEN, EMBED), dtype=jnp.float32)  # nn.Embedding default init N(0,1)
    # stand-in for task1.extract_embeddings(perturb=False): item embedding matrix
    embeddings = jax.random.normal(k4, (NUM_ITEMS, EMBED), dtype=jnp.float32) * 0.02
    return {
        "sequence": sequence,
        "token_0": token_0,
        "token_mask": token_mask,
        "pe_weight": pe_weight,
        "embeddings": embeddings,
    }


def reference(sequence, token_0, token_mask, pe_weight, embeddings):
    # table = cat([token_0, embeddings[:num_items], token_mask], dim=0)
    table = jnp.concatenate([token_0, embeddings[:NUM_ITEMS], token_mask], axis=0)
    # x = table[sequence]  -> gather
    x = jnp.take(table, sequence, axis=0)
    # PositionalEmbedding: pe.weight.unsqueeze(0).repeat(B,1,1)
    p = jnp.broadcast_to(pe_weight[None, :, :], (sequence.shape[0], MAX_LEN, EMBED))
    x = x + p
    # dropout in eval mode = identity (deterministic reference)
    return (x, embeddings)

if __name__ == "__main__":
    import jax
    _d = setup_inputs()
    print(jax.jit(kernel)(*tuple(_d.values())))

</pallas_src>

<mosaic_0001>
#map = affine_map<(d0, d1) -> (0, 0)>
module attributes {stable_mosaic.version = 14 : i64} {
  func.func @_body(%arg0: i32, %arg1: i32, %arg2: memref<1600x128xi32, #tpu.memory_space<hbm>>, %arg3: memref<1600x128xi32, #tpu.memory_space<hbm>>, %arg4: memref<1x128xf32, #tpu.memory_space<hbm>>, %arg5: memref<1x128xf32, #tpu.memory_space<hbm>>, %arg6: memref<200x128xf32, #tpu.memory_space<hbm>>, %arg7: memref<100000x128xf32, #tpu.memory_space<hbm>>, %arg8: memref<204800x128xf32, #tpu.memory_space<hbm>>, %arg9: memref<50x128xi32, #tpu.memory_space<vmem>>, %arg10: memref<50x128xi32, #tpu.memory_space<vmem>>, %arg11: memref<328x128xf32, #tpu.memory_space<vmem_shared>>, %arg12: memref<1x128xf32, #tpu.memory_space<vmem>>, %arg13: memref<1x128xf32, #tpu.memory_space<vmem>>, %arg14: memref<1x128xf32, #tpu.memory_space<vmem>>, %arg15: memref<1x128xf32, #tpu.memory_space<vmem>>, %arg16: memref<5x128x128xf32, #tpu.memory_space<vmem>>, %arg17: memref<!tpu.dma_semaphore, #tpu.memory_space<semaphore_mem>>, %arg18: memref<!tpu.dma_semaphore, #tpu.memory_space<semaphore_mem>>, %arg19: memref<!tpu.dma_semaphore, #tpu.memory_space<semaphore_mem>>, %arg20: memref<!tpu.dma_semaphore, #tpu.memory_space<semaphore_mem>>, %arg21: memref<!tpu.dma_semaphore, #tpu.memory_space<semaphore_mem>>, %arg22: memref<!tpu.dma_semaphore, #tpu.memory_space<semaphore_mem>>, %arg23: memref<!tpu.dma_semaphore, #tpu.memory_space<semaphore_mem>>, %arg24: memref<!tpu.dma_semaphore, #tpu.memory_space<semaphore_mem>>, %arg25: memref<!tpu.dma_semaphore, #tpu.memory_space<semaphore_mem>>, %arg26: memref<!tpu.dma_semaphore, #tpu.memory_space<semaphore_mem>>) attributes {dimension_semantics = [#tpu.dimension_semantics<core_parallel>, #tpu.dimension_semantics<subcore_parallel>], iteration_bounds = array<i64: 2, 16>, scalar_prefetch = 0 : i64, scratch_operands = 18 : i64, tpu.core_type = #tpu.core_type<sc_vector_subcore>, window_params = [{transform_indices = #map}, {transform_indices = #map}, {transform_indices = #map}, {transform_indices = #map}, {transform_indices = #map}, {transform_indices = #map}, {transform_indices = #map}]} {
    %mul3A = arith.constant 2 : i32
    %mul3A_0 = arith.muli %arg1, %mul3A : i32
    %add3A = arith.addi %mul3A_0, %arg0 : i32
    %mul3A_1 = arith.constant 50 : i32
    %mul3A_2 = arith.muli %add3A, %mul3A_1 : i32
    "tpu.region"() ({
      %run_scoped3A_273 = tpu.sem_alloc : memref<!tpu.dma_semaphore, #tpu.memory_space<semaphore_mem>>
      %dma_start3A_274 = arith.constant 0 : i32
      %dma_start3A_275 = tpu.memref_slice %arg2[%mul3A_2, %dma_start3A_274] : memref<1600x128xi32, #tpu.memory_space<hbm>> -> memref<50x128xi32, #tpu.memory_space<hbm>>
      %dma_start3A_276 = arith.constant 0 : i32
      %dma_start3A_277 = tpu.memref_slice %arg2[%mul3A_2, %dma_start3A_276] : memref<1600x128xi32, #tpu.memory_space<hbm>> -> memref<50x128xi32, #tpu.memory_space<hbm>>
      tpu.enqueue_dma source(%dma_start3A_277 : memref<50x128xi32, #tpu.memory_space<hbm>>) target(%arg9 : memref<50x128xi32, #tpu.memory_space<vmem>>) target_semaphore(%run_scoped3A_273 : memref<!tpu.dma_semaphore, #tpu.memory_space<semaphore_mem>>)
      %dma_wait3A_278 = arith.constant 0 : i32
      %dma_wait3A_279 = tpu.memref_slice %arg2[%mul3A_2, %dma_wait3A_278] : memref<1600x128xi32, #tpu.memory_space<hbm>> -> memref<50x128xi32, #tpu.memory_space<hbm>>
      %dma_wait3A_280 = arith.constant 0 : i32
      %dma_wait3A_281 = tpu.memref_slice %arg2[%mul3A_2, %dma_wait3A_280] : memref<1600x128xi32, #tpu.memory_space<hbm>> -> memref<50x128xi32, #tpu.memory_space<hbm>>
      tpu.wait_dma2 semaphore(%run_scoped3A_273 : memref<!tpu.dma_semaphore, #tpu.memory_space<semaphore_mem>>) src(%dma_wait3A_281 : memref<50x128xi32, #tpu.memory_space<hbm>>) dst(%arg9 : memref<50x128xi32, #tpu.memory_space<vmem>>)
      tpu.yield
    }) : () -> ()
    "tpu.region"() ({
      %run_scoped3A_273 = tpu.sem_alloc : memref<!tpu.dma_semaphore, #tpu.memory_space<semaphore_mem>>
      %dma_start3A_274 = arith.constant 0 : i32
      %dma_start3A_275 = tpu.memref_slice %arg3[%mul3A_2, %dma_start3A_274] : memref<1600x128xi32, #tpu.memory_space<hbm>> -> memref<50x128xi32, #tpu.memory_space<hbm>>
      %dma_start3A_276 = arith.constant 0 : i32
      %dma_start3A_277 = tpu.memref_slice %arg3[%mul3A_2, %dma_start3A_276] : memref<1600x128xi32, #tpu.memory_space<hbm>> -> memref<50x128xi32, #tpu.memory_space<hbm>>
      tpu.enqueue_dma source(%dma_start3A_277 : memref<50x128xi32, #tpu.memory_space<hbm>>) target(%arg10 : memref<50x128xi32, #tpu.memory_space<vmem>>) target_semaphore(%run_scoped3A_273 : memref<!tpu.dma_semaphore, #tpu.memory_space<semaphore_mem>>)
      %dma_wait3A_278 = arith.constant 0 : i32
      %dma_wait3A_279 = tpu.memref_slice %arg3[%mul3A_2, %dma_wait3A_278] : memref<1600x128xi32, #tpu.memory_space<hbm>> -> memref<50x128xi32, #tpu.memory_space<hbm>>
      %dma_wait3A_280 = arith.constant 0 : i32
      %dma_wait3A_281 = tpu.memref_slice %arg3[%mul3A_2, %dma_wait3A_280] : memref<1600x128xi32, #tpu.memory_space<hbm>> -> memref<50x128xi32, #tpu.memory_space<hbm>>
      tpu.wait_dma2 semaphore(%run_scoped3A_273 : memref<!tpu.dma_semaphore, #tpu.memory_space<semaphore_mem>>) src(%dma_wait3A_281 : memref<50x128xi32, #tpu.memory_space<hbm>>) dst(%arg10 : memref<50x128xi32, #tpu.memory_space<vmem>>)
      tpu.yield
    }) : () -> ()
    "tpu.region"() ({
      %run_scoped3A_273 = tpu.sem_alloc : memref<!tpu.dma_semaphore, #tpu.memory_space<semaphore_mem>>
      tpu.enqueue_dma source(%arg4 : memref<1x128xf32, #tpu.memory_space<hbm>>) target(%arg12 : memref<1x128xf32, #tpu.memory_space<vmem>>) target_semaphore(%run_scoped3A_273 : memref<!tpu.dma_semaphore, #tpu.memory_space<semaphore_mem>>)
      tpu.wait_dma2 semaphore(%run_scoped3A_273 : memref<!tpu.dma_semaphore, #tpu.memory_space<semaphore_mem>>) src(%arg4 : memref<1x128xf32, #tpu.memory_space<hbm>>) dst(%arg12 : memref<1x128xf32, #tpu.memory_space<vmem>>)
      tpu.yield
    }) : () -> ()
    "tpu.region"() ({
      %run_scoped3A_273 = tpu.sem_alloc : memref<!tpu.dma_semaphore, #tpu.memory_space<semaphore_mem>>
      tpu.enqueue_dma source(%arg5 : memref<1x128xf32, #tpu.memory_space<hbm>>) target(%arg13 : memref<1x128xf32, #tpu.memory_space<vmem>>) target_semaphore(%run_scoped3A_273 : memref<!tpu.dma_semaphore, #tpu.memory_space<semaphore_mem>>)
      tpu.wait_dma2 semaphore(%run_scoped3A_273 : memref<!tpu.dma_semaphore, #tpu.memory_space<semaphore_mem>>) src(%arg5 : memref<1x128xf32, #tpu.memory_space<hbm>>) dst(%arg13 : memref<1x128xf32, #tpu.memory_space<vmem>>)
      tpu.yield
    }) : () -> ()
    "tpu.region"() ({
      %run_scoped3A_273 = tpu.sem_alloc : memref<!tpu.dma_semaphore, #tpu.memory_space<semaphore_mem>>
      %dma_start3A_274 = arith.constant 0 : i32
      %dma_start3A_275 = arith.constant 0 : i32
      %dma_start3A_276 = tpu.memref_slice %arg7[%dma_start3A_274, %dma_start3A_275] : memref<100000x128xf32, #tpu.memory_space<hbm>> -> memref<1x128xf32, #tpu.memory_space<hbm>>
      %dma_start3A_277 = arith.constant 0 : i32
      %dma_start3A_278 = arith.constant 0 : i32
      %dma_start3A_279 = tpu.memref_slice %arg7[%dma_start3A_277, %dma_start3A_278] : memref<100000x128xf32, #tpu.memory_space<hbm>> -> memref<1x128xf32, #tpu.memory_space<hbm>>
      tpu.enqueue_dma source(%dma_start3A_279 : memref<1x128xf32, #tpu.memory_space<hbm>>) target(%arg14 : memref<1x128xf32, #tpu.memory_space<vmem>>) target_semaphore(%run_scoped3A_273 : memref<!tpu.dma_semaphore, #tpu.memory_space<semaphore_mem>>)
      %dma_wait3A_280 = arith.constant 0 : i32
      %dma_wait3A_281 = arith.constant 0 : i32
      %dma_wait3A_282 = tpu.memref_slice %arg7[%dma_wait3A_280, %dma_wait3A_281] : memref<100000x128xf32, #tpu.memory_space<hbm>> -> memref<1x128xf32, #tpu.memory_space<hbm>>
      %dma_wait3A_283 = arith.constant 0 : i32
      %dma_wait3A_284 = arith.constant 0 : i32
      %dma_wait3A_285 = tpu.memref_slice %arg7[%dma_wait3A_283, %dma_wait3A_284] : memref<100000x128xf32, #tpu.memory_space<hbm>> -> memref<1x128xf32, #tpu.memory_space<hbm>>
      tpu.wait_dma2 semaphore(%run_scoped3A_273 : memref<!tpu.dma_semaphore, #tpu.memory_space<semaphore_mem>>) src(%dma_wait3A_285 : memref<1x128xf32, #tpu.memory_space<hbm>>) dst(%arg14 : memref<1x128xf32, #tpu.memory_space<vmem>>)
      tpu.yield
    }) : () -> ()
    "tpu.region"() ({
      %run_scoped3A_273 = tpu.sem_alloc : memref<!tpu.dma_semaphore, #tpu.memory_space<semaphore_mem>>
      %dma_start3A_274 = arith.constant 99999 : i32
      %dma_start3A_275 = arith.constant 0 : i32
      %dma_start3A_276 = tpu.memref_slice %arg7[%dma_start3A_274, %dma_start3A_275] : memref<100000x128xf32, #tpu.memory_space<hbm>> -> memref<1x128xf32, #tpu.memory_space<hbm>>
      %dma_start3A_277 = arith.constant 99999 : i32
      %dma_start3A_278 = arith.constant 0 : i32
      %dma_start3A_279 = tpu.memref_slice %arg7[%dma_start3A_277, %dma_start3A_278] : memref<100000x128xf32, #tpu.memory_space<hbm>> -> memref<1x128xf32, #tpu.memory_space<hbm>>
      tpu.enqueue_dma source(%dma_start3A_279 : memref<1x128xf32, #tpu.memory_space<hbm>>) target(%arg15 : memref<1x128xf32, #tpu.memory_space<vmem>>) target_semaphore(%run_scoped3A_273 : memref<!tpu.dma_semaphore, #tpu.memory_space<semaphore_mem>>)
      %dma_wait3A_280 = arith.constant 99999 : i32
      %dma_wait3A_281 = arith.constant 0 : i32
      %dma_wait3A_282 = tpu.memref_slice %arg7[%dma_wait3A_280, %dma_wait3A_281] : memref<100000x128xf32, #tpu.memory_space<hbm>> -> memref<1x128xf32, #tpu.memory_space<hbm>>
      %dma_wait3A_283 = arith.constant 99999 : i32
      %dma_wait3A_284 = arith.constant 0 : i32
      %dma_wait3A_285 = tpu.memref_slice %arg7[%dma_wait3A_283, %dma_wait3A_284] : memref<100000x128xf32, #tpu.memory_space<hbm>> -> memref<1x128xf32, #tpu.memory_space<hbm>>
      tpu.wait_dma2 semaphore(%run_scoped3A_273 : memref<!tpu.dma_semaphore, #tpu.memory_space<semaphore_mem>>) src(%dma_wait3A_285 : memref<1x128xf32, #tpu.memory_space<hbm>>) dst(%arg15 : memref<1x128xf32, #tpu.memory_space<vmem>>)
      tpu.yield
    }) : () -> ()
    %eq3A = arith.constant 0 : i32
    %eq3A_3 = arith.cmpi eq, %arg1, %eq3A : i32
    %convert_element_type3A = arith.extui %eq3A_3 : i1 to i32
    %cond3A = arith.constant 0 : i32
    %cond3A_4 = arith.cmpi ne, %convert_element_type3A, %cond3A : i32
    scf.if %cond3A_4 {
      %run_scoped3A_273 = arith.constant 4 : i32
      "tpu.region"() ({
        %run_scoped3A_278 = tpu.sem_alloc : memref<!tpu.dma_semaphore, #tpu.memory_space<semaphore_mem>>
        %dma_start3A_279 = arith.constant 0 : i32
        %dma_start3A_280 = arith.constant 0 : i32
        %dma_start3A_281 = tpu.memref_slice %arg16[%run_scoped3A_273, %dma_start3A_279, %dma_start3A_280] : memref<5x128x128xf32, #tpu.memory_space<vmem>> -> memref<1x128x128xf32, #tpu.memory_space<vmem>>
        %dma_start3A_282 = tpu.memref_squeeze %dma_start3A_281 : memref<1x128x128xf32, #tpu.memory_space<vmem>> -> memref<128x128xf32, #tpu.memory_space<vmem>>
        %dma_start3A_283 = arith.constant 0 : i32
        %dma_start3A_284 = arith.constant 0 : i32
        %dma_start3A_285 = tpu.memref_slice %arg6[%dma_start3A_283, %dma_start3A_284] : memref<200x128xf32, #tpu.memory_space<hbm>> -> memref<128x128xf32, #tpu.memory_space<hbm>>
        %dma_start3A_286 = arith.constant 0 : i32
        %dma_start3A_287 = arith.constant 0 : i32
        %dma_start3A_288 = tpu.memref_slice %arg16[%run_scoped3A_273, %dma_start3A_286, %dma_start3A_287] : memref<5x128x128xf32, #tpu.memory_space<vmem>> -> memref<1x128x128xf32, #tpu.memory_space<vmem>>
        %dma_start3A_289 = tpu.memref_squeeze %dma_start3A_288 : memref<1x128x128xf32, #tpu.memory_space<vmem>> -> memref<128x128xf32, #tpu.memory_space<vmem>>
        %dma_start3A_290 = arith.constant 0 : i32
        %dma_start3A_291 = arith.constant 0 : i32
        %dma_start3A_292 = tpu.memref_slice %arg6[%dma_start3A_290, %dma_start3A_291] : memref<200x128xf32, #tpu.memory_space<hbm>> -> memref<128x128xf32, #tpu.memory_space<hbm>>
        tpu.enqueue_dma source(%dma_start3A_292 : memref<128x128xf32, #tpu.memory_space<hbm>>) target(%dma_start3A_289 : memref<128x128xf32, #tpu.memory_space<vmem>>) target_semaphore(%run_scoped3A_278 : memref<!tpu.dma_semaphore, #tpu.memory_space<semaphore_mem>>)
        %dma_wait3A_293 = arith.constant 0 : i32
        %dma_wait3A_294 = arith.constant 0 : i32
        %dma_wait3A_295 = tpu.memref_slice %arg16[%run_scoped3A_273, %dma_wait3A_293, %dma_wait3A_294] : memref<5x128x128xf32, #tpu.memory_space<vmem>> -> memref<1x128x128xf32, #tpu.memory_space<vmem>>
        %dma_wait3A_296 = tpu.memref_squeeze %dma_wait3A_295 : memref<1x128x128xf32, #tpu.memory_space<vmem>> -> memref<128x128xf32, #tpu.memory_space<vmem>>
        %dma_wait3A_297 = arith.constant 0 : i32
        %dma_wait3A_298 = arith.constant 0 : i32
        %dma_wait3A_299 = tpu.memref_slice %arg6[%dma_wait3A_297, %dma_wait3A_298] : memref<200x128xf32, #tpu.memory_space<hbm>> -> memref<128x128xf32, #tpu.memory_space<hbm>>
        %dma_wait3A_300 = arith.constant 0 : i32
        %dma_wait3A_301 = arith.constant 0 : i32
        %dma_wait3A_302 = tpu.memref_slice %arg16[%run_scoped3A_273, %dma_wait3A_300, %dma_wait3A_301] : memref<5x128x128xf32, #tpu.memory_space<vmem>> -> memref<1x128x128xf32, #tpu.memory_space<vmem>>
        %dma_wait3A_303 = tpu.memref_squeeze %dma_wait3A_302 : memref<1x128x128xf32, #tpu.memory_space<vmem>> -> memref<128x128xf32, #tpu.memory_space<vmem>>
        %dma_wait3A_304 = arith.constant 0 : i32
        %dma_wait3A_305 = arith.constant 0 : i32
        %dma_wait3A_306 = tpu.memref_slice %arg6[%dma_wait3A_304, %dma_wait3A_305] : memref<200x128xf32, #tpu.memory_space<hbm>> -> memref<128x128xf32, #tpu.memory_space<hbm>>
        tpu.wait_dma2 semaphore(%run_scoped3A_278 : memref<!tpu.dma_semaphore, #tpu.memory_space<semaphore_mem>>) src(%dma_wait3A_306 : memref<128x128xf32, #tpu.memory_space<hbm>>) dst(%dma_wait3A_303 : memref<128x128xf32, #tpu.memory_space<vmem>>)
        tpu.yield
      }) : () -> ()
      %run_scoped3A_274 = arith.constant 4 : i32
      "tpu.region"() ({
        %run_scoped3A_278 = tpu.sem_alloc : memref<!tpu.dma_semaphore, #tpu.memory_space<semaphore_mem>>
        %dma_start3A_279 = arith.constant 0 : i32
        %dma_start3A_280 = arith.constant 0 : i32
        %dma_start3A_281 = tpu.memref_slice %arg16[%run_scoped3A_274, %dma_start3A_279, %dma_start3A_280] : memref<5x128x128xf32, #tpu.memory_space<vmem>> -> memref<1x128x128xf32, #tpu.memory_space<vmem>>
        %dma_start3A_282 = tpu.memref_squeeze %dma_start3A_281 : memref<1x128x128xf32, #tpu.memory_space<vmem>> -> memref<128x128xf32, #tpu.memory_space<vmem>>
        %dma_start3A_283 = arith.constant 0 : i32
        %dma_start3A_284 = arith.constant 0 : i32
        %dma_start3A_285 = tpu.memref_slice %arg11[%dma_start3A_283, %dma_start3A_284] : memref<328x128xf32, #tpu.memory_space<vmem_shared>> -> memref<128x128xf32, #tpu.memory_space<vmem_shared>>
        %dma_start3A_286 = arith.constant 0 : i32
        %dma_start3A_287 = arith.constant 0 : i32
        %dma_start3A_288 = tpu.memref_slice %arg11[%dma_start3A_286, %dma_start3A_287] : memref<328x128xf32, #tpu.memory_space<vmem_shared>> -> memref<128x128xf32, #tpu.memory_space<vmem_shared>>
        %dma_start3A_289 = arith.constant 0 : i32
        %dma_start3A_290 = arith.constant 0 : i32
        %dma_start3A_291 = tpu.memref_slice %arg16[%run_scoped3A_274, %dma_start3A_289, %dma_start3A_290] : memref<5x128x128xf32, #tpu.memory_space<vmem>> -> memref<1x128x128xf32, #tpu.memory_space<vmem>>
        %dma_start3A_292 = tpu.memref_squeeze %dma_start3A_291 : memref<1x128x128xf32, #tpu.memory_space<vmem>> -> memref<128x128xf32, #tpu.memory_space<vmem>>
        tpu.enqueue_dma source(%dma_start3A_292 : memref<128x128xf32, #tpu.memory_space<vmem>>) target(%dma_start3A_288 : memref<128x128xf32, #tpu.memory_space<vmem_shared>>) target_semaphore(%run_scoped3A_278 : memref<!tpu.dma_semaphore, #tpu.memory_space<semaphore_mem>>)
        %dma_wait3A_293 = arith.constant 0 : i32
        %dma_wait3A_294 = arith.constant 0 : i32
        %dma_wait3A_295 = tpu.memref_slice %arg16[%run_scoped3A_274, %dma_wait3A_293, %dma_wait3A_294] : memref<5x128x128xf32, #tpu.memory_space<vmem>> -> memref<1x128x128xf32, #tpu.memory_space<vmem>>
        %dma_wait3A_296 = tpu.memref_squeeze %dma_wait3A_295 : memref<1x128x128xf32, #tpu.memory_space<vmem>> -> memref<128x128xf32, #tpu.memory_space<vmem>>
        %dma_wait3A_297 = arith.constant 0 : i32
        %dma_wait3A_298 = arith.constant 0 : i32
        %dma_wait3A_299 = tpu.memref_slice %arg11[%dma_wait3A_297, %dma_wait3A_298] : memref<328x128xf32, #tpu.memory_space<vmem_shared>> -> memref<128x128xf32, #tpu.memory_space<vmem_shared>>
        %dma_wait3A_300 = arith.constant 0 : i32
        %dma_wait3A_301 = arith.constant 0 : i32
        %dma_wait3A_302 = tpu.memref_slice %arg11[%dma_wait3A_300, %dma_wait3A_301] : memref<328x128xf32, #tpu.memory_space<vmem_shared>> -> memref<128x128xf32, #tpu.memory_space<vmem_shared>>
        %dma_wait3A_303 = arith.constant 0 : i32
        %dma_wait3A_304 = arith.constant 0 : i32
        %dma_wait3A_305 = tpu.memref_slice %arg16[%run_scoped3A_274, %dma_wait3A_303, %dma_wait3A_304] : memref<5x128x128xf32, #tpu.memory_space<vmem>> -> memref<1x128x128xf32, #tpu.memory_space<vmem>>
        %dma_wait3A_306 = tpu.memref_squeeze %dma_wait3A_305 : memref<1x128x128xf32, #tpu.memory_space<vmem>> -> memref<128x128xf32, #tpu.memory_space<vmem>>
        tpu.wait_dma2 semaphore(%run_scoped3A_278 : memref<!tpu.dma_semaphore, #tpu.memory_space<semaphore_mem>>) src(%dma_wait3A_306 : memref<128x128xf32, #tpu.memory_space<vmem>>) dst(%dma_wait3A_302 : memref<128x128xf32, #tpu.memory_space<vmem_shared>>)
        tpu.yield
      }) : () -> ()
      %run_scoped3A_275 = arith.constant 4 : i32
      "tpu.region"() ({
        %run_scoped3A_278 = tpu.sem_alloc : memref<!tpu.dma_semaphore, #tpu.memory_space<semaphore_mem>>
        %dma_start3A_279 = arith.constant 0 : i32
        %dma_start3A_280 = arith.constant 0 : i32
        %dma_start3A_281 = tpu.memref_slice %arg16[%run_scoped3A_275, %dma_start3A_279, %dma_start3A_280] : memref<5x128x128xf32, #tpu.memory_space<vmem>> -> memref<1x128x128xf32, #tpu.memory_space<vmem>>
        %dma_start3A_282 = tpu.memref_squeeze %dma_start3A_281 : memref<1x128x128xf32, #tpu.memory_space<vmem>> -> memref<128x128xf32, #tpu.memory_space<vmem>>
        %dma_start3A_283 = arith.constant 200 : i32
        %dma_start3A_284 = arith.constant 0 : i32
        %dma_start3A_285 = tpu.memref_slice %arg11[%dma_start3A_283, %dma_start3A_284] : memref<328x128xf32, #tpu.memory_space<vmem_shared>> -> memref<128x128xf32, #tpu.memory_space<vmem_shared>>
        %dma_start3A_286 = arith.constant 200 : i32
        %dma_start3A_287 = arith.constant 0 : i32
        %dma_start3A_288 = tpu.memref_slice %arg11[%dma_start3A_286, %dma_start3A_287] : memref<328x128xf32, #tpu.memory_space<vmem_shared>> -> memref<128x128xf32, #tpu.memory_space<vmem_shared>>
        %dma_start3A_289 = arith.constant 0 : i32
        %dma_start3A_290 = arith.constant 0 : i32
        %dma_start3A_291 = tpu.memref_slice %arg16[%run_scoped3A_275, %dma_start3A_289, %dma_start3A_290] : memref<5x128x128xf32, #tpu.memory_space<vmem>> -> memref<1x128x128xf32, #tpu.memory_space<vmem>>
        %dma_start3A_292 = tpu.memref_squeeze %dma_start3A_291 : memref<1x128x128xf32, #tpu.memory_space<vmem>> -> memref<128x128xf32, #tpu.memory_space<vmem>>
        tpu.enqueue_dma source(%dma_start3A_292 : memref<128x128xf32, #tpu.memory_space<vmem>>) target(%dma_start3A_288 : memref<128x128xf32, #tpu.memory_space<vmem_shared>>) target_semaphore(%run_scoped3A_278 : memref<!tpu.dma_semaphore, #tpu.memory_space<semaphore_mem>>)
        %dma_wait3A_293 = arith.constant 0 : i32
        %dma_wait3A_294 = arith.constant 0 : i32
        %dma_wait3A_295 = tpu.memref_slice %arg16[%run_scoped3A_275, %dma_wait3A_293, %dma_wait3A_294] : memref<5x128x128xf32, #tpu.memory_space<vmem>> -> memref<1x128x128xf32, #tpu.memory_space<vmem>>
        %dma_wait3A_296 = tpu.memref_squeeze %dma_wait3A_295 : memref<1x128x128xf32, #tpu.memory_space<vmem>> -> memref<128x128xf32, #tpu.memory_space<vmem>>
        %dma_wait3A_297 = arith.constant 200 : i32
        %dma_wait3A_298 = arith.constant 0 : i32
        %dma_wait3A_299 = tpu.memref_slice %arg11[%dma_wait3A_297, %dma_wait3A_298] : memref<328x128xf32, #tpu.memory_space<vmem_shared>> -> memref<128x128xf32, #tpu.memory_space<vmem_shared>>
        %dma_wait3A_300 = arith.constant 200 : i32
        %dma_wait3A_301 = arith.constant 0 : i32
        %dma_wait3A_302 = tpu.memref_slice %arg11[%dma_wait3A_300, %dma_wait3A_301] : memref<328x128xf32, #tpu.memory_space<vmem_shared>> -> memref<128x128xf32, #tpu.memory_space<vmem_shared>>
        %dma_wait3A_303 = arith.constant 0 : i32
        %dma_wait3A_304 = arith.constant 0 : i32
        %dma_wait3A_305 = tpu.memref_slice %arg16[%run_scoped3A_275, %dma_wait3A_303, %dma_wait3A_304] : memref<5x128x128xf32, #tpu.memory_space<vmem>> -> memref<1x128x128xf32, #tpu.memory_space<vmem>>
        %dma_wait3A_306 = tpu.memref_squeeze %dma_wait3A_305 : memref<1x128x128xf32, #tpu.memory_space<vmem>> -> memref<128x128xf32, #tpu.memory_space<vmem>>
        tpu.wait_dma2 semaphore(%run_scoped3A_278 : memref<!tpu.dma_semaphore, #tpu.memory_space<semaphore_mem>>) src(%dma_wait3A_306 : memref<128x128xf32, #tpu.memory_space<vmem>>) dst(%dma_wait3A_302 : memref<128x128xf32, #tpu.memory_space<vmem_shared>>)
        tpu.yield
      }) : () -> ()
      %run_scoped3A_276 = arith.constant 4 : i32
      "tpu.region"() ({
        %run_scoped3A_278 = tpu.sem_alloc : memref<!tpu.dma_semaphore, #tpu.memory_space<semaphore_mem>>
        %dma_start3A_279 = arith.constant 0 : i32
        %dma_start3A_280 = arith.constant 0 : i32
        %dma_start3A_281 = tpu.memref_slice %arg16[%run_scoped3A_276, %dma_start3A_279, %dma_start3A_280] : memref<5x128x128xf32, #tpu.memory_space<vmem>> -> memref<1x128x128xf32, #tpu.memory_space<vmem>>
        %dma_start3A_282 = tpu.memref_squeeze %dma_start3A_281 : memref<1x128x128xf32, #tpu.memory_space<vmem>> -> memref<128x128xf32, #tpu.memory_space<vmem>>
        %dma_start3A_283 = arith.constant 0 : i32
        %dma_start3A_284 = arith.constant 0 : i32
        %dma_start3A_285 = tpu.memref_slice %dma_start3A_282[%dma_start3A_283, %dma_start3A_284] : memref<128x128xf32, #tpu.memory_space<vmem>> -> memref<72x128xf32, #tpu.memory_space<vmem>>
        %dma_start3A_286 = arith.constant 128 : i32
        %dma_start3A_287 = arith.constant 0 : i32
        %dma_start3A_288 = tpu.memref_slice %arg6[%dma_start3A_286, %dma_start3A_287] : memref<200x128xf32, #tpu.memory_space<hbm>> -> memref<72x128xf32, #tpu.memory_space<hbm>>
        %dma_start3A_289 = arith.constant 0 : i32
        %dma_start3A_290 = arith.constant 0 : i32
        %dma_start3A_291 = tpu.memref_slice %arg16[%run_scoped3A_276, %dma_start3A_289, %dma_start3A_290] : memref<5x128x128xf32, #tpu.memory_space<vmem>> -> memref<1x128x128xf32, #tpu.memory_space<vmem>>
        %dma_start3A_292 = tpu.memref_squeeze %dma_start3A_291 : memref<1x128x128xf32, #tpu.memory_space<vmem>> -> memref<128x128xf32, #tpu.memory_space<vmem>>
        %dma_start3A_293 = arith.constant 0 : i32
        %dma_start3A_294 = arith.constant 0 : i32
        %dma_start3A_295 = tpu.memref_slice %dma_start3A_292[%dma_start3A_293, %dma_start3A_294] : memref<128x128xf32, #tpu.memory_space<vmem>> -> memref<72x128xf32, #tpu.memory_space<vmem>>
        %dma_start3A_296 = arith.constant 128 : i32
        %dma_start3A_297 = arith.constant 0 : i32
        %dma_start3A_298 = tpu.memref_slice %arg6[%dma_start3A_296, %dma_start3A_297] : memref<200x128xf32, #tpu.memory_space<hbm>> -> memref<72x128xf32, #tpu.memory_space<hbm>>
        tpu.enqueue_dma source(%dma_start3A_298 : memref<72x128xf32, #tpu.memory_space<hbm>>) target(%dma_start3A_295 : memref<72x128xf32, #tpu.memory_space<vmem>>) target_semaphore(%run_scoped3A_278 : memref<!tpu.dma_semaphore, #tpu.memory_space<semaphore_mem>>)
        %dma_wait3A_299 = arith.constant 0 : i32
        %dma_wait3A_300 = arith.constant 0 : i32
        %dma_wait3A_301 = tpu.memref_slice %arg16[%run_scoped3A_276, %dma_wait3A_299, %dma_wait3A_300] : memref<5x128x128xf32, #tpu.memory_space<vmem>> -> memref<1x128x128xf32, #tpu.memory_space<vmem>>
        %dma_wait3A_302 = tpu.memref_squeeze %dma_wait3A_301 : memref<1x128x128xf32, #tpu.memory_space<vmem>> -> memref<128x128xf32, #tpu.memory_space<vmem>>
        %dma_wait3A_303 = arith.constant 0 : i32
        %dma_wait3A_304 = arith.constant 0 : i32
        %dma_wait3A_305 = tpu.memref_slice %dma_wait3A_302[%dma_wait3A_303, %dma_wait3A_304] : memref<128x128xf32, #tpu.memory_space<vmem>> -> memref<72x128xf32, #tpu.memory_space<vmem>>
        %dma_wait3A_306 = arith.constant 128 : i32
        %dma_wait3A_307 = arith.constant 0 : i32
        %dma_wait3A_308 = tpu.memref_slice %arg6[%dma_wait3A_306, %dma_wait3A_307] : memref<200x128xf32, #tpu.memory_space<hbm>> -> memref<72x128xf32, #tpu.memory_space<hbm>>
        %dma_wait3A_309 = arith.constant 0 : i32
        %dma_wait3A_310 = arith.constant 0 : i32
        %dma_wait3A_311 = tpu.memref_slice %arg16[%run_scoped3A_276, %dma_wait3A_309, %dma_wait3A_310] : memref<5x128x128xf32, #tpu.memory_space<vmem>> -> memref<1x128x128xf32, #tpu.memory_space<vmem>>
        %dma_wait3A_312 = tpu.memref_squeeze %dma_wait3A_311 : memref<1x128x128xf32, #tpu.memory_space<vmem>> -> memref<128x128xf32, #tpu.memory_space<vmem>>
        %dma_wait3A_313 = arith.constant 0 : i32
        %dma_wait3A_314 = arith.constant 0 : i32
        %dma_wait3A_315 = tpu.memref_slice %dma_wait3A_312[%dma_wait3A_313, %dma_wait3A_314] : memref<128x128xf32, #tpu.memory_space<vmem>> -> memref<72x128xf32, #tpu.memory_space<vmem>>
        %dma_wait3A_316 = arith.constant 128 : i32
        %dma_wait3A_317 = arith.constant 0 : i32
        %dma_wait3A_318 = tpu.memref_slice %arg6[%dma_wait3A_316, %dma_wait3A_317] : memref<200x128xf32, #tpu.memory_space<hbm>> -> memref<72x128xf32, #tpu.memory_space<hbm>>
        tpu.wait_dma2 semaphore(%run_scoped3A_278 : memref<!tpu.dma_semaphore, #tpu.memory_space<semaphore_mem>>) src(%dma_wait3A_318 : memref<72x128xf32, #tpu.memory_space<hbm>>) dst(%dma_wait3A_315 : memref<72x128xf32, #tpu.memory_space<vmem>>)
        tpu.yield
      }) : () -> ()
      %run_scoped3A_277 = arith.constant 4 : i32
      "tpu.region"() ({
        %run_scoped3A_278 = tpu.sem_alloc : memref<!tpu.dma_semaphore, #tpu.memory_space<semaphore_mem>>
        %dma_start3A_279 = arith.constant 0 : i32
        %dma_start3A_280 = arith.constant 0 : i32
        %dma_start3A_281 = tpu.memref_slice %arg16[%run_scoped3A_277, %dma_start3A_279, %dma_start3A_280] : memref<5x128x128xf32, #tpu.memory_space<vmem>> -> memref<1x128x128xf32, #tpu.memory_space<vmem>>
        %dma_start3A_282 = tpu.memref_squeeze %dma_start3A_281 : memref<1x128x128xf32, #tpu.memory_space<vmem>> -> memref<128x128xf32, #tpu.memory_space<vmem>>
        %dma_start3A_283 = arith.constant 0 : i32
        %dma_start3A_284 = arith.constant 0 : i32
        %dma_start3A_285 = tpu.memref_slice %dma_start3A_282[%dma_start3A_283, %dma_start3A_284] : memref<128x128xf32, #tpu.memory_space<vmem>> -> memref<72x128xf32, #tpu.memory_space<vmem>>
        %dma_start3A_286 = arith.constant 128 : i32
        %dma_start3A_287 = arith.constant 0 : i32
        %dma_start3A_288 = tpu.memref_slice %arg11[%dma_start3A_286, %dma_start3A_287] : memref<328x128xf32, #tpu.memory_space<vmem_shared>> -> memref<72x128xf32, #tpu.memory_space<vmem_shared>>
        %dma_start3A_289 = arith.constant 128 : i32
        %dma_start3A_290 = arith.constant 0 : i32
        %dma_start3A_291 = tpu.memref_slice %arg11[%dma_start3A_289, %dma_start3A_290] : memref<328x128xf32, #tpu.memory_space<vmem_shared>> -> memref<72x128xf32, #tpu.memory_space<vmem_shared>>
        %dma_start3A_292 = arith.constant 0 : i32
        %dma_start3A_293 = arith.constant 0 : i32
        %dma_start3A_294 = tpu.memref_slice %arg16[%run_scoped3A_277, %dma_start3A_292, %dma_start3A_293] : memref<5x128x128xf32, #tpu.memory_space<vmem>> -> memref<1x128x128xf32, #tpu.memory_space<vmem>>
        %dma_start3A_295 = tpu.memref_squeeze %dma_start3A_294 : memref<1x128x128xf32, #tpu.memory_space<vmem>> -> memref<128x128xf32, #tpu.memory_space<vmem>>
        %dma_start3A_296 = arith.constant 0 : i32
        %dma_start3A_297 = arith.constant 0 : i32
        %dma_start3A_298 = tpu.memref_slice %dma_start3A_295[%dma_start3A_296, %dma_start3A_297] : memref<128x128xf32, #tpu.memory_space<vmem>> -> memref<72x128xf32, #tpu.memory_space<vmem>>
        tpu.enqueue_dma source(%dma_start3A_298 : memref<72x128xf32, #tpu.memory_space<vmem>>) target(%dma_start3A_291 : memref<72x128xf32, #tpu.memory_space<vmem_shared>>) target_semaphore(%run_scoped3A_278 : memref<!tpu.dma_semaphore, #tpu.memory_space<semaphore_mem>>)
        %dma_wait3A_299 = arith.constant 0 : i32
        %dma_wait3A_300 = arith.constant 0 : i32
        %dma_wait3A_301 = tpu.memref_slice %arg16[%run_scoped3A_277, %dma_wait3A_299, %dma_wait3A_300] : memref<5x128x128xf32, #tpu.memory_space<vmem>> -> memref<1x128x128xf32, #tpu.memory_space<vmem>>
        %dma_wait3A_302 = tpu.memref_squeeze %dma_wait3A_301 : memref<1x128x128xf32, #tpu.memory_space<vmem>> -> memref<128x128xf32, #tpu.memory_space<vmem>>
        %dma_wait3A_303 = arith.constant 0 : i32
        %dma_wait3A_304 = arith.constant 0 : i32
        %dma_wait3A_305 = tpu.memref_slice %dma_wait3A_302[%dma_wait3A_303, %dma_wait3A_304] : memref<128x128xf32, #tpu.memory_space<vmem>> -> memref<72x128xf32, #tpu.memory_space<vmem>>
        %dma_wait3A_306 = arith.constant 128 : i32
        %dma_wait3A_307 = arith.constant 0 : i32
        %dma_wait3A_308 = tpu.memref_slice %arg11[%dma_wait3A_306, %dma_wait3A_307] : memref<328x128xf32, #tpu.memory_space<vmem_shared>> -> memref<72x128xf32, #tpu.memory_space<vmem_shared>>
        %dma_wait3A_309 = arith.constant 128 : i32
        %dma_wait3A_310 = arith.constant 0 : i32
        %dma_wait3A_311 = tpu.memref_slice %arg11[%dma_wait3A_309, %dma_wait3A_310] : memref<328x128xf32, #tpu.memory_space<vmem_shared>> -> memref<72x128xf32, #tpu.memory_space<vmem_shared>>
        %dma_wait3A_312 = arith.constant 0 : i32
        %dma_wait3A_313 = arith.constant 0 : i32
        %dma_wait3A_314 = tpu.memref_slice %arg16[%run_scoped3A_277, %dma_wait3A_312, %dma_wait3A_313] : memref<5x128x128xf32, #tpu.memory_space<vmem>> -> memref<1x128x128xf32, #tpu.memory_space<vmem>>
        %dma_wait3A_315 = tpu.memref_squeeze %dma_wait3A_314 : memref<1x128x128xf32, #tpu.memory_space<vmem>> -> memref<128x128xf32, #tpu.memory_space<vmem>>
        %dma_wait3A_316 = arith.constant 0 : i32
        %dma_wait3A_317 = arith.constant 0 : i32
        %dma_wait3A_318 = tpu.memref_slice %dma_wait3A_315[%dma_wait3A_316, %dma_wait3A_317] : memref<128x128xf32, #tpu.memory_space<vmem>> -> memref<72x128xf32, #tpu.memory_space<vmem>>
        tpu.wait_dma2 semaphore(%run_scoped3A_278 : memref<!tpu.dma_semaphore, #tpu.memory_space<semaphore_mem>>) src(%dma_wait3A_318 : memref<72x128xf32, #tpu.memory_space<vmem>>) dst(%dma_wait3A_311 : memref<72x128xf32, #tpu.memory_space<vmem_shared>>)
        tpu.yield
      }) : () -> ()
    } else {
    }
    %barrier3A = arith.constant 0 : index
    tpu.barrier barrier_id(%barrier3A)
    %get3A = arith.constant 0 : i32
    %get3A_5 = arith.index_cast %get3A : i32 to index
    %get3A_6 = arith.constant 0 : index
    %get3A_7 = tpu.vector_load %arg12[%get3A_5, %get3A_6] {strides = array<i32>} : memref<1x128xf32, #tpu.memory_space<vmem>>, vector<16xf32>,
    %get3A_8 = arith.constant 0 : i32
    %get3A_9 = arith.index_cast %get3A_8 : i32 to index
    %get3A_10 = arith.constant 0 : index
    %get3A_11 = tpu.vector_load %arg14[%get3A_9, %get3A_10] {strides = array<i32>} : memref<1x128xf32, #tpu.memory_space<vmem>>, vector<16xf32>,
    %sub3A = arith.subf %get3A_7, %get3A_11 : vector<16xf32>
    %get3A_12 = arith.constant 0 : i32
    %get3A_13 = arith.index_cast %get3A_12 : i32 to index
    %get3A_14 = arith.constant 16 : index
    %get3A_15 = tpu.vector_load %arg12[%get3A_13, %get3A_14] {strides = array<i32>} : memref<1x128xf32, #tpu.memory_space<vmem>>, vector<16xf32>,
    %get3A_16 = arith.constant 0 : i32
    %get3A_17 = arith.index_cast %get3A_16 : i32 to index
    %get3A_18 = arith.constant 16 : index
    %get3A_19 = tpu.vector_load %arg14[%get3A_17, %get3A_18] {strides = array<i32>} : memref<1x128xf32, #tpu.memory_space<vmem>>, vector<16xf32>,
    %sub3A_20 = arith.subf %get3A_15, %get3A_19 : vector<16xf32>
    %get3A_21 = arith.constant 0 : i32
    %get3A_22 = arith.index_cast %get3A_21 : i32 to index
    %get3A_23 = arith.constant 32 : index
    %get3A_24 = tpu.vector_load %arg12[%get3A_22, %get3A_23] {strides = array<i32>} : memref<1x128xf32, #tpu.memory_space<vmem>>, vector<16xf32>,
    %get3A_25 = arith.constant 0 : i32
    %get3A_26 = arith.index_cast %get3A_25 : i32 to index
    %get3A_27 = arith.constant 32 : index
    %get3A_28 = tpu.vector_load %arg14[%get3A_26, %get3A_27] {strides = array<i32>} : memref<1x128xf32, #tpu.memory_space<vmem>>, vector<16xf32>,
    %sub3A_29 = arith.subf %get3A_24, %get3A_28 : vector<16xf32>
    %get3A_30 = arith.constant 0 : i32
    %get3A_31 = arith.index_cast %get3A_30 : i32 to index
    %get3A_32 = arith.constant 48 : index
    %get3A_33 = tpu.vector_load %arg12[%get3A_31, %get3A_32] {strides = array<i32>} : memref<1x128xf32, #tpu.memory_space<vmem>>, vector<16xf32>,
    %get3A_34 = arith.constant 0 : i32
    %get3A_35 = arith.index_cast %get3A_34 : i32 to index
    %get3A_36 = arith.constant 48 : index
    %get3A_37 = tpu.vector_load %arg14[%get3A_35, %get3A_36] {strides = array<i32>} : memref<1x128xf32, #tpu.memory_space<vmem>>, vector<16xf32>,
    %sub3A_38 = arith.subf %get3A_33, %get3A_37 : vector<16xf32>
    %get3A_39 = arith.constant 0 : i32
    %get3A_40 = arith.index_cast %get3A_39 : i32 to index
    %get3A_41 = arith.constant 64 : index
    %get3A_42 = tpu.vector_load %arg12[%get3A_40, %get3A_41] {strides = array<i32>} : memref<1x128xf32, #tpu.memory_space<vmem>>, vector<16xf32>,
    %get3A_43 = arith.constant 0 : i32
    %get3A_44 = arith.index_cast %get3A_43 : i32 to index
    %get3A_45 = arith.constant 64 : index
    %get3A_46 = tpu.vector_load %arg14[%get3A_44, %get3A_45] {strides = array<i32>} : memref<1x128xf32, #tpu.memory_space<vmem>>, vector<16xf32>,
    %sub3A_47 = arith.subf %get3A_42, %get3A_46 : vector<16xf32>
    %get3A_48 = arith.constant 0 : i32
    %get3A_49 = arith.index_cast %get3A_48 : i32 to index
    %get3A_50 = arith.constant 80 : index
    %get3A_51 = tpu.vector_load %arg12[%get3A_49, %get3A_50] {strides = array<i32>} : memref<1x128xf32, #tpu.memory_space<vmem>>, vector<16xf32>,
    %get3A_52 = arith.constant 0 : i32
    %get3A_53 = arith.index_cast %get3A_52 : i32 to index
    %get3A_54 = arith.constant 80 : index
    %get3A_55 = tpu.vector_load %arg14[%get3A_53, %get3A_54] {strides = array<i32>} : memref<1x128xf32, #tpu.memory_space<vmem>>, vector<16xf32>,
    %sub3A_56 = arith.subf %get3A_51, %get3A_55 : vector<16xf32>
    %get3A_57 = arith.constant 0 : i32
    %get3A_58 = arith.index_cast %get3A_57 : i32 to index
    %get3A_59 = arith.constant 96 : index
    %get3A_60 = tpu.vector_load %arg12[%get3A_58, %get3A_59] {strides = array<i32>} : memref<1x128xf32, #tpu.memory_space<vmem>>, vector<16xf32>,
    %get3A_61 = arith.constant 0 : i32
    %get3A_62 = arith.index_cast %get3A_61 : i32 to index
    %get3A_63 = arith.constant 96 : index
    %get3A_64 = tpu.vector_load %arg14[%get3A_62, %get3A_63] {strides = array<i32>} : memref<1x128xf32, #tpu.memory_space<vmem>>, vector<16xf32>,
    %sub3A_65 = arith.subf %get3A_60, %get3A_64 : vector<16xf32>
    %get3A_66 = arith.constant 0 : i32
    %get3A_67 = arith.index_cast %get3A_66 : i32 to index
    %get3A_68 = arith.constant 112 : index
    %get3A_69 = tpu.vector_load %arg12[%get3A_67, %get3A_68] {strides = array<i32>} : memref<1x128xf32, #tpu.memory_space<vmem>>, vector<16xf32>,
    %get3A_70 = arith.constant 0 : i32
    %get3A_71 = arith.index_cast %get3A_70 : i32 to index
    %get3A_72 = arith.constant 112 : index
    %get3A_73 = tpu.vector_load %arg14[%get3A_71, %get3A_72] {strides = array<i32>} : memref<1x128xf32, #tpu.memory_space<vmem>>, vector<16xf32>,
    %sub3A_74 = arith.subf %get3A_69, %get3A_73 : vector<16xf32>
    %get3A_75 = arith.constant 0 : i32
    %get3A_76 = arith.index_cast %get3A_75 : i32 to index
    %get3A_77 = arith.constant 0 : index
    %get3A_78 = tpu.vector_load %arg13[%get3A_76, %get3A_77] {strides = array<i32>} : memref<1x128xf32, #tpu.memory_space<vmem>>, vector<16xf32>,
    %get3A_79 = arith.constant 0 : i32
    %get3A_80 = arith.index_cast %get3A_79 : i32 to index
    %get3A_81 = arith.constant 0 : index
    %get3A_82 = tpu.vector_load %arg15[%get3A_80, %get3A_81] {strides = array<i32>} : memref<1x128xf32, #tpu.memory_space<vmem>>, vector<16xf32>,
    %sub3A_83 = arith.subf %get3A_78, %get3A_82 : vector<16xf32>
    %get3A_84 = arith.constant 0 : i32
    %get3A_85 = arith.index_cast %get3A_84 : i32 to index
    %get3A_86 = arith.constant 16 : index
    %get3A_87 = tpu.vector_load %arg13[%get3A_85, %get3A_86] {strides = array<i32>} : memref<1x128xf32, #tpu.memory_space<vmem>>, vector<16xf32>,
    %get3A_88 = arith.constant 0 : i32
    %get3A_89 = arith.index_cast %get3A_88 : i32 to index
    %get3A_90 = arith.constant 16 : index
    %get3A_91 = tpu.vector_load %arg15[%get3A_89, %get3A_90] {strides = array<i32>} : memref<1x128xf32, #tpu.memory_space<vmem>>, vector<16xf32>,
    %sub3A_92 = arith.subf %get3A_87, %get3A_91 : vector<16xf32>
    %get3A_93 = arith.constant 0 : i32
    %get3A_94 = arith.index_cast %get3A_93 : i32 to index
    %get3A_95 = arith.constant 32 : index
    %get3A_96 = tpu.vector_load %arg13[%get3A_94, %get3A_95] {strides = array<i32>} : memref<1x128xf32, #tpu.memory_space<vmem>>, vector<16xf32>,
    %get3A_97 = arith.constant 0 : i32
    %get3A_98 = arith.index_cast %get3A_97 : i32 to index
    %get3A_99 = arith.constant 32 : index
    %get3A_100 = tpu.vector_load %arg15[%get3A_98, %get3A_99] {strides = array<i32>} : memref<1x128xf32, #tpu.memory_space<vmem>>, vector<16xf32>,
    %sub3A_101 = arith.subf %get3A_96, %get3A_100 : vector<16xf32>
    %get3A_102 = arith.constant 0 : i32
    %get3A_103 = arith.index_cast %get3A_102 : i32 to index
    %get3A_104 = arith.constant 48 : index
    %get3A_105 = tpu.vector_load %arg13[%get3A_103, %get3A_104] {strides = array<i32>} : memref<1x128xf32, #tpu.memory_space<vmem>>, vector<16xf32>,
    %get3A_106 = arith.constant 0 : i32
    %get3A_107 = arith.index_cast %get3A_106 : i32 to index
    %get3A_108 = arith.constant 48 : index
    %get3A_109 = tpu.vector_load %arg15[%get3A_107, %get3A_108] {strides = array<i32>} : memref<1x128xf32, #tpu.memory_space<vmem>>, vector<16xf32>,
    %sub3A_110 = arith.subf %get3A_105, %get3A_109 : vector<16xf32>
    %get3A_111 = arith.constant 0 : i32
    %get3A_112 = arith.index_cast %get3A_111 : i32 to index
    %get3A_113 = arith.constant 64 : index
    %get3A_114 = tpu.vector_load %arg13[%get3A_112, %get3A_113] {strides = array<i32>} : memref<1x128xf32, #tpu.memory_space<vmem>>, vector<16xf32>,
    %get3A_115 = arith.constant 0 : i32
    %get3A_116 = arith.index_cast %get3A_115 : i32 to index
    %get3A_117 = arith.constant 64 : index
    %get3A_118 = tpu.vector_load %arg15[%get3A_116, %get3A_117] {strides = array<i32>} : memref<1x128xf32, #tpu.memory_space<vmem>>, vector<16xf32>,
    %sub3A_119 = arith.subf %get3A_114, %get3A_118 : vector<16xf32>
    %get3A_120 = arith.constant 0 : i32
    %get3A_121 = arith.index_cast %get3A_120 : i32 to index
    %get3A_122 = arith.constant 80 : index
    %get3A_123 = tpu.vector_load %arg13[%get3A_121, %get3A_122] {strides = array<i32>} : memref<1x128xf32, #tpu.memory_space<vmem>>, vector<16xf32>,
    %get3A_124 = arith.constant 0 : i32
    %get3A_125 = arith.index_cast %get3A_124 : i32 to index
    %get3A_126 = arith.constant 80 : index
    %get3A_127 = tpu.vector_load %arg15[%get3A_125, %get3A_126] {strides = array<i32>} : memref<1x128xf32, #tpu.memory_space<vmem>>, vector<16xf32>,
    %sub3A_128 = arith.subf %get3A_123, %get3A_127 : vector<16xf32>
    %get3A_129 = arith.constant 0 : i32
    %get3A_130 = arith.index_cast %get3A_129 : i32 to index
    %get3A_131 = arith.constant 96 : index
    %get3A_132 = tpu.vector_load %arg13[%get3A_130, %get3A_131] {strides = array<i32>} : memref<1x128xf32, #tpu.memory_space<vmem>>, vector<16xf32>,
    %get3A_133 = arith.constant 0 : i32
    %get3A_134 = arith.index_cast %get3A_133 : i32 to index
    %get3A_135 = arith.constant 96 : index
    %get3A_136 = tpu.vector_load %arg15[%get3A_134, %get3A_135] {strides = array<i32>} : memref<1x128xf32, #tpu.memory_space<vmem>>, vector<16xf32>,
    %sub3A_137 = arith.subf %get3A_132, %get3A_136 : vector<16xf32>
    %get3A_138 = arith.constant 0 : i32
    %get3A_139 = arith.index_cast %get3A_138 : i32 to index
    %get3A_140 = arith.constant 112 : index
    %get3A_141 = tpu.vector_load %arg13[%get3A_139, %get3A_140] {strides = array<i32>} : memref<1x128xf32, #tpu.memory_space<vmem>>, vector<16xf32>,
    %get3A_142 = arith.constant 0 : i32
    %get3A_143 = arith.index_cast %get3A_142 : i32 to index
    %get3A_144 = arith.constant 112 : index
    %get3A_145 = tpu.vector_load %arg15[%get3A_143, %get3A_144] {strides = array<i32>} : memref<1x128xf32, #tpu.memory_space<vmem>>, vector<16xf32>,
    %sub3A_146 = arith.subf %get3A_141, %get3A_145 : vector<16xf32>
    %broadcast_in_dim3A = arith.constant 0.000000e+00 : f32
    %broadcast_in_dim3A_147 = vector.broadcast %broadcast_in_dim3A : f32 to vector<16xf32>
    %run_scoped3A = arith.constant 0 : i32
    "tpu.region"() ({
      %run_scoped3A_273 = tpu.sem_alloc : memref<!tpu.dma_semaphore, #tpu.memory_space<semaphore_mem>>
      %dma_start3A_274 = arith.constant 0 : i32
      %dma_start3A_275 = arith.constant 0 : i32
      %dma_start3A_276 = tpu.memref_slice %arg16[%run_scoped3A, %dma_start3A_274, %dma_start3A_275] : memref<5x128x128xf32, #tpu.memory_space<vmem>> -> memref<1x128x128xf32, #tpu.memory_space<vmem>>
      %dma_start3A_277 = tpu.memref_squeeze %dma_start3A_276 : memref<1x128x128xf32, #tpu.memory_space<vmem>> -> memref<128x128xf32, #tpu.memory_space<vmem>>
      %dma_start3A_278 = arith.constant 0 : i32
      %dma_start3A_279 = arith.constant 0 : i32
      %dma_start3A_280 = tpu.memref_slice %arg11[%dma_start3A_278, %dma_start3A_279] : memref<328x128xf32, #tpu.memory_space<vmem_shared>> -> memref<128x128xf32, #tpu.memory_space<vmem_shared>>
      %dma_start3A_281 = arith.constant 0 : i32
      %dma_start3A_282 = arith.constant 0 : i32
      %dma_start3A_283 = tpu.memref_slice %arg16[%run_scoped3A, %dma_start3A_281, %dma_start3A_282] : memref<5x128x128xf32, #tpu.memory_space<vmem>> -> memref<1x128x128xf32, #tpu.memory_space<vmem>>
      %dma_start3A_284 = tpu.memref_squeeze %dma_start3A_283 : memref<1x128x128xf32, #tpu.memory_space<vmem>> -> memref<128x128xf32, #tpu.memory_space<vmem>>
      %dma_start3A_285 = arith.constant 0 : i32
      %dma_start3A_286 = arith.constant 0 : i32
      %dma_start3A_287 = tpu.memref_slice %arg11[%dma_start3A_285, %dma_start3A_286] : memref<328x128xf32, #tpu.memory_space<vmem_shared>> -> memref<128x128xf32, #tpu.memory_space<vmem_shared>>
      tpu.enqueue_dma source(%dma_start3A_287 : memref<128x128xf32, #tpu.memory_space<vmem_shared>>) target(%dma_start3A_284 : memref<128x128xf32, #tpu.memory_space<vmem>>) target_semaphore(%run_scoped3A_273 : memref<!tpu.dma_semaphore, #tpu.memory_space<semaphore_mem>>)
      %dma_wait3A_288 = arith.constant 0 : i32
      %dma_wait3A_289 = arith.constant 0 : i32
      %dma_wait3A_290 = tpu.memref_slice %arg16[%run_scoped3A, %dma_wait3A_288, %dma_wait3A_289] : memref<5x128x128xf32, #tpu.memory_space<vmem>> -> memref<1x128x128xf32, #tpu.memory_space<vmem>>
      %dma_wait3A_291 = tpu.memref_squeeze %dma_wait3A_290 : memref<1x128x128xf32, #tpu.memory_space<vmem>> -> memref<128x128xf32, #tpu.memory_space<vmem>>
      %dma_wait3A_292 = arith.constant 0 : i32
      %dma_wait3A_293 = arith.constant 0 : i32
      %dma_wait3A_294 = tpu.memref_slice %arg11[%dma_wait3A_292, %dma_wait3A_293] : memref<328x128xf32, #tpu.memory_space<vmem_shared>> -> memref<128x128xf32, #tpu.memory_space<vmem_shared>>
      %dma_wait3A_295 = arith.constant 0 : i32
      %dma_wait3A_296 = arith.constant 0 : i32
      %dma_wait3A_297 = tpu.memref_slice %arg16[%run_scoped3A, %dma_wait3A_295, %dma_wait3A_296] : memref<5x128x128xf32, #tpu.memory_space<vmem>> -> memref<1x128x128xf32, #tpu.memory_space<vmem>>
      %dma_wait3A_298 = tpu.memref_squeeze %dma_wait3A_297 : memref<1x128x128xf32, #tpu.memory_space<vmem>> -> memref<128x128xf32, #tpu.memory_space<vmem>>
      %dma_wait3A_299 = arith.constant 0 : i32
      %dma_wait3A_300 = arith.constant 0 : i32
      %dma_wait3A_301 = tpu.memref_slice %arg11[%dma_wait3A_299, %dma_wait3A_300] : memref<328x128xf32, #tpu.memory_space<vmem_shared>> -> memref<128x128xf32, #tpu.memory_space<vmem_shared>>
      tpu.wait_dma2 semaphore(%run_scoped3A_273 : memref<!tpu.dma_semaphore, #tpu.memory_space<semaphore_mem>>) src(%dma_wait3A_301 : memref<128x128xf32, #tpu.memory_space<vmem_shared>>) dst(%dma_wait3A_298 : memref<128x128xf32, #tpu.memory_space<vmem>>)
      tpu.yield
    }) : () -> ()
    %dma_start3A = arith.constant 0 : i32
    %dma_start3A_148 = arith.constant 0 : i32
    %dma_start3A_149 = arith.constant 0 : i32
    %dma_start3A_150 = arith.constant 0 : i32
    %dma_start3A_151 = tpu.memref_slice %arg16[%dma_start3A_148, %dma_start3A_149, %dma_start3A_150] : memref<5x128x128xf32, #tpu.memory_space<vmem>> -> memref<1x128x128xf32, #tpu.memory_space<vmem>>
    %dma_start3A_152 = tpu.memref_squeeze %dma_start3A_151 : memref<1x128x128xf32, #tpu.memory_space<vmem>> -> memref<128x128xf32, #tpu.memory_space<vmem>>
    %dma_start3A_153 = arith.constant 0 : i32
    %dma_start3A_154 = tpu.memref_slice %arg10[%dma_start3A, %dma_start3A_153] : memref<50x128xi32, #tpu.memory_space<vmem>> -> memref<1x128xi32, #tpu.memory_space<vmem>>
    %dma_start3A_155 = tpu.memref_squeeze %dma_start3A_154 : memref<1x128xi32, #tpu.memory_space<vmem>> -> memref<128xi32, #tpu.memory_space<vmem>>
    %dma_start3A_156 = arith.constant 0 : i32
    %dma_start3A_157 = arith.constant 0 : i32
    %dma_start3A_158 = tpu.memref_slice %arg7[%dma_start3A_156, %dma_start3A_157] : memref<100000x128xf32, #tpu.memory_space<hbm>> -> memref<100000x128xf32, #tpu.memory_space<hbm>>
    tpu.enqueue_indirect_dma source(%dma_start3A_158 : memref<100000x128xf32, #tpu.memory_space<hbm>>) target(%dma_start3A_152 : memref<128x128xf32, #tpu.memory_space<vmem>>) offsets(%dma_start3A_155 : memref<128xi32, #tpu.memory_space<vmem>>) semaphore(%arg17 : memref<!tpu.dma_semaphore, #tpu.memory_space<semaphore_mem>>) {add = true}
    %run_scoped3A_159 = arith.constant 1 : i32
    "tpu.region"() ({
      %run_scoped3A_273 = tpu.sem_alloc : memref<!tpu.dma_semaphore, #tpu.memory_space<semaphore_mem>>
      %dma_start3A_274 = arith.constant 0 : i32
      %dma_start3A_275 = arith.constant 0 : i32
      %dma_start3A_276 = tpu.memref_slice %arg16[%run_scoped3A_159, %dma_start3A_274, %dma_start3A_275] : memref<5x128x128xf32, #tpu.memory_space<vmem>> -> memref<1x128x128xf32, #tpu.memory_space<vmem>>
      %dma_start3A_277 = tpu.memref_squeeze %dma_start3A_276 : memref<1x128x128xf32, #tpu.memory_space<vmem>> -> memref<128x128xf32, #tpu.memory_space<vmem>>
      %dma_start3A_278 = arith.constant 128 : i32
      %dma_start3A_279 = arith.constant 0 : i32
      %dma_start3A_280 = tpu.memref_slice %arg11[%dma_start3A_278, %dma_start3A_279] : memref<328x128xf32, #tpu.memory_space<vmem_shared>> -> memref<128x128xf32, #tpu.memory_space<vmem_shared>>
      %dma_start3A_281 = arith.constant 0 : i32
      %dma_start3A_282 = arith.constant 0 : i32
      %dma_start3A_283 = tpu.memref_slice %arg16[%run_scoped3A_159, %dma_start3A_281, %dma_start3A_282] : memref<5x128x128xf32, #tpu.memory_space<vmem>> -> memref<1x128x128xf32, #tpu.memory_space<vmem>>
      %dma_start3A_284 = tpu.memref_squeeze %dma_start3A_283 : memref<1x128x128xf32, #tpu.memory_space<vmem>> -> memref<128x128xf32, #tpu.memory_space<vmem>>
      %dma_start3A_285 = arith.constant 128 : i32
      %dma_start3A_286 = arith.constant 0 : i32
      %dma_start3A_287 = tpu.memref_slice %arg11[%dma_start3A_285, %dma_start3A_286] : memref<328x128xf32, #tpu.memory_space<vmem_shared>> -> memref<128x128xf32, #tpu.memory_space<vmem_shared>>
      tpu.enqueue_dma source(%dma_start3A_287 : memref<128x128xf32, #tpu.memory_space<vmem_shared>>) target(%dma_start3A_284 : memref<128x128xf32, #tpu.memory_space<vmem>>) target_semaphore(%run_scoped3A_273 : memref<!tpu.dma_semaphore, #tpu.memory_space<semaphore_mem>>)
      %dma_wait3A_288 = arith.constant 0 : i32
      %dma_wait3A_289 = arith.constant 0 : i32
      %dma_wait3A_290 = tpu.memref_slice %arg16[%run_scoped3A_159, %dma_wait3A_288, %dma_wait3A_289] : memref<5x128x128xf32, #tpu.memory_space<vmem>> -> memref<1x128x128xf32, #tpu.memory_space<vmem>>
      %dma_wait3A_291 = tpu.memref_squeeze %dma_wait3A_290 : memref<1x128x128xf32, #tpu.memory_space<vmem>> -> memref<128x128xf32, #tpu.memory_space<vmem>>
      %dma_wait3A_292 = arith.constant 128 : i32
      %dma_wait3A_293 = arith.constant 0 : i32
      %dma_wait3A_294 = tpu.memref_slice %arg11[%dma_wait3A_292, %dma_wait3A_293] : memref<328x128xf32, #tpu.memory_space<vmem_shared>> -> memref<128x128xf32, #tpu.memory_space<vmem_shared>>
      %dma_wait3A_295 = arith.constant 0 : i32
      %dma_wait3A_296 = arith.constant 0 : i32
      %dma_wait3A_297 = tpu.memref_slice %arg16[%run_scoped3A_159, %dma_wait3A_295, %dma_wait3A_296] : memref<5x128x128xf32, #tpu.memory_space<vmem>> -> memref<1x128x128xf32, #tpu.memory_space<vmem>>
      %dma_wait3A_298 = tpu.memref_squeeze %dma_wait3A_297 : memref<1x128x128xf32, #tpu.memory_space<vmem>> -> memref<128x128xf32, #tpu.memory_space<vmem>>
      %dma_wait3A_299 = arith.constant 128 : i32
      %dma_wait3A_300 = arith.constant 0 : i32
      %dma_wait3A_301 = tpu.memref_slice %arg11[%dma_wait3A_299, %dma_wait3A_300] : memref<328x128xf32, #tpu.memory_space<vmem_shared>> -> memref<128x128xf32, #tpu.memory_space<vmem_shared>>
      tpu.wait_dma2 semaphore(%run_scoped3A_273 : memref<!tpu.dma_semaphore, #tpu.memory_space<semaphore_mem>>) src(%dma_wait3A_301 : memref<128x128xf32, #tpu.memory_space<vmem_shared>>) dst(%dma_wait3A_298 : memref<128x128xf32, #tpu.memory_space<vmem>>)
      tpu.yield
    }) : () -> ()
    %dma_start3A_160 = arith.constant 1 : i32
    %dma_start3A_161 = arith.constant 1 : i32
    %dma_start3A_162 = arith.constant 0 : i32
    %dma_start3A_163 = arith.constant 0 : i32
    %dma_start3A_164 = tpu.memref_slice %arg16[%dma_start3A_161, %dma_start3A_162, %dma_start3A_163] : memref<5x128x128xf32, #tpu.memory_space<vmem>> -> memref<1x128x128xf32, #tpu.memory_space<vmem>>
    %dma_start3A_165 = tpu.memref_squeeze %dma_start3A_164 : memref<1x128x128xf32, #tpu.memory_space<vmem>> -> memref<128x128xf32, #tpu.memory_space<vmem>>
    %dma_start3A_166 = arith.constant 0 : i32
    %dma_start3A_167 = tpu.memref_slice %arg10[%dma_start3A_160, %dma_start3A_166] : memref<50x128xi32, #tpu.memory_space<vmem>> -> memref<1x128xi32, #tpu.memory_space<vmem>>
    %dma_start3A_168 = tpu.memref_squeeze %dma_start3A_167 : memref<1x128xi32, #tpu.memory_space<vmem>> -> memref<128xi32, #tpu.memory_space<vmem>>
    %dma_start3A_169 = arith.constant 0 : i32
    %dma_start3A_170 = arith.constant 0 : i32
    %dma_start3A_171 = tpu.memref_slice %arg7[%dma_start3A_169, %dma_start3A_170] : memref<100000x128xf32, #tpu.memory_space<hbm>> -> memref<100000x128xf32, #tpu.memory_space<hbm>>
    tpu.enqueue_indirect_dma source(%dma_start3A_171 : memref<100000x128xf32, #tpu.memory_space<hbm>>) target(%dma_start3A_165 : memref<128x128xf32, #tpu.memory_space<vmem>>) offsets(%dma_start3A_168 : memref<128xi32, #tpu.memory_space<vmem>>) semaphore(%arg18 : memref<!tpu.dma_semaphore, #tpu.memory_space<semaphore_mem>>) {add = true}
    %run_scoped3A_172 = arith.constant 2 : i32
    "tpu.region"() ({
      %run_scoped3A_273 = tpu.sem_alloc : memref<!tpu.dma_semaphore, #tpu.memory_space<semaphore_mem>>
      %dma_start3A_274 = arith.constant 0 : i32
      %dma_start3A_275 = arith.constant 0 : i32
      %dma_start3A_276 = tpu.memref_slice %arg16[%run_scoped3A_172, %dma_start3A_274, %dma_start3A_275] : memref<5x128x128xf32, #tpu.memory_space<vmem>> -> memref<1x128x128xf32, #tpu.memory_space<vmem>>
      %dma_start3A_277 = tpu.memref_squeeze %dma_start3A_276 : memref<1x128x128xf32, #tpu.memory_space<vmem>> -> memref<128x128xf32, #tpu.memory_space<vmem>>
      %dma_start3A_278 = arith.constant 56 : i32
      %dma_start3A_279 = arith.constant 0 : i32
      %dma_start3A_280 = tpu.memref_slice %arg11[%dma_start3A_278, %dma_start3A_279] : memref<328x128xf32, #tpu.memory_space<vmem_shared>> -> memref<128x128xf32, #tpu.memory_space<vmem_shared>>
      %dma_start3A_281 = arith.constant 0 : i32
      %dma_start3A_282 = arith.constant 0 : i32
      %dma_start3A_283 = tpu.memref_slice %arg16[%run_scoped3A_172, %dma_start3A_281, %dma_start3A_282] : memref<5x128x128xf32, #tpu.memory_space<vmem>> -> memref<1x128x128xf32, #tpu.memory_space<vmem>>
      %dma_start3A_284 = tpu.memref_squeeze %dma_start3A_283 : memref<1x128x128xf32, #tpu.memory_space<vmem>> -> memref<128x128xf32, #tpu.memory_space<vmem>>
      %dma_start3A_285 = arith.constant 56 : i32
      %dma_start3A_286 = arith.constant 0 : i32
      %dma_start3A_287 = tpu.memref_slice %arg11[%dma_start3A_285, %dma_start3A_286] : memref<328x128xf32, #tpu.memory_space<vmem_shared>> -> memref<128x128xf32, #tpu.memory_space<vmem_shared>>
      tpu.enqueue_dma source(%dma_start3A_287 : memref<128x128xf32, #tpu.memory_space<vmem_shared>>) target(%dma_start3A_284 : memref<128x128xf32, #tpu.memory_space<vmem>>) target_semaphore(%run_scoped3A_273 : memref<!tpu.dma_semaphore, #tpu.memory_space<semaphore_mem>>)
      %dma_wait3A_288 = arith.constant 0 : i32
      %dma_wait3A_289 = arith.constant 0 : i32
      %dma_wait3A_290 = tpu.memref_slice %arg16[%run_scoped3A_172, %dma_wait3A_288, %dma_wait3A_289] : memref<5x128x128xf32, #tpu.memory_space<vmem>> -> memref<1x128x128xf32, #tpu.memory_space<vmem>>
      %dma_wait3A_291 = tpu.memref_squeeze %dma_wait3A_290 : memref<1x128x128xf32, #tpu.memory_space<vmem>> -> memref<128x128xf32, #tpu.memory_space<vmem>>
      %dma_wait3A_292 = arith.constant 56 : i32
      %dma_wait3A_293 = arith.constant 0 : i32
      %dma_wait3A_294 = tpu.memref_slice %arg11[%dma_wait3A_292, %dma_wait3A_293] : memref<328x128xf32, #tpu.memory_space<vmem_shared>> -> memref<128x128xf32, #tpu.memory_space<vmem_shared>>
      %dma_wait3A_295 = arith.constant 0 : i32
      %dma_wait3A_296 = arith.constant 0 : i32
      %dma_wait3A_297 = tpu.memref_slice %arg16[%run_scoped3A_172, %dma_wait3A_295, %dma_wait3A_296] : memref<5x128x128xf32, #tpu.memory_space<vmem>> -> memref<1x128x128xf32, #tpu.memory_space<vmem>>
      %dma_wait3A_298 = tpu.memref_squeeze %dma_wait3A_297 : memref<1x128x128xf32, #tpu.memory_space<vmem>> -> memref<128x128xf32, #tpu.memory_space<vmem>>
      %dma_wait3A_299 = arith.constant 56 : i32
      %dma_wait3A_300 = arith.constant 0 : i32
      %dma_wait3A_301 = tpu.memref_slice %arg11[%dma_wait3A_299, %dma_wait3A_300] : memref<328x128xf32, #tpu.memory_space<vmem_shared>> -> memref<128x128xf32, #tpu.memory_space<vmem_shared>>
      tpu.wait_dma2 semaphore(%run_scoped3A_273 : memref<!tpu.dma_semaphore, #tpu.memory_space<semaphore_mem>>) src(%dma_wait3A_301 : memref<128x128xf32, #tpu.memory_space<vmem_shared>>) dst(%dma_wait3A_298 : memref<128x128xf32, #tpu.memory_space<vmem>>)
      tpu.yield
    }) : () -> ()
    %dma_start3A_173 = arith.constant 2 : i32
    %dma_start3A_174 = arith.constant 2 : i32
    %dma_start3A_175 = arith.constant 0 : i32
    %dma_start3A_176 = arith.constant 0 : i32
    %dma_start3A_177 = tpu.memref_slice %arg16[%dma_start3A_174, %dma_start3A_175, %dma_start3A_176] : memref<5x128x128xf32, #tpu.memory_space<vmem>> -> memref<1x128x128xf32, #tpu.memory_space<vmem>>
    %dma_start3A_178 = tpu.memref_squeeze %dma_start3A_177 : memref<1x128x128xf32, #tpu.memory_space<vmem>> -> memref<128x128xf32, #tpu.memory_space<vmem>>
    %dma_start3A_179 = arith.constant 0 : i32
    %dma_start3A_180 = tpu.memref_slice %arg10[%dma_start3A_173, %dma_start3A_179] : memref<50x128xi32, #tpu.memory_space<vmem>> -> memref<1x128xi32, #tpu.memory_space<vmem>>
    %dma_start3A_181 = tpu.memref_squeeze %dma_start3A_180 : memref<1x128xi32, #tpu.memory_space<vmem>> -> memref<128xi32, #tpu.memory_space<vmem>>
    %dma_start3A_182 = arith.constant 0 : i32
    %dma_start3A_183 = arith.constant 0 : i32
    %dma_start3A_184 = tpu.memref_slice %arg7[%dma_start3A_182, %dma_start3A_183] : memref<100000x128xf32, #tpu.memory_space<hbm>> -> memref<100000x128xf32, #tpu.memory_space<hbm>>
    tpu.enqueue_indirect_dma source(%dma_start3A_184 : memref<100000x128xf32, #tpu.memory_space<hbm>>) target(%dma_start3A_178 : memref<128x128xf32, #tpu.memory_space<vmem>>) offsets(%dma_start3A_181 : memref<128xi32, #tpu.memory_space<vmem>>) semaphore(%arg19 : memref<!tpu.dma_semaphore, #tpu.memory_space<semaphore_mem>>) {add = true}
    %scan3A = arith.constant 0 : i32
    %scan3A_185 = arith.constant 10 : i32
    %scan3A_186 = arith.addi %scan3A, %scan3A_185 : i32
    %scan3A_187 = arith.constant 1 : i32
    scf.for %scan3A_273 = %scan3A to %scan3A_186 step %scan3A_187  : i32 {
      %mul3A_274 = arith.constant 5 : i32
      %mul3A_275 = arith.muli %scan3A_273, %mul3A_274 : i32
      %add3A_276 = arith.constant 0 : i32
      %add3A_277 = arith.addi %add3A_276, %mul3A_275 : i32
      %add3A_278 = arith.constant 0 : i32
      %add3A_279 = arith.addi %add3A_277, %add3A_278 : i32
      %dma_wait3A_280 = arith.constant 0 : i32
      %dma_wait3A_281 = arith.constant 0 : i32
      %dma_wait3A_282 = arith.constant 0 : i32
      %dma_wait3A_283 = tpu.memref_slice %arg16[%dma_wait3A_280, %dma_wait3A_281, %dma_wait3A_282] : memref<5x128x128xf32, #tpu.memory_space<vmem>> -> memref<1x128x128xf32, #tpu.memory_space<vmem>>
      %dma_wait3A_284 = tpu.memref_squeeze %dma_wait3A_283 : memref<1x128x128xf32, #tpu.memory_space<vmem>> -> memref<128x128xf32, #tpu.memory_space<vmem>>
      %dma_wait3A_285 = arith.constant 0 : i32
      %dma_wait3A_286 = tpu.memref_slice %arg10[%add3A_279, %dma_wait3A_285] : memref<50x128xi32, #tpu.memory_space<vmem>> -> memref<1x128xi32, #tpu.memory_space<vmem>>
      %dma_wait3A_287 = tpu.memref_squeeze %dma_wait3A_286 : memref<1x128xi32, #tpu.memory_space<vmem>> -> memref<128xi32, #tpu.memory_space<vmem>>
      %dma_wait3A_288 = arith.constant 0 : i32
      %dma_wait3A_289 = arith.constant 0 : i32
      %dma_wait3A_290 = tpu.memref_slice %arg7[%dma_wait3A_288, %dma_wait3A_289] : memref<100000x128xf32, #tpu.memory_space<hbm>> -> memref<100000x128xf32, #tpu.memory_space<hbm>>
      tpu.wait_indirect_dma semaphore(%arg17 : memref<!tpu.dma_semaphore, #tpu.memory_space<semaphore_mem>>) src(%dma_wait3A_290 : memref<100000x128xf32, #tpu.memory_space<hbm>>) dst(%dma_wait3A_284 : memref<128x128xf32, #tpu.memory_space<vmem>>)
      %get3A_291 = arith.index_cast %add3A_279 : i32 to index
      %get3A_292 = arith.constant 0 : index
      %get3A_293 = tpu.vector_load %arg9[%get3A_291, %get3A_292] {strides = array<i32>} : memref<50x128xi32, #tpu.memory_space<vmem>>, vector<16xi32>,
      %eq3A_294 = arith.constant 0 : i32
      %eq3A_295 = vector.broadcast %eq3A_294 : i32 to vector<16xi32>
      %eq3A_296 = arith.cmpi eq, %get3A_293, %eq3A_295 : vector<16xi32>
      %eq3A_297 = arith.constant 100001 : i32
      %eq3A_298 = vector.broadcast %eq3A_297 : i32 to vector<16xi32>
      %eq3A_299 = arith.cmpi eq, %get3A_293, %eq3A_298 : vector<16xi32>
      %or3A = arith.ori %eq3A_296, %eq3A_299 : vector<16xi1>
      %get3A_300 = arith.index_cast %add3A_279 : i32 to index
      %get3A_301 = arith.constant 16 : index
      %get3A_302 = tpu.vector_load %arg9[%get3A_300, %get3A_301] {strides = array<i32>} : memref<50x128xi32, #tpu.memory_space<vmem>>, vector<16xi32>,
      %eq3A_303 = arith.constant 0 : i32
      %eq3A_304 = vector.broadcast %eq3A_303 : i32 to vector<16xi32>
      %eq3A_305 = arith.cmpi eq, %get3A_302, %eq3A_304 : vector<16xi32>
      %eq3A_306 = arith.constant 100001 : i32
      %eq3A_307 = vector.broadcast %eq3A_306 : i32 to vector<16xi32>
      %eq3A_308 = arith.cmpi eq, %get3A_302, %eq3A_307 : vector<16xi32>
      %or3A_309 = arith.ori %eq3A_305, %eq3A_308 : vector<16xi1>
      %or3A_310 = arith.ori %or3A, %or3A_309 : vector<16xi1>
      %get3A_311 = arith.index_cast %add3A_279 : i32 to index
      %get3A_312 = arith.constant 32 : index
      %get3A_313 = tpu.vector_load %arg9[%get3A_311, %get3A_312] {strides = array<i32>} : memref<50x128xi32, #tpu.memory_space<vmem>>, vector<16xi32>,
      %eq3A_314 = arith.constant 0 : i32
      %eq3A_315 = vector.broadcast %eq3A_314 : i32 to vector<16xi32>
      %eq3A_316 = arith.cmpi eq, %get3A_313, %eq3A_315 : vector<16xi32>
      %eq3A_317 = arith.constant 100001 : i32
      %eq3A_318 = vector.broadcast %eq3A_317 : i32 to vector<16xi32>
      %eq3A_319 = arith.cmpi eq, %get3A_313, %eq3A_318 : vector<16xi32>
      %or3A_320 = arith.ori %eq3A_316, %eq3A_319 : vector<16xi1>
      %or3A_321 = arith.ori %or3A_310, %or3A_320 : vector<16xi1>
      %get3A_322 = arith.index_cast %add3A_279 : i32 to index
      %get3A_323 = arith.constant 48 : index
      %get3A_324 = tpu.vector_load %arg9[%get3A_322, %get3A_323] {strides = array<i32>} : memref<50x128xi32, #tpu.memory_space<vmem>>, vector<16xi32>,
      %eq3A_325 = arith.constant 0 : i32
      %eq3A_326 = vector.broadcast %eq3A_325 : i32 to vector<16xi32>
      %eq3A_327 = arith.cmpi eq, %get3A_324, %eq3A_326 : vector<16xi32>
      %eq3A_328 = arith.constant 100001 : i32
      %eq3A_329 = vector.broadcast %eq3A_328 : i32 to vector<16xi32>
      %eq3A_330 = arith.cmpi eq, %get3A_324, %eq3A_329 : vector<16xi32>
      %or3A_331 = arith.ori %eq3A_327, %eq3A_330 : vector<16xi1>
      %or3A_332 = arith.ori %or3A_321, %or3A_331 : vector<16xi1>
      %get3A_333 = arith.index_cast %add3A_279 : i32 to index
      %get3A_334 = arith.constant 64 : index
      %get3A_335 = tpu.vector_load %arg9[%get3A_333, %get3A_334] {strides = array<i32>} : memref<50x128xi32, #tpu.memory_space<vmem>>, vector<16xi32>,
      %eq3A_336 = arith.constant 0 : i32
      %eq3A_337 = vector.broadcast %eq3A_336 : i32 to vector<16xi32>
      %eq3A_338 = arith.cmpi eq, %get3A_335, %eq3A_337 : vector<16xi32>
      %eq3A_339 = arith.constant 100001 : i32
      %eq3A_340 = vector.broadcast %eq3A_339 : i32 to vector<16xi32>
      %eq3A_341 = arith.cmpi eq, %get3A_335, %eq3A_340 : vector<16xi32>
      %or3A_342 = arith.ori %eq3A_338, %eq3A_341 : vector<16xi1>
      %or3A_343 = arith.ori %or3A_332, %or3A_342 : vector<16xi1>
      %get3A_344 = arith.index_cast %add3A_279 : i32 to index
      %get3A_345 = arith.constant 80 : index
      %get3A_346 = tpu.vector_load %arg9[%get3A_344, %get3A_345] {strides = array<i32>} : memref<50x128xi32, #tpu.memory_space<vmem>>, vector<16xi32>,
      %eq3A_347 = arith.constant 0 : i32
      %eq3A_348 = vector.broadcast %eq3A_347 : i32 to vector<16xi32>
      %eq3A_349 = arith.cmpi eq, %get3A_346, %eq3A_348 : vector<16xi32>
      %eq3A_350 = arith.constant 100001 : i32
      %eq3A_351 = vector.broadcast %eq3A_350 : i32 to vector<16xi32>
      %eq3A_352 = arith.cmpi eq, %get3A_346, %eq3A_351 : vector<16xi32>
      %or3A_353 = arith.ori %eq3A_349, %eq3A_352 : vector<16xi1>
      %or3A_354 = arith.ori %or3A_343, %or3A_353 : vector<16xi1>
      %get3A_355 = arith.index_cast %add3A_279 : i32 to index
      %get3A_356 = arith.constant 96 : index
      %get3A_357 = tpu.vector_load %arg9[%get3A_355, %get3A_356] {strides = array<i32>} : memref<50x128xi32, #tpu.memory_space<vmem>>, vector<16xi32>,
      %eq3A_358 = arith.constant 0 : i32
      %eq3A_359 = vector.broadcast %eq3A_358 : i32 to vector<16xi32>
      %eq3A_360 = arith.cmpi eq, %get3A_357, %eq3A_359 : vector<16xi32>
      %eq3A_361 = arith.constant 100001 : i32
      %eq3A_362 = vector.broadcast %eq3A_361 : i32 to vector<16xi32>
      %eq3A_363 = arith.cmpi eq, %get3A_357, %eq3A_362 : vector<16xi32>
      %or3A_364 = arith.ori %eq3A_360, %eq3A_363 : vector<16xi1>
      %or3A_365 = arith.ori %or3A_354, %or3A_364 : vector<16xi1>
      %get3A_366 = arith.index_cast %add3A_279 : i32 to index
      %get3A_367 = arith.constant 112 : index
      %get3A_368 = tpu.vector_load %arg9[%get3A_366, %get3A_367] {strides = array<i32>} : memref<50x128xi32, #tpu.memory_space<vmem>>, vector<16xi32>,
      %eq3A_369 = arith.constant 0 : i32
      %eq3A_370 = vector.broadcast %eq3A_369 : i32 to vector<16xi32>
      %eq3A_371 = arith.cmpi eq, %get3A_368, %eq3A_370 : vector<16xi32>
      %eq3A_372 = arith.constant 100001 : i32
      %eq3A_373 = vector.broadcast %eq3A_372 : i32 to vector<16xi32>
      %eq3A_374 = arith.cmpi eq, %get3A_368, %eq3A_373 : vector<16xi32>
      %or3A_375 = arith.ori %eq3A_371, %eq3A_374 : vector<16xi1>
      %or3A_376 = arith.ori %or3A_365, %or3A_375 : vector<16xi1>
      %reduce_or3A = arith.constant 1.000000e+00 : f32
      %reduce_or3A_377 = arith.constant 0.000000e+00 : f32
      %reduce_or3A_378 = vector.broadcast %reduce_or3A : f32 to vector<16xf32>
      %reduce_or3A_379 = vector.broadcast %reduce_or3A_377 : f32 to vector<16xf32>
      %reduce_or3A_380 = arith.select %or3A_376, %reduce_or3A_378, %reduce_or3A_379 : vector<16xi1>, vector<16xf32>
      %reduce_or3A_381 = arith.constant true
      %reduce_or3A_382 = vector.broadcast %reduce_or3A_381 : i1 to vector<16xi1>
      %reduce_or3A_383 = tpu.scan <max>, %reduce_or3A_380 masked %reduce_or3A_382 : vector<16xf32>, vector<16xi1> -> vector<16xf32>
      %reduce_or3A_384 = vector.extract %reduce_or3A_383[15] : f32 from vector<16xf32>
      %reduce_or3A_385 = arith.constant 0.000000e+00 : f32
      %reduce_or3A_386 = arith.cmpf ogt, %reduce_or3A_384, %reduce_or3A_385 : f32
      %convert_element_type3A_387 = arith.extui %reduce_or3A_386 : i1 to i32
      %cond3A_388 = arith.constant 0 : i32
      %cond3A_389 = arith.constant 0 : i32
      %cond3A_390 = arith.cmpi ne, %convert_element_type3A_387, %cond3A_389 : i32
      scf.if %cond3A_390 {
        %scan3A_975 = arith.constant 0 : i32
        %scan3A_976 = arith.constant 128 : i32
        %scan3A_977 = arith.addi %scan3A_975, %scan3A_976 : i32
        %scan3A_978 = arith.constant 1 : i32
        scf.for %scan3A_980 = %scan3A_975 to %scan3A_977 step %scan3A_978  : i32 {
          %mul3A_981 = arith.constant 1 : i32
          %mul3A_982 = arith.muli %scan3A_980, %mul3A_981 : i32
          %add3A_983 = arith.constant 0 : i32
          %add3A_984 = arith.addi %add3A_983, %mul3A_982 : i32
          %broadcast_in_dim3A_985 = vector.broadcast %add3A_279 : i32 to vector<16xi32>
          %broadcast_in_dim3A_986 = vector.broadcast %add3A_984 : i32 to vector<16xi32>
          %gather3A = tpu.vector_load_idx %arg9[%broadcast_in_dim3A_985, %broadcast_in_dim3A_986] : memref<50x128xi32, #tpu.memory_space<vmem>>[vector<16xi32>, vector<16xi32>], vector<16xi32>,
          %eq3A_987 = arith.constant 0 : i32
          %eq3A_988 = vector.broadcast %eq3A_987 : i32 to vector<16xi32>
          %eq3A_989 = arith.cmpi eq, %gather3A, %eq3A_988 : vector<16xi32>
          %eq3A_990 = arith.constant 100001 : i32
          %eq3A_991 = vector.broadcast %eq3A_990 : i32 to vector<16xi32>
          %eq3A_992 = arith.cmpi eq, %gather3A, %eq3A_991 : vector<16xi32>
          %or3A_993 = arith.ori %eq3A_989, %eq3A_992 : vector<16xi1>
          %reduce_or3A_994 = arith.constant 1.000000e+00 : f32
          %reduce_or3A_995 = arith.constant 0.000000e+00 : f32
          %reduce_or3A_996 = vector.broadcast %reduce_or3A_994 : f32 to vector<16xf32>
          %reduce_or3A_997 = vector.broadcast %reduce_or3A_995 : f32 to vector<16xf32>
          %reduce_or3A_998 = arith.select %or3A_993, %reduce_or3A_996, %reduce_or3A_997 : vector<16xi1>, vector<16xf32>
          %reduce_or3A_999 = arith.constant true
          %reduce_or3A_1000 = vector.broadcast %reduce_or3A_999 : i1 to vector<16xi1>
          %reduce_or3A_1001 = tpu.scan <max>, %reduce_or3A_998 masked %reduce_or3A_1000 : vector<16xf32>, vector<16xi1> -> vector<16xf32>
          %reduce_or3A_1002 = vector.extract %reduce_or3A_1001[15] : f32 from vector<16xf32>
          %reduce_or3A_1003 = arith.constant 0.000000e+00 : f32
          %reduce_or3A_1004 = arith.cmpf ogt, %reduce_or3A_1002, %reduce_or3A_1003 : f32
          %convert_element_type3A_1005 = arith.extui %reduce_or3A_1004 : i1 to i32
          %cond3A_1006 = arith.constant 0 : i32
          %cond3A_1007 = arith.cmpi ne, %convert_element_type3A_1005, %cond3A_1006 : i32
          scf.if %cond3A_1007 {
            %get3A_1008 = arith.constant 0 : i32
            %get3A_1009 = arith.constant 0 : i32
            %get3A_1010 = tpu.memref_slice %arg16[%cond3A_388, %get3A_1008, %get3A_1009] : memref<5x128x128xf32, #tpu.memory_space<vmem>> -> memref<1x128x128xf32, #tpu.memory_space<vmem>>
            %get3A_1011 = tpu.memref_squeeze %get3A_1010 : memref<1x128x128xf32, #tpu.memory_space<vmem>> -> memref<128x128xf32, #tpu.memory_space<vmem>>
            %get3A_1012 = arith.index_cast %add3A_984 : i32 to index
            %get3A_1013 = arith.constant 0 : index
            %get3A_1014 = tpu.vector_load %get3A_1011[%get3A_1012, %get3A_1013] {strides = array<i32>} : memref<128x128xf32, #tpu.memory_space<vmem>>, vector<16xf32>,
            %select_n3A = arith.select %eq3A_992, %sub3A_83, %broadcast_in_dim3A_147 : vector<16xi1>, vector<16xf32>
            %select_n3A_1015 = arith.select %eq3A_989, %sub3A, %select_n3A : vector<16xi1>, vector<16xf32>
            %add3A_1016 = arith.addf %get3A_1014, %select_n3A_1015 : vector<16xf32>
            %swap3A = arith.constant 0 : i32
            %swap3A_1017 = arith.constant 0 : i32
            %swap3A_1018 = tpu.memref_slice %arg16[%cond3A_388, %swap3A, %swap3A_1017] : memref<5x128x128xf32, #tpu.memory_space<vmem>> -> memref<1x128x128xf32, #tpu.memory_space<vmem>>
            %swap3A_1019 = tpu.memref_squeeze %swap3A_1018 : memref<1x128x128xf32, #tpu.memory_space<vmem>> -> memref<128x128xf32, #tpu.memory_space<vmem>>
            %swap3A_1020 = arith.index_cast %add3A_984 : i32 to index
            %swap3A_1021 = arith.constant 0 : index
            %swap3A_1022 = tpu.vector_load %swap3A_1019[%swap3A_1020, %swap3A_1021] {strides = array<i32>} : memref<128x128xf32, #tpu.memory_space<vmem>>, vector<16xf32>,
            tpu.vector_store %swap3A_1019[%swap3A_1020, %swap3A_1021], %add3A_1016 {strides = array<i32>} : memref<128x128xf32, #tpu.memory_space<vmem>>, vector<16xf32>,
            %get3A_1023 = arith.constant 0 : i32
            %get3A_1024 = arith.constant 0 : i32
            %get3A_1025 = tpu.memref_slice %arg16[%cond3A_388, %get3A_1023, %get3A_1024] : memref<5x128x128xf32, #tpu.memory_space<vmem>> -> memref<1x128x128xf32, #tpu.memory_space<vmem>>
            %get3A_1026 = tpu.memref_squeeze %get3A_1025 : memref<1x128x128xf32, #tpu.memory_space<vmem>> -> memref<128x128xf32, #tpu.memory_space<vmem>>
            %get3A_1027 = arith.index_cast %add3A_984 : i32 to index
            %get3A_1028 = arith.constant 16 : index
            %get3A_1029 = tpu.vector_load %get3A_1026[%get3A_1027, %get3A_1028] {strides = array<i32>} : memref<128x128xf32, #tpu.memory_space<vmem>>, vector<16xf32>,
            %select_n3A_1030 = arith.select %eq3A_992, %sub3A_92, %broadcast_in_dim3A_147 : vector<16xi1>, vector<16xf32>
            %select_n3A_1031 = arith.select %eq3A_989, %sub3A_20, %select_n3A_1030 : vector<16xi1>, vector<16xf32>
            %add3A_1032 = arith.addf %get3A_1029, %select_n3A_1031 : vector<16xf32>
            %swap3A_1033 = arith.constant 0 : i32
            %swap3A_1034 = arith.constant 0 : i32
            %swap3A_1035 = tpu.memref_slice %arg16[%cond3A_388, %swap3A_1033, %swap3A_1034] : memref<5x128x128xf32, #tpu.memory_space<vmem>> -> memref<1x128x128xf32, #tpu.memory_space<vmem>>
            %swap3A_1036 = tpu.memref_squeeze %swap3A_1035 : memref<1x128x128xf32, #tpu.memory_space<vmem>> -> memref<128x128xf32, #tpu.memory_space<vmem>>
            %swap3A_1037 = arith.index_cast %add3A_984 : i32 to index
            %swap3A_1038 = arith.constant 16 : index
            %swap3A_1039 = tpu.vector_load %swap3A_1036[%swap3A_1037, %swap3A_1038] {strides = array<i32>} : memref<128x128xf32, #tpu.memory_space<vmem>>, vector<16xf32>,
            tpu.vector_store %swap3A_1036[%swap3A_1037, %swap3A_1038], %add3A_1032 {strides = array<i32>} : memref<128x128xf32, #tpu.memory_space<vmem>>, vector<16xf32>,
            %get3A_1040 = arith.constant 0 : i32
            %get3A_1041 = arith.constant 0 : i32
            %get3A_1042 = tpu.memref_slice %arg16[%cond3A_388, %get3A_1040, %get3A_1041] : memref<5x128x128xf32, #tpu.memory_space<vmem>> -> memref<1x128x128xf32, #tpu.memory_space<vmem>>
            %get3A_1043 = tpu.memref_squeeze %get3A_1042 : memref<1x128x128xf32, #tpu.memory_space<vmem>> -> memref<128x128xf32, #tpu.memory_space<vmem>>
            %get3A_1044 = arith.index_cast %add3A_984 : i32 to index
            %get3A_1045 = arith.constant 32 : index
            %get3A_1046 = tpu.vector_load %get3A_1043[%get3A_1044, %get3A_1045] {strides = array<i32>} : memref<128x128xf32, #tpu.memory_space<vmem>>, vector<16xf32>,
            %select_n3A_1047 = arith.select %eq3A_992, %sub3A_101, %broadcast_in_dim3A_147 : vector<16xi1>, vector<16xf32>
            %select_n3A_1048 = arith.select %eq3A_989, %sub3A_29, %select_n3A_1047 : vector<16xi1>, vector<16xf32>
            %add3A_1049 = arith.addf %get3A_1046, %select_n3A_1048 : vector<16xf32>
            %swap3A_1050 = arith.constant 0 : i32
            %swap3A_1051 = arith.constant 0 : i32
            %swap3A_1052 = tpu.memref_slice %arg16[%cond3A_388, %swap3A_1050, %swap3A_1051] : memref<5x128x128xf32, #tpu.memory_space<vmem>> -> memref<1x128x128xf32, #tpu.memory_space<vmem>>
            %swap3A_1053 = tpu.memref_squeeze %swap3A_1052 : memref<1x128x128xf32, #tpu.memory_space<vmem>> -> memref<128x128xf32, #tpu.memory_space<vmem>>
            %swap3A_1054 = arith.index_cast %add3A_984 : i32 to index
            %swap3A_1055 = arith.constant 32 : index
            %swap3A_1056 = tpu.vector_load %swap3A_1053[%swap3A_1054, %swap3A_1055] {strides = array<i32>} : memref<128x128xf32, #tpu.memory_space<vmem>>, vector<16xf32>,
            tpu.vector_store %swap3A_1053[%swap3A_1054, %swap3A_1055], %add3A_1049 {strides = array<i32>} : memref<128x128xf32, #tpu.memory_space<vmem>>, vector<16xf32>,
            %get3A_1057 = arith.constant 0 : i32
            %get3A_1058 = arith.constant 0 : i32
            %get3A_1059 = tpu.memref_slice %arg16[%cond3A_388, %get3A_1057, %get3A_1058] : memref<5x128x128xf32, #tpu.memory_space<vmem>> -> memref<1x128x128xf32, #tpu.memory_space<vmem>>
            %get3A_1060 = tpu.memref_squeeze %get3A_1059 : memref<1x128x128xf32, #tpu.memory_space<vmem>> -> memref<128x128xf32, #tpu.memory_space<vmem>>
            %get3A_1061 = arith.index_cast %add3A_984 : i32 to index
            %get3A_1062 = arith.constant 48 : index
            %get3A_1063 = tpu.vector_load %get3A_1060[%get3A_1061, %get3A_1062] {strides = array<i32>} : memref<128x128xf32, #tpu.memory_space<vmem>>, vector<16xf32>,
            %select_n3A_1064 = arith.select %eq3A_992, %sub3A_110, %broadcast_in_dim3A_147 : vector<16xi1>, vector<16xf32>
            %select_n3A_1065 = arith.select %eq3A_989, %sub3A_38, %select_n3A_1064 : vector<16xi1>, vector<16xf32>
            %add3A_1066 = arith.addf %get3A_1063, %select_n3A_1065 : vector<16xf32>
            %swap3A_1067 = arith.constant 0 : i32
            %swap3A_1068 = arith.constant 0 : i32
            %swap3A_1069 = tpu.memref_slice %arg16[%cond3A_388, %swap3A_1067, %swap3A_1068] : memref<5x128x128xf32, #tpu.memory_space<vmem>> -> memref<1x128x128xf32, #tpu.memory_space<vmem>>
            %swap3A_1070 = tpu.memref_squeeze %swap3A_1069 : memref<1x128x128xf32, #tpu.memory_space<vmem>> -> memref<128x128xf32, #tpu.memory_space<vmem>>
            %swap3A_1071 = arith.index_cast %add3A_984 : i32 to index
            %swap3A_1072 = arith.constant 48 : index
            %swap3A_1073 = tpu.vector_load %swap3A_1070[%swap3A_1071, %swap3A_1072] {strides = array<i32>} : memref<128x128xf32, #tpu.memory_space<vmem>>, vector<16xf32>,
            tpu.vector_store %swap3A_1070[%swap3A_1071, %swap3A_1072], %add3A_1066 {strides = array<i32>} : memref<128x128xf32, #tpu.memory_space<vmem>>, vector<16xf32>,
            %get3A_1074 = arith.constant 0 : i32
            %get3A_1075 = arith.constant 0 : i32
            %get3A_1076 = tpu.memref_slice %arg16[%cond3A_388, %get3A_1074, %get3A_1075] : memref<5x128x128xf32, #tpu.memory_space<vmem>> -> memref<1x128x128xf32, #tpu.memory_space<vmem>>
            %get3A_1077 = tpu.memref_squeeze %get3A_1076 : memref<1x128x128xf32, #tpu.memory_space<vmem>> -> memref<128x128xf32, #tpu.memory_space<vmem>>
            %get3A_1078 = arith.index_cast %add3A_984 : i32 to index
            %get3A_1079 = arith.constant 64 : index
            %get3A_1080 = tpu.vector_load %get3A_1077[%get3A_1078, %get3A_1079] {strides = array<i32>} : memref<128x128xf32, #tpu.memory_space<vmem>>, vector<16xf32>,
            %select_n3A_1081 = arith.select %eq3A_992, %sub3A_119, %broadcast_in_dim3A_147 : vector<16xi1>, vector<16xf32>
            %select_n3A_1082 = arith.select %eq3A_989, %sub3A_47, %select_n3A_1081 : vector<16xi1>, vector<16xf32>
            %add3A_1083 = arith.addf %get3A_1080, %select_n3A_1082 : vector<16xf32>
            %swap3A_1084 = arith.constant 0 : i32
            %swap3A_1085 = arith.constant 0 : i32
            %swap3A_1086 = tpu.memref_slice %arg16[%cond3A_388, %swap3A_1084, %swap3A_1085] : memref<5x128x128xf32, #tpu.memory_space<vmem>> -> memref<1x128x128xf32, #tpu.memory_space<vmem>>
            %swap3A_1087 = tpu.memref_squeeze %swap3A_1086 : memref<1x128x128xf32, #tpu.memory_space<vmem>> -> memref<128x128xf32, #tpu.memory_space<vmem>>
            %swap3A_1088 = arith.index_cast %add3A_984 : i32 to index
            %swap3A_1089 = arith.constant 64 : index
            %swap3A_1090 = tpu.vector_load %swap3A_1087[%swap3A_1088, %swap3A_1089] {strides = array<i32>} : memref<128x128xf32, #tpu.memory_space<vmem>>, vector<16xf32>,
            tpu.vector_store %swap3A_1087[%swap3A_1088, %swap3A_1089], %add3A_1083 {strides = array<i32>} : memref<128x128xf32, #tpu.memory_space<vmem>>, vector<16xf32>,
            %get3A_1091 = arith.constant 0 : i32
            %get3A_1092 = arith.constant 0 : i32
            %get3A_1093 = tpu.memref_slice %arg16[%cond3A_388, %get3A_1091, %get3A_1092] : memref<5x128x128xf32, #tpu.memory_space<vmem>> -> memref<1x128x128xf32, #tpu.memory_space<vmem>>
            %get3A_1094 = tpu.memref_squeeze %get3A_1093 : memref<1x128x128xf32, #tpu.memory_space<vmem>> -> memref<128x128xf32, #tpu.memory_space<vmem>>
            %get3A_1095 = arith.index_cast %add3A_984 : i32 to index
            %get3A_1096 = arith.constant 80 : index
            %get3A_1097 = tpu.vector_load %get3A_1094[%get3A_1095, %get3A_1096] {strides = array<i32>} : memref<128x128xf32, #tpu.memory_space<vmem>>, vector<16xf32>,
            %select_n3A_1098 = arith.select %eq3A_992, %sub3A_128, %broadcast_in_dim3A_147 : vector<16xi1>, vector<16xf32>
            %select_n3A_1099 = arith.select %eq3A_989, %sub3A_56, %select_n3A_1098 : vector<16xi1>, vector<16xf32>
            %add3A_1100 = arith.addf %get3A_1097, %select_n3A_1099 : vector<16xf32>
            %swap3A_1101 = arith.constant 0 : i32
            %swap3A_1102 = arith.constant 0 : i32
            %swap3A_1103 = tpu.memref_slice %arg16[%cond3A_388, %swap3A_1101, %swap3A_1102] : memref<5x128x128xf32, #tpu.memory_space<vmem>> -> memref<1x128x128xf32, #tpu.memory_space<vmem>>
            %swap3A_1104 = tpu.memref_squeeze %swap3A_1103 : memref<1x128x128xf32, #tpu.memory_space<vmem>> -> memref<128x128xf32, #tpu.memory_space<vmem>>
            %swap3A_1105 = arith.index_cast %add3A_984 : i32 to index
            %swap3A_1106 = arith.constant 80 : index
            %swap3A_1107 = tpu.vector_load %swap3A_1104[%swap3A_1105, %swap3A_1106] {strides = array<i32>} : memref<128x128xf32, #tpu.memory_space<vmem>>, vector<16xf32>,
            tpu.vector_store %swap3A_1104[%swap3A_1105, %swap3A_1106], %add3A_1100 {strides = array<i32>} : memref<128x128xf32, #tpu.memory_space<vmem>>, vector<16xf32>,
            %get3A_1108 = arith.constant 0 : i32
            %get3A_1109 = arith.constant 0 : i32
            %get3A_1110 = tpu.memref_slice %arg16[%cond3A_388, %get3A_1108, %get3A_1109] : memref<5x128x128xf32, #tpu.memory_space<vmem>> -> memref<1x128x128xf32, #tpu.memory_space<vmem>>
            %get3A_1111 = tpu.memref_squeeze %get3A_1110 : memref<1x128x128xf32, #tpu.memory_space<vmem>> -> memref<128x128xf32, #tpu.memory_space<vmem>>
            %get3A_1112 = arith.index_cast %add3A_984 : i32 to index
            %get3A_1113 = arith.constant 96 : index
            %get3A_1114 = tpu.vector_load %get3A_1111[%get3A_1112, %get3A_1113] {strides = array<i32>} : memref<128x128xf32, #tpu.memory_space<vmem>>, vector<16xf32>,
            %select_n3A_1115 = arith.select %eq3A_992, %sub3A_137, %broadcast_in_dim3A_147 : vector<16xi1>, vector<16xf32>
            %select_n3A_1116 = arith.select %eq3A_989, %sub3A_65, %select_n3A_1115 : vector<16xi1>, vector<16xf32>
            %add3A_1117 = arith.addf %get3A_1114, %select_n3A_1116 : vector<16xf32>
            %swap3A_1118 = arith.constant 0 : i32
            %swap3A_1119 = arith.constant 0 : i32
            %swap3A_1120 = tpu.memref_slice %arg16[%cond3A_388, %swap3A_1118, %swap3A_1119] : memref<5x128x128xf32, #tpu.memory_space<vmem>> -> memref<1x128x128xf32, #tpu.memory_space<vmem>>
            %swap3A_1121 = tpu.memref_squeeze %swap3A_1120 : memref<1x128x128xf32, #tpu.memory_space<vmem>> -> memref<128x128xf32, #tpu.memory_space<vmem>>
            %swap3A_1122 = arith.index_cast %add3A_984 : i32 to index
            %swap3A_1123 = arith.constant 96 : index
            %swap3A_1124 = tpu.vector_load %swap3A_1121[%swap3A_1122, %swap3A_1123] {strides = array<i32>} : memref<128x128xf32, #tpu.memory_space<vmem>>, vector<16xf32>,
            tpu.vector_store %swap3A_1121[%swap3A_1122, %swap3A_1123], %add3A_1117 {strides = array<i32>} : memref<128x128xf32, #tpu.memory_space<vmem>>, vector<16xf32>,
            %get3A_1125 = arith.constant 0 : i32
            %get3A_1126 = arith.constant 0 : i32
            %get3A_1127 = tpu.memref_slice %arg16[%cond3A_388, %get3A_1125, %get3A_1126] : memref<5x128x128xf32, #tpu.memory_space<vmem>> -> memref<1x128x128xf32, #tpu.memory_space<vmem>>
            %get3A_1128 = tpu.memref_squeeze %get3A_1127 : memref<1x128x128xf32, #tpu.memory_space<vmem>> -> memref<128x128xf32, #tpu.memory_space<vmem>>
            %get3A_1129 = arith.index_cast %add3A_984 : i32 to index
            %get3A_1130 = arith.constant 112 : index
            %get3A_1131 = tpu.vector_load %get3A_1128[%get3A_1129, %get3A_1130] {strides = array<i32>} : memref<128x128xf32, #tpu.memory_space<vmem>>, vector<16xf32>,
            %select_n3A_1132 = arith.select %eq3A_992, %sub3A_146, %broadcast_in_dim3A_147 : vector<16xi1>, vector<16xf32>
            %select_n3A_1133 = arith.select %eq3A_989, %sub3A_74, %select_n3A_1132 : vector<16xi1>, vector<16xf32>
            %add3A_1134 = arith.addf %get3A_1131, %select_n3A_1133 : vector<16xf32>
            %swap3A_1135 = arith.constant 0 : i32
            %swap3A_1136 = arith.constant 0 : i32
            %swap3A_1137 = tpu.memref_slice %arg16[%cond3A_388, %swap3A_1135, %swap3A_1136] : memref<5x128x128xf32, #tpu.memory_space<vmem>> -> memref<1x128x128xf32, #tpu.memory_space<vmem>>
            %swap3A_1138 = tpu.memref_squeeze %swap3A_1137 : memref<1x128x128xf32, #tpu.memory_space<vmem>> -> memref<128x128xf32, #tpu.memory_space<vmem>>
            %swap3A_1139 = arith.index_cast %add3A_984 : i32 to index
            %swap3A_1140 = arith.constant 112 : index
            %swap3A_1141 = tpu.vector_load %swap3A_1138[%swap3A_1139, %swap3A_1140] {strides = array<i32>} : memref<128x128xf32, #tpu.memory_space<vmem>>, vector<16xf32>,
            tpu.vector_store %swap3A_1138[%swap3A_1139, %swap3A_1140], %add3A_1134 {strides = array<i32>} : memref<128x128xf32, #tpu.memory_space<vmem>>, vector<16xf32>,
          } else {
          }
        }
        %scan3A_979 = arith.constant 128 : i32
      } else {
      }
      %add3A_391 = arith.addi %mul3A_2, %add3A_279 : i32
      %mul3A_392 = arith.constant 128 : i32
      %mul3A_393 = arith.muli %add3A_391, %mul3A_392 : i32
      %dma_start3A_394 = arith.constant 0 : i32
      %dma_start3A_395 = arith.constant 0 : i32
      %dma_start3A_396 = arith.constant 0 : i32
      %dma_start3A_397 = tpu.memref_slice %arg16[%dma_start3A_394, %dma_start3A_395, %dma_start3A_396] : memref<5x128x128xf32, #tpu.memory_space<vmem>> -> memref<1x128x128xf32, #tpu.memory_space<vmem>>
      %dma_start3A_398 = tpu.memref_squeeze %dma_start3A_397 : memref<1x128x128xf32, #tpu.memory_space<vmem>> -> memref<128x128xf32, #tpu.memory_space<vmem>>
      %dma_start3A_399 = arith.constant 0 : i32
      %dma_start3A_400 = tpu.memref_slice %arg8[%mul3A_393, %dma_start3A_399] : memref<204800x128xf32, #tpu.memory_space<hbm>> -> memref<128x128xf32, #tpu.memory_space<hbm>>
      %dma_start3A_401 = arith.constant 0 : i32
      %dma_start3A_402 = tpu.memref_slice %arg8[%mul3A_393, %dma_start3A_401] : memref<204800x128xf32, #tpu.memory_space<hbm>> -> memref<128x128xf32, #tpu.memory_space<hbm>>
      %dma_start3A_403 = arith.constant 0 : i32
      %dma_start3A_404 = arith.constant 0 : i32
      %dma_start3A_405 = tpu.memref_slice %arg16[%dma_start3A_394, %dma_start3A_403, %dma_start3A_404] : memref<5x128x128xf32, #tpu.memory_space<vmem>> -> memref<1x128x128xf32, #tpu.memory_space<vmem>>
      %dma_start3A_406 = tpu.memref_squeeze %dma_start3A_405 : memref<1x128x128xf32, #tpu.memory_space<vmem>> -> memref<128x128xf32, #tpu.memory_space<vmem>>
      tpu.enqueue_dma source(%dma_start3A_406 : memref<128x128xf32, #tpu.memory_space<vmem>>) target(%dma_start3A_402 : memref<128x128xf32, #tpu.memory_space<hbm>>) target_semaphore(%arg22 : memref<!tpu.dma_semaphore, #tpu.memory_space<semaphore_mem>>)
      %add3A_407 = arith.constant 5 : i32
      %add3A_408 = arith.addi %add3A_279, %add3A_407 : i32
      %sub3A_409 = arith.constant 2 : i32
      %sub3A_410 = arith.subi %add3A_408, %sub3A_409 : i32
      %lt3A = arith.constant 50 : i32
      %lt3A_411 = arith.cmpi slt, %sub3A_410, %lt3A : i32
      %convert_element_type3A_412 = arith.extui %lt3A_411 : i1 to i32
      %cond3A_413 = arith.constant 0 : i32
      %cond3A_414 = arith.cmpi ne, %convert_element_type3A_412, %cond3A_413 : i32
      scf.if %cond3A_414 {
        %ge3A = arith.constant 2 : i32
        %ge3A_975 = arith.cmpi sge, %add3A_279, %ge3A : i32
        %convert_element_type3A_976 = arith.extui %ge3A_975 : i1 to i32
        %cond3A_977 = arith.constant 0 : i32
        %cond3A_978 = arith.cmpi ne, %convert_element_type3A_976, %cond3A_977 : i32
        scf.if %cond3A_978 {
          %sub3A_1004 = arith.constant 2 : i32
          %sub3A_1005 = arith.subi %add3A_279, %sub3A_1004 : i32
          %add3A_1006 = arith.addi %mul3A_2, %sub3A_1005 : i32
          %mul3A_1007 = arith.constant 128 : i32
          %mul3A_1008 = arith.muli %add3A_1006, %mul3A_1007 : i32
          %dma_wait3A_1009 = arith.constant 3 : i32
          %dma_wait3A_1010 = arith.constant 0 : i32
          %dma_wait3A_1011 = arith.constant 0 : i32
          %dma_wait3A_1012 = tpu.memref_slice %arg16[%dma_wait3A_1009, %dma_wait3A_1010, %dma_wait3A_1011] : memref<5x128x128xf32, #tpu.memory_space<vmem>> -> memref<1x128x128xf32, #tpu.memory_space<vmem>>
          %dma_wait3A_1013 = tpu.memref_squeeze %dma_wait3A_1012 : memref<1x128x128xf32, #tpu.memory_space<vmem>> -> memref<128x128xf32, #tpu.memory_space<vmem>>
          %dma_wait3A_1014 = arith.constant 0 : i32
          %dma_wait3A_1015 = tpu.memref_slice %arg8[%mul3A_1008, %dma_wait3A_1014] : memref<204800x128xf32, #tpu.memory_space<hbm>> -> memref<128x128xf32, #tpu.memory_space<hbm>>
          %dma_wait3A_1016 = arith.constant 0 : i32
          %dma_wait3A_1017 = tpu.memref_slice %arg8[%mul3A_1008, %dma_wait3A_1016] : memref<204800x128xf32, #tpu.memory_space<hbm>> -> memref<128x128xf32, #tpu.memory_space<hbm>>
          %dma_wait3A_1018 = arith.constant 0 : i32
          %dma_wait3A_1019 = arith.constant 0 : i32
          %dma_wait3A_1020 = tpu.memref_slice %arg16[%dma_wait3A_1009, %dma_wait3A_1018, %dma_wait3A_1019] : memref<5x128x128xf32, #tpu.memory_space<vmem>> -> memref<1x128x128xf32, #tpu.memory_space<vmem>>
          %dma_wait3A_1021 = tpu.memref_squeeze %dma_wait3A_1020 : memref<1x128x128xf32, #tpu.memory_space<vmem>> -> memref<128x128xf32, #tpu.memory_space<vmem>>
          tpu.wait_dma2 semaphore(%arg25 : memref<!tpu.dma_semaphore, #tpu.memory_space<semaphore_mem>>) src(%dma_wait3A_1021 : memref<128x128xf32, #tpu.memory_space<vmem>>) dst(%dma_wait3A_1017 : memref<128x128xf32, #tpu.memory_space<hbm>>)
        } else {
        }
        %mul3A_979 = arith.constant 128 : i32
        %mul3A_980 = arith.muli %sub3A_410, %mul3A_979 : i32
        %jit3A = arith.constant 200 : i32
        %eq3A_981 = arith.constant 0 : i32
        %eq3A_982 = arith.cmpi eq, %jit3A, %eq3A_981 : i32
        %jit3A_983 = arith.constant 1 : i32
        %select_n3A = arith.select %eq3A_982, %jit3A_983, %jit3A : i32
        %rem3A = arith.remsi %mul3A_980, %select_n3A : i32
        %ne3A = arith.constant 0 : i32
        %ne3A_984 = arith.cmpi ne, %rem3A, %ne3A : i32
        %lt3A_985 = arith.constant 0 : i32
        %lt3A_986 = arith.cmpi slt, %rem3A, %lt3A_985 : i32
        %lt3A_987 = arith.constant 0 : i32
        %lt3A_988 = arith.cmpi slt, %select_n3A, %lt3A_987 : i32
        %ne3A_989 = arith.xori %lt3A_986, %lt3A_988 : i1
        %and3A = arith.andi %ne3A_989, %ne3A_984 : i1
        %add3A_990 = arith.addi %rem3A, %select_n3A : i32
        %select_n3A_991 = arith.select %and3A, %add3A_990, %rem3A : i32
        %run_scoped3A_992 = arith.constant 3 : i32
        "tpu.region"() ({
          %run_scoped3A_1004 = tpu.sem_alloc : memref<!tpu.dma_semaphore, #tpu.memory_space<semaphore_mem>>
          %dma_start3A_1005 = arith.constant 0 : i32
          %dma_start3A_1006 = arith.constant 0 : i32
          %dma_start3A_1007 = tpu.memref_slice %arg16[%run_scoped3A_992, %dma_start3A_1005, %dma_start3A_1006] : memref<5x128x128xf32, #tpu.memory_space<vmem>> -> memref<1x128x128xf32, #tpu.memory_space<vmem>>
          %dma_start3A_1008 = tpu.memref_squeeze %dma_start3A_1007 : memref<1x128x128xf32, #tpu.memory_space<vmem>> -> memref<128x128xf32, #tpu.memory_space<vmem>>
          %dma_start3A_1009 = arith.constant 0 : i32
          %dma_start3A_1010 = tpu.memref_slice %arg11[%select_n3A_991, %dma_start3A_1009] : memref<328x128xf32, #tpu.memory_space<vmem_shared>> -> memref<128x128xf32, #tpu.memory_space<vmem_shared>>
          %dma_start3A_1011 = arith.constant 0 : i32
          %dma_start3A_1012 = arith.constant 0 : i32
          %dma_start3A_1013 = tpu.memref_slice %arg16[%run_scoped3A_992, %dma_start3A_1011, %dma_start3A_1012] : memref<5x128x128xf32, #tpu.memory_space<vmem>> -> memref<1x128x128xf32, #tpu.memory_space<vmem>>
          %dma_start3A_1014 = tpu.memref_squeeze %dma_start3A_1013 : memref<1x128x128xf32, #tpu.memory_space<vmem>> -> memref<128x128xf32, #tpu.memory_space<vmem>>
          %dma_start3A_1015 = arith.constant 0 : i32
          %dma_start3A_1016 = tpu.memref_slice %arg11[%select_n3A_991, %dma_start3A_1015] : memref<328x128xf32, #tpu.memory_space<vmem_shared>> -> memref<128x128xf32, #tpu.memory_space<vmem_shared>>
          tpu.enqueue_dma source(%dma_start3A_1016 : memref<128x128xf32, #tpu.memory_space<vmem_shared>>) target(%dma_start3A_1014 : memref<128x128xf32, #tpu.memory_space<vmem>>) target_semaphore(%run_scoped3A_1004 : memref<!tpu.dma_semaphore, #tpu.memory_space<semaphore_mem>>)
          %dma_wait3A_1017 = arith.constant 0 : i32
          %dma_wait3A_1018 = arith.constant 0 : i32
          %dma_wait3A_1019 = tpu.memref_slice %arg16[%run_scoped3A_992, %dma_wait3A_1017, %dma_wait3A_1018] : memref<5x128x128xf32, #tpu.memory_space<vmem>> -> memref<1x128x128xf32, #tpu.memory_space<vmem>>
          %dma_wait3A_1020 = tpu.memref_squeeze %dma_wait3A_1019 : memref<1x128x128xf32, #tpu.memory_space<vmem>> -> memref<128x128xf32, #tpu.memory_space<vmem>>
          %dma_wait3A_1021 = arith.constant 0 : i32
          %dma_wait3A_1022 = tpu.memref_slice %arg11[%select_n3A_991, %dma_wait3A_1021] : memref<328x128xf32, #tpu.memory_space<vmem_shared>> -> memref<128x128xf32, #tpu.memory_space<vmem_shared>>
          %dma_wait3A_1023 = arith.constant 0 : i32
          %dma_wait3A_1024 = arith.constant 0 : i32
          %dma_wait3A_1025 = tpu.memref_slice %arg16[%run_scoped3A_992, %dma_wait3A_1023, %dma_wait3A_1024] : memref<5x128x128xf32, #tpu.memory_space<vmem>> -> memref<1x128x128xf32, #tpu.memory_space<vmem>>
          %dma_wait3A_1026 = tpu.memref_squeeze %dma_wait3A_1025 : memref<1x128x128xf32, #tpu.memory_space<vmem>> -> memref<128x128xf32, #tpu.memory_space<vmem>>
          %dma_wait3A_1027 = arith.constant 0 : i32
          %dma_wait3A_1028 = tpu.memref_slice %arg11[%select_n3A_991, %dma_wait3A_1027] : memref<328x128xf32, #tpu.memory_space<vmem_shared>> -> memref<128x128xf32, #tpu.memory_space<vmem_shared>>
          tpu.wait_dma2 semaphore(%run_scoped3A_1004 : memref<!tpu.dma_semaphore, #tpu.memory_space<semaphore_mem>>) src(%dma_wait3A_1028 : memref<128x128xf32, #tpu.memory_space<vmem_shared>>) dst(%dma_wait3A_1026 : memref<128x128xf32, #tpu.memory_space<vmem>>)
          tpu.yield
        }) : () -> ()
        %dma_start3A_993 = arith.constant 3 : i32
        %dma_start3A_994 = arith.constant 0 : i32
        %dma_start3A_995 = arith.constant 0 : i32
        %dma_start3A_996 = tpu.memref_slice %arg16[%dma_start3A_993, %dma_start3A_994, %dma_start3A_995] : memref<5x128x128xf32, #tpu.memory_space<vmem>> -> memref<1x128x128xf32, #tpu.memory_space<vmem>>
        %dma_start3A_997 = tpu.memref_squeeze %dma_start3A_996 : memref<1x128x128xf32, #tpu.memory_space<vmem>> -> memref<128x128xf32, #tpu.memory_space<vmem>>
        %dma_start3A_998 = arith.constant 0 : i32
        %dma_start3A_999 = tpu.memref_slice %arg10[%sub3A_410, %dma_start3A_998] : memref<50x128xi32, #tpu.memory_space<vmem>> -> memref<1x128xi32, #tpu.memory_space<vmem>>
        %dma_start3A_1000 = tpu.memref_squeeze %dma_start3A_999 : memref<1x128xi32, #tpu.memory_space<vmem>> -> memref<128xi32, #tpu.memory_space<vmem>>
        %dma_start3A_1001 = arith.constant 0 : i32
        %dma_start3A_1002 = arith.constant 0 : i32
        %dma_start3A_1003 = tpu.memref_slice %arg7[%dma_start3A_1001, %dma_start3A_1002] : memref<100000x128xf32, #tpu.memory_space<hbm>> -> memref<100000x128xf32, #tpu.memory_space<hbm>>
        tpu.enqueue_indirect_dma source(%dma_start3A_1003 : memref<100000x128xf32, #tpu.memory_space<hbm>>) target(%dma_start3A_997 : memref<128x128xf32, #tpu.memory_space<vmem>>) offsets(%dma_start3A_1000 : memref<128xi32, #tpu.memory_space<vmem>>) semaphore(%arg20 : memref<!tpu.dma_semaphore, #tpu.memory_space<semaphore_mem>>) {add = true}
      } else {
      }
      %add3A_415 = arith.constant 1 : i32
      %add3A_416 = arith.addi %add3A_277, %add3A_415 : i32
      %dma_wait3A_417 = arith.constant 1 : i32
      %dma_wait3A_418 = arith.constant 0 : i32
      %dma_wait3A_419 = arith.constant 0 : i32
      %dma_wait3A_420 = tpu.memref_slice %arg16[%dma_wait3A_417, %dma_wait3A_418, %dma_wait3A_419] : memref<5x128x128xf32, #tpu.memory_space<vmem>> -> memref<1x128x128xf32, #tpu.memory_space<vmem>>
      %dma_wait3A_421 = tpu.memref_squeeze %dma_wait3A_420 : memref<1x128x128xf32, #tpu.memory_space<vmem>> -> memref<128x128xf32, #tpu.memory_space<vmem>>
      %dma_wait3A_422 = arith.constant 0 : i32
      %dma_wait3A_423 = tpu.memref_slice %arg10[%add3A_416, %dma_wait3A_422] : memref<50x128xi32, #tpu.memory_space<vmem>> -> memref<1x128xi32, #tpu.memory_space<vmem>>
      %dma_wait3A_424 = tpu.memref_squeeze %dma_wait3A_423 : memref<1x128xi32, #tpu.memory_space<vmem>> -> memref<128xi32, #tpu.memory_space<vmem>>
      %dma_wait3A_425 = arith.constant 0 : i32
      %dma_wait3A_426 = arith.constant 0 : i32
      %dma_wait3A_427 = tpu.memref_slice %arg7[%dma_wait3A_425, %dma_wait3A_426] : memref<100000x128xf32, #tpu.memory_space<hbm>> -> memref<100000x128xf32, #tpu.memory_space<hbm>>
      tpu.wait_indirect_dma semaphore(%arg18 : memref<!tpu.dma_semaphore, #tpu.memory_space<semaphore_mem>>) src(%dma_wait3A_427 : memref<100000x128xf32, #tpu.memory_space<hbm>>) dst(%dma_wait3A_421 : memref<128x128xf32, #tpu.memory_space<vmem>>)
      %get3A_428 = arith.index_cast %add3A_416 : i32 to index
      %get3A_429 = arith.constant 0 : index
      %get3A_430 = tpu.vector_load %arg9[%get3A_428, %get3A_429] {strides = array<i32>} : memref<50x128xi32, #tpu.memory_space<vmem>>, vector<16xi32>,
      %eq3A_431 = arith.constant 0 : i32
      %eq3A_432 = vector.broadcast %eq3A_431 : i32 to vector<16xi32>
      %eq3A_433 = arith.cmpi eq, %get3A_430, %eq3A_432 : vector<16xi32>
      %eq3A_434 = arith.constant 100001 : i32
      %eq3A_435 = vector.broadcast %eq3A_434 : i32 to vector<16xi32>
      %eq3A_436 = arith.cmpi eq, %get3A_430, %eq3A_435 : vector<16xi32>
      %or3A_437 = arith.ori %eq3A_433, %eq3A_436 : vector<16xi1>
      %get3A_438 = arith.index_cast %add3A_416 : i32 to index
      %get3A_439 = arith.constant 16 : index
      %get3A_440 = tpu.vector_load %arg9[%get3A_438, %get3A_439] {strides = array<i32>} : memref<50x128xi32, #tpu.memory_space<vmem>>, vector<16xi32>,
      %eq3A_441 = arith.constant 0 : i32
      %eq3A_442 = vector.broadcast %eq3A_441 : i32 to vector<16xi32>
      %eq3A_443 = arith.cmpi eq, %get3A_440, %eq3A_442 : vector<16xi32>
      %eq3A_444 = arith.constant 100001 : i32
      %eq3A_445 = vector.broadcast %eq3A_444 : i32 to vector<16xi32>
      %eq3A_446 = arith.cmpi eq, %get3A_440, %eq3A_445 : vector<16xi32>
      %or3A_447 = arith.ori %eq3A_443, %eq3A_446 : vector<16xi1>
      %or3A_448 = arith.ori %or3A_437, %or3A_447 : vector<16xi1>
      %get3A_449 = arith.index_cast %add3A_416 : i32 to index
      %get3A_450 = arith.constant 32 : index
      %get3A_451 = tpu.vector_load %arg9[%get3A_449, %get3A_450] {strides = array<i32>} : memref<50x128xi32, #tpu.memory_space<vmem>>, vector<16xi32>,
      %eq3A_452 = arith.constant 0 : i32
      %eq3A_453 = vector.broadcast %eq3A_452 : i32 to vector<16xi32>
      %eq3A_454 = arith.cmpi eq, %get3A_451, %eq3A_453 : vector<16xi32>
      %eq3A_455 = arith.constant 100001 : i32
      %eq3A_456 = vector.broadcast %eq3A_455 : i32 to vector<16xi32>
      %eq3A_457 = arith.cmpi eq, %get3A_451, %eq3A_456 : vector<16xi32>
      %or3A_458 = arith.ori %eq3A_454, %eq3A_457 : vector<16xi1>
      %or3A_459 = arith.ori %or3A_448, %or3A_458 : vector<16xi1>
      %get3A_460 = arith.index_cast %add3A_416 : i32 to index
      %get3A_461 = arith.constant 48 : index
      %get3A_462 = tpu.vector_load %arg9[%get3A_460, %get3A_461] {strides = array<i32>} : memref<50x128xi32, #tpu.memory_space<vmem>>, vector<16xi32>,
      %eq3A_463 = arith.constant 0 : i32
      %eq3A_464 = vector.broadcast %eq3A_463 : i32 to vector<16xi32>
      %eq3A_465 = arith.cmpi eq, %get3A_462, %eq3A_464 : vector<16xi32>
      %eq3A_466 = arith.constant 100001 : i32
      %eq3A_467 = vector.broadcast %eq3A_466 : i32 to vector<16xi32>
      %eq3A_468 = arith.cmpi eq, %get3A_462, %eq3A_467 : vector<16xi32>
      %or3A_469 = arith.ori %eq3A_465, %eq3A_468 : vector<16xi1>
      %or3A_470 = arith.ori %or3A_459, %or3A_469 : vector<16xi1>
      %get3A_471 = arith.index_cast %add3A_416 : i32 to index
      %get3A_472 = arith.constant 64 : index
      %get3A_473 = tpu.vector_load %arg9[%get3A_471, %get3A_472] {strides = array<i32>} : memref<50x128xi32, #tpu.memory_space<vmem>>, vector<16xi32>,
      %eq3A_474 = arith.constant 0 : i32
      %eq3A_475 = vector.broadcast %eq3A_474 : i32 to vector<16xi32>
      %eq3A_476 = arith.cmpi eq, %get3A_473, %eq3A_475 : vector<16xi32>
      %eq3A_477 = arith.constant 100001 : i32
      %eq3A_478 = vector.broadcast %eq3A_477 : i32 to vector<16xi32>
      %eq3A_479 = arith.cmpi eq, %get3A_473, %eq3A_478 : vector<16xi32>
      %or3A_480 = arith.ori %eq3A_476, %eq3A_479 : vector<16xi1>
      %or3A_481 = arith.ori %or3A_470, %or3A_480 : vector<16xi1>
      %get3A_482 = arith.index_cast %add3A_416 : i32 to index
      %get3A_483 = arith.constant 80 : index
      %get3A_484 = tpu.vector_load %arg9[%get3A_482, %get3A_483] {strides = array<i32>} : memref<50x128xi32, #tpu.memory_space<vmem>>, vector<16xi32>,
      %eq3A_485 = arith.constant 0 : i32
      %eq3A_486 = vector.broadcast %eq3A_485 : i32 to vector<16xi32>
      %eq3A_487 = arith.cmpi eq, %get3A_484, %eq3A_486 : vector<16xi32>
      %eq3A_488 = arith.constant 100001 : i32
      %eq3A_489 = vector.broadcast %eq3A_488 : i32 to vector<16xi32>
      %eq3A_490 = arith.cmpi eq, %get3A_484, %eq3A_489 : vector<16xi32>
      %or3A_491 = arith.ori %eq3A_487, %eq3A_490 : vector<16xi1>
      %or3A_492 = arith.ori %or3A_481, %or3A_491 : vector<16xi1>
      %get3A_493 = arith.index_cast %add3A_416 : i32 to index
      %get3A_494 = arith.constant 96 : index
      %get3A_495 = tpu.vector_load %arg9[%get3A_493, %get3A_494] {strides = array<i32>} : memref<50x128xi32, #tpu.memory_space<vmem>>, vector<16xi32>,
      %eq3A_496 = arith.constant 0 : i32
      %eq3A_497 = vector.broadcast %eq3A_496 : i32 to vector<16xi32>
      %eq3A_498 = arith.cmpi eq, %get3A_495, %eq3A_497 : vector<16xi32>
      %eq3A_499 = arith.constant 100001 : i32
      %eq3A_500 = vector.broadcast %eq3A_499 : i32 to vector<16xi32>
      %eq3A_501 = arith.cmpi eq, %get3A_495, %eq3A_500 : vector<16xi32>
      %or3A_502 = arith.ori %eq3A_498, %eq3A_501 : vector<16xi1>
      %or3A_503 = arith.ori %or3A_492, %or3A_502 : vector<16xi1>
      %get3A_504 = arith.index_cast %add3A_416 : i32 to index
      %get3A_505 = arith.constant 112 : index
      %get3A_506 = tpu.vector_load %arg9[%get3A_504, %get3A_505] {strides = array<i32>} : memref<50x128xi32, #tpu.memory_space<vmem>>, vector<16xi32>,
      %eq3A_507 = arith.constant 0 : i32
      %eq3A_508 = vector.broadcast %eq3A_507 : i32 to vector<16xi32>
      %eq3A_509 = arith.cmpi eq, %get3A_506, %eq3A_508 : vector<16xi32>
      %eq3A_510 = arith.constant 100001 : i32
      %eq3A_511 = vector.broadcast %eq3A_510 : i32 to vector<16xi32>
      %eq3A_512 = arith.cmpi eq, %get3A_506, %eq3A_511 : vector<16xi32>
      %or3A_513 = arith.ori %eq3A_509, %eq3A_512 : vector<16xi1>
      %or3A_514 = arith.ori %or3A_503, %or3A_513 : vector<16xi1>
      %reduce_or3A_515 = arith.constant 1.000000e+00 : f32
      %reduce_or3A_516 = arith.constant 0.000000e+00 : f32
      %reduce_or3A_517 = vector.broadcast %reduce_or3A_515 : f32 to vector<16xf32>
      %reduce_or3A_518 = vector.broadcast %reduce_or3A_516 : f32 to vector<16xf32>
      %reduce_or3A_519 = arith.select %or3A_514, %reduce_or3A_517, %reduce_or3A_518 : vector<16xi1>, vector<16xf32>
      %reduce_or3A_520 = arith.constant true
      %reduce_or3A_521 = vector.broadcast %reduce_or3A_520 : i1 to vector<16xi1>
      %reduce_or3A_522 = tpu.scan <max>, %reduce_or3A_519 masked %reduce_or3A_521 : vector<16xf32>, vector<16xi1> -> vector<16xf32>
      %reduce_or3A_523 = vector.extract %reduce_or3A_522[15] : f32 from vector<16xf32>
      %reduce_or3A_524 = arith.constant 0.000000e+00 : f32
      %reduce_or3A_525 = arith.cmpf ogt, %reduce_or3A_523, %reduce_or3A_524 : f32
      %convert_element_type3A_526 = arith.extui %reduce_or3A_525 : i1 to i32
      %cond3A_527 = arith.constant 1 : i32
      %cond3A_528 = arith.constant 0 : i32
      %cond3A_529 = arith.cmpi ne, %convert_element_type3A_526, %cond3A_528 : i32
      scf.if %cond3A_529 {
        %scan3A_975 = arith.constant 0 : i32
        %scan3A_976 = arith.constant 128 : i32
        %scan3A_977 = arith.addi %scan3A_975, %scan3A_976 : i32
        %scan3A_978 = arith.constant 1 : i32
        scf.for %scan3A_980 = %scan3A_975 to %scan3A_977 step %scan3A_978  : i32 {
          %mul3A_981 = arith.constant 1 : i32
          %mul3A_982 = arith.muli %scan3A_980, %mul3A_981 : i32
          %add3A_983 = arith.constant 0 : i32
          %add3A_984 = arith.addi %add3A_983, %mul3A_982 : i32
          %broadcast_in_dim3A_985 = vector.broadcast %add3A_416 : i32 to vector<16xi32>
          %broadcast_in_dim3A_986 = vector.broadcast %add3A_984 : i32 to vector<16xi32>
          %gather3A = tpu.vector_load_idx %arg9[%broadcast_in_dim3A_985, %broadcast_in_dim3A_986] : memref<50x128xi32, #tpu.memory_space<vmem>>[vector<16xi32>, vector<16xi32>], vector<16xi32>,
          %eq3A_987 = arith.constant 0 : i32
          %eq3A_988 = vector.broadcast %eq3A_987 : i32 to vector<16xi32>
          %eq3A_989 = arith.cmpi eq, %gather3A, %eq3A_988 : vector<16xi32>
          %eq3A_990 = arith.constant 100001 : i32
          %eq3A_991 = vector.broadcast %eq3A_990 : i32 to vector<16xi32>
          %eq3A_992 = arith.cmpi eq, %gather3A, %eq3A_991 : vector<16xi32>
          %or3A_993 = arith.ori %eq3A_989, %eq3A_992 : vector<16xi1>
          %reduce_or3A_994 = arith.constant 1.000000e+00 : f32
          %reduce_or3A_995 = arith.constant 0.000000e+00 : f32
          %reduce_or3A_996 = vector.broadcast %reduce_or3A_994 : f32 to vector<16xf32>
          %reduce_or3A_997 = vector.broadcast %reduce_or3A_995 : f32 to vector<16xf32>
          %reduce_or3A_998 = arith.select %or3A_993, %reduce_or3A_996, %reduce_or3A_997 : vector<16xi1>, vector<16xf32>
          %reduce_or3A_999 = arith.constant true
          %reduce_or3A_1000 = vector.broadcast %reduce_or3A_999 : i1 to vector<16xi1>
          %reduce_or3A_1001 = tpu.scan <max>, %reduce_or3A_998 masked %reduce_or3A_1000 : vector<16xf32>, vector<16xi1> -> vector<16xf32>
          %reduce_or3A_1002 = vector.extract %reduce_or3A_1001[15] : f32 from vector<16xf32>
          %reduce_or3A_1003 = arith.constant 0.000000e+00 : f32
          %reduce_or3A_1004 = arith.cmpf ogt, %reduce_or3A_1002, %reduce_or3A_1003 : f32
          %convert_element_type3A_1005 = arith.extui %reduce_or3A_1004 : i1 to i32
          %cond3A_1006 = arith.constant 0 : i32
          %cond3A_1007 = arith.cmpi ne, %convert_element_type3A_1005, %cond3A_1006 : i32
          scf.if %cond3A_1007 {
            %get3A_1008 = arith.constant 0 : i32
            %get3A_1009 = arith.constant 0 : i32
            %get3A_1010 = tpu.memref_slice %arg16[%cond3A_527, %get3A_1008, %get3A_1009] : memref<5x128x128xf32, #tpu.memory_space<vmem>> -> memref<1x128x128xf32, #tpu.memory_space<vmem>>
            %get3A_1011 = tpu.memref_squeeze %get3A_1010 : memref<1x128x128xf32, #tpu.memory_space<vmem>> -> memref<128x128xf32, #tpu.memory_space<vmem>>
            %get3A_1012 = arith.index_cast %add3A_984 : i32 to index
            %get3A_1013 = arith.constant 0 : index
            %get3A_1014 = tpu.vector_load %get3A_1011[%get3A_1012, %get3A_1013] {strides = array<i32>} : memref<128x128xf32, #tpu.memory_space<vmem>>, vector<16xf32>,
            %select_n3A = arith.select %eq3A_992, %sub3A_83, %broadcast_in_dim3A_147 : vector<16xi1>, vector<16xf32>
            %select_n3A_1015 = arith.select %eq3A_989, %sub3A, %select_n3A : vector<16xi1>, vector<16xf32>
            %add3A_1016 = arith.addf %get3A_1014, %select_n3A_1015 : vector<16xf32>
            %swap3A = arith.constant 0 : i32
            %swap3A_1017 = arith.constant 0 : i32
            %swap3A_1018 = tpu.memref_slice %arg16[%cond3A_527, %swap3A, %swap3A_1017] : memref<5x128x128xf32, #tpu.memory_space<vmem>> -> memref<1x128x128xf32, #tpu.memory_space<vmem>>
            %swap3A_1019 = tpu.memref_squeeze %swap3A_1018 : memref<1x128x128xf32, #tpu.memory_space<vmem>> -> memref<128x128xf32, #tpu.memory_space<vmem>>
            %swap3A_1020 = arith.index_cast %add3A_984 : i32 to index
            %swap3A_1021 = arith.constant 0 : index
            %swap3A_1022 = tpu.vector_load %swap3A_1019[%swap3A_1020, %swap3A_1021] {strides = array<i32>} : memref<128x128xf32, #tpu.memory_space<vmem>>, vector<16xf32>,
            tpu.vector_store %swap3A_1019[%swap3A_1020, %swap3A_1021], %add3A_1016 {strides = array<i32>} : memref<128x128xf32, #tpu.memory_space<vmem>>, vector<16xf32>,
            %get3A_1023 = arith.constant 0 : i32
            %get3A_1024 = arith.constant 0 : i32
            %get3A_1025 = tpu.memref_slice %arg16[%cond3A_527, %get3A_1023, %get3A_1024] : memref<5x128x128xf32, #tpu.memory_space<vmem>> -> memref<1x128x128xf32, #tpu.memory_space<vmem>>
            %get3A_1026 = tpu.memref_squeeze %get3A_1025 : memref<1x128x128xf32, #tpu.memory_space<vmem>> -> memref<128x128xf32, #tpu.memory_space<vmem>>
            %get3A_1027 = arith.index_cast %add3A_984 : i32 to index
            %get3A_1028 = arith.constant 16 : index
            %get3A_1029 = tpu.vector_load %get3A_1026[%get3A_1027, %get3A_1028] {strides = array<i32>} : memref<128x128xf32, #tpu.memory_space<vmem>>, vector<16xf32>,
            %select_n3A_1030 = arith.select %eq3A_992, %sub3A_92, %broadcast_in_dim3A_147 : vector<16xi1>, vector<16xf32>
            %select_n3A_1031 = arith.select %eq3A_989, %sub3A_20, %select_n3A_1030 : vector<16xi1>, vector<16xf32>
            %add3A_1032 = arith.addf %get3A_1029, %select_n3A_1031 : vector<16xf32>
            %swap3A_1033 = arith.constant 0 : i32
            %swap3A_1034 = arith.constant 0 : i32
            %swap3A_1035 = tpu.memref_slice %arg16[%cond3A_527, %swap3A_1033, %swap3A_1034] : memref<5x128x128xf32, #tpu.memory_space<vmem>> -> memref<1x128x128xf32, #tpu.memory_space<vmem>>
            %swap3A_1036 = tpu.memref_squeeze %swap3A_1035 : memref<1x128x128xf32, #tpu.memory_space<vmem>> -> memref<128x128xf32, #tpu.memory_space<vmem>>
            %swap3A_1037 = arith.index_cast %add3A_984 : i32 to index
            %swap3A_1038 = arith.constant 16 : index
            %swap3A_1039 = tpu.vector_load %swap3A_1036[%swap3A_1037, %swap3A_1038] {strides = array<i32>} : memref<128x128xf32, #tpu.memory_space<vmem>>, vector<16xf32>,
            tpu.vector_store %swap3A_1036[%swap3A_1037, %swap3A_1038], %add3A_1032 {strides = array<i32>} : memref<128x128xf32, #tpu.memory_space<vmem>>, vector<16xf32>,
            %get3A_1040 = arith.constant 0 : i32
            %get3A_1041 = arith.constant 0 : i32
            %get3A_1042 = tpu.memref_slice %arg16[%cond3A_527, %get3A_1040, %get3A_1041] : memref<5x128x128xf32, #tpu.memory_space<vmem>> -> memref<1x128x128xf32, #tpu.memory_space<vmem>>
            %get3A_1043 = tpu.memref_squeeze %get3A_1042 : memref<1x128x128xf32, #tpu.memory_space<vmem>> -> memref<128x128xf32, #tpu.memory_space<vmem>>
            %get3A_1044 = arith.index_cast %add3A_984 : i32 to index
            %get3A_1045 = arith.constant 32 : index
            %get3A_1046 = tpu.vector_load %get3A_1043[%get3A_1044, %get3A_1045] {strides = array<i32>} : memref<128x128xf32, #tpu.memory_space<vmem>>, vector<16xf32>,
            %select_n3A_1047 = arith.select %eq3A_992, %sub3A_101, %broadcast_in_dim3A_147 : vector<16xi1>, vector<16xf32>
            %select_n3A_1048 = arith.select %eq3A_989, %sub3A_29, %select_n3A_1047 : vector<16xi1>, vector<16xf32>
            %add3A_1049 = arith.addf %get3A_1046, %select_n3A_1048 : vector<16xf32>
            %swap3A_1050 = arith.constant 0 : i32
            %swap3A_1051 = arith.constant 0 : i32
            %swap3A_1052 = tpu.memref_slice %arg16[%cond3A_527, %swap3A_1050, %swap3A_1051] : memref<5x128x128xf32, #tpu.memory_space<vmem>> -> memref<1x128x128xf32, #tpu.memory_space<vmem>>
            %swap3A_1053 = tpu.memref_squeeze %swap3A_1052 : memref<1x128x128xf32, #tpu.memory_space<vmem>> -> memref<128x128xf32, #tpu.memory_space<vmem>>
            %swap3A_1054 = arith.index_cast %add3A_984 : i32 to index
            %swap3A_1055 = arith.constant 32 : index
            %swap3A_1056 = tpu.vector_load %swap3A_1053[%swap3A_1054, %swap3A_1055] {strides = array<i32>} : memref<128x128xf32, #tpu.memory_space<vmem>>, vector<16xf32>,
            tpu.vector_store %swap3A_1053[%swap3A_1054, %swap3A_1055], %add3A_1049 {strides = array<i32>} : memref<128x128xf32, #tpu.memory_space<vmem>>, vector<16xf32>,
            %get3A_1057 = arith.constant 0 : i32
            %get3A_1058 = arith.constant 0 : i32
            %get3A_1059 = tpu.memref_slice %arg16[%cond3A_527, %get3A_1057, %get3A_1058] : memref<5x128x128xf32, #tpu.memory_space<vmem>> -> memref<1x128x128xf32, #tpu.memory_space<vmem>>
            %get3A_1060 = tpu.memref_squeeze %get3A_1059 : memref<1x128x128xf32, #tpu.memory_space<vmem>> -> memref<128x128xf32, #tpu.memory_space<vmem>>
            %get3A_1061 = arith.index_cast %add3A_984 : i32 to index
            %get3A_1062 = arith.constant 48 : index
            %get3A_1063 = tpu.vector_load %get3A_1060[%get3A_1061, %get3A_1062] {strides = array<i32>} : memref<128x128xf32, #tpu.memory_space<vmem>>, vector<16xf32>,
            %select_n3A_1064 = arith.select %eq3A_992, %sub3A_110, %broadcast_in_dim3A_147 : vector<16xi1>, vector<16xf32>
            %select_n3A_1065 = arith.select %eq3A_989, %sub3A_38, %select_n3A_1064 : vector<16xi1>, vector<16xf32>
            %add3A_1066 = arith.addf %get3A_1063, %select_n3A_1065 : vector<16xf32>
            %swap3A_1067 = arith.constant 0 : i32
            %swap3A_1068 = arith.constant 0 : i32
            %swap3A_1069 = tpu.memref_slice %arg16[%cond3A_527, %swap3A_1067, %swap3A_1068] : memref<5x128x128xf32, #tpu.memory_space<vmem>> -> memref<1x128x128xf32, #tpu.memory_space<vmem>>
            %swap3A_1070 = tpu.memref_squeeze %swap3A_1069 : memref<1x128x128xf32, #tpu.memory_space<vmem>> -> memref<128x128xf32, #tpu.memory_space<vmem>>
            %swap3A_1071 = arith.index_cast %add3A_984 : i32 to index
            %swap3A_1072 = arith.constant 48 : index
            %swap3A_1073 = tpu.vector_load %swap3A_1070[%swap3A_1071, %swap3A_1072] {strides = array<i32>} : memref<128x128xf32, #tpu.memory_space<vmem>>, vector<16xf32>,
            tpu.vector_store %swap3A_1070[%swap3A_1071, %swap3A_1072], %add3A_1066 {strides = array<i32>} : memref<128x128xf32, #tpu.memory_space<vmem>>, vector<16xf32>,
            %get3A_1074 = arith.constant 0 : i32
            %get3A_1075 = arith.constant 0 : i32
            %get3A_1076 = tpu.memref_slice %arg16[%cond3A_527, %get3A_1074, %get3A_1075] : memref<5x128x128xf32, #tpu.memory_space<vmem>> -> memref<1x128x128xf32, #tpu.memory_space<vmem>>
            %get3A_1077 = tpu.memref_squeeze %get3A_1076 : memref<1x128x128xf32, #tpu.memory_space<vmem>> -> memref<128x128xf32, #tpu.memory_space<vmem>>
            %get3A_1078 = arith.index_cast %add3A_984 : i32 to index
            %get3A_1079 = arith.constant 64 : index
            %get3A_1080 = tpu.vector_load %get3A_1077[%get3A_1078, %get3A_1079] {strides = array<i32>} : memref<128x128xf32, #tpu.memory_space<vmem>>, vector<16xf32>,
            %select_n3A_1081 = arith.select %eq3A_992, %sub3A_119, %broadcast_in_dim3A_147 : vector<16xi1>, vector<16xf32>
            %select_n3A_1082 = arith.select %eq3A_989, %sub3A_47, %select_n3A_1081 : vector<16xi1>, vector<16xf32>
            %add3A_1083 = arith.addf %get3A_1080, %select_n3A_1082 : vector<16xf32>
            %swap3A_1084 = arith.constant 0 : i32
            %swap3A_1085 = arith.constant 0 : i32
            %swap3A_1086 = tpu.memref_slice %arg16[%cond3A_527, %swap3A_1084, %swap3A_1085] : memref<5x128x128xf32, #tpu.memory_space<vmem>> -> memref<1x128x128xf32, #tpu.memory_space<vmem>>
            %swap3A_1087 = tpu.memref_squeeze %swap3A_1086 : memref<1x128x128xf32, #tpu.memory_space<vmem>> -> memref<128x128xf32, #tpu.memory_space<vmem>>
            %swap3A_1088 = arith.index_cast %add3A_984 : i32 to index
            %swap3A_1089 = arith.constant 64 : index
            %swap3A_1090 = tpu.vector_load %swap3A_1087[%swap3A_1088, %swap3A_1089] {strides = array<i32>} : memref<128x128xf32, #tpu.memory_space<vmem>>, vector<16xf32>,
            tpu.vector_store %swap3A_1087[%swap3A_1088, %swap3A_1089], %add3A_1083 {strides = array<i32>} : memref<128x128xf32, #tpu.memory_space<vmem>>, vector<16xf32>,
            %get3A_1091 = arith.constant 0 : i32
            %get3A_1092 = arith.constant 0 : i32
            %get3A_1093 = tpu.memref_slice %arg16[%cond3A_527, %get3A_1091, %get3A_1092] : memref<5x128x128xf32, #tpu.memory_space<vmem>> -> memref<1x128x128xf32, #tpu.memory_space<vmem>>
            %get3A_1094 = tpu.memref_squeeze %get3A_1093 : memref<1x128x128xf32, #tpu.memory_space<vmem>> -> memref<128x128xf32, #tpu.memory_space<vmem>>
            %get3A_1095 = arith.index_cast %add3A_984 : i32 to index
            %get3A_1096 = arith.constant 80 : index
            %get3A_1097 = tpu.vector_load %get3A_1094[%get3A_1095, %get3A_1096] {strides = array<i32>} : memref<128x128xf32, #tpu.memory_space<vmem>>, vector<16xf32>,
            %select_n3A_1098 = arith.select %eq3A_992, %sub3A_128, %broadcast_in_dim3A_147 : vector<16xi1>, vector<16xf32>
            %select_n3A_1099 = arith.select %eq3A_989, %sub3A_56, %select_n3A_1098 : vector<16xi1>, vector<16xf32>
            %add3A_1100 = arith.addf %get3A_1097, %select_n3A_1099 : vector<16xf32>
            %swap3A_1101 = arith.constant 0 : i32
            %swap3A_1102 = arith.constant 0 : i32
            %swap3A_1103 = tpu.memref_slice %arg16[%cond3A_527, %swap3A_1101, %swap3A_1102] : memref<5x128x128xf32, #tpu.memory_space<vmem>> -> memref<1x128x128xf32, #tpu.memory_space<vmem>>
            %swap3A_1104 = tpu.memref_squeeze %swap3A_1103 : memref<1x128x128xf32, #tpu.memory_space<vmem>> -> memref<128x128xf32, #tpu.memory_space<vmem>>
            %swap3A_1105 = arith.index_cast %add3A_984 : i32 to index
            %swap3A_1106 = arith.constant 80 : index
            %swap3A_1107 = tpu.vector_load %swap3A_1104[%swap3A_1105, %swap3A_1106] {strides = array<i32>} : memref<128x128xf32, #tpu.memory_space<vmem>>, vector<16xf32>,
            tpu.vector_store %swap3A_1104[%swap3A_1105, %swap3A_1106], %add3A_1100 {strides = array<i32>} : memref<128x128xf32, #tpu.memory_space<vmem>>, vector<16xf32>,
            %get3A_1108 = arith.constant 0 : i32
            %get3A_1109 = arith.constant 0 : i32
            %get3A_1110 = tpu.memref_slice %arg16[%cond3A_527, %get3A_1108, %get3A_1109] : memref<5x128x128xf32, #tpu.memory_space<vmem>> -> memref<1x128x128xf32, #tpu.memory_space<vmem>>
            %get3A_1111 = tpu.memref_squeeze %get3A_1110 : memref<1x128x128xf32, #tpu.memory_space<vmem>> -> memref<128x128xf32, #tpu.memory_space<vmem>>
            %get3A_1112 = arith.index_cast %add3A_984 : i32 to index
            %get3A_1113 = arith.constant 96 : index
            %get3A_1114 = tpu.vector_load %get3A_1111[%get3A_1112, %get3A_1113] {strides = array<i32>} : memref<128x128xf32, #tpu.memory_space<vmem>>, vector<16xf32>,
            %select_n3A_1115 = arith.select %eq3A_992, %sub3A_137, %broadcast_in_dim3A_147 : vector<16xi1>, vector<16xf32>
            %select_n3A_1116 = arith.select %eq3A_989, %sub3A_65, %select_n3A_1115 : vector<16xi1>, vector<16xf32>
            %add3A_1117 = arith.addf %get3A_1114, %select_n3A_1116 : vector<16xf32>
            %swap3A_1118 = arith.constant 0 : i32
            %swap3A_1119 = arith.constant 0 : i32
            %swap3A_1120 = tpu.memref_slice %arg16[%cond3A_527, %swap3A_1118, %swap3A_1119] : memref<5x128x128xf32, #tpu.memory_space<vmem>> -> memref<1x128x128xf32, #tpu.memory_space<vmem>>
            %swap3A_1121 = tpu.memref_squeeze %swap3A_1120 : memref<1x128x128xf32, #tpu.memory_space<vmem>> -> memref<128x128xf32, #tpu.memory_space<vmem>>
            %swap3A_1122 = arith.index_cast %add3A_984 : i32 to index
            %swap3A_1123 = arith.constant 96 : index
            %swap3A_1124 = tpu.vector_load %swap3A_1121[%swap3A_1122, %swap3A_1123] {strides = array<i32>} : memref<128x128xf32, #tpu.memory_space<vmem>>, vector<16xf32>,
            tpu.vector_store %swap3A_1121[%swap3A_1122, %swap3A_1123], %add3A_1117 {strides = array<i32>} : memref<128x128xf32, #tpu.memory_space<vmem>>, vector<16xf32>,
            %get3A_1125 = arith.constant 0 : i32
            %get3A_1126 = arith.constant 0 : i32
            %get3A_1127 = tpu.memref_slice %arg16[%cond3A_527, %get3A_1125, %get3A_1126] : memref<5x128x128xf32, #tpu.memory_space<vmem>> -> memref<1x128x128xf32, #tpu.memory_space<vmem>>
            %get3A_1128 = tpu.memref_squeeze %get3A_1127 : memref<1x128x128xf32, #tpu.memory_space<vmem>> -> memref<128x128xf32, #tpu.memory_space<vmem>>
            %get3A_1129 = arith.index_cast %add3A_984 : i32 to index
            %get3A_1130 = arith.constant 112 : index
            %get3A_1131 = tpu.vector_load %get3A_1128[%get3A_1129, %get3A_1130] {strides = array<i32>} : memref<128x128xf32, #tpu.memory_space<vmem>>, vector<16xf32>,
            %select_n3A_1132 = arith.select %eq3A_992, %sub3A_146, %broadcast_in_dim3A_147 : vector<16xi1>, vector<16xf32>
            %select_n3A_1133 = arith.select %eq3A_989, %sub3A_74, %select_n3A_1132 : vector<16xi1>, vector<16xf32>
            %add3A_1134 = arith.addf %get3A_1131, %select_n3A_1133 : vector<16xf32>
            %swap3A_1135 = arith.constant 0 : i32
            %swap3A_1136 = arith.constant 0 : i32
            %swap3A_1137 = tpu.memref_slice %arg16[%cond3A_527, %swap3A_1135, %swap3A_1136] : memref<5x128x128xf32, #tpu.memory_space<vmem>> -> memref<1x128x128xf32, #tpu.memory_space<vmem>>
            %swap3A_1138 = tpu.memref_squeeze %swap3A_1137 : memref<1x128x128xf32, #tpu.memory_space<vmem>> -> memref<128x128xf32, #tpu.memory_space<vmem>>
            %swap3A_1139 = arith.index_cast %add3A_984 : i32 to index
            %swap3A_1140 = arith.constant 112 : index
            %swap3A_1141 = tpu.vector_load %swap3A_1138[%swap3A_1139, %swap3A_1140] {strides = array<i32>} : memref<128x128xf32, #tpu.memory_space<vmem>>, vector<16xf32>,
            tpu.vector_store %swap3A_1138[%swap3A_1139, %swap3A_1140], %add3A_1134 {strides = array<i32>} : memref<128x128xf32, #tpu.memory_space<vmem>>, vector<16xf32>,
          } else {
          }
        }
        %scan3A_979 = arith.constant 128 : i32
      } else {
      }
      %add3A_530 = arith.addi %mul3A_2, %add3A_416 : i32
      %mul3A_531 = arith.constant 128 : i32
      %mul3A_532 = arith.muli %add3A_530, %mul3A_531 : i32
      %dma_start3A_533 = arith.constant 1 : i32
      %dma_start3A_534 = arith.constant 0 : i32
      %dma_start3A_535 = arith.constant 0 : i32
      %dma_start3A_536 = tpu.memref_slice %arg16[%dma_start3A_533, %dma_start3A_534, %dma_start3A_535] : memref<5x128x128xf32, #tpu.memory_space<vmem>> -> memref<1x128x128xf32, #tpu.memory_space<vmem>>
      %dma_start3A_537 = tpu.memref_squeeze %dma_start3A_536 : memref<1x128x128xf32, #tpu.memory_space<vmem>> -> memref<128x128xf32, #tpu.memory_space<vmem>>
      %dma_start3A_538 = arith.constant 0 : i32
      %dma_start3A_539 = tpu.memref_slice %arg8[%mul3A_532, %dma_start3A_538] : memref<204800x128xf32, #tpu.memory_space<hbm>> -> memref<128x128xf32, #tpu.memory_space<hbm>>
      %dma_start3A_540 = arith.constant 0 : i32
      %dma_start3A_541 = tpu.memref_slice %arg8[%mul3A_532, %dma_start3A_540] : memref<204800x128xf32, #tpu.memory_space<hbm>> -> memref<128x128xf32, #tpu.memory_space<hbm>>
      %dma_start3A_542 = arith.constant 0 : i32
      %dma_start3A_543 = arith.constant 0 : i32
      %dma_start3A_544 = tpu.memref_slice %arg16[%dma_start3A_533, %dma_start3A_542, %dma_start3A_543] : memref<5x128x128xf32, #tpu.memory_space<vmem>> -> memref<1x128x128xf32, #tpu.memory_space<vmem>>
      %dma_start3A_545 = tpu.memref_squeeze %dma_start3A_544 : memref<1x128x128xf32, #tpu.memory_space<vmem>> -> memref<128x128xf32, #tpu.memory_space<vmem>>
      tpu.enqueue_dma source(%dma_start3A_545 : memref<128x128xf32, #tpu.memory_space<vmem>>) target(%dma_start3A_541 : memref<128x128xf32, #tpu.memory_space<hbm>>) target_semaphore(%arg23 : memref<!tpu.dma_semaphore, #tpu.memory_space<semaphore_mem>>)
      %add3A_546 = arith.constant 5 : i32
      %add3A_547 = arith.addi %add3A_416, %add3A_546 : i32
      %sub3A_548 = arith.constant 2 : i32
      %sub3A_549 = arith.subi %add3A_547, %sub3A_548 : i32
      %lt3A_550 = arith.constant 50 : i32
      %lt3A_551 = arith.cmpi slt, %sub3A_549, %lt3A_550 : i32
      %convert_element_type3A_552 = arith.extui %lt3A_551 : i1 to i32
      %cond3A_553 = arith.constant 0 : i32
      %cond3A_554 = arith.cmpi ne, %convert_element_type3A_552, %cond3A_553 : i32
      scf.if %cond3A_554 {
        %ge3A = arith.constant 2 : i32
        %ge3A_975 = arith.cmpi sge, %add3A_416, %ge3A : i32
        %convert_element_type3A_976 = arith.extui %ge3A_975 : i1 to i32
        %cond3A_977 = arith.constant 0 : i32
        %cond3A_978 = arith.cmpi ne, %convert_element_type3A_976, %cond3A_977 : i32
        scf.if %cond3A_978 {
          %sub3A_1004 = arith.constant 2 : i32
          %sub3A_1005 = arith.subi %add3A_416, %sub3A_1004 : i32
          %add3A_1006 = arith.addi %mul3A_2, %sub3A_1005 : i32
          %mul3A_1007 = arith.constant 128 : i32
          %mul3A_1008 = arith.muli %add3A_1006, %mul3A_1007 : i32
          %dma_wait3A_1009 = arith.constant 4 : i32
          %dma_wait3A_1010 = arith.constant 0 : i32
          %dma_wait3A_1011 = arith.constant 0 : i32
          %dma_wait3A_1012 = tpu.memref_slice %arg16[%dma_wait3A_1009, %dma_wait3A_1010, %dma_wait3A_1011] : memref<5x128x128xf32, #tpu.memory_space<vmem>> -> memref<1x128x128xf32, #tpu.memory_space<vmem>>
          %dma_wait3A_1013 = tpu.memref_squeeze %dma_wait3A_1012 : memref<1x128x128xf32, #tpu.memory_space<vmem>> -> memref<128x128xf32, #tpu.memory_space<vmem>>
          %dma_wait3A_1014 = arith.constant 0 : i32
          %dma_wait3A_1015 = tpu.memref_slice %arg8[%mul3A_1008, %dma_wait3A_1014] : memref<204800x128xf32, #tpu.memory_space<hbm>> -> memref<128x128xf32, #tpu.memory_space<hbm>>
          %dma_wait3A_1016 = arith.constant 0 : i32
          %dma_wait3A_1017 = tpu.memref_slice %arg8[%mul3A_1008, %dma_wait3A_1016] : memref<204800x128xf32, #tpu.memory_space<hbm>> -> memref<128x128xf32, #tpu.memory_space<hbm>>
          %dma_wait3A_1018 = arith.constant 0 : i32
          %dma_wait3A_1019 = arith.constant 0 : i32
          %dma_wait3A_1020 = tpu.memref_slice %arg16[%dma_wait3A_1009, %dma_wait3A_1018, %dma_wait3A_1019] : memref<5x128x128xf32, #tpu.memory_space<vmem>> -> memref<1x128x128xf32, #tpu.memory_space<vmem>>
          %dma_wait3A_1021 = tpu.memref_squeeze %dma_wait3A_1020 : memref<1x128x128xf32, #tpu.memory_space<vmem>> -> memref<128x128xf32, #tpu.memory_space<vmem>>
          tpu.wait_dma2 semaphore(%arg26 : memref<!tpu.dma_semaphore, #tpu.memory_space<semaphore_mem>>) src(%dma_wait3A_1021 : memref<128x128xf32, #tpu.memory_space<vmem>>) dst(%dma_wait3A_1017 : memref<128x128xf32, #tpu.memory_space<hbm>>)
        } else {
        }
        %mul3A_979 = arith.constant 128 : i32
        %mul3A_980 = arith.muli %sub3A_549, %mul3A_979 : i32
        %jit3A = arith.constant 200 : i32
        %eq3A_981 = arith.constant 0 : i32
        %eq3A_982 = arith.cmpi eq, %jit3A, %eq3A_981 : i32
        %jit3A_983 = arith.constant 1 : i32
        %select_n3A = arith.select %eq3A_982, %jit3A_983, %jit3A : i32
        %rem3A = arith.remsi %mul3A_980, %select_n3A : i32
        %ne3A = arith.constant 0 : i32
        %ne3A_984 = arith.cmpi ne, %rem3A, %ne3A : i32
        %lt3A_985 = arith.constant 0 : i32
        %lt3A_986 = arith.cmpi slt, %rem3A, %lt3A_985 : i32
        %lt3A_987 = arith.constant 0 : i32
        %lt3A_988 = arith.cmpi slt, %select_n3A, %lt3A_987 : i32
        %ne3A_989 = arith.xori %lt3A_986, %lt3A_988 : i1
        %and3A = arith.andi %ne3A_989, %ne3A_984 : i1
        %add3A_990 = arith.addi %rem3A, %select_n3A : i32
        %select_n3A_991 = arith.select %and3A, %add3A_990, %rem3A : i32
        %run_scoped3A_992 = arith.constant 4 : i32
        "tpu.region"() ({
          %run_scoped3A_1004 = tpu.sem_alloc : memref<!tpu.dma_semaphore, #tpu.memory_space<semaphore_mem>>
          %dma_start3A_1005 = arith.constant 0 : i32
          %dma_start3A_1006 = arith.constant 0 : i32
          %dma_start3A_1007 = tpu.memref_slice %arg16[%run_scoped3A_992, %dma_start3A_1005, %dma_start3A_1006] : memref<5x128x128xf32, #tpu.memory_space<vmem>> -> memref<1x128x128xf32, #tpu.memory_space<vmem>>
          %dma_start3A_1008 = tpu.memref_squeeze %dma_start3A_1007 : memref<1x128x128xf32, #tpu.memory_space<vmem>> -> memref<128x128xf32, #tpu.memory_space<vmem>>
          %dma_start3A_1009 = arith.constant 0 : i32
          %dma_start3A_1010 = tpu.memref_slice %arg11[%select_n3A_991, %dma_start3A_1009] : memref<328x128xf32, #tpu.memory_space<vmem_shared>> -> memref<128x128xf32, #tpu.memory_space<vmem_shared>>
          %dma_start3A_1011 = arith.constant 0 : i32
          %dma_start3A_1012 = arith.constant 0 : i32
          %dma_start3A_1013 = tpu.memref_slice %arg16[%run_scoped3A_992, %dma_start3A_1011, %dma_start3A_1012] : memref<5x128x128xf32, #tpu.memory_space<vmem>> -> memref<1x128x128xf32, #tpu.memory_space<vmem>>
          %dma_start3A_1014 = tpu.memref_squeeze %dma_start3A_1013 : memref<1x128x128xf32, #tpu.memory_space<vmem>> -> memref<128x128xf32, #tpu.memory_space<vmem>>
          %dma_start3A_1015 = arith.constant 0 : i32
          %dma_start3A_1016 = tpu.memref_slice %arg11[%select_n3A_991, %dma_start3A_1015] : memref<328x128xf32, #tpu.memory_space<vmem_shared>> -> memref<128x128xf32, #tpu.memory_space<vmem_shared>>
          tpu.enqueue_dma source(%dma_start3A_1016 : memref<128x128xf32, #tpu.memory_space<vmem_shared>>) target(%dma_start3A_1014 : memref<128x128xf32, #tpu.memory_space<vmem>>) target_semaphore(%run_scoped3A_1004 : memref<!tpu.dma_semaphore, #tpu.memory_space<semaphore_mem>>)
          %dma_wait3A_1017 = arith.constant 0 : i32
          %dma_wait3A_1018 = arith.constant 0 : i32
          %dma_wait3A_1019 = tpu.memref_slice %arg16[%run_scoped3A_992, %dma_wait3A_1017, %dma_wait3A_1018] : memref<5x128x128xf32, #tpu.memory_space<vmem>> -> memref<1x128x128xf32, #tpu.memory_space<vmem>>
          %dma_wait3A_1020 = tpu.memref_squeeze %dma_wait3A_1019 : memref<1x128x128xf32, #tpu.memory_space<vmem>> -> memref<128x128xf32, #tpu.memory_space<vmem>>
          %dma_wait3A_1021 = arith.constant 0 : i32
          %dma_wait3A_1022 = tpu.memref_slice %arg11[%select_n3A_991, %dma_wait3A_1021] : memref<328x128xf32, #tpu.memory_space<vmem_shared>> -> memref<128x128xf32, #tpu.memory_space<vmem_shared>>
          %dma_wait3A_1023 = arith.constant 0 : i32
          %dma_wait3A_1024 = arith.constant 0 : i32
          %dma_wait3A_1025 = tpu.memref_slice %arg16[%run_scoped3A_992, %dma_wait3A_1023, %dma_wait3A_1024] : memref<5x128x128xf32, #tpu.memory_space<vmem>> -> memref<1x128x128xf32, #tpu.memory_space<vmem>>
          %dma_wait3A_1026 = tpu.memref_squeeze %dma_wait3A_1025 : memref<1x128x128xf32, #tpu.memory_space<vmem>> -> memref<128x128xf32, #tpu.memory_space<vmem>>
          %dma_wait3A_1027 = arith.constant 0 : i32
          %dma_wait3A_1028 = tpu.memref_slice %arg11[%select_n3A_991, %dma_wait3A_1027] : memref<328x128xf32, #tpu.memory_space<vmem_shared>> -> memref<128x128xf32, #tpu.memory_space<vmem_shared>>
          tpu.wait_dma2 semaphore(%run_scoped3A_1004 : memref<!tpu.dma_semaphore, #tpu.memory_space<semaphore_mem>>) src(%dma_wait3A_1028 : memref<128x128xf32, #tpu.memory_space<vmem_shared>>) dst(%dma_wait3A_1026 : memref<128x128xf32, #tpu.memory_space<vmem>>)
          tpu.yield
        }) : () -> ()
        %dma_start3A_993 = arith.constant 4 : i32
        %dma_start3A_994 = arith.constant 0 : i32
        %dma_start3A_995 = arith.constant 0 : i32
        %dma_start3A_996 = tpu.memref_slice %arg16[%dma_start3A_993, %dma_start3A_994, %dma_start3A_995] : memref<5x128x128xf32, #tpu.memory_space<vmem>> -> memref<1x128x128xf32, #tpu.memory_space<vmem>>
        %dma_start3A_997 = tpu.memref_squeeze %dma_start3A_996 : memref<1x128x128xf32, #tpu.memory_space<vmem>> -> memref<128x128xf32, #tpu.memory_space<vmem>>
        %dma_start3A_998 = arith.constant 0 : i32
        %dma_start3A_999 = tpu.memref_slice %arg10[%sub3A_549, %dma_start3A_998] : memref<50x128xi32, #tpu.memory_space<vmem>> -> memref<1x128xi32, #tpu.memory_space<vmem>>
        %dma_start3A_1000 = tpu.memref_squeeze %dma_start3A_999 : memref<1x128xi32, #tpu.memory_space<vmem>> -> memref<128xi32, #tpu.memory_space<vmem>>
        %dma_start3A_1001 = arith.constant 0 : i32
        %dma_start3A_1002 = arith.constant 0 : i32
        %dma_start3A_1003 = tpu.memref_slice %arg7[%dma_start3A_1001, %dma_start3A_1002] : memref<100000x128xf32, #tpu.memory_space<hbm>> -> memref<100000x128xf32, #tpu.memory_space<hbm>>
        tpu.enqueue_indirect_dma source(%dma_start3A_1003 : memref<100000x128xf32, #tpu.memory_space<hbm>>) target(%dma_start3A_997 : memref<128x128xf32, #tpu.memory_space<vmem>>) offsets(%dma_start3A_1000 : memref<128xi32, #tpu.memory_space<vmem>>) semaphore(%arg21 : memref<!tpu.dma_semaphore, #tpu.memory_space<semaphore_mem>>) {add = true}
      } else {
      }
      %add3A_555 = arith.constant 2 : i32
      %add3A_556 = arith.addi %add3A_277, %add3A_555 : i32
      %dma_wait3A_557 = arith.constant 2 : i32
      %dma_wait3A_558 = arith.constant 0 : i32
      %dma_wait3A_559 = arith.constant 0 : i32
      %dma_wait3A_560 = tpu.memref_slice %arg16[%dma_wait3A_557, %dma_wait3A_558, %dma_wait3A_559] : memref<5x128x128xf32, #tpu.memory_space<vmem>> -> memref<1x128x128xf32, #tpu.memory_space<vmem>>
      %dma_wait3A_561 = tpu.memref_squeeze %dma_wait3A_560 : memref<1x128x128xf32, #tpu.memory_space<vmem>> -> memref<128x128xf32, #tpu.memory_space<vmem>>
      %dma_wait3A_562 = arith.constant 0 : i32
      %dma_wait3A_563 = tpu.memref_slice %arg10[%add3A_556, %dma_wait3A_562] : memref<50x128xi32, #tpu.memory_space<vmem>> -> memref<1x128xi32, #tpu.memory_space<vmem>>
      %dma_wait3A_564 = tpu.memref_squeeze %dma_wait3A_563 : memref<1x128xi32, #tpu.memory_space<vmem>> -> memref<128xi32, #tpu.memory_space<vmem>>
      %dma_wait3A_565 = arith.constant 0 : i32
      %dma_wait3A_566 = arith.constant 0 : i32
      %dma_wait3A_567 = tpu.memref_slice %arg7[%dma_wait3A_565, %dma_wait3A_566] : memref<100000x128xf32, #tpu.memory_space<hbm>> -> memref<100000x128xf32, #tpu.memory_space<hbm>>
      tpu.wait_indirect_dma semaphore(%arg19 : memref<!tpu.dma_semaphore, #tpu.memory_space<semaphore_mem>>) src(%dma_wait3A_567 : memref<100000x128xf32, #tpu.memory_space<hbm>>) dst(%dma_wait3A_561 : memref<128x128xf32, #tpu.memory_space<vmem>>)
      %get3A_568 = arith.index_cast %add3A_556 : i32 to index
      %get3A_569 = arith.constant 0 : index
      %get3A_570 = tpu.vector_load %arg9[%get3A_568, %get3A_569] {strides = array<i32>} : memref<50x128xi32, #tpu.memory_space<vmem>>, vector<16xi32>,
      %eq3A_571 = arith.constant 0 : i32
      %eq3A_572 = vector.broadcast %eq3A_571 : i32 to vector<16xi32>
      %eq3A_573 = arith.cmpi eq, %get3A_570, %eq3A_572 : vector<16xi32>
      %eq3A_574 = arith.constant 100001 : i32
      %eq3A_575 = vector.broadcast %eq3A_574 : i32 to vector<16xi32>
      %eq3A_576 = arith.cmpi eq, %get3A_570, %eq3A_575 : vector<16xi32>
      %or3A_577 = arith.ori %eq3A_573, %eq3A_576 : vector<16xi1>
      %get3A_578 = arith.index_cast %add3A_556 : i32 to index
      %get3A_579 = arith.constant 16 : index
      %get3A_580 = tpu.vector_load %arg9[%get3A_578, %get3A_579] {strides = array<i32>} : memref<50x128xi32, #tpu.memory_space<vmem>>, vector<16xi32>,
      %eq3A_581 = arith.constant 0 : i32
      %eq3A_582 = vector.broadcast %eq3A_581 : i32 to vector<16xi32>
      %eq3A_583 = arith.cmpi eq, %get3A_580, %eq3A_582 : vector<16xi32>
      %eq3A_584 = arith.constant 100001 : i32
      %eq3A_585 = vector.broadcast %eq3A_584 : i32 to vector<16xi32>
      %eq3A_586 = arith.cmpi eq, %get3A_580, %eq3A_585 : vector<16xi32>
      %or3A_587 = arith.ori %eq3A_583, %eq3A_586 : vector<16xi1>
      %or3A_588 = arith.ori %or3A_577, %or3A_587 : vector<16xi1>
      %get3A_589 = arith.index_cast %add3A_556 : i32 to index
      %get3A_590 = arith.constant 32 : index
      %get3A_591 = tpu.vector_load %arg9[%get3A_589, %get3A_590] {strides = array<i32>} : memref<50x128xi32, #tpu.memory_space<vmem>>, vector<16xi32>,
      %eq3A_592 = arith.constant 0 : i32
      %eq3A_593 = vector.broadcast %eq3A_592 : i32 to vector<16xi32>
      %eq3A_594 = arith.cmpi eq, %get3A_591, %eq3A_593 : vector<16xi32>
      %eq3A_595 = arith.constant 100001 : i32
      %eq3A_596 = vector.broadcast %eq3A_595 : i32 to vector<16xi32>
      %eq3A_597 = arith.cmpi eq, %get3A_591, %eq3A_596 : vector<16xi32>
      %or3A_598 = arith.ori %eq3A_594, %eq3A_597 : vector<16xi1>
      %or3A_599 = arith.ori %or3A_588, %or3A_598 : vector<16xi1>
      %get3A_600 = arith.index_cast %add3A_556 : i32 to index
      %get3A_601 = arith.constant 48 : index
      %get3A_602 = tpu.vector_load %arg9[%get3A_600, %get3A_601] {strides = array<i32>} : memref<50x128xi32, #tpu.memory_space<vmem>>, vector<16xi32>,
      %eq3A_603 = arith.constant 0 : i32
      %eq3A_604 = vector.broadcast %eq3A_603 : i32 to vector<16xi32>
      %eq3A_605 = arith.cmpi eq, %get3A_602, %eq3A_604 : vector<16xi32>
      %eq3A_606 = arith.constant 100001 : i32
      %eq3A_607 = vector.broadcast %eq3A_606 : i32 to vector<16xi32>
      %eq3A_608 = arith.cmpi eq, %get3A_602, %eq3A_607 : vector<16xi32>
      %or3A_609 = arith.ori %eq3A_605, %eq3A_608 : vector<16xi1>
      %or3A_610 = arith.ori %or3A_599, %or3A_609 : vector<16xi1>
      %get3A_611 = arith.index_cast %add3A_556 : i32 to index
      %get3A_612 = arith.constant 64 : index
      %get3A_613 = tpu.vector_load %arg9[%get3A_611, %get3A_612] {strides = array<i32>} : memref<50x128xi32, #tpu.memory_space<vmem>>, vector<16xi32>,
      %eq3A_614 = arith.constant 0 : i32
      %eq3A_615 = vector.broadcast %eq3A_614 : i32 to vector<16xi32>
      %eq3A_616 = arith.cmpi eq, %get3A_613, %eq3A_615 : vector<16xi32>
      %eq3A_617 = arith.constant 100001 : i32
      %eq3A_618 = vector.broadcast %eq3A_617 : i32 to vector<16xi32>
      %eq3A_619 = arith.cmpi eq, %get3A_613, %eq3A_618 : vector<16xi32>
      %or3A_620 = arith.ori %eq3A_616, %eq3A_619 : vector<16xi1>
      %or3A_621 = arith.ori %or3A_610, %or3A_620 : vector<16xi1>
      %get3A_622 = arith.index_cast %add3A_556 : i32 to index
      %get3A_623 = arith.constant 80 : index
      %get3A_624 = tpu.vector_load %arg9[%get3A_622, %get3A_623] {strides = array<i32>} : memref<50x128xi32, #tpu.memory_space<vmem>>, vector<16xi32>,
      %eq3A_625 = arith.constant 0 : i32
      %eq3A_626 = vector.broadcast %eq3A_625 : i32 to vector<16xi32>
      %eq3A_627 = arith.cmpi eq, %get3A_624, %eq3A_626 : vector<16xi32>
      %eq3A_628 = arith.constant 100001 : i32
      %eq3A_629 = vector.broadcast %eq3A_628 : i32 to vector<16xi32>
      %eq3A_630 = arith.cmpi eq, %get3A_624, %eq3A_629 : vector<16xi32>
      %or3A_631 = arith.ori %eq3A_627, %eq3A_630 : vector<16xi1>
      %or3A_632 = arith.ori %or3A_621, %or3A_631 : vector<16xi1>
      %get3A_633 = arith.index_cast %add3A_556 : i32 to index
      %get3A_634 = arith.constant 96 : index
      %get3A_635 = tpu.vector_load %arg9[%get3A_633, %get3A_634] {strides = array<i32>} : memref<50x128xi32, #tpu.memory_space<vmem>>, vector<16xi32>,
      %eq3A_636 = arith.constant 0 : i32
      %eq3A_637 = vector.broadcast %eq3A_636 : i32 to vector<16xi32>
      %eq3A_638 = arith.cmpi eq, %get3A_635, %eq3A_637 : vector<16xi32>
      %eq3A_639 = arith.constant 100001 : i32
      %eq3A_640 = vector.broadcast %eq3A_639 : i32 to vector<16xi32>
      %eq3A_641 = arith.cmpi eq, %get3A_635, %eq3A_640 : vector<16xi32>
      %or3A_642 = arith.ori %eq3A_638, %eq3A_641 : vector<16xi1>
      %or3A_643 = arith.ori %or3A_632, %or3A_642 : vector<16xi1>
      %get3A_644 = arith.index_cast %add3A_556 : i32 to index
      %get3A_645 = arith.constant 112 : index
      %get3A_646 = tpu.vector_load %arg9[%get3A_644, %get3A_645] {strides = array<i32>} : memref<50x128xi32, #tpu.memory_space<vmem>>, vector<16xi32>,
      %eq3A_647 = arith.constant 0 : i32
      %eq3A_648 = vector.broadcast %eq3A_647 : i32 to vector<16xi32>
      %eq3A_649 = arith.cmpi eq, %get3A_646, %eq3A_648 : vector<16xi32>
      %eq3A_650 = arith.constant 100001 : i32
      %eq3A_651 = vector.broadcast %eq3A_650 : i32 to vector<16xi32>
      %eq3A_652 = arith.cmpi eq, %get3A_646, %eq3A_651 : vector<16xi32>
      %or3A_653 = arith.ori %eq3A_649, %eq3A_652 : vector<16xi1>
      %or3A_654 = arith.ori %or3A_643, %or3A_653 : vector<16xi1>
      %reduce_or3A_655 = arith.constant 1.000000e+00 : f32
      %reduce_or3A_656 = arith.constant 0.000000e+00 : f32
      %reduce_or3A_657 = vector.broadcast %reduce_or3A_655 : f32 to vector<16xf32>
      %reduce_or3A_658 = vector.broadcast %reduce_or3A_656 : f32 to vector<16xf32>
      %reduce_or3A_659 = arith.select %or3A_654, %reduce_or3A_657, %reduce_or3A_658 : vector<16xi1>, vector<16xf32>
      %reduce_or3A_660 = arith.constant true
      %reduce_or3A_661 = vector.broadcast %reduce_or3A_660 : i1 to vector<16xi1>
      %reduce_or3A_662 = tpu.scan <max>, %reduce_or3A_659 masked %reduce_or3A_661 : vector<16xf32>, vector<16xi1> -> vector<16xf32>
      %reduce_or3A_663 = vector.extract %reduce_or3A_662[15] : f32 from vector<16xf32>
      %reduce_or3A_664 = arith.constant 0.000000e+00 : f32
      %reduce_or3A_665 = arith.cmpf ogt, %reduce_or3A_663, %reduce_or3A_664 : f32
      %convert_element_type3A_666 = arith.extui %reduce_or3A_665 : i1 to i32
      %cond3A_667 = arith.constant 2 : i32
      %cond3A_668 = arith.constant 0 : i32
      %cond3A_669 = arith.cmpi ne, %convert_element_type3A_666, %cond3A_668 : i32
      scf.if %cond3A_669 {
        %scan3A_975 = arith.constant 0 : i32
        %scan3A_976 = arith.constant 128 : i32
        %scan3A_977 = arith.addi %scan3A_975, %scan3A_976 : i32
        %scan3A_978 = arith.constant 1 : i32
        scf.for %scan3A_980 = %scan3A_975 to %scan3A_977 step %scan3A_978  : i32 {
          %mul3A_981 = arith.constant 1 : i32
          %mul3A_982 = arith.muli %scan3A_980, %mul3A_981 : i32
          %add3A_983 = arith.constant 0 : i32
          %add3A_984 = arith.addi %add3A_983, %mul3A_982 : i32
          %broadcast_in_dim3A_985 = vector.broadcast %add3A_556 : i32 to vector<16xi32>
          %broadcast_in_dim3A_986 = vector.broadcast %add3A_984 : i32 to vector<16xi32>
          %gather3A = tpu.vector_load_idx %arg9[%broadcast_in_dim3A_985, %broadcast_in_dim3A_986] : memref<50x128xi32, #tpu.memory_space<vmem>>[vector<16xi32>, vector<16xi32>], vector<16xi32>,
          %eq3A_987 = arith.constant 0 : i32
          %eq3A_988 = vector.broadcast %eq3A_987 : i32 to vector<16xi32>
          %eq3A_989 = arith.cmpi eq, %gather3A, %eq3A_988 : vector<16xi32>
          %eq3A_990 = arith.constant 100001 : i32
          %eq3A_991 = vector.broadcast %eq3A_990 : i32 to vector<16xi32>
          %eq3A_992 = arith.cmpi eq, %gather3A, %eq3A_991 : vector<16xi32>
          %or3A_993 = arith.ori %eq3A_989, %eq3A_992 : vector<16xi1>
          %reduce_or3A_994 = arith.constant 1.000000e+00 : f32
          %reduce_or3A_995 = arith.constant 0.000000e+00 : f32
          %reduce_or3A_996 = vector.broadcast %reduce_or3A_994 : f32 to vector<16xf32>
          %reduce_or3A_997 = vector.broadcast %reduce_or3A_995 : f32 to vector<16xf32>
          %reduce_or3A_998 = arith.select %or3A_993, %reduce_or3A_996, %reduce_or3A_997 : vector<16xi1>, vector<16xf32>
          %reduce_or3A_999 = arith.constant true
          %reduce_or3A_1000 = vector.broadcast %reduce_or3A_999 : i1 to vector<16xi1>
          %reduce_or3A_1001 = tpu.scan <max>, %reduce_or3A_998 masked %reduce_or3A_1000 : vector<16xf32>, vector<16xi1> -> vector<16xf32>
          %reduce_or3A_1002 = vector.extract %reduce_or3A_1001[15] : f32 from vector<16xf32>
          %reduce_or3A_1003 = arith.constant 0.000000e+00 : f32
          %reduce_or3A_1004 = arith.cmpf ogt, %reduce_or3A_1002, %reduce_or3A_1003 : f32
          %convert_element_type3A_1005 = arith.extui %reduce_or3A_1004 : i1 to i32
          %cond3A_1006 = arith.constant 0 : i32
          %cond3A_1007 = arith.cmpi ne, %convert_element_type3A_1005, %cond3A_1006 : i32
          scf.if %cond3A_1007 {
            %get3A_1008 = arith.constant 0 : i32
            %get3A_1009 = arith.constant 0 : i32
            %get3A_1010 = tpu.memref_slice %arg16[%cond3A_667, %get3A_1008, %get3A_1009] : memref<5x128x128xf32, #tpu.memory_space<vmem>> -> memref<1x128x128xf32, #tpu.memory_space<vmem>>
            %get3A_1011 = tpu.memref_squeeze %get3A_1010 : memref<1x128x128xf32, #tpu.memory_space<vmem>> -> memref<128x128xf32, #tpu.memory_space<vmem>>
            %get3A_1012 = arith.index_cast %add3A_984 : i32 to index
            %get3A_1013 = arith.constant 0 : index
            %get3A_1014 = tpu.vector_load %get3A_1011[%get3A_1012, %get3A_1013] {strides = array<i32>} : memref<128x128xf32, #tpu.memory_space<vmem>>, vector<16xf32>,
            %select_n3A = arith.select %eq3A_992, %sub3A_83, %broadcast_in_dim3A_147 : vector<16xi1>, vector<16xf32>
            %select_n3A_1015 = arith.select %eq3A_989, %sub3A, %select_n3A : vector<16xi1>, vector<16xf32>
            %add3A_1016 = arith.addf %get3A_1014, %select_n3A_1015 : vector<16xf32>
            %swap3A = arith.constant 0 : i32
            %swap3A_1017 = arith.constant 0 : i32
            %swap3A_1018 = tpu.memref_slice %arg16[%cond3A_667, %swap3A, %swap3A_1017] : memref<5x128x128xf32, #tpu.memory_space<vmem>> -> memref<1x128x128xf32, #tpu.memory_space<vmem>>
            %swap3A_1019 = tpu.memref_squeeze %swap3A_1018 : memref<1x128x128xf32, #tpu.memory_space<vmem>> -> memref<128x128xf32, #tpu.memory_space<vmem>>
            %swap3A_1020 = arith.index_cast %add3A_984 : i32 to index
            %swap3A_1021 = arith.constant 0 : index
            %swap3A_1022 = tpu.vector_load %swap3A_1019[%swap3A_1020, %swap3A_1021] {strides = array<i32>} : memref<128x128xf32, #tpu.memory_space<vmem>>, vector<16xf32>,
            tpu.vector_store %swap3A_1019[%swap3A_1020, %swap3A_1021], %add3A_1016 {strides = array<i32>} : memref<128x128xf32, #tpu.memory_space<vmem>>, vector<16xf32>,
            %get3A_1023 = arith.constant 0 : i32
            %get3A_1024 = arith.constant 0 : i32
            %get3A_1025 = tpu.memref_slice %arg16[%cond3A_667, %get3A_1023, %get3A_1024] : memref<5x128x128xf32, #tpu.memory_space<vmem>> -> memref<1x128x128xf32, #tpu.memory_space<vmem>>
            %get3A_1026 = tpu.memref_squeeze %get3A_1025 : memref<1x128x128xf32, #tpu.memory_space<vmem>> -> memref<128x128xf32, #tpu.memory_space<vmem>>
            %get3A_1027 = arith.index_cast %add3A_984 : i32 to index
            %get3A_1028 = arith.constant 16 : index
            %get3A_1029 = tpu.vector_load %get3A_1026[%get3A_1027, %get3A_1028] {strides = array<i32>} : memref<128x128xf32, #tpu.memory_space<vmem>>, vector<16xf32>,
            %select_n3A_1030 = arith.select %eq3A_992, %sub3A_92, %broadcast_in_dim3A_147 : vector<16xi1>, vector<16xf32>
            %select_n3A_1031 = arith.select %eq3A_989, %sub3A_20, %select_n3A_1030 : vector<16xi1>, vector<16xf32>
            %add3A_1032 = arith.addf %get3A_1029, %select_n3A_1031 : vector<16xf32>
            %swap3A_1033 = arith.constant 0 : i32
            %swap3A_1034 = arith.constant 0 : i32
            %swap3A_1035 = tpu.memref_slice %arg16[%cond3A_667, %swap3A_1033, %swap3A_1034] : memref<5x128x128xf32, #tpu.memory_space<vmem>> -> memref<1x128x128xf32, #tpu.memory_space<vmem>>
            %swap3A_1036 = tpu.memref_squeeze %swap3A_1035 : memref<1x128x128xf32, #tpu.memory_space<vmem>> -> memref<128x128xf32, #tpu.memory_space<vmem>>
            %swap3A_1037 = arith.index_cast %add3A_984 : i32 to index
            %swap3A_1038 = arith.constant 16 : index
            %swap3A_1039 = tpu.vector_load %swap3A_1036[%swap3A_1037, %swap3A_1038] {strides = array<i32>} : memref<128x128xf32, #tpu.memory_space<vmem>>, vector<16xf32>,
            tpu.vector_store %swap3A_1036[%swap3A_1037, %swap3A_1038], %add3A_1032 {strides = array<i32>} : memref<128x128xf32, #tpu.memory_space<vmem>>, vector<16xf32>,
            %get3A_1040 = arith.constant 0 : i32
            %get3A_1041 = arith.constant 0 : i32
            %get3A_1042 = tpu.memref_slice %arg16[%cond3A_667, %get3A_1040, %get3A_1041] : memref<5x128x128xf32, #tpu.memory_space<vmem>> -> memref<1x128x128xf32, #tpu.memory_space<vmem>>
            %get3A_1043 = tpu.memref_squeeze %get3A_1042 : memref<1x128x128xf32, #tpu.memory_space<vmem>> -> memref<128x128xf32, #tpu.memory_space<vmem>>
            %get3A_1044 = arith.index_cast %add3A_984 : i32 to index
            %get3A_1045 = arith.constant 32 : index
            %get3A_1046 = tpu.vector_load %get3A_1043[%get3A_1044, %get3A_1045] {strides = array<i32>} : memref<128x128xf32, #tpu.memory_space<vmem>>, vector<16xf32>,
            %select_n3A_1047 = arith.select %eq3A_992, %sub3A_101, %broadcast_in_dim3A_147 : vector<16xi1>, vector<16xf32>
            %select_n3A_1048 = arith.select %eq3A_989, %sub3A_29, %select_n3A_1047 : vector<16xi1>, vector<16xf32>
            %add3A_1049 = arith.addf %get3A_1046, %select_n3A_1048 : vector<16xf32>
            %swap3A_1050 = arith.constant 0 : i32
            %swap3A_1051 = arith.constant 0 : i32
            %swap3A_1052 = tpu.memref_slice %arg16[%cond3A_667, %swap3A_1050, %swap3A_1051] : memref<5x128x128xf32, #tpu.memory_space<vmem>> -> memref<1x128x128xf32, #tpu.memory_space<vmem>>
            %swap3A_1053 = tpu.memref_squeeze %swap3A_1052 : memref<1x128x128xf32, #tpu.memory_space<vmem>> -> memref<128x128xf32, #tpu.memory_space<vmem>>
            %swap3A_1054 = arith.index_cast %add3A_984 : i32 to index
            %swap3A_1055 = arith.constant 32 : index
            %swap3A_1056 = tpu.vector_load %swap3A_1053[%swap3A_1054, %swap3A_1055] {strides = array<i32>} : memref<128x128xf32, #tpu.memory_space<vmem>>, vector<16xf32>,
            tpu.vector_store %swap3A_1053[%swap3A_1054, %swap3A_1055], %add3A_1049 {strides = array<i32>} : memref<128x128xf32, #tpu.memory_space<vmem>>, vector<16xf32>,
            %get3A_1057 = arith.constant 0 : i32
            %get3A_1058 = arith.constant 0 : i32
            %get3A_1059 = tpu.memref_slice %arg16[%cond3A_667, %get3A_1057, %get3A_1058] : memref<5x128x128xf32, #tpu.memory_space<vmem>> -> memref<1x128x128xf32, #tpu.memory_space<vmem>>
            %get3A_1060 = tpu.memref_squeeze %get3A_1059 : memref<1x128x128xf32, #tpu.memory_space<vmem>> -> memref<128x128xf32, #tpu.memory_space<vmem>>
            %get3A_1061 = arith.index_cast %add3A_984 : i32 to index
            %get3A_1062 = arith.constant 48 : index
            %get3A_1063 = tpu.vector_load %get3A_1060[%get3A_1061, %get3A_1062] {strides = array<i32>} : memref<128x128xf32, #tpu.memory_space<vmem>>, vector<16xf32>,
            %select_n3A_1064 = arith.select %eq3A_992, %sub3A_110, %broadcast_in_dim3A_147 : vector<16xi1>, vector<16xf32>
            %select_n3A_1065 = arith.select %eq3A_989, %sub3A_38, %select_n3A_1064 : vector<16xi1>, vector<16xf32>
            %add3A_1066 = arith.addf %get3A_1063, %select_n3A_1065 : vector<16xf32>
            %swap3A_1067 = arith.constant 0 : i32
            %swap3A_1068 = arith.constant 0 : i32
            %swap3A_1069 = tpu.memref_slice %arg16[%cond3A_667, %swap3A_1067, %swap3A_1068] : memref<5x128x128xf32, #tpu.memory_space<vmem>> -> memref<1x128x128xf32, #tpu.memory_space<vmem>>
            %swap3A_1070 = tpu.memref_squeeze %swap3A_1069 : memref<1x128x128xf32, #tpu.memory_space<vmem>> -> memref<128x128xf32, #tpu.memory_space<vmem>>
            %swap3A_1071 = arith.index_cast %add3A_984 : i32 to index
            %swap3A_1072 = arith.constant 48 : index
            %swap3A_1073 = tpu.vector_load %swap3A_1070[%swap3A_1071, %swap3A_1072] {strides = array<i32>} : memref<128x128xf32, #tpu.memory_space<vmem>>, vector<16xf32>,
            tpu.vector_store %swap3A_1070[%swap3A_1071, %swap3A_1072], %add3A_1066 {strides = array<i32>} : memref<128x128xf32, #tpu.memory_space<vmem>>, vector<16xf32>,
            %get3A_1074 = arith.constant 0 : i32
            %get3A_1075 = arith.constant 0 : i32
            %get3A_1076 = tpu.memref_slice %arg16[%cond3A_667, %get3A_1074, %get3A_1075] : memref<5x128x128xf32, #tpu.memory_space<vmem>> -> memref<1x128x128xf32, #tpu.memory_space<vmem>>
            %get3A_1077 = tpu.memref_squeeze %get3A_1076 : memref<1x128x128xf32, #tpu.memory_space<vmem>> -> memref<128x128xf32, #tpu.memory_space<vmem>>
            %get3A_1078 = arith.index_cast %add3A_984 : i32 to index
            %get3A_1079 = arith.constant 64 : index
            %get3A_1080 = tpu.vector_load %get3A_1077[%get3A_1078, %get3A_1079] {strides = array<i32>} : memref<128x128xf32, #tpu.memory_space<vmem>>, vector<16xf32>,
            %select_n3A_1081 = arith.select %eq3A_992, %sub3A_119, %broadcast_in_dim3A_147 : vector<16xi1>, vector<16xf32>
            %select_n3A_1082 = arith.select %eq3A_989, %sub3A_47, %select_n3A_1081 : vector<16xi1>, vector<16xf32>
            %add3A_1083 = arith.addf %get3A_1080, %select_n3A_1082 : vector<16xf32>
            %swap3A_1084 = arith.constant 0 : i32
            %swap3A_1085 = arith.constant 0 : i32
            %swap3A_1086 = tpu.memref_slice %arg16[%cond3A_667, %swap3A_1084, %swap3A_1085] : memref<5x128x128xf32, #tpu.memory_space<vmem>> -> memref<1x128x128xf32, #tpu.memory_space<vmem>>
            %swap3A_1087 = tpu.memref_squeeze %swap3A_1086 : memref<1x128x128xf32, #tpu.memory_space<vmem>> -> memref<128x128xf32, #tpu.memory_space<vmem>>
            %swap3A_1088 = arith.index_cast %add3A_984 : i32 to index
            %swap3A_1089 = arith.constant 64 : index
            %swap3A_1090 = tpu.vector_load %swap3A_1087[%swap3A_1088, %swap3A_1089] {strides = array<i32>} : memref<128x128xf32, #tpu.memory_space<vmem>>, vector<16xf32>,
            tpu.vector_store %swap3A_1087[%swap3A_1088, %swap3A_1089], %add3A_1083 {strides = array<i32>} : memref<128x128xf32, #tpu.memory_space<vmem>>, vector<16xf32>,
            %get3A_1091 = arith.constant 0 : i32
            %get3A_1092 = arith.constant 0 : i32
            %get3A_1093 = tpu.memref_slice %arg16[%cond3A_667, %get3A_1091, %get3A_1092] : memref<5x128x128xf32, #tpu.memory_space<vmem>> -> memref<1x128x128xf32, #tpu.memory_space<vmem>>
            %get3A_1094 = tpu.memref_squeeze %get3A_1093 : memref<1x128x128xf32, #tpu.memory_space<vmem>> -> memref<128x128xf32, #tpu.memory_space<vmem>>
            %get3A_1095 = arith.index_cast %add3A_984 : i32 to index
            %get3A_1096 = arith.constant 80 : index
            %get3A_1097 = tpu.vector_load %get3A_1094[%get3A_1095, %get3A_1096] {strides = array<i32>} : memref<128x128xf32, #tpu.memory_space<vmem>>, vector<16xf32>,
            %select_n3A_1098 = arith.select %eq3A_992, %sub3A_128, %broadcast_in_dim3A_147 : vector<16xi1>, vector<16xf32>
            %select_n3A_1099 = arith.select %eq3A_989, %sub3A_56, %select_n3A_1098 : vector<16xi1>, vector<16xf32>
            %add3A_1100 = arith.addf %get3A_1097, %select_n3A_1099 : vector<16xf32>
            %swap3A_1101 = arith.constant 0 : i32
            %swap3A_1102 = arith.constant 0 : i32
            %swap3A_1103 = tpu.memref_slice %arg16[%cond3A_667, %swap3A_1101, %swap3A_1102] : memref<5x128x128xf32, #tpu.memory_space<vmem>> -> memref<1x128x128xf32, #tpu.memory_space<vmem>>
            %swap3A_1104 = tpu.memref_squeeze %swap3A_1103 : memref<1x128x128xf32, #tpu.memory_space<vmem>> -> memref<128x128xf32, #tpu.memory_space<vmem>>
            %swap3A_1105 = arith.index_cast %add3A_984 : i32 to index
            %swap3A_1106 = arith.constant 80 : index
            %swap3A_1107 = tpu.vector_load %swap3A_1104[%swap3A_1105, %swap3A_1106] {strides = array<i32>} : memref<128x128xf32, #tpu.memory_space<vmem>>, vector<16xf32>,
            tpu.vector_store %swap3A_1104[%swap3A_1105, %swap3A_1106], %add3A_1100 {strides = array<i32>} : memref<128x128xf32, #tpu.memory_space<vmem>>, vector<16xf32>,
            %get3A_1108 = arith.constant 0 : i32
            %get3A_1109 = arith.constant 0 : i32
            %get3A_1110 = tpu.memref_slice %arg16[%cond3A_667, %get3A_1108, %get3A_1109] : memref<5x128x128xf32, #tpu.memory_space<vmem>> -> memref<1x128x128xf32, #tpu.memory_space<vmem>>
            %get3A_1111 = tpu.memref_squeeze %get3A_1110 : memref<1x128x128xf32, #tpu.memory_space<vmem>> -> memref<128x128xf32, #tpu.memory_space<vmem>>
            %get3A_1112 = arith.index_cast %add3A_984 : i32 to index
            %get3A_1113 = arith.constant 96 : index
            %get3A_1114 = tpu.vector_load %get3A_1111[%get3A_1112, %get3A_1113] {strides = array<i32>} : memref<128x128xf32, #tpu.memory_space<vmem>>, vector<16xf32>,
            %select_n3A_1115 = arith.select %eq3A_992, %sub3A_137, %broadcast_in_dim3A_147 : vector<16xi1>, vector<16xf32>
            %select_n3A_1116 = arith.select %eq3A_989, %sub3A_65, %select_n3A_1115 : vector<16xi1>, vector<16xf32>
            %add3A_1117 = arith.addf %get3A_1114, %select_n3A_1116 : vector<16xf32>
            %swap3A_1118 = arith.constant 0 : i32
            %swap3A_1119 = arith.constant 0 : i32
            %swap3A_1120 = tpu.memref_slice %arg16[%cond3A_667, %swap3A_1118, %swap3A_1119] : memref<5x128x128xf32, #tpu.memory_space<vmem>> -> memref<1x128x128xf32, #tpu.memory_space<vmem>>
            %swap3A_1121 = tpu.memref_squeeze %swap3A_1120 : memref<1x128x128xf32, #tpu.memory_space<vmem>> -> memref<128x128xf32, #tpu.memory_space<vmem>>
            %swap3A_1122 = arith.index_cast %add3A_984 : i32 to index
            %swap3A_1123 = arith.constant 96 : index
            %swap3A_1124 = tpu.vector_load %swap3A_1121[%swap3A_1122, %swap3A_1123] {strides = array<i32>} : memref<128x128xf32, #tpu.memory_space<vmem>>, vector<16xf32>,
            tpu.vector_store %swap3A_1121[%swap3A_1122, %swap3A_1123], %add3A_1117 {strides = array<i32>} : memref<128x128xf32, #tpu.memory_space<vmem>>, vector<16xf32>,
            %get3A_1125 = arith.constant 0 : i32
            %get3A_1126 = arith.constant 0 : i32
            %get3A_1127 = tpu.memref_slice %arg16[%cond3A_667, %get3A_1125, %get3A_1126] : memref<5x128x128xf32, #tpu.memory_space<vmem>> -> memref<1x128x128xf32, #tpu.memory_space<vmem>>
            %get3A_1128 = tpu.memref_squeeze %get3A_1127 : memref<1x128x128xf32, #tpu.memory_space<vmem>> -> memref<128x128xf32, #tpu.memory_space<vmem>>
            %get3A_1129 = arith.index_cast %add3A_984 : i32 to index
            %get3A_1130 = arith.constant 112 : index
            %get3A_1131 = tpu.vector_load %get3A_1128[%get3A_1129, %get3A_1130] {strides = array<i32>} : memref<128x128xf32, #tpu.memory_space<vmem>>, vector<16xf32>,
            %select_n3A_1132 = arith.select %eq3A_992, %sub3A_146, %broadcast_in_dim3A_147 : vector<16xi1>, vector<16xf32>
            %select_n3A_1133 = arith.select %eq3A_989, %sub3A_74, %select_n3A_1132 : vector<16xi1>, vector<16xf32>
            %add3A_1134 = arith.addf %get3A_1131, %select_n3A_1133 : vector<16xf32>
            %swap3A_1135 = arith.constant 0 : i32
            %swap3A_1136 = arith.constant 0 : i32
            %swap3A_1137 = tpu.memref_slice %arg16[%cond3A_667, %swap3A_1135, %swap3A_1136] : memref<5x128x128xf32, #tpu.memory_space<vmem>> -> memref<1x128x128xf32, #tpu.memory_space<vmem>>
            %swap3A_1138 = tpu.memref_squeeze %swap3A_1137 : memref<1x128x128xf32, #tpu.memory_space<vmem>> -> memref<128x128xf32, #tpu.memory_space<vmem>>
            %swap3A_1139 = arith.index_cast %add3A_984 : i32 to index
            %swap3A_1140 = arith.constant 112 : index
            %swap3A_1141 = tpu.vector_load %swap3A_1138[%swap3A_1139, %swap3A_1140] {strides = array<i32>} : memref<128x128xf32, #tpu.memory_space<vmem>>, vector<16xf32>,
            tpu.vector_store %swap3A_1138[%swap3A_1139, %swap3A_1140], %add3A_1134 {strides = array<i32>} : memref<128x128xf32, #tpu.memory_space<vmem>>, vector<16xf32>,
          } else {
          }
        }
        %scan3A_979 = arith.constant 128 : i32
      } else {
      }
      %add3A_670 = arith.addi %mul3A_2, %add3A_556 : i32
      %mul3A_671 = arith.constant 128 : i32
      %mul3A_672 = arith.muli %add3A_670, %mul3A_671 : i32
      %dma_start3A_673 = arith.constant 2 : i32
      %dma_start3A_674 = arith.constant 0 : i32
      %dma_start3A_675 = arith.constant 0 : i32
      %dma_start3A_676 = tpu.memref_slice %arg16[%dma_start3A_673, %dma_start3A_674, %dma_start3A_675] : memref<5x128x128xf32, #tpu.memory_space<vmem>> -> memref<1x128x128xf32, #tpu.memory_space<vmem>>
      %dma_start3A_677 = tpu.memref_squeeze %dma_start3A_676 : memref<1x128x128xf32, #tpu.memory_space<vmem>> -> memref<128x128xf32, #tpu.memory_space<vmem>>
      %dma_start3A_678 = arith.constant 0 : i32
      %dma_start3A_679 = tpu.memref_slice %arg8[%mul3A_672, %dma_start3A_678] : memref<204800x128xf32, #tpu.memory_space<hbm>> -> memref<128x128xf32, #tpu.memory_space<hbm>>
      %dma_start3A_680 = arith.constant 0 : i32
      %dma_start3A_681 = tpu.memref_slice %arg8[%mul3A_672, %dma_start3A_680] : memref<204800x128xf32, #tpu.memory_space<hbm>> -> memref<128x128xf32, #tpu.memory_space<hbm>>
      %dma_start3A_682 = arith.constant 0 : i32
      %dma_start3A_683 = arith.constant 0 : i32
      %dma_start3A_684 = tpu.memref_slice %arg16[%dma_start3A_673, %dma_start3A_682, %dma_start3A_683] : memref<5x128x128xf32, #tpu.memory_space<vmem>> -> memref<1x128x128xf32, #tpu.memory_space<vmem>>
      %dma_start3A_685 = tpu.memref_squeeze %dma_start3A_684 : memref<1x128x128xf32, #tpu.memory_space<vmem>> -> memref<128x128xf32, #tpu.memory_space<vmem>>
      tpu.enqueue_dma source(%dma_start3A_685 : memref<128x128xf32, #tpu.memory_space<vmem>>) target(%dma_start3A_681 : memref<128x128xf32, #tpu.memory_space<hbm>>) target_semaphore(%arg24 : memref<!tpu.dma_semaphore, #tpu.memory_space<semaphore_mem>>)
      %add3A_686 = arith.constant 5 : i32
      %add3A_687 = arith.addi %add3A_556, %add3A_686 : i32
      %sub3A_688 = arith.constant 2 : i32
      %sub3A_689 = arith.subi %add3A_687, %sub3A_688 : i32
      %lt3A_690 = arith.constant 50 : i32
      %lt3A_691 = arith.cmpi slt, %sub3A_689, %lt3A_690 : i32
      %convert_element_type3A_692 = arith.extui %lt3A_691 : i1 to i32
      %cond3A_693 = arith.constant 0 : i32
      %cond3A_694 = arith.cmpi ne, %convert_element_type3A_692, %cond3A_693 : i32
      scf.if %cond3A_694 {
        %ge3A = arith.constant 2 : i32
        %ge3A_975 = arith.cmpi sge, %add3A_556, %ge3A : i32
        %convert_element_type3A_976 = arith.extui %ge3A_975 : i1 to i32
        %cond3A_977 = arith.constant 0 : i32
        %cond3A_978 = arith.cmpi ne, %convert_element_type3A_976, %cond3A_977 : i32
        scf.if %cond3A_978 {
          %sub3A_1004 = arith.constant 2 : i32
          %sub3A_1005 = arith.subi %add3A_556, %sub3A_1004 : i32
          %add3A_1006 = arith.addi %mul3A_2, %sub3A_1005 : i32
          %mul3A_1007 = arith.constant 128 : i32
          %mul3A_1008 = arith.muli %add3A_1006, %mul3A_1007 : i32
          %dma_wait3A_1009 = arith.constant 0 : i32
          %dma_wait3A_1010 = arith.constant 0 : i32
          %dma_wait3A_1011 = arith.constant 0 : i32
          %dma_wait3A_1012 = tpu.memref_slice %arg16[%dma_wait3A_1009, %dma_wait3A_1010, %dma_wait3A_1011] : memref<5x128x128xf32, #tpu.memory_space<vmem>> -> memref<1x128x128xf32, #tpu.memory_space<vmem>>
          %dma_wait3A_1013 = tpu.memref_squeeze %dma_wait3A_1012 : memref<1x128x128xf32, #tpu.memory_space<vmem>> -> memref<128x128xf32, #tpu.memory_space<vmem>>
          %dma_wait3A_1014 = arith.constant 0 : i32
          %dma_wait3A_1015 = tpu.memref_slice %arg8[%mul3A_1008, %dma_wait3A_1014] : memref<204800x128xf32, #tpu.memory_space<hbm>> -> memref<128x128xf32, #tpu.memory_space<hbm>>
          %dma_wait3A_1016 = arith.constant 0 : i32
          %dma_wait3A_1017 = tpu.memref_slice %arg8[%mul3A_1008, %dma_wait3A_1016] : memref<204800x128xf32, #tpu.memory_space<hbm>> -> memref<128x128xf32, #tpu.memory_space<hbm>>
          %dma_wait3A_1018 = arith.constant 0 : i32
          %dma_wait3A_1019 = arith.constant 0 : i32
          %dma_wait3A_1020 = tpu.memref_slice %arg16[%dma_wait3A_1009, %dma_wait3A_1018, %dma_wait3A_1019] : memref<5x128x128xf32, #tpu.memory_space<vmem>> -> memref<1x128x128xf32, #tpu.memory_space<vmem>>
          %dma_wait3A_1021 = tpu.memref_squeeze %dma_wait3A_1020 : memref<1x128x128xf32, #tpu.memory_space<vmem>> -> memref<128x128xf32, #tpu.memory_space<vmem>>
          tpu.wait_dma2 semaphore(%arg22 : memref<!tpu.dma_semaphore, #tpu.memory_space<semaphore_mem>>) src(%dma_wait3A_1021 : memref<128x128xf32, #tpu.memory_space<vmem>>) dst(%dma_wait3A_1017 : memref<128x128xf32, #tpu.memory_space<hbm>>)
        } else {
        }
        %mul3A_979 = arith.constant 128 : i32
        %mul3A_980 = arith.muli %sub3A_689, %mul3A_979 : i32
        %jit3A = arith.constant 200 : i32
        %eq3A_981 = arith.constant 0 : i32
        %eq3A_982 = arith.cmpi eq, %jit3A, %eq3A_981 : i32
        %jit3A_983 = arith.constant 1 : i32
        %select_n3A = arith.select %eq3A_982, %jit3A_983, %jit3A : i32
        %rem3A = arith.remsi %mul3A_980, %select_n3A : i32
        %ne3A = arith.constant 0 : i32
        %ne3A_984 = arith.cmpi ne, %rem3A, %ne3A : i32
        %lt3A_985 = arith.constant 0 : i32
        %lt3A_986 = arith.cmpi slt, %rem3A, %lt3A_985 : i32
        %lt3A_987 = arith.constant 0 : i32
        %lt3A_988 = arith.cmpi slt, %select_n3A, %lt3A_987 : i32
        %ne3A_989 = arith.xori %lt3A_986, %lt3A_988 : i1
        %and3A = arith.andi %ne3A_989, %ne3A_984 : i1
        %add3A_990 = arith.addi %rem3A, %select_n3A : i32
        %select_n3A_991 = arith.select %and3A, %add3A_990, %rem3A : i32
        %run_scoped3A_992 = arith.constant 0 : i32
        "tpu.region"() ({
          %run_scoped3A_1004 = tpu.sem_alloc : memref<!tpu.dma_semaphore, #tpu.memory_space<semaphore_mem>>
          %dma_start3A_1005 = arith.constant 0 : i32
          %dma_start3A_1006 = arith.constant 0 : i32
          %dma_start3A_1007 = tpu.memref_slice %arg16[%run_scoped3A_992, %dma_start3A_1005, %dma_start3A_1006] : memref<5x128x128xf32, #tpu.memory_space<vmem>> -> memref<1x128x128xf32, #tpu.memory_space<vmem>>
          %dma_start3A_1008 = tpu.memref_squeeze %dma_start3A_1007 : memref<1x128x128xf32, #tpu.memory_space<vmem>> -> memref<128x128xf32, #tpu.memory_space<vmem>>
          %dma_start3A_1009 = arith.constant 0 : i32
          %dma_start3A_1010 = tpu.memref_slice %arg11[%select_n3A_991, %dma_start3A_1009] : memref<328x128xf32, #tpu.memory_space<vmem_shared>> -> memref<128x128xf32, #tpu.memory_space<vmem_shared>>
          %dma_start3A_1011 = arith.constant 0 : i32
          %dma_start3A_1012 = arith.constant 0 : i32
          %dma_start3A_1013 = tpu.memref_slice %arg16[%run_scoped3A_992, %dma_start3A_1011, %dma_start3A_1012] : memref<5x128x128xf32, #tpu.memory_space<vmem>> -> memref<1x128x128xf32, #tpu.memory_space<vmem>>
          %dma_start3A_1014 = tpu.memref_squeeze %dma_start3A_1013 : memref<1x128x128xf32, #tpu.memory_space<vmem>> -> memref<128x128xf32, #tpu.memory_space<vmem>>
          %dma_start3A_1015 = arith.constant 0 : i32
          %dma_start3A_1016 = tpu.memref_slice %arg11[%select_n3A_991, %dma_start3A_1015] : memref<328x128xf32, #tpu.memory_space<vmem_shared>> -> memref<128x128xf32, #tpu.memory_space<vmem_shared>>
          tpu.enqueue_dma source(%dma_start3A_1016 : memref<128x128xf32, #tpu.memory_space<vmem_shared>>) target(%dma_start3A_1014 : memref<128x128xf32, #tpu.memory_space<vmem>>) target_semaphore(%run_scoped3A_1004 : memref<!tpu.dma_semaphore, #tpu.memory_space<semaphore_mem>>)
          %dma_wait3A_1017 = arith.constant 0 : i32
          %dma_wait3A_1018 = arith.constant 0 : i32
          %dma_wait3A_1019 = tpu.memref_slice %arg16[%run_scoped3A_992, %dma_wait3A_1017, %dma_wait3A_1018] : memref<5x128x128xf32, #tpu.memory_space<vmem>> -> memref<1x128x128xf32, #tpu.memory_space<vmem>>
          %dma_wait3A_1020 = tpu.memref_squeeze %dma_wait3A_1019 : memref<1x128x128xf32, #tpu.memory_space<vmem>> -> memref<128x128xf32, #tpu.memory_space<vmem>>
          %dma_wait3A_1021 = arith.constant 0 : i32
          %dma_wait3A_1022 = tpu.memref_slice %arg11[%select_n3A_991, %dma_wait3A_1021] : memref<328x128xf32, #tpu.memory_space<vmem_shared>> -> memref<128x128xf32, #tpu.memory_space<vmem_shared>>
          %dma_wait3A_1023 = arith.constant 0 : i32
          %dma_wait3A_1024 = arith.constant 0 : i32
          %dma_wait3A_1025 = tpu.memref_slice %arg16[%run_scoped3A_992, %dma_wait3A_1023, %dma_wait3A_1024] : memref<5x128x128xf32, #tpu.memory_space<vmem>> -> memref<1x128x128xf32, #tpu.memory_space<vmem>>
          %dma_wait3A_1026 = tpu.memref_squeeze %dma_wait3A_1025 : memref<1x128x128xf32, #tpu.memory_space<vmem>> -> memref<128x128xf32, #tpu.memory_space<vmem>>
          %dma_wait3A_1027 = arith.constant 0 : i32
          %dma_wait3A_1028 = tpu.memref_slice %arg11[%select_n3A_991, %dma_wait3A_1027] : memref<328x128xf32, #tpu.memory_space<vmem_shared>> -> memref<128x128xf32, #tpu.memory_space<vmem_shared>>
          tpu.wait_dma2 semaphore(%run_scoped3A_1004 : memref<!tpu.dma_semaphore, #tpu.memory_space<semaphore_mem>>) src(%dma_wait3A_1028 : memref<128x128xf32, #tpu.memory_space<vmem_shared>>) dst(%dma_wait3A_1026 : memref<128x128xf32, #tpu.memory_space<vmem>>)
          tpu.yield
        }) : () -> ()
        %dma_start3A_993 = arith.constant 0 : i32
        %dma_start3A_994 = arith.constant 0 : i32
        %dma_start3A_995 = arith.constant 0 : i32
        %dma_start3A_996 = tpu.memref_slice %arg16[%dma_start3A_993, %dma_start3A_994, %dma_start3A_995] : memref<5x128x128xf32, #tpu.memory_space<vmem>> -> memref<1x128x128xf32, #tpu.memory_space<vmem>>
        %dma_start3A_997 = tpu.memref_squeeze %dma_start3A_996 : memref<1x128x128xf32, #tpu.memory_space<vmem>> -> memref<128x128xf32, #tpu.memory_space<vmem>>
        %dma_start3A_998 = arith.constant 0 : i32
        %dma_start3A_999 = tpu.memref_slice %arg10[%sub3A_689, %dma_start3A_998] : memref<50x128xi32, #tpu.memory_space<vmem>> -> memref<1x128xi32, #tpu.memory_space<vmem>>
        %dma_start3A_1000 = tpu.memref_squeeze %dma_start3A_999 : memref<1x128xi32, #tpu.memory_space<vmem>> -> memref<128xi32, #tpu.memory_space<vmem>>
        %dma_start3A_1001 = arith.constant 0 : i32
        %dma_start3A_1002 = arith.constant 0 : i32
        %dma_start3A_1003 = tpu.memref_slice %arg7[%dma_start3A_1001, %dma_start3A_1002] : memref<100000x128xf32, #tpu.memory_space<hbm>> -> memref<100000x128xf32, #tpu.memory_space<hbm>>
        tpu.enqueue_indirect_dma source(%dma_start3A_1003 : memref<100000x128xf32, #tpu.memory_space<hbm>>) target(%dma_start3A_997 : memref<128x128xf32, #tpu.memory_space<vmem>>) offsets(%dma_start3A_1000 : memref<128xi32, #tpu.memory_space<vmem>>) semaphore(%arg17 : memref<!tpu.dma_semaphore, #tpu.memory_space<semaphore_mem>>) {add = true}
      } else {
      }
      %add3A_695 = arith.constant 3 : i32
      %add3A_696 = arith.addi %add3A_277, %add3A_695 : i32
      %dma_wait3A_697 = arith.constant 3 : i32
      %dma_wait3A_698 = arith.constant 0 : i32
      %dma_wait3A_699 = arith.constant 0 : i32
      %dma_wait3A_700 = tpu.memref_slice %arg16[%dma_wait3A_697, %dma_wait3A_698, %dma_wait3A_699] : memref<5x128x128xf32, #tpu.memory_space<vmem>> -> memref<1x128x128xf32, #tpu.memory_space<vmem>>
      %dma_wait3A_701 = tpu.memref_squeeze %dma_wait3A_700 : memref<1x128x128xf32, #tpu.memory_space<vmem>> -> memref<128x128xf32, #tpu.memory_space<vmem>>
      %dma_wait3A_702 = arith.constant 0 : i32
      %dma_wait3A_703 = tpu.memref_slice %arg10[%add3A_696, %dma_wait3A_702] : memref<50x128xi32, #tpu.memory_space<vmem>> -> memref<1x128xi32, #tpu.memory_space<vmem>>
      %dma_wait3A_704 = tpu.memref_squeeze %dma_wait3A_703 : memref<1x128xi32, #tpu.memory_space<vmem>> -> memref<128xi32, #tpu.memory_space<vmem>>
      %dma_wait3A_705 = arith.constant 0 : i32
      %dma_wait3A_706 = arith.constant 0 : i32
      %dma_wait3A_707 = tpu.memref_slice %arg7[%dma_wait3A_705, %dma_wait3A_706] : memref<100000x128xf32, #tpu.memory_space<hbm>> -> memref<100000x128xf32, #tpu.memory_space<hbm>>
      tpu.wait_indirect_dma semaphore(%arg20 : memref<!tpu.dma_semaphore, #tpu.memory_space<semaphore_mem>>) src(%dma_wait3A_707 : memref<100000x128xf32, #tpu.memory_space<hbm>>) dst(%dma_wait3A_701 : memref<128x128xf32, #tpu.memory_space<vmem>>)
      %get3A_708 = arith.index_cast %add3A_696 : i32 to index
      %get3A_709 = arith.constant 0 : index
      %get3A_710 = tpu.vector_load %arg9[%get3A_708, %get3A_709] {strides = array<i32>} : memref<50x128xi32, #tpu.memory_space<vmem>>, vector<16xi32>,
      %eq3A_711 = arith.constant 0 : i32
      %eq3A_712 = vector.broadcast %eq3A_711 : i32 to vector<16xi32>
      %eq3A_713 = arith.cmpi eq, %get3A_710, %eq3A_712 : vector<16xi32>
      %eq3A_714 = arith.constant 100001 : i32
      %eq3A_715 = vector.broadcast %eq3A_714 : i32 to vector<16xi32>
      %eq3A_716 = arith.cmpi eq, %get3A_710, %eq3A_715 : vector<16xi32>
      %or3A_717 = arith.ori %eq3A_713, %eq3A_716 : vector<16xi1>
      %get3A_718 = arith.index_cast %add3A_696 : i32 to index
      %get3A_719 = arith.constant 16 : index
      %get3A_720 = tpu.vector_load %arg9[%get3A_718, %get3A_719] {strides = array<i32>} : memref<50x128xi32, #tpu.memory_space<vmem>>, vector<16xi32>,
      %eq3A_721 = arith.constant 0 : i32
      %eq3A_722 = vector.broadcast %eq3A_721 : i32 to vector<16xi32>
      %eq3A_723 = arith.cmpi eq, %get3A_720, %eq3A_722 : vector<16xi32>
      %eq3A_724 = arith.constant 100001 : i32
      %eq3A_725 = vector.broadcast %eq3A_724 : i32 to vector<16xi32>
      %eq3A_726 = arith.cmpi eq, %get3A_720, %eq3A_725 : vector<16xi32>
      %or3A_727 = arith.ori %eq3A_723, %eq3A_726 : vector<16xi1>
      %or3A_728 = arith.ori %or3A_717, %or3A_727 : vector<16xi1>
      %get3A_729 = arith.index_cast %add3A_696 : i32 to index
      %get3A_730 = arith.constant 32 : index
      %get3A_731 = tpu.vector_load %arg9[%get3A_729, %get3A_730] {strides = array<i32>} : memref<50x128xi32, #tpu.memory_space<vmem>>, vector<16xi32>,
      %eq3A_732 = arith.constant 0 : i32
      %eq3A_733 = vector.broadcast %eq3A_732 : i32 to vector<16xi32>
      %eq3A_734 = arith.cmpi eq, %get3A_731, %eq3A_733 : vector<16xi32>
      %eq3A_735 = arith.constant 100001 : i32
      %eq3A_736 = vector.broadcast %eq3A_735 : i32 to vector<16xi32>
      %eq3A_737 = arith.cmpi eq, %get3A_731, %eq3A_736 : vector<16xi32>
      %or3A_738 = arith.ori %eq3A_734, %eq3A_737 : vector<16xi1>
      %or3A_739 = arith.ori %or3A_728, %or3A_738 : vector<16xi1>
      %get3A_740 = arith.index_cast %add3A_696 : i32 to index
      %get3A_741 = arith.constant 48 : index
      %get3A_742 = tpu.vector_load %arg9[%get3A_740, %get3A_741] {strides = array<i32>} : memref<50x128xi32, #tpu.memory_space<vmem>>, vector<16xi32>,
      %eq3A_743 = arith.constant 0 : i32
      %eq3A_744 = vector.broadcast %eq3A_743 : i32 to vector<16xi32>
      %eq3A_745 = arith.cmpi eq, %get3A_742, %eq3A_744 : vector<16xi32>
      %eq3A_746 = arith.constant 100001 : i32
      %eq3A_747 = vector.broadcast %eq3A_746 : i32 to vector<16xi32>
      %eq3A_748 = arith.cmpi eq, %get3A_742, %eq3A_747 : vector<16xi32>
      %or3A_749 = arith.ori %eq3A_745, %eq3A_748 : vector<16xi1>
      %or3A_750 = arith.ori %or3A_739, %or3A_749 : vector<16xi1>
      %get3A_751 = arith.index_cast %add3A_696 : i32 to index
      %get3A_752 = arith.constant 64 : index
      %get3A_753 = tpu.vector_load %arg9[%get3A_751, %get3A_752] {strides = array<i32>} : memref<50x128xi32, #tpu.memory_space<vmem>>, vector<16xi32>,
      %eq3A_754 = arith.constant 0 : i32
      %eq3A_755 = vector.broadcast %eq3A_754 : i32 to vector<16xi32>
      %eq3A_756 = arith.cmpi eq, %get3A_753, %eq3A_755 : vector<16xi32>
      %eq3A_757 = arith.constant 100001 : i32
      %eq3A_758 = vector.broadcast %eq3A_757 : i32 to vector<16xi32>
      %eq3A_759 = arith.cmpi eq, %get3A_753, %eq3A_758 : vector<16xi32>
      %or3A_760 = arith.ori %eq3A_756, %eq3A_759 : vector<16xi1>
      %or3A_761 = arith.ori %or3A_750, %or3A_760 : vector<16xi1>
      %get3A_762 = arith.index_cast %add3A_696 : i32 to index
      %get3A_763 = arith.constant 80 : index
      %get3A_764 = tpu.vector_load %arg9[%get3A_762, %get3A_763] {strides = array<i32>} : memref<50x128xi32, #tpu.memory_space<vmem>>, vector<16xi32>,
      %eq3A_765 = arith.constant 0 : i32
      %eq3A_766 = vector.broadcast %eq3A_765 : i32 to vector<16xi32>
      %eq3A_767 = arith.cmpi eq, %get3A_764, %eq3A_766 : vector<16xi32>
      %eq3A_768 = arith.constant 100001 : i32
      %eq3A_769 = vector.broadcast %eq3A_768 : i32 to vector<16xi32>
      %eq3A_770 = arith.cmpi eq, %get3A_764, %eq3A_769 : vector<16xi32>
      %or3A_771 = arith.ori %eq3A_767, %eq3A_770 : vector<16xi1>
      %or3A_772 = arith.ori %or3A_761, %or3A_771 : vector<16xi1>
      %get3A_773 = arith.index_cast %add3A_696 : i32 to index
      %get3A_774 = arith.constant 96 : index
      %get3A_775 = tpu.vector_load %arg9[%get3A_773, %get3A_774] {strides = array<i32>} : memref<50x128xi32, #tpu.memory_space<vmem>>, vector<16xi32>,
      %eq3A_776 = arith.constant 0 : i32
      %eq3A_777 = vector.broadcast %eq3A_776 : i32 to vector<16xi32>
      %eq3A_778 = arith.cmpi eq, %get3A_775, %eq3A_777 : vector<16xi32>
      %eq3A_779 = arith.constant 100001 : i32
      %eq3A_780 = vector.broadcast %eq3A_779 : i32 to vector<16xi32>
      %eq3A_781 = arith.cmpi eq, %get3A_775, %eq3A_780 : vector<16xi32>
      %or3A_782 = arith.ori %eq3A_778, %eq3A_781 : vector<16xi1>
      %or3A_783 = arith.ori %or3A_772, %or3A_782 : vector<16xi1>
      %get3A_784 = arith.index_cast %add3A_696 : i32 to index
      %get3A_785 = arith.constant 112 : index
      %get3A_786 = tpu.vector_load %arg9[%get3A_784, %get3A_785] {strides = array<i32>} : memref<50x128xi32, #tpu.memory_space<vmem>>, vector<16xi32>,
      %eq3A_787 = arith.constant 0 : i32
      %eq3A_788 = vector.broadcast %eq3A_787 : i32 to vector<16xi32>
      %eq3A_789 = arith.cmpi eq, %get3A_786, %eq3A_788 : vector<16xi32>
      %eq3A_790 = arith.constant 100001 : i32
      %eq3A_791 = vector.broadcast %eq3A_790 : i32 to vector<16xi32>
      %eq3A_792 = arith.cmpi eq, %get3A_786, %eq3A_791 : vector<16xi32>
      %or3A_793 = arith.ori %eq3A_789, %eq3A_792 : vector<16xi1>
      %or3A_794 = arith.ori %or3A_783, %or3A_793 : vector<16xi1>
      %reduce_or3A_795 = arith.constant 1.000000e+00 : f32
      %reduce_or3A_796 = arith.constant 0.000000e+00 : f32
      %reduce_or3A_797 = vector.broadcast %reduce_or3A_795 : f32 to vector<16xf32>
      %reduce_or3A_798 = vector.broadcast %reduce_or3A_796 : f32 to vector<16xf32>
      %reduce_or3A_799 = arith.select %or3A_794, %reduce_or3A_797, %reduce_or3A_798 : vector<16xi1>, vector<16xf32>
      %reduce_or3A_800 = arith.constant true
      %reduce_or3A_801 = vector.broadcast %reduce_or3A_800 : i1 to vector<16xi1>
      %reduce_or3A_802 = tpu.scan <max>, %reduce_or3A_799 masked %reduce_or3A_801 : vector<16xf32>, vector<16xi1> -> vector<16xf32>
      %reduce_or3A_803 = vector.extract %reduce_or3A_802[15] : f32 from vector<16xf32>
      %reduce_or3A_804 = arith.constant 0.000000e+00 : f32
      %reduce_or3A_805 = arith.cmpf ogt, %reduce_or3A_803, %reduce_or3A_804 : f32
      %convert_element_type3A_806 = arith.extui %reduce_or3A_805 : i1 to i32
      %cond3A_807 = arith.constant 3 : i32
      %cond3A_808 = arith.constant 0 : i32
      %cond3A_809 = arith.cmpi ne, %convert_element_type3A_806, %cond3A_808 : i32
      scf.if %cond3A_809 {
        %scan3A_975 = arith.constant 0 : i32
        %scan3A_976 = arith.constant 128 : i32
        %scan3A_977 = arith.addi %scan3A_975, %scan3A_976 : i32
        %scan3A_978 = arith.constant 1 : i32
        scf.for %scan3A_980 = %scan3A_975 to %scan3A_977 step %scan3A_978  : i32 {
          %mul3A_981 = arith.constant 1 : i32
          %mul3A_982 = arith.muli %scan3A_980, %mul3A_981 : i32
          %add3A_983 = arith.constant 0 : i32
          %add3A_984 = arith.addi %add3A_983, %mul3A_982 : i32
          %broadcast_in_dim3A_985 = vector.broadcast %add3A_696 : i32 to vector<16xi32>
          %broadcast_in_dim3A_986 = vector.broadcast %add3A_984 : i32 to vector<16xi32>
          %gather3A = tpu.vector_load_idx %arg9[%broadcast_in_dim3A_985, %broadcast_in_dim3A_986] : memref<50x128xi32, #tpu.memory_space<vmem>>[vector<16xi32>, vector<16xi32>], vector<16xi32>,
          %eq3A_987 = arith.constant 0 : i32
          %eq3A_988 = vector.broadcast %eq3A_987 : i32 to vector<16xi32>
          %eq3A_989 = arith.cmpi eq, %gather3A, %eq3A_988 : vector<16xi32>
          %eq3A_990 = arith.constant 100001 : i32
          %eq3A_991 = vector.broadcast %eq3A_990 : i32 to vector<16xi32>
          %eq3A_992 = arith.cmpi eq, %gather3A, %eq3A_991 : vector<16xi32>
          %or3A_993 = arith.ori %eq3A_989, %eq3A_992 : vector<16xi1>
          %reduce_or3A_994 = arith.constant 1.000000e+00 : f32
          %reduce_or3A_995 = arith.constant 0.000000e+00 : f32
          %reduce_or3A_996 = vector.broadcast %reduce_or3A_994 : f32 to vector<16xf32>
          %reduce_or3A_997 = vector.broadcast %reduce_or3A_995 : f32 to vector<16xf32>
          %reduce_or3A_998 = arith.select %or3A_993, %reduce_or3A_996, %reduce_or3A_997 : vector<16xi1>, vector<16xf32>
          %reduce_or3A_999 = arith.constant true
          %reduce_or3A_1000 = vector.broadcast %reduce_or3A_999 : i1 to vector<16xi1>
          %reduce_or3A_1001 = tpu.scan <max>, %reduce_or3A_998 masked %reduce_or3A_1000 : vector<16xf32>, vector<16xi1> -> vector<16xf32>
          %reduce_or3A_1002 = vector.extract %reduce_or3A_1001[15] : f32 from vector<16xf32>
          %reduce_or3A_1003 = arith.constant 0.000000e+00 : f32
          %reduce_or3A_1004 = arith.cmpf ogt, %reduce_or3A_1002, %reduce_or3A_1003 : f32
          %convert_element_type3A_1005 = arith.extui %reduce_or3A_1004 : i1 to i32
          %cond3A_1006 = arith.constant 0 : i32
          %cond3A_1007 = arith.cmpi ne, %convert_element_type3A_1005, %cond3A_1006 : i32
          scf.if %cond3A_1007 {
            %get3A_1008 = arith.constant 0 : i32
            %get3A_1009 = arith.constant 0 : i32
            %get3A_1010 = tpu.memref_slice %arg16[%cond3A_807, %get3A_1008, %get3A_1009] : memref<5x128x128xf32, #tpu.memory_space<vmem>> -> memref<1x128x128xf32, #tpu.memory_space<vmem>>
            %get3A_1011 = tpu.memref_squeeze %get3A_1010 : memref<1x128x128xf32, #tpu.memory_space<vmem>> -> memref<128x128xf32, #tpu.memory_space<vmem>>
            %get3A_1012 = arith.index_cast %add3A_984 : i32 to index
            %get3A_1013 = arith.constant 0 : index
            %get3A_1014 = tpu.vector_load %get3A_1011[%get3A_1012, %get3A_1013] {strides = array<i32>} : memref<128x128xf32, #tpu.memory_space<vmem>>, vector<16xf32>,
            %select_n3A = arith.select %eq3A_992, %sub3A_83, %broadcast_in_dim3A_147 : vector<16xi1>, vector<16xf32>
            %select_n3A_1015 = arith.select %eq3A_989, %sub3A, %select_n3A : vector<16xi1>, vector<16xf32>
            %add3A_1016 = arith.addf %get3A_1014, %select_n3A_1015 : vector<16xf32>
            %swap3A = arith.constant 0 : i32
            %swap3A_1017 = arith.constant 0 : i32
            %swap3A_1018 = tpu.memref_slice %arg16[%cond3A_807, %swap3A, %swap3A_1017] : memref<5x128x128xf32, #tpu.memory_space<vmem>> -> memref<1x128x128xf32, #tpu.memory_space<vmem>>
            %swap3A_1019 = tpu.memref_squeeze %swap3A_1018 : memref<1x128x128xf32, #tpu.memory_space<vmem>> -> memref<128x128xf32, #tpu.memory_space<vmem>>
            %swap3A_1020 = arith.index_cast %add3A_984 : i32 to index
            %swap3A_1021 = arith.constant 0 : index
            %swap3A_1022 = tpu.vector_load %swap3A_1019[%swap3A_1020, %swap3A_1021] {strides = array<i32>} : memref<128x128xf32, #tpu.memory_space<vmem>>, vector<16xf32>,
            tpu.vector_store %swap3A_1019[%swap3A_1020, %swap3A_1021], %add3A_1016 {strides = array<i32>} : memref<128x128xf32, #tpu.memory_space<vmem>>, vector<16xf32>,
            %get3A_1023 = arith.constant 0 : i32
            %get3A_1024 = arith.constant 0 : i32
            %get3A_1025 = tpu.memref_slice %arg16[%cond3A_807, %get3A_1023, %get3A_1024] : memref<5x128x128xf32, #tpu.memory_space<vmem>> -> memref<1x128x128xf32, #tpu.memory_space<vmem>>
            %get3A_1026 = tpu.memref_squeeze %get3A_1025 : memref<1x128x128xf32, #tpu.memory_space<vmem>> -> memref<128x128xf32, #tpu.memory_space<vmem>>
            %get3A_1027 = arith.index_cast %add3A_984 : i32 to index
            %get3A_1028 = arith.constant 16 : index
            %get3A_1029 = tpu.vector_load %get3A_1026[%get3A_1027, %get3A_1028] {strides = array<i32>} : memref<128x128xf32, #tpu.memory_space<vmem>>, vector<16xf32>,
            %select_n3A_1030 = arith.select %eq3A_992, %sub3A_92, %broadcast_in_dim3A_147 : vector<16xi1>, vector<16xf32>
            %select_n3A_1031 = arith.select %eq3A_989, %sub3A_20, %select_n3A_1030 : vector<16xi1>, vector<16xf32>
            %add3A_1032 = arith.addf %get3A_1029, %select_n3A_1031 : vector<16xf32>
            %swap3A_1033 = arith.constant 0 : i32
            %swap3A_1034 = arith.constant 0 : i32
            %swap3A_1035 = tpu.memref_slice %arg16[%cond3A_807, %swap3A_1033, %swap3A_1034] : memref<5x128x128xf32, #tpu.memory_space<vmem>> -> memref<1x128x128xf32, #tpu.memory_space<vmem>>
            %swap3A_1036 = tpu.memref_squeeze %swap3A_1035 : memref<1x128x128xf32, #tpu.memory_space<vmem>> -> memref<128x128xf32, #tpu.memory_space<vmem>>
            %swap3A_1037 = arith.index_cast %add3A_984 : i32 to index
            %swap3A_1038 = arith.constant 16 : index
            %swap3A_1039 = tpu.vector_load %swap3A_1036[%swap3A_1037, %swap3A_1038] {strides = array<i32>} : memref<128x128xf32, #tpu.memory_space<vmem>>, vector<16xf32>,
            tpu.vector_store %swap3A_1036[%swap3A_1037, %swap3A_1038], %add3A_1032 {strides = array<i32>} : memref<128x128xf32, #tpu.memory_space<vmem>>, vector<16xf32>,
            %get3A_1040 = arith.constant 0 : i32
            %get3A_1041 = arith.constant 0 : i32
            %get3A_1042 = tpu.memref_slice %arg16[%cond3A_807, %get3A_1040, %get3A_1041] : memref<5x128x128xf32, #tpu.memory_space<vmem>> -> memref<1x128x128xf32, #tpu.memory_space<vmem>>
            %get3A_1043 = tpu.memref_squeeze %get3A_1042 : memref<1x128x128xf32, #tpu.memory_space<vmem>> -> memref<128x128xf32, #tpu.memory_space<vmem>>
            %get3A_1044 = arith.index_cast %add3A_984 : i32 to index
            %get3A_1045 = arith.constant 32 : index
            %get3A_1046 = tpu.vector_load %get3A_1043[%get3A_1044, %get3A_1045] {strides = array<i32>} : memref<128x128xf32, #tpu.memory_space<vmem>>, vector<16xf32>,
            %select_n3A_1047 = arith.select %eq3A_992, %sub3A_101, %broadcast_in_dim3A_147 : vector<16xi1>, vector<16xf32>
            %select_n3A_1048 = arith.select %eq3A_989, %sub3A_29, %select_n3A_1047 : vector<16xi1>, vector<16xf32>
            %add3A_1049 = arith.addf %get3A_1046, %select_n3A_1048 : vector<16xf32>
            %swap3A_1050 = arith.constant 0 : i32
            %swap3A_1051 = arith.constant 0 : i32
            %swap3A_1052 = tpu.memref_slice %arg16[%cond3A_807, %swap3A_1050, %swap3A_1051] : memref<5x128x128xf32, #tpu.memory_space<vmem>> -> memref<1x128x128xf32, #tpu.memory_space<vmem>>
            %swap3A_1053 = tpu.memref_squeeze %swap3A_1052 : memref<1x128x128xf32, #tpu.memory_space<vmem>> -> memref<128x128xf32, #tpu.memory_space<vmem>>
            %swap3A_1054 = arith.index_cast %add3A_984 : i32 to index
            %swap3A_1055 = arith.constant 32 : index
            %swap3A_1056 = tpu.vector_load %swap3A_1053[%swap3A_1054, %swap3A_1055] {strides = array<i32>} : memref<128x128xf32, #tpu.memory_space<vmem>>, vector<16xf32>,
            tpu.vector_store %swap3A_1053[%swap3A_1054, %swap3A_1055], %add3A_1049 {strides = array<i32>} : memref<128x128xf32, #tpu.memory_space<vmem>>, vector<16xf32>,
            %get3A_1057 = arith.constant 0 : i32
            %get3A_1058 = arith.constant 0 : i32
            %get3A_1059 = tpu.memref_slice %arg16[%cond3A_807, %get3A_1057, %get3A_1058] : memref<5x128x128xf32, #tpu.memory_space<vmem>> -> memref<1x128x128xf32, #tpu.memory_space<vmem>>
            %get3A_1060 = tpu.memref_squeeze %get3A_1059 : memref<1x128x128xf32, #tpu.memory_space<vmem>> -> memref<128x128xf32, #tpu.memory_space<vmem>>
            %get3A_1061 = arith.index_cast %add3A_984 : i32 to index
            %get3A_1062 = arith.constant 48 : index
            %get3A_1063 = tpu.vector_load %get3A_1060[%get3A_1061, %get3A_1062] {strides = array<i32>} : memref<128x128xf32, #tpu.memory_space<vmem>>, vector<16xf32>,
            %select_n3A_1064 = arith.select %eq3A_992, %sub3A_110, %broadcast_in_dim3A_147 : vector<16xi1>, vector<16xf32>
            %select_n3A_1065 = arith.select %eq3A_989, %sub3A_38, %select_n3A_1064 : vector<16xi1>, vector<16xf32>
            %add3A_1066 = arith.addf %get3A_1063, %select_n3A_1065 : vector<16xf32>
            %swap3A_1067 = arith.constant 0 : i32
            %swap3A_1068 = arith.constant 0 : i32
            %swap3A_1069 = tpu.memref_slice %arg16[%cond3A_807, %swap3A_1067, %swap3A_1068] : memref<5x128x128xf32, #tpu.memory_space<vmem>> -> memref<1x128x128xf32, #tpu.memory_space<vmem>>
            %swap3A_1070 = tpu.memref_squeeze %swap3A_1069 : memref<1x128x128xf32, #tpu.memory_space<vmem>> -> memref<128x128xf32, #tpu.memory_space<vmem>>
            %swap3A_1071 = arith.index_cast %add3A_984 : i32 to index
            %swap3A_1072 = arith.constant 48 : index
            %swap3A_1073 = tpu.vector_load %swap3A_1070[%swap3A_1071, %swap3A_1072] {strides = array<i32>} : memref<128x128xf32, #tpu.memory_space<vmem>>, vector<16xf32>,
            tpu.vector_store %swap3A_1070[%swap3A_1071, %swap3A_1072], %add3A_1066 {strides = array<i32>} : memref<128x128xf32, #tpu.memory_space<vmem>>, vector<16xf32>,
            %get3A_1074 = arith.constant 0 : i32
            %get3A_1075 = arith.constant 0 : i32
            %get3A_1076 = tpu.memref_slice %arg16[%cond3A_807, %get3A_1074, %get3A_1075] : memref<5x128x128xf32, #tpu.memory_space<vmem>> -> memref<1x128x128xf32, #tpu.memory_space<vmem>>
            %get3A_1077 = tpu.memref_squeeze %get3A_1076 : memref<1x128x128xf32, #tpu.memory_space<vmem>> -> memref<128x128xf32, #tpu.memory_space<vmem>>
            %get3A_1078 = arith.index_cast %add3A_984 : i32 to index
            %get3A_1079 = arith.constant 64 : index
            %get3A_1080 = tpu.vector_load %get3A_1077[%get3A_1078, %get3A_1079] {strides = array<i32>} : memref<128x128xf32, #tpu.memory_space<vmem>>, vector<16xf32>,
            %select_n3A_1081 = arith.select %eq3A_992, %sub3A_119, %broadcast_in_dim3A_147 : vector<16xi1>, vector<16xf32>
            %select_n3A_1082 = arith.select %eq3A_989, %sub3A_47, %select_n3A_1081 : vector<16xi1>, vector<16xf32>
            %add3A_1083 = arith.addf %get3A_1080, %select_n3A_1082 : vector<16xf32>
            %swap3A_1084 = arith.constant 0 : i32
            %swap3A_1085 = arith.constant 0 : i32
            %swap3A_1086 = tpu.memref_slice %arg16[%cond3A_807, %swap3A_1084, %swap3A_1085] : memref<5x128x128xf32, #tpu.memory_space<vmem>> -> memref<1x128x128xf32, #tpu.memory_space<vmem>>
            %swap3A_1087 = tpu.memref_squeeze %swap3A_1086 : memref<1x128x128xf32, #tpu.memory_space<vmem>> -> memref<128x128xf32, #tpu.memory_space<vmem>>
            %swap3A_1088 = arith.index_cast %add3A_984 : i32 to index
            %swap3A_1089 = arith.constant 64 : index
            %swap3A_1090 = tpu.vector_load %swap3A_1087[%swap3A_1088, %swap3A_1089] {strides = array<i32>} : memref<128x128xf32, #tpu.memory_space<vmem>>, vector<16xf32>,
            tpu.vector_store %swap3A_1087[%swap3A_1088, %swap3A_1089], %add3A_1083 {strides = array<i32>} : memref<128x128xf32, #tpu.memory_space<vmem>>, vector<16xf32>,
            %get3A_1091 = arith.constant 0 : i32
            %get3A_1092 = arith.constant 0 : i32
            %get3A_1093 = tpu.memref_slice %arg16[%cond3A_807, %get3A_1091, %get3A_1092] : memref<5x128x128xf32, #tpu.memory_space<vmem>> -> memref<1x128x128xf32, #tpu.memory_space<vmem>>
            %get3A_1094 = tpu.memref_squeeze %get3A_1093 : memref<1x128x128xf32, #tpu.memory_space<vmem>> -> memref<128x128xf32, #tpu.memory_space<vmem>>
            %get3A_1095 = arith.index_cast %add3A_984 : i32 to index
            %get3A_1096 = arith.constant 80 : index
            %get3A_1097 = tpu.vector_load %get3A_1094[%get3A_1095, %get3A_1096] {strides = array<i32>} : memref<128x128xf32, #tpu.memory_space<vmem>>, vector<16xf32>,
            %select_n3A_1098 = arith.select %eq3A_992, %sub3A_128, %broadcast_in_dim3A_147 : vector<16xi1>, vector<16xf32>
            %select_n3A_1099 = arith.select %eq3A_989, %sub3A_56, %select_n3A_1098 : vector<16xi1>, vector<16xf32>
            %add3A_1100 = arith.addf %get3A_1097, %select_n3A_1099 : vector<16xf32>
            %swap3A_1101 = arith.constant 0 : i32
            %swap3A_1102 = arith.constant 0 : i32
            %swap3A_1103 = tpu.memref_slice %arg16[%cond3A_807, %swap3A_1101, %swap3A_1102] : memref<5x128x128xf32, #tpu.memory_space<vmem>> -> memref<1x128x128xf32, #tpu.memory_space<vmem>>
            %swap3A_1104 = tpu.memref_squeeze %swap3A_1103 : memref<1x128x128xf32, #tpu.memory_space<vmem>> -> memref<128x128xf32, #tpu.memory_space<vmem>>
            %swap3A_1105 = arith.index_cast %add3A_984 : i32 to index
            %swap3A_1106 = arith.constant 80 : index
            %swap3A_1107 = tpu.vector_load %swap3A_1104[%swap3A_1105, %swap3A_1106] {strides = array<i32>} : memref<128x128xf32, #tpu.memory_space<vmem>>, vector<16xf32>,
            tpu.vector_store %swap3A_1104[%swap3A_1105, %swap3A_1106], %add3A_1100 {strides = array<i32>} : memref<128x128xf32, #tpu.memory_space<vmem>>, vector<16xf32>,
            %get3A_1108 = arith.constant 0 : i32
            %get3A_1109 = arith.constant 0 : i32
            %get3A_1110 = tpu.memref_slice %arg16[%cond3A_807, %get3A_1108, %get3A_1109] : memref<5x128x128xf32, #tpu.memory_space<vmem>> -> memref<1x128x128xf32, #tpu.memory_space<vmem>>
            %get3A_1111 = tpu.memref_squeeze %get3A_1110 : memref<1x128x128xf32, #tpu.memory_space<vmem>> -> memref<128x128xf32, #tpu.memory_space<vmem>>
            %get3A_1112 = arith.index_cast %add3A_984 : i32 to index
            %get3A_1113 = arith.constant 96 : index
            %get3A_1114 = tpu.vector_load %get3A_1111[%get3A_1112, %get3A_1113] {strides = array<i32>} : memref<128x128xf32, #tpu.memory_space<vmem>>, vector<16xf32>,
            %select_n3A_1115 = arith.select %eq3A_992, %sub3A_137, %broadcast_in_dim3A_147 : vector<16xi1>, vector<16xf32>
            %select_n3A_1116 = arith.select %eq3A_989, %sub3A_65, %select_n3A_1115 : vector<16xi1>, vector<16xf32>
            %add3A_1117 = arith.addf %get3A_1114, %select_n3A_1116 : vector<16xf32>
            %swap3A_1118 = arith.constant 0 : i32
            %swap3A_1119 = arith.constant 0 : i32
            %swap3A_1120 = tpu.memref_slice %arg16[%cond3A_807, %swap3A_1118, %swap3A_1119] : memref<5x128x128xf32, #tpu.memory_space<vmem>> -> memref<1x128x128xf32, #tpu.memory_space<vmem>>
            %swap3A_1121 = tpu.memref_squeeze %swap3A_1120 : memref<1x128x128xf32, #tpu.memory_space<vmem>> -> memref<128x128xf32, #tpu.memory_space<vmem>>
            %swap3A_1122 = arith.index_cast %add3A_984 : i32 to index
            %swap3A_1123 = arith.constant 96 : index
            %swap3A_1124 = tpu.vector_load %swap3A_1121[%swap3A_1122, %swap3A_1123] {strides = array<i32>} : memref<128x128xf32, #tpu.memory_space<vmem>>, vector<16xf32>,
            tpu.vector_store %swap3A_1121[%swap3A_1122, %swap3A_1123], %add3A_1117 {strides = array<i32>} : memref<128x128xf32, #tpu.memory_space<vmem>>, vector<16xf32>,
            %get3A_1125 = arith.constant 0 : i32
            %get3A_1126 = arith.constant 0 : i32
            %get3A_1127 = tpu.memref_slice %arg16[%cond3A_807, %get3A_1125, %get3A_1126] : memref<5x128x128xf32, #tpu.memory_space<vmem>> -> memref<1x128x128xf32, #tpu.memory_space<vmem>>
            %get3A_1128 = tpu.memref_squeeze %get3A_1127 : memref<1x128x128xf32, #tpu.memory_space<vmem>> -> memref<128x128xf32, #tpu.memory_space<vmem>>
            %get3A_1129 = arith.index_cast %add3A_984 : i32 to index
            %get3A_1130 = arith.constant 112 : index
            %get3A_1131 = tpu.vector_load %get3A_1128[%get3A_1129, %get3A_1130] {strides = array<i32>} : memref<128x128xf32, #tpu.memory_space<vmem>>, vector<16xf32>,
            %select_n3A_1132 = arith.select %eq3A_992, %sub3A_146, %broadcast_in_dim3A_147 : vector<16xi1>, vector<16xf32>
            %select_n3A_1133 = arith.select %eq3A_989, %sub3A_74, %select_n3A_1132 : vector<16xi1>, vector<16xf32>
            %add3A_1134 = arith.addf %get3A_1131, %select_n3A_1133 : vector<16xf32>
            %swap3A_1135 = arith.constant 0 : i32
            %swap3A_1136 = arith.constant 0 : i32
            %swap3A_1137 = tpu.memref_slice %arg16[%cond3A_807, %swap3A_1135, %swap3A_1136] : memref<5x128x128xf32, #tpu.memory_space<vmem>> -> memref<1x128x128xf32, #tpu.memory_space<vmem>>
            %swap3A_1138 = tpu.memref_squeeze %swap3A_1137 : memref<1x128x128xf32, #tpu.memory_space<vmem>> -> memref<128x128xf32, #tpu.memory_space<vmem>>
            %swap3A_1139 = arith.index_cast %add3A_984 : i32 to index
            %swap3A_1140 = arith.constant 112 : index
            %swap3A_1141 = tpu.vector_load %swap3A_1138[%swap3A_1139, %swap3A_1140] {strides = array<i32>} : memref<128x128xf32, #tpu.memory_space<vmem>>, vector<16xf32>,
            tpu.vector_store %swap3A_1138[%swap3A_1139, %swap3A_1140], %add3A_1134 {strides = array<i32>} : memref<128x128xf32, #tpu.memory_space<vmem>>, vector<16xf32>,
          } else {
          }
        }
        %scan3A_979 = arith.constant 128 : i32
      } else {
      }
      %add3A_810 = arith.addi %mul3A_2, %add3A_696 : i32
      %mul3A_811 = arith.constant 128 : i32
      %mul3A_812 = arith.muli %add3A_810, %mul3A_811 : i32
      %dma_start3A_813 = arith.constant 3 : i32
      %dma_start3A_814 = arith.constant 0 : i32
      %dma_start3A_815 = arith.constant 0 : i32
      %dma_start3A_816 = tpu.memref_slice %arg16[%dma_start3A_813, %dma_start3A_814, %dma_start3A_815] : memref<5x128x128xf32, #tpu.memory_space<vmem>> -> memref<1x128x128xf32, #tpu.memory_space<vmem>>
      %dma_start3A_817 = tpu.memref_squeeze %dma_start3A_816 : memref<1x128x128xf32, #tpu.memory_space<vmem>> -> memref<128x128xf32, #tpu.memory_space<vmem>>
      %dma_start3A_818 = arith.constant 0 : i32
      %dma_start3A_819 = tpu.memref_slice %arg8[%mul3A_812, %dma_start3A_818] : memref<204800x128xf32, #tpu.memory_space<hbm>> -> memref<128x128xf32, #tpu.memory_space<hbm>>
      %dma_start3A_820 = arith.constant 0 : i32
      %dma_start3A_821 = tpu.memref_slice %arg8[%mul3A_812, %dma_start3A_820] : memref<204800x128xf32, #tpu.memory_space<hbm>> -> memref<128x128xf32, #tpu.memory_space<hbm>>
      %dma_start3A_822 = arith.constant 0 : i32
      %dma_start3A_823 = arith.constant 0 : i32
      %dma_start3A_824 = tpu.memref_slice %arg16[%dma_start3A_813, %dma_start3A_822, %dma_start3A_823] : memref<5x128x128xf32, #tpu.memory_space<vmem>> -> memref<1x128x128xf32, #tpu.memory_space<vmem>>
      %dma_start3A_825 = tpu.memref_squeeze %dma_start3A_824 : memref<1x128x128xf32, #tpu.memory_space<vmem>> -> memref<128x128xf32, #tpu.memory_space<vmem>>
      tpu.enqueue_dma source(%dma_start3A_825 : memref<128x128xf32, #tpu.memory_space<vmem>>) target(%dma_start3A_821 : memref<128x128xf32, #tpu.memory_space<hbm>>) target_semaphore(%arg25 : memref<!tpu.dma_semaphore, #tpu.memory_space<semaphore_mem>>)
      %add3A_826 = arith.constant 5 : i32
      %add3A_827 = arith.addi %add3A_696, %add3A_826 : i32
      %sub3A_828 = arith.constant 2 : i32
      %sub3A_829 = arith.subi %add3A_827, %sub3A_828 : i32
      %lt3A_830 = arith.constant 50 : i32
      %lt3A_831 = arith.cmpi slt, %sub3A_829, %lt3A_830 : i32
      %convert_element_type3A_832 = arith.extui %lt3A_831 : i1 to i32
      %cond3A_833 = arith.constant 0 : i32
      %cond3A_834 = arith.cmpi ne, %convert_element_type3A_832, %cond3A_833 : i32
      scf.if %cond3A_834 {
        %ge3A = arith.constant 2 : i32
        %ge3A_975 = arith.cmpi sge, %add3A_696, %ge3A : i32
        %convert_element_type3A_976 = arith.extui %ge3A_975 : i1 to i32
        %cond3A_977 = arith.constant 0 : i32
        %cond3A_978 = arith.cmpi ne, %convert_element_type3A_976, %cond3A_977 : i32
        scf.if %cond3A_978 {
          %sub3A_1004 = arith.constant 2 : i32
          %sub3A_1005 = arith.subi %add3A_696, %sub3A_1004 : i32
          %add3A_1006 = arith.addi %mul3A_2, %sub3A_1005 : i32
          %mul3A_1007 = arith.constant 128 : i32
          %mul3A_1008 = arith.muli %add3A_1006, %mul3A_1007 : i32
          %dma_wait3A_1009 = arith.constant 1 : i32
          %dma_wait3A_1010 = arith.constant 0 : i32
          %dma_wait3A_1011 = arith.constant 0 : i32
          %dma_wait3A_1012 = tpu.memref_slice %arg16[%dma_wait3A_1009, %dma_wait3A_1010, %dma_wait3A_1011] : memref<5x128x128xf32, #tpu.memory_space<vmem>> -> memref<1x128x128xf32, #tpu.memory_space<vmem>>
          %dma_wait3A_1013 = tpu.memref_squeeze %dma_wait3A_1012 : memref<1x128x128xf32, #tpu.memory_space<vmem>> -> memref<128x128xf32, #tpu.memory_space<vmem>>
          %dma_wait3A_1014 = arith.constant 0 : i32
          %dma_wait3A_1015 = tpu.memref_slice %arg8[%mul3A_1008, %dma_wait3A_1014] : memref<204800x128xf32, #tpu.memory_space<hbm>> -> memref<128x128xf32, #tpu.memory_space<hbm>>
          %dma_wait3A_1016 = arith.constant 0 : i32
          %dma_wait3A_1017 = tpu.memref_slice %arg8[%mul3A_1008, %dma_wait3A_1016] : memref<204800x128xf32, #tpu.memory_space<hbm>> -> memref<128x128xf32, #tpu.memory_space<hbm>>
          %dma_wait3A_1018 = arith.constant 0 : i32
          %dma_wait3A_1019 = arith.constant 0 : i32
          %dma_wait3A_1020 = tpu.memref_slice %arg16[%dma_wait3A_1009, %dma_wait3A_1018, %dma_wait3A_1019] : memref<5x128x128xf32, #tpu.memory_space<vmem>> -> memref<1x128x128xf32, #tpu.memory_space<vmem>>
          %dma_wait3A_1021 = tpu.memref_squeeze %dma_wait3A_1020 : memref<1x128x128xf32, #tpu.memory_space<vmem>> -> memref<128x128xf32, #tpu.memory_space<vmem>>
          tpu.wait_dma2 semaphore(%arg23 : memref<!tpu.dma_semaphore, #tpu.memory_space<semaphore_mem>>) src(%dma_wait3A_1021 : memref<128x128xf32, #tpu.memory_space<vmem>>) dst(%dma_wait3A_1017 : memref<128x128xf32, #tpu.memory_space<hbm>>)
        } else {
        }
        %mul3A_979 = arith.constant 128 : i32
        %mul3A_980 = arith.muli %sub3A_829, %mul3A_979 : i32
        %jit3A = arith.constant 200 : i32
        %eq3A_981 = arith.constant 0 : i32
        %eq3A_982 = arith.cmpi eq, %jit3A, %eq3A_981 : i32
        %jit3A_983 = arith.constant 1 : i32
        %select_n3A = arith.select %eq3A_982, %jit3A_983, %jit3A : i32
        %rem3A = arith.remsi %mul3A_980, %select_n3A : i32
        %ne3A = arith.constant 0 : i32
        %ne3A_984 = arith.cmpi ne, %rem3A, %ne3A : i32
        %lt3A_985 = arith.constant 0 : i32
        %lt3A_986 = arith.cmpi slt, %rem3A, %lt3A_985 : i32
        %lt3A_987 = arith.constant 0 : i32
        %lt3A_988 = arith.cmpi slt, %select_n3A, %lt3A_987 : i32
        %ne3A_989 = arith.xori %lt3A_986, %lt3A_988 : i1
        %and3A = arith.andi %ne3A_989, %ne3A_984 : i1
        %add3A_990 = arith.addi %rem3A, %select_n3A : i32
        %select_n3A_991 = arith.select %and3A, %add3A_990, %rem3A : i32
        %run_scoped3A_992 = arith.constant 1 : i32
        "tpu.region"() ({
          %run_scoped3A_1004 = tpu.sem_alloc : memref<!tpu.dma_semaphore, #tpu.memory_space<semaphore_mem>>
          %dma_start3A_1005 = arith.constant 0 : i32
          %dma_start3A_1006 = arith.constant 0 : i32
          %dma_start3A_1007 = tpu.memref_slice %arg16[%run_scoped3A_992, %dma_start3A_1005, %dma_start3A_1006] : memref<5x128x128xf32, #tpu.memory_space<vmem>> -> memref<1x128x128xf32, #tpu.memory_space<vmem>>
          %dma_start3A_1008 = tpu.memref_squeeze %dma_start3A_1007 : memref<1x128x128xf32, #tpu.memory_space<vmem>> -> memref<128x128xf32, #tpu.memory_space<vmem>>
          %dma_start3A_1009 = arith.constant 0 : i32
          %dma_start3A_1010 = tpu.memref_slice %arg11[%select_n3A_991, %dma_start3A_1009] : memref<328x128xf32, #tpu.memory_space<vmem_shared>> -> memref<128x128xf32, #tpu.memory_space<vmem_shared>>
          %dma_start3A_1011 = arith.constant 0 : i32
          %dma_start3A_1012 = arith.constant 0 : i32
          %dma_start3A_1013 = tpu.memref_slice %arg16[%run_scoped3A_992, %dma_start3A_1011, %dma_start3A_1012] : memref<5x128x128xf32, #tpu.memory_space<vmem>> -> memref<1x128x128xf32, #tpu.memory_space<vmem>>
          %dma_start3A_1014 = tpu.memref_squeeze %dma_start3A_1013 : memref<1x128x128xf32, #tpu.memory_space<vmem>> -> memref<128x128xf32, #tpu.memory_space<vmem>>
          %dma_start3A_1015 = arith.constant 0 : i32
          %dma_start3A_1016 = tpu.memref_slice %arg11[%select_n3A_991, %dma_start3A_1015] : memref<328x128xf32, #tpu.memory_space<vmem_shared>> -> memref<128x128xf32, #tpu.memory_space<vmem_shared>>
          tpu.enqueue_dma source(%dma_start3A_1016 : memref<128x128xf32, #tpu.memory_space<vmem_shared>>) target(%dma_start3A_1014 : memref<128x128xf32, #tpu.memory_space<vmem>>) target_semaphore(%run_scoped3A_1004 : memref<!tpu.dma_semaphore, #tpu.memory_space<semaphore_mem>>)
          %dma_wait3A_1017 = arith.constant 0 : i32
          %dma_wait3A_1018 = arith.constant 0 : i32
          %dma_wait3A_1019 = tpu.memref_slice %arg16[%run_scoped3A_992, %dma_wait3A_1017, %dma_wait3A_1018] : memref<5x128x128xf32, #tpu.memory_space<vmem>> -> memref<1x128x128xf32, #tpu.memory_space<vmem>>
          %dma_wait3A_1020 = tpu.memref_squeeze %dma_wait3A_1019 : memref<1x128x128xf32, #tpu.memory_space<vmem>> -> memref<128x128xf32, #tpu.memory_space<vmem>>
          %dma_wait3A_1021 = arith.constant 0 : i32
          %dma_wait3A_1022 = tpu.memref_slice %arg11[%select_n3A_991, %dma_wait3A_1021] : memref<328x128xf32, #tpu.memory_space<vmem_shared>> -> memref<128x128xf32, #tpu.memory_space<vmem_shared>>
          %dma_wait3A_1023 = arith.constant 0 : i32
          %dma_wait3A_1024 = arith.constant 0 : i32
          %dma_wait3A_1025 = tpu.memref_slice %arg16[%run_scoped3A_992, %dma_wait3A_1023, %dma_wait3A_1024] : memref<5x128x128xf32, #tpu.memory_space<vmem>> -> memref<1x128x128xf32, #tpu.memory_space<vmem>>
          %dma_wait3A_1026 = tpu.memref_squeeze %dma_wait3A_1025 : memref<1x128x128xf32, #tpu.memory_space<vmem>> -> memref<128x128xf32, #tpu.memory_space<vmem>>
          %dma_wait3A_1027 = arith.constant 0 : i32
          %dma_wait3A_1028 = tpu.memref_slice %arg11[%select_n3A_991, %dma_wait3A_1027] : memref<328x128xf32, #tpu.memory_space<vmem_shared>> -> memref<128x128xf32, #tpu.memory_space<vmem_shared>>
          tpu.wait_dma2 semaphore(%run_scoped3A_1004 : memref<!tpu.dma_semaphore, #tpu.memory_space<semaphore_mem>>) src(%dma_wait3A_1028 : memref<128x128xf32, #tpu.memory_space<vmem_shared>>) dst(%dma_wait3A_1026 : memref<128x128xf32, #tpu.memory_space<vmem>>)
          tpu.yield
        }) : () -> ()
        %dma_start3A_993 = arith.constant 1 : i32
        %dma_start3A_994 = arith.constant 0 : i32
        %dma_start3A_995 = arith.constant 0 : i32
        %dma_start3A_996 = tpu.memref_slice %arg16[%dma_start3A_993, %dma_start3A_994, %dma_start3A_995] : memref<5x128x128xf32, #tpu.memory_space<vmem>> -> memref<1x128x128xf32, #tpu.memory_space<vmem>>
        %dma_start3A_997 = tpu.memref_squeeze %dma_start3A_996 : memref<1x128x128xf32, #tpu.memory_space<vmem>> -> memref<128x128xf32, #tpu.memory_space<vmem>>
        %dma_start3A_998 = arith.constant 0 : i32
        %dma_start3A_999 = tpu.memref_slice %arg10[%sub3A_829, %dma_start3A_998] : memref<50x128xi32, #tpu.memory_space<vmem>> -> memref<1x128xi32, #tpu.memory_space<vmem>>
        %dma_start3A_1000 = tpu.memref_squeeze %dma_start3A_999 : memref<1x128xi32, #tpu.memory_space<vmem>> -> memref<128xi32, #tpu.memory_space<vmem>>
        %dma_start3A_1001 = arith.constant 0 : i32
        %dma_start3A_1002 = arith.constant 0 : i32
        %dma_start3A_1003 = tpu.memref_slice %arg7[%dma_start3A_1001, %dma_start3A_1002] : memref<100000x128xf32, #tpu.memory_space<hbm>> -> memref<100000x128xf32, #tpu.memory_space<hbm>>
        tpu.enqueue_indirect_dma source(%dma_start3A_1003 : memref<100000x128xf32, #tpu.memory_space<hbm>>) target(%dma_start3A_997 : memref<128x128xf32, #tpu.memory_space<vmem>>) offsets(%dma_start3A_1000 : memref<128xi32, #tpu.memory_space<vmem>>) semaphore(%arg18 : memref<!tpu.dma_semaphore, #tpu.memory_space<semaphore_mem>>) {add = true}
      } else {
      }
      %add3A_835 = arith.constant 4 : i32
      %add3A_836 = arith.addi %add3A_277, %add3A_835 : i32
      %dma_wait3A_837 = arith.constant 4 : i32
      %dma_wait3A_838 = arith.constant 0 : i32
      %dma_wait3A_839 = arith.constant 0 : i32
      %dma_wait3A_840 = tpu.memref_slice %arg16[%dma_wait3A_837, %dma_wait3A_838, %dma_wait3A_839] : memref<5x128x128xf32, #tpu.memory_space<vmem>> -> memref<1x128x128xf32, #tpu.memory_space<vmem>>
      %dma_wait3A_841 = tpu.memref_squeeze %dma_wait3A_840 : memref<1x128x128xf32, #tpu.memory_space<vmem>> -> memref<128x128xf32, #tpu.memory_space<vmem>>
      %dma_wait3A_842 = arith.constant 0 : i32
      %dma_wait3A_843 = tpu.memref_slice %arg10[%add3A_836, %dma_wait3A_842] : memref<50x128xi32, #tpu.memory_space<vmem>> -> memref<1x128xi32, #tpu.memory_space<vmem>>
      %dma_wait3A_844 = tpu.memref_squeeze %dma_wait3A_843 : memref<1x128xi32, #tpu.memory_space<vmem>> -> memref<128xi32, #tpu.memory_space<vmem>>
      %dma_wait3A_845 = arith.constant 0 : i32
      %dma_wait3A_846 = arith.constant 0 : i32
      %dma_wait3A_847 = tpu.memref_slice %arg7[%dma_wait3A_845, %dma_wait3A_846] : memref<100000x128xf32, #tpu.memory_space<hbm>> -> memref<100000x128xf32, #tpu.memory_space<hbm>>
      tpu.wait_indirect_dma semaphore(%arg21 : memref<!tpu.dma_semaphore, #tpu.memory_space<semaphore_mem>>) src(%dma_wait3A_847 : memref<100000x128xf32, #tpu.memory_space<hbm>>) dst(%dma_wait3A_841 : memref<128x128xf32, #tpu.memory_space<vmem>>)
      %get3A_848 = arith.index_cast %add3A_836 : i32 to index
      %get3A_849 = arith.constant 0 : index
      %get3A_850 = tpu.vector_load %arg9[%get3A_848, %get3A_849] {strides = array<i32>} : memref<50x128xi32, #tpu.memory_space<vmem>>, vector<16xi32>,
      %eq3A_851 = arith.constant 0 : i32
      %eq3A_852 = vector.broadcast %eq3A_851 : i32 to vector<16xi32>
      %eq3A_853 = arith.cmpi eq, %get3A_850, %eq3A_852 : vector<16xi32>
      %eq3A_854 = arith.constant 100001 : i32
      %eq3A_855 = vector.broadcast %eq3A_854 : i32 to vector<16xi32>
      %eq3A_856 = arith.cmpi eq, %get3A_850, %eq3A_855 : vector<16xi32>
      %or3A_857 = arith.ori %eq3A_853, %eq3A_856 : vector<16xi1>
      %get3A_858 = arith.index_cast %add3A_836 : i32 to index
      %get3A_859 = arith.constant 16 : index
      %get3A_860 = tpu.vector_load %arg9[%get3A_858, %get3A_859] {strides = array<i32>} : memref<50x128xi32, #tpu.memory_space<vmem>>, vector<16xi32>,
      %eq3A_861 = arith.constant 0 : i32
      %eq3A_862 = vector.broadcast %eq3A_861 : i32 to vector<16xi32>
      %eq3A_863 = arith.cmpi eq, %get3A_860, %eq3A_862 : vector<16xi32>
      %eq3A_864 = arith.constant 100001 : i32
      %eq3A_865 = vector.broadcast %eq3A_864 : i32 to vector<16xi32>
      %eq3A_866 = arith.cmpi eq, %get3A_860, %eq3A_865 : vector<16xi32>
      %or3A_867 = arith.ori %eq3A_863, %eq3A_866 : vector<16xi1>
      %or3A_868 = arith.ori %or3A_857, %or3A_867 : vector<16xi1>
      %get3A_869 = arith.index_cast %add3A_836 : i32 to index
      %get3A_870 = arith.constant 32 : index
      %get3A_871 = tpu.vector_load %arg9[%get3A_869, %get3A_870] {strides = array<i32>} : memref<50x128xi32, #tpu.memory_space<vmem>>, vector<16xi32>,
      %eq3A_872 = arith.constant 0 : i32
      %eq3A_873 = vector.broadcast %eq3A_872 : i32 to vector<16xi32>
      %eq3A_874 = arith.cmpi eq, %get3A_871, %eq3A_873 : vector<16xi32>
      %eq3A_875 = arith.constant 100001 : i32
      %eq3A_876 = vector.broadcast %eq3A_875 : i32 to vector<16xi32>
      %eq3A_877 = arith.cmpi eq, %get3A_871, %eq3A_876 : vector<16xi32>
      %or3A_878 = arith.ori %eq3A_874, %eq3A_877 : vector<16xi1>
      %or3A_879 = arith.ori %or3A_868, %or3A_878 : vector<16xi1>
      %get3A_880 = arith.index_cast %add3A_836 : i32 to index
      %get3A_881 = arith.constant 48 : index
      %get3A_882 = tpu.vector_load %arg9[%get3A_880, %get3A_881] {strides = array<i32>} : memref<50x128xi32, #tpu.memory_space<vmem>>, vector<16xi32>,
      %eq3A_883 = arith.constant 0 : i32
      %eq3A_884 = vector.broadcast %eq3A_883 : i32 to vector<16xi32>
      %eq3A_885 = arith.cmpi eq, %get3A_882, %eq3A_884 : vector<16xi32>
      %eq3A_886 = arith.constant 100001 : i32
      %eq3A_887 = vector.broadcast %eq3A_886 : i32 to vector<16xi32>
      %eq3A_888 = arith.cmpi eq, %get3A_882, %eq3A_887 : vector<16xi32>
      %or3A_889 = arith.ori %eq3A_885, %eq3A_888 : vector<16xi1>
      %or3A_890 = arith.ori %or3A_879, %or3A_889 : vector<16xi1>
      %get3A_891 = arith.index_cast %add3A_836 : i32 to index
      %get3A_892 = arith.constant 64 : index
      %get3A_893 = tpu.vector_load %arg9[%get3A_891, %get3A_892] {strides = array<i32>} : memref<50x128xi32, #tpu.memory_space<vmem>>, vector<16xi32>,
      %eq3A_894 = arith.constant 0 : i32
      %eq3A_895 = vector.broadcast %eq3A_894 : i32 to vector<16xi32>
      %eq3A_896 = arith.cmpi eq, %get3A_893, %eq3A_895 : vector<16xi32>
      %eq3A_897 = arith.constant 100001 : i32
      %eq3A_898 = vector.broadcast %eq3A_897 : i32 to vector<16xi32>
      %eq3A_899 = arith.cmpi eq, %get3A_893, %eq3A_898 : vector<16xi32>
      %or3A_900 = arith.ori %eq3A_896, %eq3A_899 : vector<16xi1>
      %or3A_901 = arith.ori %or3A_890, %or3A_900 : vector<16xi1>
      %get3A_902 = arith.index_cast %add3A_836 : i32 to index
      %get3A_903 = arith.constant 80 : index
      %get3A_904 = tpu.vector_load %arg9[%get3A_902, %get3A_903] {strides = array<i32>} : memref<50x128xi32, #tpu.memory_space<vmem>>, vector<16xi32>,
      %eq3A_905 = arith.constant 0 : i32
      %eq3A_906 = vector.broadcast %eq3A_905 : i32 to vector<16xi32>
      %eq3A_907 = arith.cmpi eq, %get3A_904, %eq3A_906 : vector<16xi32>
      %eq3A_908 = arith.constant 100001 : i32
      %eq3A_909 = vector.broadcast %eq3A_908 : i32 to vector<16xi32>
      %eq3A_910 = arith.cmpi eq, %get3A_904, %eq3A_909 : vector<16xi32>
      %or3A_911 = arith.ori %eq3A_907, %eq3A_910 : vector<16xi1>
      %or3A_912 = arith.ori %or3A_901, %or3A_911 : vector<16xi1>
      %get3A_913 = arith.index_cast %add3A_836 : i32 to index
      %get3A_914 = arith.constant 96 : index
      %get3A_915 = tpu.vector_load %arg9[%get3A_913, %get3A_914] {strides = array<i32>} : memref<50x128xi32, #tpu.memory_space<vmem>>, vector<16xi32>,
      %eq3A_916 = arith.constant 0 : i32
      %eq3A_917 = vector.broadcast %eq3A_916 : i32 to vector<16xi32>
      %eq3A_918 = arith.cmpi eq, %get3A_915, %eq3A_917 : vector<16xi32>
      %eq3A_919 = arith.constant 100001 : i32
      %eq3A_920 = vector.broadcast %eq3A_919 : i32 to vector<16xi32>
      %eq3A_921 = arith.cmpi eq, %get3A_915, %eq3A_920 : vector<16xi32>
      %or3A_922 = arith.ori %eq3A_918, %eq3A_921 : vector<16xi1>
      %or3A_923 = arith.ori %or3A_912, %or3A_922 : vector<16xi1>
      %get3A_924 = arith.index_cast %add3A_836 : i32 to index
      %get3A_925 = arith.constant 112 : index
      %get3A_926 = tpu.vector_load %arg9[%get3A_924, %get3A_925] {strides = array<i32>} : memref<50x128xi32, #tpu.memory_space<vmem>>, vector<16xi32>,
      %eq3A_927 = arith.constant 0 : i32
      %eq3A_928 = vector.broadcast %eq3A_927 : i32 to vector<16xi32>
      %eq3A_929 = arith.cmpi eq, %get3A_926, %eq3A_928 : vector<16xi32>
      %eq3A_930 = arith.constant 100001 : i32
      %eq3A_931 = vector.broadcast %eq3A_930 : i32 to vector<16xi32>
      %eq3A_932 = arith.cmpi eq, %get3A_926, %eq3A_931 : vector<16xi32>
      %or3A_933 = arith.ori %eq3A_929, %eq3A_932 : vector<16xi1>
      %or3A_934 = arith.ori %or3A_923, %or3A_933 : vector<16xi1>
      %reduce_or3A_935 = arith.constant 1.000000e+00 : f32
      %reduce_or3A_936 = arith.constant 0.000000e+00 : f32
      %reduce_or3A_937 = vector.broadcast %reduce_or3A_935 : f32 to vector<16xf32>
      %reduce_or3A_938 = vector.broadcast %reduce_or3A_936 : f32 to vector<16xf32>
      %reduce_or3A_939 = arith.select %or3A_934, %reduce_or3A_937, %reduce_or3A_938 : vector<16xi1>, vector<16xf32>
      %reduce_or3A_940 = arith.constant true
      %reduce_or3A_941 = vector.broadcast %reduce_or3A_940 : i1 to vector<16xi1>
      %reduce_or3A_942 = tpu.scan <max>, %reduce_or3A_939 masked %reduce_or3A_941 : vector<16xf32>, vector<16xi1> -> vector<16xf32>
      %reduce_or3A_943 = vector.extract %reduce_or3A_942[15] : f32 from vector<16xf32>
      %reduce_or3A_944 = arith.constant 0.000000e+00 : f32
      %reduce_or3A_945 = arith.cmpf ogt, %reduce_or3A_943, %reduce_or3A_944 : f32
      %convert_element_type3A_946 = arith.extui %reduce_or3A_945 : i1 to i32
      %cond3A_947 = arith.constant 4 : i32
      %cond3A_948 = arith.constant 0 : i32
      %cond3A_949 = arith.cmpi ne, %convert_element_type3A_946, %cond3A_948 : i32
      scf.if %cond3A_949 {
        %scan3A_975 = arith.constant 0 : i32
        %scan3A_976 = arith.constant 128 : i32
        %scan3A_977 = arith.addi %scan3A_975, %scan3A_976 : i32
        %scan3A_978 = arith.constant 1 : i32
        scf.for %scan3A_980 = %scan3A_975 to %scan3A_977 step %scan3A_978  : i32 {
          %mul3A_981 = arith.constant 1 : i32
          %mul3A_982 = arith.muli %scan3A_980, %mul3A_981 : i32
          %add3A_983 = arith.constant 0 : i32
          %add3A_984 = arith.addi %add3A_983, %mul3A_982 : i32
          %broadcast_in_dim3A_985 = vector.broadcast %add3A_836 : i32 to vector<16xi32>
          %broadcast_in_dim3A_986 = vector.broadcast %add3A_984 : i32 to vector<16xi32>
          %gather3A = tpu.vector_load_idx %arg9[%broadcast_in_dim3A_985, %broadcast_in_dim3A_986] : memref<50x128xi32, #tpu.memory_space<vmem>>[vector<16xi32>, vector<16xi32>], vector<16xi32>,
          %eq3A_987 = arith.constant 0 : i32
          %eq3A_988 = vector.broadcast %eq3A_987 : i32 to vector<16xi32>
          %eq3A_989 = arith.cmpi eq, %gather3A, %eq3A_988 : vector<16xi32>
          %eq3A_990 = arith.constant 100001 : i32
          %eq3A_991 = vector.broadcast %eq3A_990 : i32 to vector<16xi32>
          %eq3A_992 = arith.cmpi eq, %gather3A, %eq3A_991 : vector<16xi32>
          %or3A_993 = arith.ori %eq3A_989, %eq3A_992 : vector<16xi1>
          %reduce_or3A_994 = arith.constant 1.000000e+00 : f32
          %reduce_or3A_995 = arith.constant 0.000000e+00 : f32
          %reduce_or3A_996 = vector.broadcast %reduce_or3A_994 : f32 to vector<16xf32>
          %reduce_or3A_997 = vector.broadcast %reduce_or3A_995 : f32 to vector<16xf32>
          %reduce_or3A_998 = arith.select %or3A_993, %reduce_or3A_996, %reduce_or3A_997 : vector<16xi1>, vector<16xf32>
          %reduce_or3A_999 = arith.constant true
          %reduce_or3A_1000 = vector.broadcast %reduce_or3A_999 : i1 to vector<16xi1>
          %reduce_or3A_1001 = tpu.scan <max>, %reduce_or3A_998 masked %reduce_or3A_1000 : vector<16xf32>, vector<16xi1> -> vector<16xf32>
          %reduce_or3A_1002 = vector.extract %reduce_or3A_1001[15] : f32 from vector<16xf32>
          %reduce_or3A_1003 = arith.constant 0.000000e+00 : f32
          %reduce_or3A_1004 = arith.cmpf ogt, %reduce_or3A_1002, %reduce_or3A_1003 : f32
          %convert_element_type3A_1005 = arith.extui %reduce_or3A_1004 : i1 to i32
          %cond3A_1006 = arith.constant 0 : i32
          %cond3A_1007 = arith.cmpi ne, %convert_element_type3A_1005, %cond3A_1006 : i32
          scf.if %cond3A_1007 {
            %get3A_1008 = arith.constant 0 : i32
            %get3A_1009 = arith.constant 0 : i32
            %get3A_1010 = tpu.memref_slice %arg16[%cond3A_947, %get3A_1008, %get3A_1009] : memref<5x128x128xf32, #tpu.memory_space<vmem>> -> memref<1x128x128xf32, #tpu.memory_space<vmem>>
            %get3A_1011 = tpu.memref_squeeze %get3A_1010 : memref<1x128x128xf32, #tpu.memory_space<vmem>> -> memref<128x128xf32, #tpu.memory_space<vmem>>
            %get3A_1012 = arith.index_cast %add3A_984 : i32 to index
            %get3A_1013 = arith.constant 0 : index
            %get3A_1014 = tpu.vector_load %get3A_1011[%get3A_1012, %get3A_1013] {strides = array<i32>} : memref<128x128xf32, #tpu.memory_space<vmem>>, vector<16xf32>,
            %select_n3A = arith.select %eq3A_992, %sub3A_83, %broadcast_in_dim3A_147 : vector<16xi1>, vector<16xf32>
            %select_n3A_1015 = arith.select %eq3A_989, %sub3A, %select_n3A : vector<16xi1>, vector<16xf32>
            %add3A_1016 = arith.addf %get3A_1014, %select_n3A_1015 : vector<16xf32>
            %swap3A = arith.constant 0 : i32
            %swap3A_1017 = arith.constant 0 : i32
            %swap3A_1018 = tpu.memref_slice %arg16[%cond3A_947, %swap3A, %swap3A_1017] : memref<5x128x128xf32, #tpu.memory_space<vmem>> -> memref<1x128x128xf32, #tpu.memory_space<vmem>>
            %swap3A_1019 = tpu.memref_squeeze %swap3A_1018 : memref<1x128x128xf32, #tpu.memory_space<vmem>> -> memref<128x128xf32, #tpu.memory_space<vmem>>
            %swap3A_1020 = arith.index_cast %add3A_984 : i32 to index
            %swap3A_1021 = arith.constant 0 : index
            %swap3A_1022 = tpu.vector_load %swap3A_1019[%swap3A_1020, %swap3A_1021] {strides = array<i32>} : memref<128x128xf32, #tpu.memory_space<vmem>>, vector<16xf32>,
            tpu.vector_store %swap3A_1019[%swap3A_1020, %swap3A_1021], %add3A_1016 {strides = array<i32>} : memref<128x128xf32, #tpu.memory_space<vmem>>, vector<16xf32>,
            %get3A_1023 = arith.constant 0 : i32
            %get3A_1024 = arith.constant 0 : i32
            %get3A_1025 = tpu.memref_slice %arg16[%cond3A_947, %get3A_1023, %get3A_1024] : memref<5x128x128xf32, #tpu.memory_space<vmem>> -> memref<1x128x128xf32, #tpu.memory_space<vmem>>
            %get3A_1026 = tpu.memref_squeeze %get3A_1025 : memref<1x128x128xf32, #tpu.memory_space<vmem>> -> memref<128x128xf32, #tpu.memory_space<vmem>>
            %get3A_1027 = arith.index_cast %add3A_984 : i32 to index
            %get3A_1028 = arith.constant 16 : index
            %get3A_1029 = tpu.vector_load %get3A_1026[%get3A_1027, %get3A_1028] {strides = array<i32>} : memref<128x128xf32, #tpu.memory_space<vmem>>, vector<16xf32>,
            %select_n3A_1030 = arith.select %eq3A_992, %sub3A_92, %broadcast_in_dim3A_147 : vector<16xi1>, vector<16xf32>
            %select_n3A_1031 = arith.select %eq3A_989, %sub3A_20, %select_n3A_1030 : vector<16xi1>, vector<16xf32>
            %add3A_1032 = arith.addf %get3A_1029, %select_n3A_1031 : vector<16xf32>
            %swap3A_1033 = arith.constant 0 : i32
            %swap3A_1034 = arith.constant 0 : i32
            %swap3A_1035 = tpu.memref_slice %arg16[%cond3A_947, %swap3A_1033, %swap3A_1034] : memref<5x128x128xf32, #tpu.memory_space<vmem>> -> memref<1x128x128xf32, #tpu.memory_space<vmem>>
            %swap3A_1036 = tpu.memref_squeeze %swap3A_1035 : memref<1x128x128xf32, #tpu.memory_space<vmem>> -> memref<128x128xf32, #tpu.memory_space<vmem>>
            %swap3A_1037 = arith.index_cast %add3A_984 : i32 to index
            %swap3A_1038 = arith.constant 16 : index
            %swap3A_1039 = tpu.vector_load %swap3A_1036[%swap3A_1037, %swap3A_1038] {strides = array<i32>} : memref<128x128xf32, #tpu.memory_space<vmem>>, vector<16xf32>,
            tpu.vector_store %swap3A_1036[%swap3A_1037, %swap3A_1038], %add3A_1032 {strides = array<i32>} : memref<128x128xf32, #tpu.memory_space<vmem>>, vector<16xf32>,
            %get3A_1040 = arith.constant 0 : i32
            %get3A_1041 = arith.constant 0 : i32
            %get3A_1042 = tpu.memref_slice %arg16[%cond3A_947, %get3A_1040, %get3A_1041] : memref<5x128x128xf32, #tpu.memory_space<vmem>> -> memref<1x128x128xf32, #tpu.memory_space<vmem>>
            %get3A_1043 = tpu.memref_squeeze %get3A_1042 : memref<1x128x128xf32, #tpu.memory_space<vmem>> -> memref<128x128xf32, #tpu.memory_space<vmem>>
            %get3A_1044 = arith.index_cast %add3A_984 : i32 to index
            %get3A_1045 = arith.constant 32 : index
            %get3A_1046 = tpu.vector_load %get3A_1043[%get3A_1044, %get3A_1045] {strides = array<i32>} : memref<128x128xf32, #tpu.memory_space<vmem>>, vector<16xf32>,
            %select_n3A_1047 = arith.select %eq3A_992, %sub3A_101, %broadcast_in_dim3A_147 : vector<16xi1>, vector<16xf32>
            %select_n3A_1048 = arith.select %eq3A_989, %sub3A_29, %select_n3A_1047 : vector<16xi1>, vector<16xf32>
            %add3A_1049 = arith.addf %get3A_1046, %select_n3A_1048 : vector<16xf32>
            %swap3A_1050 = arith.constant 0 : i32
            %swap3A_1051 = arith.constant 0 : i32
            %swap3A_1052 = tpu.memref_slice %arg16[%cond3A_947, %swap3A_1050, %swap3A_1051] : memref<5x128x128xf32, #tpu.memory_space<vmem>> -> memref<1x128x128xf32, #tpu.memory_space<vmem>>
            %swap3A_1053 = tpu.memref_squeeze %swap3A_1052 : memref<1x128x128xf32, #tpu.memory_space<vmem>> -> memref<128x128xf32, #tpu.memory_space<vmem>>
            %swap3A_1054 = arith.index_cast %add3A_984 : i32 to index
            %swap3A_1055 = arith.constant 32 : index
            %swap3A_1056 = tpu.vector_load %swap3A_1053[%swap3A_1054, %swap3A_1055] {strides = array<i32>} : memref<128x128xf32, #tpu.memory_space<vmem>>, vector<16xf32>,
            tpu.vector_store %swap3A_1053[%swap3A_1054, %swap3A_1055], %add3A_1049 {strides = array<i32>} : memref<128x128xf32, #tpu.memory_space<vmem>>, vector<16xf32>,
            %get3A_1057 = arith.constant 0 : i32
            %get3A_1058 = arith.constant 0 : i32
            %get3A_1059 = tpu.memref_slice %arg16[%cond3A_947, %get3A_1057, %get3A_1058] : memref<5x128x128xf32, #tpu.memory_space<vmem>> -> memref<1x128x128xf32, #tpu.memory_space<vmem>>
            %get3A_1060 = tpu.memref_squeeze %get3A_1059 : memref<1x128x128xf32, #tpu.memory_space<vmem>> -> memref<128x128xf32, #tpu.memory_space<vmem>>
            %get3A_1061 = arith.index_cast %add3A_984 : i32 to index
            %get3A_1062 = arith.constant 48 : index
            %get3A_1063 = tpu.vector_load %get3A_1060[%get3A_1061, %get3A_1062] {strides = array<i32>} : memref<128x128xf32, #tpu.memory_space<vmem>>, vector<16xf32>,
            %select_n3A_1064 = arith.select %eq3A_992, %sub3A_110, %broadcast_in_dim3A_147 : vector<16xi1>, vector<16xf32>
            %select_n3A_1065 = arith.select %eq3A_989, %sub3A_38, %select_n3A_1064 : vector<16xi1>, vector<16xf32>
            %add3A_1066 = arith.addf %get3A_1063, %select_n3A_1065 : vector<16xf32>
            %swap3A_1067 = arith.constant 0 : i32
            %swap3A_1068 = arith.constant 0 : i32
            %swap3A_1069 = tpu.memref_slice %arg16[%cond3A_947, %swap3A_1067, %swap3A_1068] : memref<5x128x128xf32, #tpu.memory_space<vmem>> -> memref<1x128x128xf32, #tpu.memory_space<vmem>>
            %swap3A_1070 = tpu.memref_squeeze %swap3A_1069 : memref<1x128x128xf32, #tpu.memory_space<vmem>> -> memref<128x128xf32, #tpu.memory_space<vmem>>
            %swap3A_1071 = arith.index_cast %add3A_984 : i32 to index
            %swap3A_1072 = arith.constant 48 : index
            %swap3A_1073 = tpu.vector_load %swap3A_1070[%swap3A_1071, %swap3A_1072] {strides = array<i32>} : memref<128x128xf32, #tpu.memory_space<vmem>>, vector<16xf32>,
            tpu.vector_store %swap3A_1070[%swap3A_1071, %swap3A_1072], %add3A_1066 {strides = array<i32>} : memref<128x128xf32, #tpu.memory_space<vmem>>, vector<16xf32>,
            %get3A_1074 = arith.constant 0 : i32
            %get3A_1075 = arith.constant 0 : i32
            %get3A_1076 = tpu.memref_slice %arg16[%cond3A_947, %get3A_1074, %get3A_1075] : memref<5x128x128xf32, #tpu.memory_space<vmem>> -> memref<1x128x128xf32, #tpu.memory_space<vmem>>
            %get3A_1077 = tpu.memref_squeeze %get3A_1076 : memref<1x128x128xf32, #tpu.memory_space<vmem>> -> memref<128x128xf32, #tpu.memory_space<vmem>>
            %get3A_1078 = arith.index_cast %add3A_984 : i32 to index
            %get3A_1079 = arith.constant 64 : index
            %get3A_1080 = tpu.vector_load %get3A_1077[%get3A_1078, %get3A_1079] {strides = array<i32>} : memref<128x128xf32, #tpu.memory_space<vmem>>, vector<16xf32>,
            %select_n3A_1081 = arith.select %eq3A_992, %sub3A_119, %broadcast_in_dim3A_147 : vector<16xi1>, vector<16xf32>
            %select_n3A_1082 = arith.select %eq3A_989, %sub3A_47, %select_n3A_1081 : vector<16xi1>, vector<16xf32>
            %add3A_1083 = arith.addf %get3A_1080, %select_n3A_1082 : vector<16xf32>
            %swap3A_1084 = arith.constant 0 : i32
            %swap3A_1085 = arith.constant 0 : i32
            %swap3A_1086 = tpu.memref_slice %arg16[%cond3A_947, %swap3A_1084, %swap3A_1085] : memref<5x128x128xf32, #tpu.memory_space<vmem>> -> memref<1x128x128xf32, #tpu.memory_space<vmem>>
            %swap3A_1087 = tpu.memref_squeeze %swap3A_1086 : memref<1x128x128xf32, #tpu.memory_space<vmem>> -> memref<128x128xf32, #tpu.memory_space<vmem>>
            %swap3A_1088 = arith.index_cast %add3A_984 : i32 to index
            %swap3A_1089 = arith.constant 64 : index
            %swap3A_1090 = tpu.vector_load %swap3A_1087[%swap3A_1088, %swap3A_1089] {strides = array<i32>} : memref<128x128xf32, #tpu.memory_space<vmem>>, vector<16xf32>,
            tpu.vector_store %swap3A_1087[%swap3A_1088, %swap3A_1089], %add3A_1083 {strides = array<i32>} : memref<128x128xf32, #tpu.memory_space<vmem>>, vector<16xf32>,
            %get3A_1091 = arith.constant 0 : i32
            %get3A_1092 = arith.constant 0 : i32
            %get3A_1093 = tpu.memref_slice %arg16[%cond3A_947, %get3A_1091, %get3A_1092] : memref<5x128x128xf32, #tpu.memory_space<vmem>> -> memref<1x128x128xf32, #tpu.memory_space<vmem>>
            %get3A_1094 = tpu.memref_squeeze %get3A_1093 : memref<1x128x128xf32, #tpu.memory_space<vmem>> -> memref<128x128xf32, #tpu.memory_space<vmem>>
            %get3A_1095 = arith.index_cast %add3A_984 : i32 to index
            %get3A_1096 = arith.constant 80 : index
            %get3A_1097 = tpu.vector_load %get3A_1094[%get3A_1095, %get3A_1096] {strides = array<i32>} : memref<128x128xf32, #tpu.memory_space<vmem>>, vector<16xf32>,
            %select_n3A_1098 = arith.select %eq3A_992, %sub3A_128, %broadcast_in_dim3A_147 : vector<16xi1>, vector<16xf32>
            %select_n3A_1099 = arith.select %eq3A_989, %sub3A_56, %select_n3A_1098 : vector<16xi1>, vector<16xf32>
            %add3A_1100 = arith.addf %get3A_1097, %select_n3A_1099 : vector<16xf32>
            %swap3A_1101 = arith.constant 0 : i32
            %swap3A_1102 = arith.constant 0 : i32
            %swap3A_1103 = tpu.memref_slice %arg16[%cond3A_947, %swap3A_1101, %swap3A_1102] : memref<5x128x128xf32, #tpu.memory_space<vmem>> -> memref<1x128x128xf32, #tpu.memory_space<vmem>>
            %swap3A_1104 = tpu.memref_squeeze %swap3A_1103 : memref<1x128x128xf32, #tpu.memory_space<vmem>> -> memref<128x128xf32, #tpu.memory_space<vmem>>
            %swap3A_1105 = arith.index_cast %add3A_984 : i32 to index
            %swap3A_1106 = arith.constant 80 : index
            %swap3A_1107 = tpu.vector_load %swap3A_1104[%swap3A_1105, %swap3A_1106] {strides = array<i32>} : memref<128x128xf32, #tpu.memory_space<vmem>>, vector<16xf32>,
            tpu.vector_store %swap3A_1104[%swap3A_1105, %swap3A_1106], %add3A_1100 {strides = array<i32>} : memref<128x128xf32, #tpu.memory_space<vmem>>, vector<16xf32>,
            %get3A_1108 = arith.constant 0 : i32
            %get3A_1109 = arith.constant 0 : i32
            %get3A_1110 = tpu.memref_slice %arg16[%cond3A_947, %get3A_1108, %get3A_1109] : memref<5x128x128xf32, #tpu.memory_space<vmem>> -> memref<1x128x128xf32, #tpu.memory_space<vmem>>
            %get3A_1111 = tpu.memref_squeeze %get3A_1110 : memref<1x128x128xf32, #tpu.memory_space<vmem>> -> memref<128x128xf32, #tpu.memory_space<vmem>>
            %get3A_1112 = arith.index_cast %add3A_984 : i32 to index
            %get3A_1113 = arith.constant 96 : index
            %get3A_1114 = tpu.vector_load %get3A_1111[%get3A_1112, %get3A_1113] {strides = array<i32>} : memref<128x128xf32, #tpu.memory_space<vmem>>, vector<16xf32>,
            %select_n3A_1115 = arith.select %eq3A_992, %sub3A_137, %broadcast_in_dim3A_147 : vector<16xi1>, vector<16xf32>
            %select_n3A_1116 = arith.select %eq3A_989, %sub3A_65, %select_n3A_1115 : vector<16xi1>, vector<16xf32>
            %add3A_1117 = arith.addf %get3A_1114, %select_n3A_1116 : vector<16xf32>
            %swap3A_1118 = arith.constant 0 : i32
            %swap3A_1119 = arith.constant 0 : i32
            %swap3A_1120 = tpu.memref_slice %arg16[%cond3A_947, %swap3A_1118, %swap3A_1119] : memref<5x128x128xf32, #tpu.memory_space<vmem>> -> memref<1x128x128xf32, #tpu.memory_space<vmem>>
            %swap3A_1121 = tpu.memref_squeeze %swap3A_1120 : memref<1x128x128xf32, #tpu.memory_space<vmem>> -> memref<128x128xf32, #tpu.memory_space<vmem>>
            %swap3A_1122 = arith.index_cast %add3A_984 : i32 to index
            %swap3A_1123 = arith.constant 96 : index
            %swap3A_1124 = tpu.vector_load %swap3A_1121[%swap3A_1122, %swap3A_1123] {strides = array<i32>} : memref<128x128xf32, #tpu.memory_space<vmem>>, vector<16xf32>,
            tpu.vector_store %swap3A_1121[%swap3A_1122, %swap3A_1123], %add3A_1117 {strides = array<i32>} : memref<128x128xf32, #tpu.memory_space<vmem>>, vector<16xf32>,
            %get3A_1125 = arith.constant 0 : i32
            %get3A_1126 = arith.constant 0 : i32
            %get3A_1127 = tpu.memref_slice %arg16[%cond3A_947, %get3A_1125, %get3A_1126] : memref<5x128x128xf32, #tpu.memory_space<vmem>> -> memref<1x128x128xf32, #tpu.memory_space<vmem>>
            %get3A_1128 = tpu.memref_squeeze %get3A_1127 : memref<1x128x128xf32, #tpu.memory_space<vmem>> -> memref<128x128xf32, #tpu.memory_space<vmem>>
            %get3A_1129 = arith.index_cast %add3A_984 : i32 to index
            %get3A_1130 = arith.constant 112 : index
            %get3A_1131 = tpu.vector_load %get3A_1128[%get3A_1129, %get3A_1130] {strides = array<i32>} : memref<128x128xf32, #tpu.memory_space<vmem>>, vector<16xf32>,
            %select_n3A_1132 = arith.select %eq3A_992, %sub3A_146, %broadcast_in_dim3A_147 : vector<16xi1>, vector<16xf32>
            %select_n3A_1133 = arith.select %eq3A_989, %sub3A_74, %select_n3A_1132 : vector<16xi1>, vector<16xf32>
            %add3A_1134 = arith.addf %get3A_1131, %select_n3A_1133 : vector<16xf32>
            %swap3A_1135 = arith.constant 0 : i32
            %swap3A_1136 = arith.constant 0 : i32
            %swap3A_1137 = tpu.memref_slice %arg16[%cond3A_947, %swap3A_1135, %swap3A_1136] : memref<5x128x128xf32, #tpu.memory_space<vmem>> -> memref<1x128x128xf32, #tpu.memory_space<vmem>>
            %swap3A_1138 = tpu.memref_squeeze %swap3A_1137 : memref<1x128x128xf32, #tpu.memory_space<vmem>> -> memref<128x128xf32, #tpu.memory_space<vmem>>
            %swap3A_1139 = arith.index_cast %add3A_984 : i32 to index
            %swap3A_1140 = arith.constant 112 : index
            %swap3A_1141 = tpu.vector_load %swap3A_1138[%swap3A_1139, %swap3A_1140] {strides = array<i32>} : memref<128x128xf32, #tpu.memory_space<vmem>>, vector<16xf32>,
            tpu.vector_store %swap3A_1138[%swap3A_1139, %swap3A_1140], %add3A_1134 {strides = array<i32>} : memref<128x128xf32, #tpu.memory_space<vmem>>, vector<16xf32>,
          } else {
          }
        }
        %scan3A_979 = arith.constant 128 : i32
      } else {
      }
      %add3A_950 = arith.addi %mul3A_2, %add3A_836 : i32
      %mul3A_951 = arith.constant 128 : i32
      %mul3A_952 = arith.muli %add3A_950, %mul3A_951 : i32
      %dma_start3A_953 = arith.constant 4 : i32
      %dma_start3A_954 = arith.constant 0 : i32
      %dma_start3A_955 = arith.constant 0 : i32
      %dma_start3A_956 = tpu.memref_slice %arg16[%dma_start3A_953, %dma_start3A_954, %dma_start3A_955] : memref<5x128x128xf32, #tpu.memory_space<vmem>> -> memref<1x128x128xf32, #tpu.memory_space<vmem>>
      %dma_start3A_957 = tpu.memref_squeeze %dma_start3A_956 : memref<1x128x128xf32, #tpu.memory_space<vmem>> -> memref<128x128xf32, #tpu.memory_space<vmem>>
      %dma_start3A_958 = arith.constant 0 : i32
      %dma_start3A_959 = tpu.memref_slice %arg8[%mul3A_952, %dma_start3A_958] : memref<204800x128xf32, #tpu.memory_space<hbm>> -> memref<128x128xf32, #tpu.memory_space<hbm>>
      %dma_start3A_960 = arith.constant 0 : i32
      %dma_start3A_961 = tpu.memref_slice %arg8[%mul3A_952, %dma_start3A_960] : memref<204800x128xf32, #tpu.memory_space<hbm>> -> memref<128x128xf32, #tpu.memory_space<hbm>>
      %dma_start3A_962 = arith.constant 0 : i32
      %dma_start3A_963 = arith.constant 0 : i32
      %dma_start3A_964 = tpu.memref_slice %arg16[%dma_start3A_953, %dma_start3A_962, %dma_start3A_963] : memref<5x128x128xf32, #tpu.memory_space<vmem>> -> memref<1x128x128xf32, #tpu.memory_space<vmem>>
      %dma_start3A_965 = tpu.memref_squeeze %dma_start3A_964 : memref<1x128x128xf32, #tpu.memory_space<vmem>> -> memref<128x128xf32, #tpu.memory_space<vmem>>
      tpu.enqueue_dma source(%dma_start3A_965 : memref<128x128xf32, #tpu.memory_space<vmem>>) target(%dma_start3A_961 : memref<128x128xf32, #tpu.memory_space<hbm>>) target_semaphore(%arg26 : memref<!tpu.dma_semaphore, #tpu.memory_space<semaphore_mem>>)
      %add3A_966 = arith.constant 5 : i32
      %add3A_967 = arith.addi %add3A_836, %add3A_966 : i32
      %sub3A_968 = arith.constant 2 : i32
      %sub3A_969 = arith.subi %add3A_967, %sub3A_968 : i32
      %lt3A_970 = arith.constant 50 : i32
      %lt3A_971 = arith.cmpi slt, %sub3A_969, %lt3A_970 : i32
      %convert_element_type3A_972 = arith.extui %lt3A_971 : i1 to i32
      %cond3A_973 = arith.constant 0 : i32
      %cond3A_974 = arith.cmpi ne, %convert_element_type3A_972, %cond3A_973 : i32
      scf.if %cond3A_974 {
        %ge3A = arith.constant 2 : i32
        %ge3A_975 = arith.cmpi sge, %add3A_836, %ge3A : i32
        %convert_element_type3A_976 = arith.extui %ge3A_975 : i1 to i32
        %cond3A_977 = arith.constant 0 : i32
        %cond3A_978 = arith.cmpi ne, %convert_element_type3A_976, %cond3A_977 : i32
        scf.if %cond3A_978 {
          %sub3A_1004 = arith.constant 2 : i32
          %sub3A_1005 = arith.subi %add3A_836, %sub3A_1004 : i32
          %add3A_1006 = arith.addi %mul3A_2, %sub3A_1005 : i32
          %mul3A_1007 = arith.constant 128 : i32
          %mul3A_1008 = arith.muli %add3A_1006, %mul3A_1007 : i32
          %dma_wait3A_1009 = arith.constant 2 : i32
          %dma_wait3A_1010 = arith.constant 0 : i32
          %dma_wait3A_1011 = arith.constant 0 : i32
          %dma_wait3A_1012 = tpu.memref_slice %arg16[%dma_wait3A_1009, %dma_wait3A_1010, %dma_wait3A_1011] : memref<5x128x128xf32, #tpu.memory_space<vmem>> -> memref<1x128x128xf32, #tpu.memory_space<vmem>>
          %dma_wait3A_1013 = tpu.memref_squeeze %dma_wait3A_1012 : memref<1x128x128xf32, #tpu.memory_space<vmem>> -> memref<128x128xf32, #tpu.memory_space<vmem>>
          %dma_wait3A_1014 = arith.constant 0 : i32
          %dma_wait3A_1015 = tpu.memref_slice %arg8[%mul3A_1008, %dma_wait3A_1014] : memref<204800x128xf32, #tpu.memory_space<hbm>> -> memref<128x128xf32, #tpu.memory_space<hbm>>
          %dma_wait3A_1016 = arith.constant 0 : i32
          %dma_wait3A_1017 = tpu.memref_slice %arg8[%mul3A_1008, %dma_wait3A_1016] : memref<204800x128xf32, #tpu.memory_space<hbm>> -> memref<128x128xf32, #tpu.memory_space<hbm>>
          %dma_wait3A_1018 = arith.constant 0 : i32
          %dma_wait3A_1019 = arith.constant 0 : i32
          %dma_wait3A_1020 = tpu.memref_slice %arg16[%dma_wait3A_1009, %dma_wait3A_1018, %dma_wait3A_1019] : memref<5x128x128xf32, #tpu.memory_space<vmem>> -> memref<1x128x128xf32, #tpu.memory_space<vmem>>
          %dma_wait3A_1021 = tpu.memref_squeeze %dma_wait3A_1020 : memref<1x128x128xf32, #tpu.memory_space<vmem>> -> memref<128x128xf32, #tpu.memory_space<vmem>>
          tpu.wait_dma2 semaphore(%arg24 : memref<!tpu.dma_semaphore, #tpu.memory_space<semaphore_mem>>) src(%dma_wait3A_1021 : memref<128x128xf32, #tpu.memory_space<vmem>>) dst(%dma_wait3A_1017 : memref<128x128xf32, #tpu.memory_space<hbm>>)
        } else {
        }
        %mul3A_979 = arith.constant 128 : i32
        %mul3A_980 = arith.muli %sub3A_969, %mul3A_979 : i32
        %jit3A = arith.constant 200 : i32
        %eq3A_981 = arith.constant 0 : i32
        %eq3A_982 = arith.cmpi eq, %jit3A, %eq3A_981 : i32
        %jit3A_983 = arith.constant 1 : i32
        %select_n3A = arith.select %eq3A_982, %jit3A_983, %jit3A : i32
        %rem3A = arith.remsi %mul3A_980, %select_n3A : i32
        %ne3A = arith.constant 0 : i32
        %ne3A_984 = arith.cmpi ne, %rem3A, %ne3A : i32
        %lt3A_985 = arith.constant 0 : i32
        %lt3A_986 = arith.cmpi slt, %rem3A, %lt3A_985 : i32
        %lt3A_987 = arith.constant 0 : i32
        %lt3A_988 = arith.cmpi slt, %select_n3A, %lt3A_987 : i32
        %ne3A_989 = arith.xori %lt3A_986, %lt3A_988 : i1
        %and3A = arith.andi %ne3A_989, %ne3A_984 : i1
        %add3A_990 = arith.addi %rem3A, %select_n3A : i32
        %select_n3A_991 = arith.select %and3A, %add3A_990, %rem3A : i32
        %run_scoped3A_992 = arith.constant 2 : i32
        "tpu.region"() ({
          %run_scoped3A_1004 = tpu.sem_alloc : memref<!tpu.dma_semaphore, #tpu.memory_space<semaphore_mem>>
          %dma_start3A_1005 = arith.constant 0 : i32
          %dma_start3A_1006 = arith.constant 0 : i32
          %dma_start3A_1007 = tpu.memref_slice %arg16[%run_scoped3A_992, %dma_start3A_1005, %dma_start3A_1006] : memref<5x128x128xf32, #tpu.memory_space<vmem>> -> memref<1x128x128xf32, #tpu.memory_space<vmem>>
          %dma_start3A_1008 = tpu.memref_squeeze %dma_start3A_1007 : memref<1x128x128xf32, #tpu.memory_space<vmem>> -> memref<128x128xf32, #tpu.memory_space<vmem>>
          %dma_start3A_1009 = arith.constant 0 : i32
          %dma_start3A_1010 = tpu.memref_slice %arg11[%select_n3A_991, %dma_start3A_1009] : memref<328x128xf32, #tpu.memory_space<vmem_shared>> -> memref<128x128xf32, #tpu.memory_space<vmem_shared>>
          %dma_start3A_1011 = arith.constant 0 : i32
          %dma_start3A_1012 = arith.constant 0 : i32
          %dma_start3A_1013 = tpu.memref_slice %arg16[%run_scoped3A_992, %dma_start3A_1011, %dma_start3A_1012] : memref<5x128x128xf32, #tpu.memory_space<vmem>> -> memref<1x128x128xf32, #tpu.memory_space<vmem>>
          %dma_start3A_1014 = tpu.memref_squeeze %dma_start3A_1013 : memref<1x128x128xf32, #tpu.memory_space<vmem>> -> memref<128x128xf32, #tpu.memory_space<vmem>>
          %dma_start3A_1015 = arith.constant 0 : i32
          %dma_start3A_1016 = tpu.memref_slice %arg11[%select_n3A_991, %dma_start3A_1015] : memref<328x128xf32, #tpu.memory_space<vmem_shared>> -> memref<128x128xf32, #tpu.memory_space<vmem_shared>>
          tpu.enqueue_dma source(%dma_start3A_1016 : memref<128x128xf32, #tpu.memory_space<vmem_shared>>) target(%dma_start3A_1014 : memref<128x128xf32, #tpu.memory_space<vmem>>) target_semaphore(%run_scoped3A_1004 : memref<!tpu.dma_semaphore, #tpu.memory_space<semaphore_mem>>)
          %dma_wait3A_1017 = arith.constant 0 : i32
          %dma_wait3A_1018 = arith.constant 0 : i32
          %dma_wait3A_1019 = tpu.memref_slice %arg16[%run_scoped3A_992, %dma_wait3A_1017, %dma_wait3A_1018] : memref<5x128x128xf32, #tpu.memory_space<vmem>> -> memref<1x128x128xf32, #tpu.memory_space<vmem>>
          %dma_wait3A_1020 = tpu.memref_squeeze %dma_wait3A_1019 : memref<1x128x128xf32, #tpu.memory_space<vmem>> -> memref<128x128xf32, #tpu.memory_space<vmem>>
          %dma_wait3A_1021 = arith.constant 0 : i32
          %dma_wait3A_1022 = tpu.memref_slice %arg11[%select_n3A_991, %dma_wait3A_1021] : memref<328x128xf32, #tpu.memory_space<vmem_shared>> -> memref<128x128xf32, #tpu.memory_space<vmem_shared>>
          %dma_wait3A_1023 = arith.constant 0 : i32
          %dma_wait3A_1024 = arith.constant 0 : i32
          %dma_wait3A_1025 = tpu.memref_slice %arg16[%run_scoped3A_992, %dma_wait3A_1023, %dma_wait3A_1024] : memref<5x128x128xf32, #tpu.memory_space<vmem>> -> memref<1x128x128xf32, #tpu.memory_space<vmem>>
          %dma_wait3A_1026 = tpu.memref_squeeze %dma_wait3A_1025 : memref<1x128x128xf32, #tpu.memory_space<vmem>> -> memref<128x128xf32, #tpu.memory_space<vmem>>
          %dma_wait3A_1027 = arith.constant 0 : i32
          %dma_wait3A_1028 = tpu.memref_slice %arg11[%select_n3A_991, %dma_wait3A_1027] : memref<328x128xf32, #tpu.memory_space<vmem_shared>> -> memref<128x128xf32, #tpu.memory_space<vmem_shared>>
          tpu.wait_dma2 semaphore(%run_scoped3A_1004 : memref<!tpu.dma_semaphore, #tpu.memory_space<semaphore_mem>>) src(%dma_wait3A_1028 : memref<128x128xf32, #tpu.memory_space<vmem_shared>>) dst(%dma_wait3A_1026 : memref<128x128xf32, #tpu.memory_space<vmem>>)
          tpu.yield
        }) : () -> ()
        %dma_start3A_993 = arith.constant 2 : i32
        %dma_start3A_994 = arith.constant 0 : i32
        %dma_start3A_995 = arith.constant 0 : i32
        %dma_start3A_996 = tpu.memref_slice %arg16[%dma_start3A_993, %dma_start3A_994, %dma_start3A_995] : memref<5x128x128xf32, #tpu.memory_space<vmem>> -> memref<1x128x128xf32, #tpu.memory_space<vmem>>
        %dma_start3A_997 = tpu.memref_squeeze %dma_start3A_996 : memref<1x128x128xf32, #tpu.memory_space<vmem>> -> memref<128x128xf32, #tpu.memory_space<vmem>>
        %dma_start3A_998 = arith.constant 0 : i32
        %dma_start3A_999 = tpu.memref_slice %arg10[%sub3A_969, %dma_start3A_998] : memref<50x128xi32, #tpu.memory_space<vmem>> -> memref<1x128xi32, #tpu.memory_space<vmem>>
        %dma_start3A_1000 = tpu.memref_squeeze %dma_start3A_999 : memref<1x128xi32, #tpu.memory_space<vmem>> -> memref<128xi32, #tpu.memory_space<vmem>>
        %dma_start3A_1001 = arith.constant 0 : i32
        %dma_start3A_1002 = arith.constant 0 : i32
        %dma_start3A_1003 = tpu.memref_slice %arg7[%dma_start3A_1001, %dma_start3A_1002] : memref<100000x128xf32, #tpu.memory_space<hbm>> -> memref<100000x128xf32, #tpu.memory_space<hbm>>
        tpu.enqueue_indirect_dma source(%dma_start3A_1003 : memref<100000x128xf32, #tpu.memory_space<hbm>>) target(%dma_start3A_997 : memref<128x128xf32, #tpu.memory_space<vmem>>) offsets(%dma_start3A_1000 : memref<128xi32, #tpu.memory_space<vmem>>) semaphore(%arg19 : memref<!tpu.dma_semaphore, #tpu.memory_space<semaphore_mem>>) {add = true}
      } else {
      }
    }
    %scan3A_188 = arith.constant 10 : i32
    %add3A_189 = arith.constant 45 : i32
    %add3A_190 = arith.addi %mul3A_2, %add3A_189 : i32
    %mul3A_191 = arith.constant 128 : i32
    %mul3A_192 = arith.muli %add3A_190, %mul3A_191 : i32
    %dma_wait3A = arith.constant 0 : i32
    %dma_wait3A_193 = arith.constant 0 : i32
    %dma_wait3A_194 = arith.constant 0 : i32
    %dma_wait3A_195 = tpu.memref_slice %arg16[%dma_wait3A, %dma_wait3A_193, %dma_wait3A_194] : memref<5x128x128xf32, #tpu.memory_space<vmem>> -> memref<1x128x128xf32, #tpu.memory_space<vmem>>
    %dma_wait3A_196 = tpu.memref_squeeze %dma_wait3A_195 : memref<1x128x128xf32, #tpu.memory_space<vmem>> -> memref<128x128xf32, #tpu.memory_space<vmem>>
    %dma_wait3A_197 = arith.constant 0 : i32
    %dma_wait3A_198 = tpu.memref_slice %arg8[%mul3A_192, %dma_wait3A_197] : memref<204800x128xf32, #tpu.memory_space<hbm>> -> memref<128x128xf32, #tpu.memory_space<hbm>>
    %dma_wait3A_199 = arith.constant 0 : i32
    %dma_wait3A_200 = tpu.memref_slice %arg8[%mul3A_192, %dma_wait3A_199] : memref<204800x128xf32, #tpu.memory_space<hbm>> -> memref<128x128xf32, #tpu.memory_space<hbm>>
    %dma_wait3A_201 = arith.constant 0 : i32
    %dma_wait3A_202 = arith.constant 0 : i32
    %dma_wait3A_203 = tpu.memref_slice %arg16[%dma_wait3A, %dma_wait3A_201, %dma_wait3A_202] : memref<5x128x128xf32, #tpu.memory_space<vmem>> -> memref<1x128x128xf32, #tpu.memory_space<vmem>>
    %dma_wait3A_204 = tpu.memref_squeeze %dma_wait3A_203 : memref<1x128x128xf32, #tpu.memory_space<vmem>> -> memref<128x128xf32, #tpu.memory_space<vmem>>
    tpu.wait_dma2 semaphore(%arg22 : memref<!tpu.dma_semaphore, #tpu.memory_space<semaphore_mem>>) src(%dma_wait3A_204 : memref<128x128xf32, #tpu.memory_space<vmem>>) dst(%dma_wait3A_200 : memref<128x128xf32, #tpu.memory_space<hbm>>)
    %add3A_205 = arith.constant 46 : i32
    %add3A_206 = arith.addi %mul3A_2, %add3A_205 : i32
    %mul3A_207 = arith.constant 128 : i32
    %mul3A_208 = arith.muli %add3A_206, %mul3A_207 : i32
    %dma_wait3A_209 = arith.constant 1 : i32
    %dma_wait3A_210 = arith.constant 0 : i32
    %dma_wait3A_211 = arith.constant 0 : i32
    %dma_wait3A_212 = tpu.memref_slice %arg16[%dma_wait3A_209, %dma_wait3A_210, %dma_wait3A_211] : memref<5x128x128xf32, #tpu.memory_space<vmem>> -> memref<1x128x128xf32, #tpu.memory_space<vmem>>
    %dma_wait3A_213 = tpu.memref_squeeze %dma_wait3A_212 : memref<1x128x128xf32, #tpu.memory_space<vmem>> -> memref<128x128xf32, #tpu.memory_space<vmem>>
    %dma_wait3A_214 = arith.constant 0 : i32
    %dma_wait3A_215 = tpu.memref_slice %arg8[%mul3A_208, %dma_wait3A_214] : memref<204800x128xf32, #tpu.memory_space<hbm>> -> memref<128x128xf32, #tpu.memory_space<hbm>>
    %dma_wait3A_216 = arith.constant 0 : i32
    %dma_wait3A_217 = tpu.memref_slice %arg8[%mul3A_208, %dma_wait3A_216] : memref<204800x128xf32, #tpu.memory_space<hbm>> -> memref<128x128xf32, #tpu.memory_space<hbm>>
    %dma_wait3A_218 = arith.constant 0 : i32
    %dma_wait3A_219 = arith.constant 0 : i32
    %dma_wait3A_220 = tpu.memref_slice %arg16[%dma_wait3A_209, %dma_wait3A_218, %dma_wait3A_219] : memref<5x128x128xf32, #tpu.memory_space<vmem>> -> memref<1x128x128xf32, #tpu.memory_space<vmem>>
    %dma_wait3A_221 = tpu.memref_squeeze %dma_wait3A_220 : memref<1x128x128xf32, #tpu.memory_space<vmem>> -> memref<128x128xf32, #tpu.memory_space<vmem>>
    tpu.wait_dma2 semaphore(%arg23 : memref<!tpu.dma_semaphore, #tpu.memory_space<semaphore_mem>>) src(%dma_wait3A_221 : memref<128x128xf32, #tpu.memory_space<vmem>>) dst(%dma_wait3A_217 : memref<128x128xf32, #tpu.memory_space<hbm>>)
    %add3A_222 = arith.constant 47 : i32
    %add3A_223 = arith.addi %mul3A_2, %add3A_222 : i32
    %mul3A_224 = arith.constant 128 : i32
    %mul3A_225 = arith.muli %add3A_223, %mul3A_224 : i32
    %dma_wait3A_226 = arith.constant 2 : i32
    %dma_wait3A_227 = arith.constant 0 : i32
    %dma_wait3A_228 = arith.constant 0 : i32
    %dma_wait3A_229 = tpu.memref_slice %arg16[%dma_wait3A_226, %dma_wait3A_227, %dma_wait3A_228] : memref<5x128x128xf32, #tpu.memory_space<vmem>> -> memref<1x128x128xf32, #tpu.memory_space<vmem>>
    %dma_wait3A_230 = tpu.memref_squeeze %dma_wait3A_229 : memref<1x128x128xf32, #tpu.memory_space<vmem>> -> memref<128x128xf32, #tpu.memory_space<vmem>>
    %dma_wait3A_231 = arith.constant 0 : i32
    %dma_wait3A_232 = tpu.memref_slice %arg8[%mul3A_225, %dma_wait3A_231] : memref<204800x128xf32, #tpu.memory_space<hbm>> -> memref<128x128xf32, #tpu.memory_space<hbm>>
    %dma_wait3A_233 = arith.constant 0 : i32
    %dma_wait3A_234 = tpu.memref_slice %arg8[%mul3A_225, %dma_wait3A_233] : memref<204800x128xf32, #tpu.memory_space<hbm>> -> memref<128x128xf32, #tpu.memory_space<hbm>>
    %dma_wait3A_235 = arith.constant 0 : i32
    %dma_wait3A_236 = arith.constant 0 : i32
    %dma_wait3A_237 = tpu.memref_slice %arg16[%dma_wait3A_226, %dma_wait3A_235, %dma_wait3A_236] : memref<5x128x128xf32, #tpu.memory_space<vmem>> -> memref<1x128x128xf32, #tpu.memory_space<vmem>>
    %dma_wait3A_238 = tpu.memref_squeeze %dma_wait3A_237 : memref<1x128x128xf32, #tpu.memory_space<vmem>> -> memref<128x128xf32, #tpu.memory_space<vmem>>
    tpu.wait_dma2 semaphore(%arg24 : memref<!tpu.dma_semaphore, #tpu.memory_space<semaphore_mem>>) src(%dma_wait3A_238 : memref<128x128xf32, #tpu.memory_space<vmem>>) dst(%dma_wait3A_234 : memref<128x128xf32, #tpu.memory_space<hbm>>)
    %add3A_239 = arith.constant 48 : i32
    %add3A_240 = arith.addi %mul3A_2, %add3A_239 : i32
    %mul3A_241 = arith.constant 128 : i32
    %mul3A_242 = arith.muli %add3A_240, %mul3A_241 : i32
    %dma_wait3A_243 = arith.constant 3 : i32
    %dma_wait3A_244 = arith.constant 0 : i32
    %dma_wait3A_245 = arith.constant 0 : i32
    %dma_wait3A_246 = tpu.memref_slice %arg16[%dma_wait3A_243, %dma_wait3A_244, %dma_wait3A_245] : memref<5x128x128xf32, #tpu.memory_space<vmem>> -> memref<1x128x128xf32, #tpu.memory_space<vmem>>
    %dma_wait3A_247 = tpu.memref_squeeze %dma_wait3A_246 : memref<1x128x128xf32, #tpu.memory_space<vmem>> -> memref<128x128xf32, #tpu.memory_space<vmem>>
    %dma_wait3A_248 = arith.constant 0 : i32
    %dma_wait3A_249 = tpu.memref_slice %arg8[%mul3A_242, %dma_wait3A_248] : memref<204800x128xf32, #tpu.memory_space<hbm>> -> memref<128x128xf32, #tpu.memory_space<hbm>>
    %dma_wait3A_250 = arith.constant 0 : i32
    %dma_wait3A_251 = tpu.memref_slice %arg8[%mul3A_242, %dma_wait3A_250] : memref<204800x128xf32, #tpu.memory_space<hbm>> -> memref<128x128xf32, #tpu.memory_space<hbm>>
    %dma_wait3A_252 = arith.constant 0 : i32
    %dma_wait3A_253 = arith.constant 0 : i32
    %dma_wait3A_254 = tpu.memref_slice %arg16[%dma_wait3A_243, %dma_wait3A_252, %dma_wait3A_253] : memref<5x128x128xf32, #tpu.memory_space<vmem>> -> memref<1x128x128xf32, #tpu.memory_space<vmem>>
    %dma_wait3A_255 = tpu.memref_squeeze %dma_wait3A_254 : memref<1x128x128xf32, #tpu.memory_space<vmem>> -> memref<128x128xf32, #tpu.memory_space<vmem>>
    tpu.wait_dma2 semaphore(%arg25 : memref<!tpu.dma_semaphore, #tpu.memory_space<semaphore_mem>>) src(%dma_wait3A_255 : memref<128x128xf32, #tpu.memory_space<vmem>>) dst(%dma_wait3A_251 : memref<128x128xf32, #tpu.memory_space<hbm>>)
    %add3A_256 = arith.constant 49 : i32
    %add3A_257 = arith.addi %mul3A_2, %add3A_256 : i32
    %mul3A_258 = arith.constant 128 : i32
    %mul3A_259 = arith.muli %add3A_257, %mul3A_258 : i32
    %dma_wait3A_260 = arith.constant 4 : i32
    %dma_wait3A_261 = arith.constant 0 : i32
    %dma_wait3A_262 = arith.constant 0 : i32
    %dma_wait3A_263 = tpu.memref_slice %arg16[%dma_wait3A_260, %dma_wait3A_261, %dma_wait3A_262] : memref<5x128x128xf32, #tpu.memory_space<vmem>> -> memref<1x128x128xf32, #tpu.memory_space<vmem>>
    %dma_wait3A_264 = tpu.memref_squeeze %dma_wait3A_263 : memref<1x128x128xf32, #tpu.memory_space<vmem>> -> memref<128x128xf32, #tpu.memory_space<vmem>>
    %dma_wait3A_265 = arith.constant 0 : i32
    %dma_wait3A_266 = tpu.memref_slice %arg8[%mul3A_259, %dma_wait3A_265] : memref<204800x128xf32, #tpu.memory_space<hbm>> -> memref<128x128xf32, #tpu.memory_space<hbm>>
    %dma_wait3A_267 = arith.constant 0 : i32
    %dma_wait3A_268 = tpu.memref_slice %arg8[%mul3A_259, %dma_wait3A_267] : memref<204800x128xf32, #tpu.memory_space<hbm>> -> memref<128x128xf32, #tpu.memory_space<hbm>>
    %dma_wait3A_269 = arith.constant 0 : i32
    %dma_wait3A_270 = arith.constant 0 : i32
    %dma_wait3A_271 = tpu.memref_slice %arg16[%dma_wait3A_260, %dma_wait3A_269, %dma_wait3A_270] : memref<5x128x128xf32, #tpu.memory_space<vmem>> -> memref<1x128x128xf32, #tpu.memory_space<vmem>>
    %dma_wait3A_272 = tpu.memref_squeeze %dma_wait3A_271 : memref<1x128x128xf32, #tpu.memory_space<vmem>> -> memref<128x128xf32, #tpu.memory_space<vmem>>
    tpu.wait_dma2 semaphore(%arg26 : memref<!tpu.dma_semaphore, #tpu.memory_space<semaphore_mem>>) src(%dma_wait3A_272 : memref<128x128xf32, #tpu.memory_space<vmem>>) dst(%dma_wait3A_268 : memref<128x128xf32, #tpu.memory_space<hbm>>)
    return
  }
}

</mosaic_0001>

<sc_bundles>
// kernel: kernel.3.cloned.1.call-start
scs
__scs_entry_jumppad:
0x0: {  	(pc) =	sbr.rel $0x88, $3  }
0x1: {  	(tag) =	ssettag $0x0;
	lr =	simm.s32 $0x1  }
0x2: {  	[smem:$0x3F9C] =	sst lr;
	_ =	strace $0xD0000000  }
0x3: {  	_ = 	snop  }
0x4: {  	_ = 	snop  }
0x5: {  	_ = 	snop  }
0x6: {  	_ = 	snop  }
0x7: {  	_ = 	snop  }
__scs_overlays_trampoline_lowered:
0x8: {  	[smem:$0x3FAB] =	sst s0  }
0x9: {  	[smem:$0x3FAC] =	sst s1  }
0xa: {  	[smem:$0x3FAD] =	sst s2  }
0xb: {  	[smem:$0x3FAE] =	sst s3  }
0xc: {  	[smem:$0x3FAF] =	sst s4  }
0xd: {  	[smem:$0x3FB0] =	sst s5  }
0xe: {  	[smem:$0x3FB1] =	sst s6  }
0xf: {  	[smem:$0x3FB2] =	sst s7  }
0x10: {  	[smem:$0x3FB3] =	sst s8  }
0x11: {  	[smem:$0x3FB4] =	sst s9;
	s0 =	simm.s32 @!p0 $0x0  }
0x12: {  	s1 =	sld [smem:$0x3F9A];
	s0 =	simm.s32 @p0 $0x1  }
0x13: {  	[smem:$0x3FB5] =	sst s0;
	s0 =	simm.s32 @!p1 $0x0  }
0x14: {  	s2 =	sld [smem:$0x3F99];
	s0 =	simm.s32 @p1 $0x1  }
0x15: {  	[smem:$0x3FB6] =	sst s0;
	s0 =	simm.s32 @!p2 $0x0  }
0x16: {  	s3 =	sld [smem:$0x3FDB];
	s0 =	simm.s32 @p2 $0x1  }
0x17: {  	s4 =	simm.s32 $0x1BF5;
	[smem:$0x3FB8] =	sst s0  }
0x18: {  	s0 =	sld [smem:$0x3F9B];
	_ =	swait.ge [sflag:s4], $0x0  }
0x19: {  	s7 =	sld [smem:$0x3F9C]  }
0x1a: {  	s8 =	sadd.s32 $0xFFFFE003, lr  }
0x1b: {  	s9 =	sadd.s32 $0xFFFFFEF7, lr;
	s5 =	simm.s32 $0xFFFFFFFF;
	p2 =	slt.u32 s8, $0xFFFFF086  }
0x1c: {  	p1 =	slt.u32 s9, $0xF7A;
	s5 =	simm.s32 @!p2 $0x0  }
0x1d: {  	s5 =	simm.s32 @p1 $0x1;
	p0 =	seq.s32 s7, s2  }
0x1e: {  	s7 =	smul.u32 @!p0 $0xF7A, s2;
	p2 =	seq.s32 @!p0 s5, $0x0  }
0x1f: {  	s9 =	smul.u32 $0xF7A, s1;
	s8 =	simm.s32 @!p0 $0x1BF5;
	p2 =	por !p2, p0  }
0x20: {  	[sflag:s8] =	ssyncset.s32 @!p0 $0xFFFFF086;
	s6 =	sadd.s32 @!p0 s3, s7;
	s7 =	simm.s32 @!p0 $0x108  }
0x21: {  	s3 =	sadd.s32 s3, s9;
	s6 =	sadd.s32 @!p0 $0x88, s6;
	s7 =	simm.s32 @p2 $0x1082  }
0x22: {  	[simem:s7], [sflag:s8] =	dma.local @!p0 [hbm:s6], $0xF7A  }
0x23: {  	s9 =	sor.u32 $0xD0000000, s2;
	s6 =	simm.s32 $0x108;
	_ =	swait.ge @!p0 [sflag:s8], $0x0  }
0x24: {  	s3 =	sadd.s32 $0x88, s3;
	s6 =	simm.s32 @!p1 $0x1082;
	[sflag:s4] =	ssyncset.s32 $0xFFFFF086  }
0x25: {  	[simem:s6], [sflag:s4] =	dma.local [hbm:s3], $0xF7A  }
0x26: {  	[smem:$0x3F9C] =	sst s1;
	(tag) =	ssettag s2;
	_ =	strace s9  }
0x27: {  	s1 =	sld [smem:$0x3FAC]  }
0x28: {  	s2 =	sld [smem:$0x3FAD]  }
0x29: {  	s4 =	sld [smem:$0x3FAF]  }
0x2a: {  	p0 =	seq.s32 s5, $0x0;
	s5 =	sld [smem:$0x3FB0]  }
0x2b: {  	s6 =	sld [smem:$0x3FB1]  }
0x2c: {  	s7 =	sld [smem:$0x3FB2]  }
0x2d: {  	s3 =	simm.s32 $0x108;
	s8 =	sld [smem:$0x3FB3]  }
0x2e: {  	s3 =	simm.s32 @!p0 $0x1082;
	s9 =	sld [smem:$0x3FB4]  }
0x2f: {  	lr =	sadd.s32 s0, s3;
	s0 =	sld [smem:$0x3FAB]  }
0x30: {  	s3 =	sld [smem:$0x3FAE]  }
0x31: {  	[smem:$0x3FB7] =	sst s10  }
0x32: {  	s10 =	sld [smem:$0x3FB5];
	_ =	sdelay $0x3  }
0x33: {  	p0 =	seq.s32 s10, $0x1;
	s10 =	sld [smem:$0x3FB7];
	_ =	sdelay $0x3  }
0x34: {  	[smem:$0x3FB7] =	sst s10  }
0x35: {  	s10 =	sld [smem:$0x3FB6];
	_ =	sdelay $0x3  }
0x36: {  	p1 =	seq.s32 s10, $0x1;
	s10 =	sld [smem:$0x3FB7];
	_ =	sdelay $0x3  }
0x37: {  	[smem:$0x3FB7] =	sst s10  }
0x38: {  	s10 =	sld [smem:$0x3FB8]  }
0x39: {  	_ = 	snop;
	(pc) =	sbr.ind lr, $3  }
0x3a: {  	_ = 	snop  }
0x3b: {  	_ = 	snop  }
0x3c: {  	p2 =	seq.s32 s10, $0x1;
	s10 =	sld [smem:$0x3FB7]  }
0x3d: {  	_ =	shalt  }
0x3e: {  	_ =	shalt  }
0x3f: {  	_ =	shalt  }
0x40: {  	_ =	shalt  }
0x41: {  	_ =	shalt  }
0x42: {  	_ =	shalt  }
0x43: {  	_ =	shalt  }
0x44: {  	_ =	shalt  }
0x45: {  	_ =	shalt  }
0x46: {  	_ =	shalt  }
0x47: {  	_ =	shalt  }
0x48: {  	_ =	shalt  }
0x49: {  	_ =	shalt  }
0x4a: {  	_ =	shalt  }
0x4b: {  	_ =	shalt  }
0x4c: {  	_ =	shalt  }
0x4d: {  	_ =	shalt  }
0x4e: {  	_ =	shalt  }
0x4f: {  	_ =	shalt  }
0x50: {  	_ =	shalt  }
0x51: {  	_ =	shalt  }
0x52: {  	_ =	shalt  }
0x53: {  	_ =	shalt  }
0x54: {  	_ =	shalt  }
0x55: {  	_ =	shalt  }
0x56: {  	_ =	shalt  }
0x57: {  	_ =	shalt  }
0x58: {  	_ =	shalt  }
0x59: {  	_ =	shalt  }
0x5a: {  	_ =	shalt  }
0x5b: {  	_ =	shalt  }
0x5c: {  	_ =	shalt  }
0x5d: {  	_ =	shalt  }
0x5e: {  	_ =	shalt  }
0x5f: {  	_ =	shalt  }
0x60: {  	_ =	shalt  }
0x61: {  	_ =	shalt  }
0x62: {  	_ =	shalt  }
0x63: {  	_ =	shalt  }
0x64: {  	_ =	shalt  }
0x65: {  	_ =	shalt  }
0x66: {  	_ =	shalt  }
0x67: {  	_ =	shalt  }
0x68: {  	_ =	shalt  }
0x69: {  	_ =	shalt  }
0x6a: {  	_ =	shalt  }
0x6b: {  	_ =	shalt  }
0x6c: {  	_ =	shalt  }
0x6d: {  	_ =	shalt  }
0x6e: {  	_ =	shalt  }
0x6f: {  	_ =	shalt  }
0x70: {  	_ =	shalt  }
0x71: {  	_ =	shalt  }
0x72: {  	_ =	shalt  }
0x73: {  	_ =	shalt  }
0x74: {  	_ =	shalt  }
0x75: {  	_ =	shalt  }
0x76: {  	_ =	shalt  }
0x77: {  	_ =	shalt  }
0x78: {  	_ =	shalt  }
0x79: {  	_ =	shalt  }
0x7a: {  	_ =	shalt  }
0x7b: {  	_ =	shalt  }
0x7c: {  	_ =	shalt  }
0x7d: {  	_ =	shalt  }
0x7e: {  	_ =	shalt  }
0x7f: {  	_ =	shalt  }
0x80: {  	_ =	shalt  }
0x81: {  	_ =	shalt  }
0x82: {  	_ =	shalt  }
0x83: {  	_ =	shalt  }
0x84: {  	_ =	shalt  }
0x85: {  	_ =	shalt  }
0x86: {  	_ =	shalt  }
0x87: {  	_ =	shalt  }
.Lfunc_end0:
.L_simem_size_0:
called_computation_lowered:
.L_overlay_start_0:
0x88: {  	s2 =	sld [smem:$0x3FD9]  }
0x89: {  	s3 =	sld [smem:$0x3FFE];
	_ =	sdelay $0x1  }
0x8a: {  	s1 =	srdreg.scid  }
0x8b: {  	s0 =	sand.u32 $0x1, s1  }
0x8c: {  	s14 =	sshll.u32 s0, $0xA;
	s2 =	sadd.s32 s3, s2  }
0x8d: {  	s2 =	sadd.s32 s2, s14  }
0x8e: {  	[smem:$0x3FC3] =	sst s2  }
0x8f: {  	_ = 	snop  }
0x90: {  	s2 =	sld [smem:$0x3FC8]  }
0x91: {  	s15 =	sld [smem:$0x3FD0]  }
0x92: {  	s4 =	sld [smem:$0x3FC7]  }
0x93: {  	s5 =	sld [smem:$0x3FC6]  }
0x94: {  	s7 =	simm.s32 $0xA;
	s8 =	simm.s32 $0x10;
	s6 =	sld [smem:$0x3FC5]  }
0x95: {  	[smem:s8], [sflag:s7] =	dma.local [hbm:s15], $0x1  }
0x96: {  	_ =	swait.eq [sflag:s7], $0x1  }
0x97: {  	[sflag:s7] =	ssyncset.done $0x0  }
0x98: {  	s16 =	sld [smem:$0x10];
	[sflag:s7] =	ssyncadd.s32 $0xFFFFFFFF  }
0x99: {  	s17 =	sld [smem:$0x11];
	(tm) =	ssettm $0x1  }
0x9a: {  	s18 =	sld [smem:$0x3FFB];
	_ =	sdelay $0x3  }
0x9b: {  	_ =	strace s18  }
0x9c: {  	s8 =	sld [smem:$0x3FFC];
	_ =	sdelay $0x3  }
0x9d: {  	_ =	strace s8  }
0x9e: {  	s8 =	sld [smem:$0x3FFD];
	_ =	sdelay $0x3  }
0x9f: {  	_ =	strace s8  }
0xa0: {  	_ =	strace $0x8FFFFFFF  }
0xa1: {  	s19 =	sld [smem:$0x3FDB];
	_ =	sdelay $0x1  }
0xa2: {  	s9 =	simm.s32 $_scs_section_size  }
0xa3: {  	s10 =	simm.s32 $_size__tile_overlayer_lowered;
	s11 =	simm.s32 $_tile_overlayer_lowered  }
0xa4: {  	s22 =	simm.s32 $0x1BFF;
	s21 =	sshll.u32 s11, $0x1;
	s8 =	sadd.s32 s9, s19  }
0xa5: {  	s12 =	simm.s32 $0x0;
	s20 =	sshll.u32 s10, $0x1;
	s10 =	sadd.s32 s21, s8  }
0xa6: {  	[timem:s12], [sflag:s22] =	dma.local [hbm:s10], s20  }
0xa7: {  	_ =	swait.ge [sflag:s22], s20  }
0xa8: {  	s9 =	ssub.s32 $0x0, s20;
	[sflag:s22] =	ssyncset.done $0x0  }
0xa9: {  	[sflag:s22] =	ssyncadd.s32 s9;
	_ =	sdelay $0x1  }
0xaa: {  	s23 =	simm.s32 $0x1B8B  }
0xab: {  	_ =	swait.ge [sflag:s23], $0x1  }
0xac: {  	[sflag:s23] =	ssyncset.done $0x0  }
0xad: {  	s25 =	simm.s32 $0x1B8E;
	s24 =	sld [smem:$0x3FFE];
	[sflag:s23] =	ssyncadd.s32 $0xFFFFFFFF  }
0xae: {  	s26 =	simm.s32 $execute0_lowered;
	[smem:$0x3FD2] =	sst s25  }
0xaf: {  	s10 =	sshll.u32 s26, $0x1;
	_ =	strace $0x80000046;
	[dreg:$0x1] =	wrdreg $0xFFFFFFFF  }
0xb0: {  	s28 =	simm.s32 $_size_execute0_lowered;
	s8 =	sadd.s32 s8, s10;
	[dreg:$0x0] =	wrdreg $0x0  }
0xb1: {  	s10 =	sshll.u32 s28, $0x1;
	[dreg:$0x2] =	wrdreg s8  }
0xb2: {  	[dreg:$0x3] =	wrdreg s10  }
0xb3: {  	[dreg:$0x4] =	wrdreg $0xC0  }
0xb4: {  	_ =	task [dreg:s12], $0x5FFFF  }
0xb5: {  	[dreg:$0x1] =	wrdreg $0xFFFFFFFF  }
0xb6: {  	[dreg:$0x0] =	wrdreg $0x60  }
0xb7: {  	[dreg:$0x2] =	wrdreg s17  }
0xb8: {  	[dreg:$0x3] =	wrdreg s24  }
0xb9: {  	[dreg:$0x4] =	wrdreg s2  }
0xba: {  	[dreg:$0x5] =	wrdreg s4  }
0xbb: {  	[dreg:$0x6] =	wrdreg s5  }
0xbc: {  	[dreg:$0x7] =	wrdreg s6  }
0xbd: {  	[dreg:$0x8] =	wrdreg s16  }
0xbe: {  	[dreg:$0x9] =	wrdreg $0x32000  }
0xbf: {  	[dreg:$0xa] =	wrdreg $0x9  }
0xc0: {  	_ =	task.clear_ibuf [dreg:s12], $0xBFFFF;
	_ =	strace $0x90000046  }
0xc1: {  	s29 =	simm.s32 $0x9;
	_ =	strace $0x80000048  }
0xc2: {  	_ =	swait.ge [sflag:s29], $0x1  }
0xc3: {  	[sflag:s29] =	ssyncadd.s32 $0xFFFFFFFF  }
0xc4: {  	_ =	strace $0x90000048  }
0xc5: {  	_ =	sfence  }
0xc6: {  	s30 =	sld [smem:$0x0];
	_ =	sdelay $0x2  }
0xc7: {  	s31 =	sshll.u32 s1, $0xD;
	s1 =	sshrl.u32 s1, $0x2  }
0xc8: {  	s3 =	sand.u32 $0x4000, s31;
	s1 =	sadd.s32 s1, s30  }
0xc9: {  	s0 =	sor.u32 s3, s0;
	s1 =	sshll.u32 s1, $0x11  }
0xca: {  	s0 =	sor.u32 s1, s0  }
0xcb: {  	s0 =	sadd.s32 $0x8F2B, s0  }
0xcc: {  	[sflag:s0] =	ssyncadd.remote.s32 $0x1  }
0xcd: {  	_ =	sfence.sel $0xFFFF  }
0xce: {  	[dreg:$0x0] =	wrdreg $0xFFFFFFFF;
	(pc) =	sbr.abs _section_cstart, $3  }
0xcf: {  	[dreg:$0x1] =	wrdreg $0xFFFFFFFF  }
0xd0: {  	_ =	task.clear_ibuf [dreg:s12], $0x2FFFF;
	_ =	strace $0x9FFFFFFF  }
0xd1: {  	(tm) =	ssettm $0x7FFFFFFF  }
tec
execute0_lowered:
.L_overlay_start_1:
0x0: {  	(tag) =	ssettag $0x1  }
0x1: {  	s0 =	rddreg [dreg:$0x0]  }
0x2: {  	s1 =	rddreg [dreg:$0x1]  }
0x3: {  	s11 =	rddreg [dreg:$0x4]  }
0x4: {  	s3 =	rddreg [dreg:$0x5];
	s2 =	srdreg.scid  }
0x5: {  	s4 =	stileid.u32;
	s5 =	rddreg [dreg:$0x6]  }
0x6: {  	s6 =	rddreg [dreg:$0x7];
	s17 =	simm.s32 $0xB;
	s28 =	simm.s32 $0xBE40  }
0x7: {  	s30 =	simm.s32 $0x1;
	s31 =	simm.s32 $0xFE40;
	s19 =	simm.s32 $0x4  }
0x8: {  	s20 =	simm.s32 $0x5;
	s18 =	simm.s32 $0x0;
	s2 =	sand.u32 $0x1, s2  }
0x9: {  	s7 =	sshll.u32 s4, $0x1;
	s22 =	sadd.s32 $0x1869F0, s3;
	s23 =	sadd.s32 $0x6400, s6  }
0xa: {  	s24 =	sadd.s32 $0x800, s11;
	s8 =	sor.u32 s2, s7;
	s7 =	simm.s32 $0x0  }
0xb: {  	s25 =	sadd.s32 $0x4000, s6;
	s26 =	sadd.s32 $0x1C00, s6;
	[smem:$0x7FF] =	sst s7  }
0xc: {  	p0 =	sne.s32 s4, $0x0;
	_ =	strace $0x80000047;
	[dreg:$0xb] =	wrdreg s22  }
0xd: {  	s4 =	simm.s32 $0x2;
	s2 =	ssub.s32 $0x2, s2;
	[dreg:$0xc] =	wrdreg s23  }
0xe: {  	s9 =	smul.u32 $0x320, s8;
	s10 =	sshrl.u32 s2, $0x1;
	[dreg:$0xd] =	wrdreg s24  }
0xf: {  	s8 =	smul.u32 $0x32, s8;
	s2 =	ssub.s32 s2, s10;
	[dreg:$0xe] =	wrdreg s25  }
.Ltmp0:
0x10: {  	[dreg:$0xf] =	wrdreg s26;
	s23 =	simm.s32 $0x3E40;
	(pc) =	sbr.rel .LBB2_1-.Ltmp0, $4  }
0x11: {  	s24 =	simm.s32 $0x80;
	s25 =	simm.s32 $0x7E40;
	s0 =	sadd.s32 s0, s9  }
0x12: {  	s1 =	sadd.s32 s9, s1;
	s29 =	smax.u32 s2, $0x1;
	[dreg:$0x9] =	wrdreg s0  }
0x13: {  	s26 =	simm.s32 $0x8;
	s21 =	sadd.s32 $0x400, s1;
	[dreg:$0x10] =	wrdreg s29  }
0x14: {  	v0 =	vimm.f32 $0.0e+00;
	s0 =	simm.s32 $0x13E40;
	s1 =	simm.s32 $0x3;
	[dreg:$0xa] =	wrdreg s21  }
.LBB2_24:
0x15: {  	s2 =	simm.s32 $0x6  }
0x16: {  	_ =	swait.ge [sflag:s2], $0x4000  }
0x17: {  	[sflag:s2] =	ssyncset.done $0x0  }
0x18: {  	s21 =	simm.s32 $0x7;
	[sflag:s2] =	ssyncadd.s32 $0xFFFFC000  }
0x19: {  	_ =	swait.ge [sflag:s21], $0x4000  }
0x1a: {  	[sflag:s21] =	ssyncset.done $0x0  }
0x1b: {  	[sflag:s21] =	ssyncadd.s32 $0xFFFFC000  }
0x1c: {  	_ =	swait.ge [sflag:s26], $0x4000  }
0x1d: {  	[sflag:s26] =	ssyncset.done $0x0  }
0x1e: {  	s22 =	simm.s32 $0x9;
	[sflag:s26] =	ssyncadd.s32 $0xFFFFC000  }
0x1f: {  	_ =	swait.ge [sflag:s22], $0x4000  }
0x20: {  	[sflag:s22] =	ssyncset.done $0x0  }
0x21: {  	s9 =	simm.s32 $0xA;
	[sflag:s22] =	ssyncadd.s32 $0xFFFFC000  }
0x22: {  	_ =	swait.ge [sflag:s9], $0x4000  }
0x23: {  	s18 =	sadd.s32 $0x1, s18;
	s29 =	rddreg [dreg:$0x10]  }
0x24: {  	p1 =	sne.s32 s18, s29  }
.Ltmp1:
0x25: {  	_ = 	snop;
	(pc) =	sbr.rel @!p1 .LBB2_25-.Ltmp1, $3  }
0x26: {  	_ =	sdelay $0x1  }
0x27: {  	[sflag:s9] =	ssyncset.done $0x0  }
0x28: {  	[sflag:s9] =	ssyncadd.s32 $0xFFFFC000  }
.LBB2_1:
0x29: {  	s2 =	rddreg [dreg:$0x9]  }
0x2a: {  	[tilespmem:s7], [sflag:$0xB] =	stream.linear.gather [hbm4b:s2+s7], $0x1900, $0x38;
	[tilespmem:$0x17E40] =	vst v63  }
0x2b: {  	_ =	swait.ge [sflag:s17], $0x1900  }
0x2c: {  	[sflag:s17] =	ssyncset.done $0x0  }
0x2d: {  	s12 =	simm.s32 $0x1900;
	s9 =	rddreg [dreg:$0xa];
	[sflag:s17] =	ssyncadd.s32 $0xFFFFE700  }
0x2e: {  	[tilespmem:s12], [sflag:$0xB] =	stream.linear.gather [hbm4b:s9+s7], $0x1900, $0x38;
	[tilespmem:$0x17E40] =	vst v63  }
0x2f: {  	_ =	swait.ge [sflag:s17], $0x1900  }
0x30: {  	[sflag:s17] =	ssyncset.done $0x0  }
0x31: {  	[sflag:s17] =	ssyncadd.s32 $0xFFFFE700  }
0x32: {  	s9 =	simm.s32 $0x3C40;
	s10 =	rddreg [dreg:$0x2]  }
0x33: {  	[tilespmem:s9], [sflag:$0xB] =	stream.linear.gather [hbm4b:s10+s7], $0x80, $0x38;
	[tilespmem:$0x17E40] =	vst v63  }
0x34: {  	_ =	swait.ge [sflag:s17], $0x80  }
0x35: {  	[sflag:s17] =	ssyncset.done $0x0  }
0x36: {  	[sflag:s17] =	ssyncadd.s32 $0xFFFFFF80  }
0x37: {  	s13 =	simm.s32 $0x3CC0;
	s11 =	rddreg [dreg:$0x3]  }
0x38: {  	[tilespmem:s13], [sflag:$0xB] =	stream.linear.gather [hbm4b:s11+s7], $0x80, $0x38;
	[tilespmem:$0x17E40] =	vst v63  }
0x39: {  	_ =	swait.ge [sflag:s17], $0x80  }
0x3a: {  	[sflag:s17] =	ssyncset.done $0x0  }
0x3b: {  	s14 =	simm.s32 $0x3D40;
	[sflag:s17] =	ssyncadd.s32 $0xFFFFFF80  }
0x3c: {  	[tilespmem:s14], [sflag:$0xB] =	stream.linear.gather [hbm4b:s3+s7], $0x80, $0x38;
	[tilespmem:$0x17E40] =	vst v63  }
0x3d: {  	_ =	swait.ge [sflag:s17], $0x80  }
0x3e: {  	[sflag:s17] =	ssyncset.done $0x0  }
0x3f: {  	s16 =	simm.s32 $0x3DC0;
	s15 =	rddreg [dreg:$0xb];
	[sflag:s17] =	ssyncadd.s32 $0xFFFFFF80  }
0x40: {  	[tilespmem:s16], [sflag:$0xB] =	stream.linear.gather [hbm4b:s15+s7], $0x80, $0x38;
	[tilespmem:$0x17E40] =	vst v63  }
0x41: {  	_ =	swait.ge [sflag:s17], $0x80  }
0x42: {  	[sflag:s17] =	ssyncset.done $0x0  }
0x43: {  	[sflag:s17] =	ssyncadd.s32 $0xFFFFFF80  }
0x44: {  	s2 =	simm.s32 @!p0 $0x0;
	s9 =	simm.s32 @!p0 $0x13E40;
	s10 =	rddreg [dreg:$0x4]  }
0x45: {  	[tilespmem:s9], [sflag:$0xB] =	stream.linear.gather @!p0 [hbm4b:s10+s2], $0x4000, $0x38;
	[tilespmem:$0x17E40] =	vst v63  }
0x46: {  	s10 =	simm.s32 @!p0 $0xB  }
0x47: {  	_ =	swait.ge @!p0 [sflag:s10], $0x4000  }
0x48: {  	[sflag:s10] =	ssyncset.done @!p0 $0x0  }
0x49: {  	[sflag:s10] =	ssyncadd.s32 @!p0 $0xFFFFC000  }
0x4a: {  	[spmem:s6] =	stream.linear.scatter @!p0 [tilespmem:s9], [sflag:$0xB], $0x4000, $0x38;
	[tilespmem:$0x17E40] =	vst v63  }
0x4b: {  	_ =	swait.ge @!p0 [sflag:s10], $0x4000  }
0x4c: {  	[sflag:s10] =	ssyncset.done @!p0 $0x0  }
0x4d: {  	s11 =	rddreg [dreg:$0xc];
	[sflag:s10] =	ssyncadd.s32 @!p0 $0xFFFFC000  }
0x4e: {  	[spmem:s11] =	stream.linear.scatter @!p0 [tilespmem:s9], [sflag:$0xB], $0x4000, $0x38;
	[tilespmem:$0x17E40] =	vst v63  }
0x4f: {  	_ =	swait.ge @!p0 [sflag:s10], $0x4000  }
0x50: {  	[sflag:s10] =	ssyncset.done @!p0 $0x0  }
0x51: {  	s11 =	rddreg [dreg:$0xd];
	[sflag:s10] =	ssyncadd.s32 @!p0 $0xFFFFC000  }
0x52: {  	[tilespmem:s9], [sflag:$0xB] =	stream.linear.gather @!p0 [hbm4b:s11+s2], $0x2400, $0x38;
	[tilespmem:$0x17E40] =	vst v63  }
0x53: {  	_ =	swait.ge @!p0 [sflag:s10], $0x2400  }
0x54: {  	[sflag:s10] =	ssyncset.done @!p0 $0x0  }
0x55: {  	s2 =	rddreg [dreg:$0xe];
	[sflag:s10] =	ssyncadd.s32 @!p0 $0xFFFFDC00  }
0x56: {  	[spmem:s2] =	stream.linear.scatter @!p0 [tilespmem:s9], [sflag:$0xB], $0x2400, $0x38;
	[tilespmem:$0x17E40] =	vst v63  }
0x57: {  	_ =	swait.ge @!p0 [sflag:s10], $0x2400  }
0x58: {  	[sflag:s10] =	ssyncset.done @!p0 $0x0  }
0x59: {  	[sflag:s10] =	ssyncadd.s32 @!p0 $0xFFFFDC00  }
0x5a: {  	[bflag:$0x0] =	sbarrier.arrive $0xFFFF  }
0x5b: {  	v1 =	vld [tilespmem:$0x3C40]  }
0x5c: {  	v2 =	vld [tilespmem:$0x3D40]  }
0x5d: {  	v3 =	vld [tilespmem:$0x3C50]  }
0x5e: {  	v4 =	vld [tilespmem:$0x3D50]  }
0x5f: {  	v5 =	vld [tilespmem:$0x3C60]  }
0x60: {  	v6 =	vld [tilespmem:$0x3D60]  }
0x61: {  	v7 =	vld [tilespmem:$0x3C70]  }
0x62: {  	v8 =	vld [tilespmem:$0x3D70]  }
0x63: {  	v9 =	vld [tilespmem:$0x3C80]  }
0x64: {  	v10 =	vld [tilespmem:$0x3D80]  }
0x65: {  	v11 =	vld [tilespmem:$0x3C90]  }
0x66: {  	v12 =	vld [tilespmem:$0x3D90]  }
0x67: {  	v13 =	vld [tilespmem:$0x3CA0]  }
0x68: {  	v14 =	vld [tilespmem:$0x3DA0]  }
0x69: {  	v15 =	vld [tilespmem:$0x3CB0]  }
0x6a: {  	v16 =	vld [tilespmem:$0x3DB0]  }
0x6b: {  	v17 =	vld [tilespmem:$0x3CC0]  }
0x6c: {  	v18 =	vld [tilespmem:$0x3DC0]  }
0x6d: {  	v19 =	vld [tilespmem:$0x3CD0]  }
0x6e: {  	v20 =	vld [tilespmem:$0x3DD0]  }
0x6f: {  	v21 =	vld [tilespmem:$0x3CE0]  }
0x70: {  	v22 =	vld [tilespmem:$0x3DE0]  }
0x71: {  	v23 =	vld [tilespmem:$0x3CF0]  }
0x72: {  	v24 =	vld [tilespmem:$0x3DF0]  }
0x73: {  	v25 =	vld [tilespmem:$0x3D00]  }
0x74: {  	v26 =	vld [tilespmem:$0x3E00]  }
0x75: {  	v27 =	vld [tilespmem:$0x3D10]  }
0x76: {  	v28 =	vld [tilespmem:$0x3E10]  }
0x77: {  	v29 =	vld [tilespmem:$0x3D20]  }
0x78: {  	v30 =	vld [tilespmem:$0x3E20]  }
0x79: {  	v31 =	vld [tilespmem:$0x3D30]  }
0x7a: {  	v32 =	vld [tilespmem:$0x3E30];
	[tilespmem:s23], [sflag:$0xB] =	stream.linear.gather [spmem:s6], $0x4000, $0x38  }
0x7b: {  	_ =	swait.ge [sflag:s17], $0x4000  }
0x7c: {  	[sflag:s17] =	ssyncset.done $0x0  }
0x7d: {  	[sflag:s17] =	ssyncadd.s32 $0xFFFFC000  }
0x7e: {  	[tilespmem:s23], [sflag:$0x1] =	stream.indirect.gather.add.f32 [hbm:s3], $0x80, s12, s24, $0xb8;
	[tilespmem:$0x17E40] =	vst v63  }
0x7f: {  	_ = 	snop  }
0x80: {  	[tilespmem:s25], [sflag:$0xB] =	stream.linear.gather [spmem:s2], $0x4000, $0x38;
	[tilespmem:$0x17E40] =	vst v63  }
0x81: {  	_ =	swait.ge [sflag:s17], $0x4000  }
0x82: {  	[sflag:s17] =	ssyncset.done $0x0  }
0x83: {  	s21 =	simm.s32 $0x1980;
	v1 =	vsub.f32 v1, v2;
	v2 =	vsub.f32 v3, v4;
	[sflag:s17] =	ssyncadd.s32 $0xFFFFC000  }
0x84: {  	v3 =	vsub.f32 v5, v6;
	v4 =	vsub.f32 v7, v8;
	[tilespmem:s25], [sflag:$0x2] =	stream.indirect.gather.add.f32 [hbm:s3], $0x80, s21, s24, $0xb8;
	[tilespmem:$0x17E40] =	vst v63  }
0x85: {  	v5 =	vsub.f32 v9, v10;
	v6 =	vsub.f32 v11, v12;
	s22 =	rddreg [dreg:$0xf]  }
0x86: {  	v7 =	vsub.f32 v13, v14;
	v8 =	vsub.f32 v15, v16;
	[tilespmem:s28], [sflag:$0xB] =	stream.linear.gather [spmem:s22], $0x4000, $0x38;
	[tilespmem:$0x17E40] =	vst v63  }
0x87: {  	v9 =	vsub.f32 v17, v18;
	v10 =	vsub.f32 v19, v20;
	_ =	swait.ge [sflag:s17], $0x4000  }
0x88: {  	v11 =	vsub.f32 v21, v22;
	v12 =	vsub.f32 v23, v24;
	[sflag:s17] =	ssyncset.done $0x0  }
0x89: {  	s29 =	simm.s32 $0x1A00;
	s9 =	simm.s32 $0x0;
	v13 =	vsub.f32 v25, v26;
	v14 =	vsub.f32 v27, v28;
	[sflag:s17] =	ssyncadd.s32 $0xFFFFC000  }
0x8a: {  	v15 =	vsub.f32 v29, v30;
	v16 =	vsub.f32 v31, v32;
	[tilespmem:s28], [sflag:$0x3] =	stream.indirect.gather.add.f32 [hbm:s3], $0x80, s29, s24, $0xb8;
	[tilespmem:$0x17E40] =	vst v63  }
.LBB2_2:
0x8b: {  	_ =	swait.ge [sflag:s30], $0x4000  }
0x8c: {  	s10 =	smul.u32 $0x280, s9;
	[sflag:s30] =	ssyncset.done $0x0  }
0x8d: {  	[sflag:s30] =	ssyncadd.s32 $0xFFFFC000  }
0x8e: {  	v17 =	vld [tilespmem:s10+$0x0]  }
0x8f: {  	v18 =	vld [tilespmem:s10+$0x10]  }
0x90: {  	v19 =	vld [tilespmem:s10+$0x20]  }
0x91: {  	v20 =	vld [tilespmem:s10+$0x30];
	_ =	sdelay $0x1  }
0x92: {  	v63 =	vld [tilespmem:s10+$0x70]  }
0x93: {  	vm0 =	veq.s32 v17, $0x0;
	vm1 =	veq.s32 v17, $0x186A1;
	vm2 =	veq.s32 v18, $0x0;
	v17 =	vld [tilespmem:s10+$0x40]  }
0x94: {  	vm3 =	veq.s32 v18, $0x186A1;
	v18 =	vld [tilespmem:s10+$0x50];
	vm9 =	veq.s32 v19, $0x0;
	vm10 =	veq.s32 v19, $0x186A1  }
0x95: {  	vm11 =	veq.s32 v20, $0x0;
	v19 =	vld [tilespmem:s10+$0x60];
	vm0 =	vmor vm0, vm1;
	vm8 =	vmor vm2, vm3  }
0x96: {  	vm12 =	veq.s32 v20, $0x186A1;
	vm1 =	vmor vm9, vm10;
	vm0 =	vmor vm0, vm8  }
0x97: {  	vm13 =	vmor vm11, vm12;
	vm0 =	vmor vm0, vm1  }
0x98: {  	vm0 =	vmor vm0, vm13;
	vm13 =	veq.s32 v63, $0x0  }
0x99: {  	vm14 =	veq.s32 v17, $0x0;
	vm15 =	veq.s32 v17, $0x186A1;
	vm7 =	veq.s32 v18, $0x0  }
0x9a: {  	vm8 =	veq.s32 v18, $0x186A1;
	vm10 =	veq.s32 v19, $0x0;
	vm6 =	vmor vm14, vm15  }
0x9b: {  	vm11 =	veq.s32 v19, $0x186A1;
	vm9 =	vmor vm7, vm8;
	vm0 =	vmor vm0, vm6  }
0x9c: {  	vm12 =	vmor vm10, vm11;
	vm14 =	veq.s32 v63, $0x186A1;
	vm0 =	vmor vm0, vm9  }
0x9d: {  	vm15 =	vmor vm13, vm14;
	vm0 =	vmor vm0, vm12  }
0x9e: {  	vm0 =	vmor vm0, vm15  }
0x9f: {  	v17 =	vsel vm0, $0x3F800000, v0  }
0xa0: {  	(xrf0) =	vmax.scan.msk.f32 $0xffff, v17;
	_ =	sdelay $0x5  }
0xa1: {  	v17, _, _ =	vpop (xrf0)  }
0xa2: {  	(v2sf) =	vpush v17, $0xF;
	_ =	sdelay $0xe  }
0xa3: {  	s2 =	spop (v2sf)  }
0xa4: {  	p1 =	sgt.f32 s2, $0.0e+00  }
.Ltmp2:
0xa5: {  	_ = 	snop;
	(pc) =	sbr.rel @!p1 .LBB2_6-.Ltmp2, $2  }
0xa6: {  	_ =	sdelay $0x2  }
0xa7: {  	s16 =	smul.u32 $0x5, s9  }
0xa8: {  	s2 =	simm.s32 $0x0  }
0xa9: {  	s11 =	sshll.u32 s16, $0x7;
	v18 =	vmov s2  }
0xaa: {  	v17 =	vmov s11;
	v18 =	vand.u32 $0x7F, v18  }
0xab: {  	v18 =	vor.u32 v17, v18  }
0xac: {  	v18 =	vbroadcast v18, $0x0;
	_ =	sdelay $0x5  }
0xad: {  	v18 =	vld.idx.msk [tilespmem:v18+s7+$0x0], $0xffff;
	_ =	sdelay $0x4  }
0xae: {  	vm0 =	veq.s32 v18, $0x0;
	vm1 =	veq.s32 v18, $0x186A1  }
0xaf: {  	vm0 =	vmor vm0, vm1  }
0xb0: {  	v19 =	vsel vm0, $0x3F800000, v0  }
0xb1: {  	(xrf0) =	vmax.scan.msk.f32 $0xffff, v19;
	_ =	sdelay $0x5  }
0xb2: {  	v19, _, _ =	vpop (xrf0)  }
0xb3: {  	(v2sf) =	vpush v19, $0xF;
	_ =	sdelay $0xe  }
0xb4: {  	s22 =	spop (v2sf)  }
0xb5: {  	p1 =	sgt.f32 s22, $0.0e+00  }
0xb6: {  	s11 =	simm.s32 $0x3E80  }
0xb7: {  	s29 =	simm.s32 $0x1;
	v19 =	vld @p1 [tilespmem:s11+$0xFFFFFFC0]  }
0xb8: {  	v20 =	vmov s29;
	v21 =	vld @p1 [tilespmem:s11+$0xFFFFFFD0]  }
0xb9: {  	v20 =	vand.u32 $0x7F, v20;
	vm0 =	veq.s32 @p1 v18, $0x186A1;
	v22 =	vld @p1 [tilespmem:s11+$0xFFFFFFE0]  }
0xba: {  	v20 =	vor.u32 v17, v20;
	vm1 =	veq.s32 @p1 v18, $0x0;
	v23 =	vld @p1 [tilespmem:s11+$0xFFFFFFF0];
	v18 =	vnsel @p1 vm0, $0x0, v9  }
0xbb: {  	v20 =	vbroadcast v20, $0x0;
	v25 =	vld @p1 [tilespmem:s11+$0x0];
	v24 =	vnsel @p1 vm0, $0x0, v10;
	v18 =	vsel @p1 vm1, v1, v18  }
0xbc: {  	v26 =	vnsel @p1 vm0, $0x0, v11;
	v24 =	vsel @p1 vm1, v2, v24;
	v18 =	vadd.f32 @p1 v19, v18;
	v19 =	vld @p1 [tilespmem:s11+$0x10]  }
0xbd: {  	v27 =	vnsel @p1 vm0, $0x0, v12;
	v26 =	vsel @p1 vm1, v3, v26;
	v21 =	vadd.f32 @p1 v21, v24;
	v24 =	vld @p1 [tilespmem:s11+$0x20]  }
0xbe: {  	v28 =	vnsel @p1 vm0, $0x0, v13;
	v27 =	vsel @p1 vm1, v4, v27;
	[tilespmem:s11+$0xFFFFFFC0] =	vst @p1 v18;
	v18 =	vadd.f32 @p1 v22, v26;
	v22 =	vld @p1 [tilespmem:s11+$0x30]  }
0xbf: {  	v26 =	vsel @p1 vm1, v5, v28;
	v28 =	vnsel @p1 vm0, $0x0, v14;
	[tilespmem:s11+$0xFFFFFFD0] =	vst @p1 v21;
	v21 =	vadd.f32 @p1 v23, v27  }
0xc0: {  	v27 =	vnsel @p1 vm0, $0x0, v15;
	v23 =	vsel @p1 vm1, v6, v28;
	[tilespmem:s11+$0xFFFFFFE0] =	vst @p1 v18;
	v18 =	vadd.f32 @p1 v25, v26  }
0xc1: {  	v25 =	vsel @p1 vm1, v7, v27;
	v26 =	vnsel @p1 vm0, $0x0, v16;
	[tilespmem:s11+$0xFFFFFFF0] =	vst @p1 v21;
	v19 =	vadd.f32 @p1 v19, v23  }
0xc2: {  	v21 =	vsel @p1 vm1, v8, v26;
	[tilespmem:s11+$0x0] =	vst @p1 v18;
	v18 =	vadd.f32 @p1 v24, v25  }
0xc3: {  	[tilespmem:s11+$0x10] =	vst @p1 v19;
	v19 =	vadd.f32 @p1 v22, v21  }
0xc4: {  	[tilespmem:s11+$0x20] =	vst @p1 v18  }
0xc5: {  	[tilespmem:s11+$0x30] =	vst @p1 v19  }
0xc6: {  	v18 =	vld.idx.msk [tilespmem:v20+s7+$0x0], $0xffff;
	_ =	sdelay $0x4  }
0xc7: {  	vm14 =	veq.s32 v18, $0x0;
	vm15 =	veq.s32 v18, $0x186A1  }
0xc8: {  	vm0 =	vmor vm14, vm15  }
0xc9: {  	v19 =	vsel vm0, $0x3F800000, v0  }
0xca: {  	(xrf0) =	vmax.scan.msk.f32 $0xffff, v19;
	_ =	sdelay $0x5  }
0xcb: {  	v19, _, _ =	vpop (xrf0)  }
0xcc: {  	(v2sf) =	vpush v19, $0xF;
	_ =	sdelay $0xe  }
0xcd: {  	s12 =	spop (v2sf)  }
0xce: {  	s2 =	simm.s32 $0x2;
	p1 =	sgt.f32 s12, $0.0e+00  }
.LBB2_4:
0xcf: {  	v19 =	vmov s2;
	s11 =	sadd.s32 $0x80, s11  }
0xd0: {  	v19 =	vand.u32 $0x7F, v19;
	v20 =	vld @p1 [tilespmem:s11+$0xFFFFFFC0]  }
0xd1: {  	v19 =	vor.u32 v17, v19;
	v21 =	vld @p1 [tilespmem:s11+$0xFFFFFFD0]  }
0xd2: {  	vm1 =	veq.s32 @p1 v18, $0x186A1;
	v19 =	vbroadcast v19, $0x0;
	v22 =	vld @p1 [tilespmem:s11+$0xFFFFFFE0]  }
0xd3: {  	vm0 =	veq.s32 @p1 v18, $0x0;
	v18 =	vnsel @p1 vm1, $0x0, v9;
	v23 =	vnsel @p1 vm1, $0x0, v10;
	v24 =	vld @p1 [tilespmem:s11+$0xFFFFFFF0]  }
0xd4: {  	v25 =	vnsel @p1 vm1, $0x0, v11;
	v18 =	vsel @p1 vm0, v1, v18;
	v23 =	vsel @p1 vm0, v2, v23;
	v26 =	vld @p1 [tilespmem:s11+$0x0]  }
0xd5: {  	v18 =	vadd.f32 @p1 v20, v18;
	v20 =	vsel @p1 vm0, v3, v25;
	v25 =	vnsel @p1 vm1, $0x0, v12;
	v27 =	vld @p1 [tilespmem:s11+$0x10]  }
0xd6: {  	s2 =	sadd.s32 $0x1, s2;
	v21 =	vadd.f32 @p1 v21, v23;
	v23 =	vsel @p1 vm0, v4, v25;
	v25 =	vnsel @p1 vm1, $0x0, v13;
	v28 =	vld @p1 [tilespmem:s11+$0x20]  }
0xd7: {  	p2 =	sne.s32 s2, $0x80;
	[tilespmem:s11+$0xFFFFFFC0] =	vst @p1 v18;
	v18 =	vadd.f32 @p1 v22, v20;
	v20 =	vsel @p1 vm0, v5, v25;
	v22 =	vnsel @p1 vm1, $0x0, v14;
	v25 =	vld @p1 [tilespmem:s11+$0x30]  }
0xd8: {  	[tilespmem:s11+$0xFFFFFFD0] =	vst @p1 v21;
	v21 =	vadd.f32 @p1 v24, v23;
	v22 =	vsel @p1 vm0, v6, v22;
	v23 =	vnsel @p1 vm1, $0x0, v15  }
0xd9: {  	[tilespmem:s11+$0xFFFFFFE0] =	vst @p1 v18;
	v18 =	vadd.f32 @p1 v26, v20;
	v20 =	vsel @p1 vm0, v7, v23;
	v23 =	vnsel @p1 vm1, $0x0, v16  }
0xda: {  	[tilespmem:s11+$0xFFFFFFF0] =	vst @p1 v21;
	v21 =	vadd.f32 @p1 v27, v22;
	v22 =	vsel @p1 vm0, v8, v23  }
0xdb: {  	[tilespmem:s11+$0x0] =	vst @p1 v18;
	v18 =	vadd.f32 @p1 v28, v20  }
0xdc: {  	[tilespmem:s11+$0x10] =	vst @p1 v21;
	v20 =	vadd.f32 @p1 v25, v22  }
0xdd: {  	[tilespmem:s11+$0x20] =	vst @p1 v18  }
0xde: {  	[tilespmem:s11+$0x30] =	vst @p1 v20  }
0xdf: {  	v18 =	vld.idx.msk [tilespmem:v19+s7+$0x0], $0xffff;
	_ =	sdelay $0x5  }
0xe0: {  	vm0 =	veq.s32 v18, $0x0;
	vm1 =	veq.s32 v18, $0x186A1  }
0xe1: {  	vm0 =	vmor vm0, vm1  }
0xe2: {  	v19 =	vsel vm0, $0x3F800000, v0  }
0xe3: {  	(xrf0) =	vmax.scan.msk.f32 $0xffff, v19;
	_ =	sdelay $0x5  }
0xe4: {  	v19, _, _ =	vpop (xrf0)  }
0xe5: {  	(v2sf) =	vpush v19, $0xF;
	_ =	sdelay $0xb  }
.Ltmp3:
0xe6: {  	(pc) =	sbr.rel @p2 .LBB2_4-.Ltmp3, $3  }
0xe7: {  	_ =	sdelay $0x1  }
0xe8: {  	s12 =	spop (v2sf)  }
0xe9: {  	p1 =	sgt.f32 s12, $0.0e+00  }
0xea: {  	s2 =	sadd.s32 $0x80, s11  }
0xeb: {  	v17 =	vld @p1 [tilespmem:s2+$0xFFFFFFC0]  }
0xec: {  	v19 =	vld @p1 [tilespmem:s2+$0xFFFFFFD0]  }
0xed: {  	vm0 =	veq.s32 @p1 v18, $0x186A1;
	v20 =	vld @p1 [tilespmem:s2+$0xFFFFFFE0]  }
0xee: {  	vm1 =	veq.s32 @p1 v18, $0x0;
	v21 =	vld @p1 [tilespmem:s2+$0xFFFFFFF0];
	v18 =	vnsel @p1 vm0, $0x0, v9  }
0xef: {  	v23 =	vld @p1 [tilespmem:s2+$0x0];
	v22 =	vnsel @p1 vm0, $0x0, v10;
	v18 =	vsel @p1 vm1, v1, v18  }
0xf0: {  	v24 =	vnsel @p1 vm0, $0x0, v11;
	v22 =	vsel @p1 vm1, v2, v22;
	v17 =	vadd.f32 @p1 v17, v18;
	v18 =	vld @p1 [tilespmem:s2+$0x10]  }
0xf1: {  	v25 =	vnsel @p1 vm0, $0x0, v12;
	v24 =	vsel @p1 vm1, v3, v24;
	v19 =	vadd.f32 @p1 v19, v22;
	v22 =	vld @p1 [tilespmem:s2+$0x20]  }
0xf2: {  	v26 =	vnsel @p1 vm0, $0x0, v13;
	v25 =	vsel @p1 vm1, v4, v25;
	[tilespmem:s2+$0xFFFFFFC0] =	vst @p1 v17;
	v17 =	vadd.f32 @p1 v20, v24;
	v20 =	vld @p1 [tilespmem:s2+$0x30]  }
0xf3: {  	v24 =	vsel @p1 vm1, v5, v26;
	v26 =	vnsel @p1 vm0, $0x0, v14;
	[tilespmem:s2+$0xFFFFFFD0] =	vst @p1 v19;
	v19 =	vadd.f32 @p1 v21, v25  }
0xf4: {  	v25 =	vnsel @p1 vm0, $0x0, v15;
	v21 =	vsel @p1 vm1, v6, v26;
	[tilespmem:s2+$0xFFFFFFE0] =	vst @p1 v17;
	v17 =	vadd.f32 @p1 v23, v24  }
0xf5: {  	v23 =	vsel @p1 vm1, v7, v25;
	v24 =	vnsel @p1 vm0, $0x0, v16;
	[tilespmem:s2+$0xFFFFFFF0] =	vst @p1 v19;
	v18 =	vadd.f32 @p1 v18, v21  }
0xf6: {  	v19 =	vsel @p1 vm1, v8, v24;
	[tilespmem:s2+$0x0] =	vst @p1 v17;
	v17 =	vadd.f32 @p1 v22, v23  }
0xf7: {  	[tilespmem:s2+$0x10] =	vst @p1 v18;
	v18 =	vadd.f32 @p1 v20, v19  }
0xf8: {  	[tilespmem:s2+$0x20] =	vst @p1 v17  }
0xf9: {  	[tilespmem:s2+$0x30] =	vst @p1 v18  }
.LBB2_6:
0xfa: {  	_ = 	snop  }
0xfb: {  	s2 =	sadd.s32 s8, s16;
	s11 =	sadd.s32 $0x3, s16  }
0xfc: {  	s2 =	sshll.u32 s2, $0xB;
	s13 =	sshll.u32 s11, $0x7  }
0xfd: {  	s2 =	sadd.s32 s5, s2;
	s12 =	smulhi.u32 $0x51EB851F, s13  }
0xfe: {  	[hbm4b:s2+s7] =	stream.linear.scatter [tilespmem:s23], [sflag:$0x6], $0x4000, $0x38;
	[tilespmem:$0x17E40] =	vst v63  }
0xff: {  	s21 =	sshrl.u32 s12, $0x6  }
0x100: {  	p1 =	seq.s32 s9, $0x0;
	s2 =	smul.u32 $0xC8, s21  }
0x101: {  	s12 =	simm.s32 @!p1 $0x9  }
0x102: {  	_ =	swait.ge @!p1 [sflag:s12], $0x4000;
	s2 =	ssub.s32 s13, s2  }
0x103: {  	[sflag:s12] =	ssyncset.done @!p1 $0x0;
	s2 =	sshll.u32 s2, $0x7  }
0x104: {  	[sflag:s12] =	ssyncadd.s32 @!p1 $0xFFFFC000;
	s2 =	sadd.s32 s2, s6  }
0x105: {  	[tilespmem:s31], [sflag:$0xB] =	stream.linear.gather [spmem:s2], $0x4000, $0x38;
	[tilespmem:$0x17E40] =	vst v63  }
0x106: {  	_ =	swait.ge [sflag:s17], $0x4000  }
0x107: {  	[sflag:s17] =	ssyncset.done $0x0  }
0x108: {  	s22 =	sadd.s32 $0x1900, s13;
	[sflag:s17] =	ssyncadd.s32 $0xFFFFC000  }
0x109: {  	[tilespmem:s31], [sflag:$0x4] =	stream.indirect.gather.add.f32 [hbm:s3], $0x80, s22, s24, $0xb8;
	[tilespmem:$0x17E40] =	vst v63  }
0x10a: {  	s12 =	sadd.s32 $0x1, s16;
	_ =	swait.ge [sflag:s4], $0x4000  }
0x10b: {  	s2 =	sshll.u32 s12, $0x7;
	[sflag:s4] =	ssyncset.done $0x0  }
0x10c: {  	s14 =	sand.u32 $0x3FFFFF80, s2;
	[sflag:s4] =	ssyncadd.s32 $0xFFFFC000  }
0x10d: {  	v17 =	vld [tilespmem:s14+$0x0]  }
0x10e: {  	v18 =	vld [tilespmem:s14+$0x10]  }
0x10f: {  	v19 =	vld [tilespmem:s14+$0x20]  }
0x110: {  	v20 =	vld [tilespmem:s14+$0x30];
	_ =	sdelay $0x1  }
0x111: {  	v63 =	vld [tilespmem:s14+$0x70]  }
0x112: {  	vm0 =	veq.s32 v17, $0x0;
	vm1 =	veq.s32 v17, $0x186A1;
	vm2 =	veq.s32 v18, $0x0;
	v17 =	vld [tilespmem:s14+$0x40]  }
0x113: {  	vm3 =	veq.s32 v18, $0x186A1;
	v18 =	vld [tilespmem:s14+$0x50];
	vm9 =	veq.s32 v19, $0x0;
	vm10 =	veq.s32 v19, $0x186A1  }
0x114: {  	vm11 =	veq.s32 v20, $0x0;
	v19 =	vld [tilespmem:s14+$0x60];
	vm0 =	vmor vm0, vm1;
	vm8 =	vmor vm2, vm3  }
0x115: {  	vm12 =	veq.s32 v20, $0x186A1;
	vm1 =	vmor vm9, vm10;
	vm0 =	vmor vm0, vm8  }
0x116: {  	vm13 =	vmor vm11, vm12;
	vm0 =	vmor vm0, vm1  }
0x117: {  	vm0 =	vmor vm0, vm13;
	vm13 =	veq.s32 v63, $0x0  }
0x118: {  	vm14 =	veq.s32 v17, $0x0;
	vm15 =	veq.s32 v17, $0x186A1;
	vm7 =	veq.s32 v18, $0x0  }
0x119: {  	vm8 =	veq.s32 v18, $0x186A1;
	vm10 =	veq.s32 v19, $0x0;
	vm6 =	vmor vm14, vm15  }
0x11a: {  	vm11 =	veq.s32 v19, $0x186A1;
	vm9 =	vmor vm7, vm8;
	vm0 =	vmor vm0, vm6  }
0x11b: {  	vm12 =	vmor vm10, vm11;
	vm14 =	veq.s32 v63, $0x186A1;
	vm0 =	vmor vm0, vm9  }
0x11c: {  	vm15 =	vmor vm13, vm14;
	vm0 =	vmor vm0, vm12  }
0x11d: {  	vm0 =	vmor vm0, vm15  }
0x11e: {  	v17 =	vsel vm0, $0x3F800000, v0  }
0x11f: {  	(xrf0) =	vmax.scan.msk.f32 $0xffff, v17;
	_ =	sdelay $0x5  }
0x120: {  	v17, _, _ =	vpop (xrf0)  }
0x121: {  	(v2sf) =	vpush v17, $0xF;
	_ =	sdelay $0xe  }
0x122: {  	s29 =	spop (v2sf)  }
0x123: {  	p2 =	sgt.f32 s29, $0.0e+00  }
.Ltmp4:
0x124: {  	_ = 	snop;
	(pc) =	sbr.rel @!p2 .LBB2_10-.Ltmp4, $1  }
0x125: {  	_ =	sdelay $0x3  }
0x126: {  	s14 =	simm.s32 $0x0  }
0x127: {  	v18 =	vmov s14  }
0x128: {  	v17 =	vmov s2;
	v18 =	vand.u32 $0x7F, v18  }
0x129: {  	v18 =	vor.u32 v17, v18  }
0x12a: {  	v18 =	vbroadcast v18, $0x0;
	_ =	sdelay $0x5  }
0x12b: {  	v18 =	vld.idx.msk [tilespmem:v18+s7+$0x0], $0xffff;
	_ =	sdelay $0x4  }
0x12c: {  	vm0 =	veq.s32 v18, $0x0;
	vm1 =	veq.s32 v18, $0x186A1  }
0x12d: {  	vm0 =	vmor vm0, vm1  }
0x12e: {  	v19 =	vsel vm0, $0x3F800000, v0  }
0x12f: {  	(xrf0) =	vmax.scan.msk.f32 $0xffff, v19;
	_ =	sdelay $0x5  }
0x130: {  	v19, _, _ =	vpop (xrf0)  }
0x131: {  	(v2sf) =	vpush v19, $0xF;
	_ =	sdelay $0xe  }
0x132: {  	s22 =	spop (v2sf)  }
0x133: {  	p2 =	sgt.f32 s22, $0.0e+00;
	_ =	sdelay $0x1  }
0x134: {  	s21 =	simm.s32 $0x1;
	vm1 =	veq.s32 @p2 v18, $0x186A1;
	s29 =	simm.s32 @p2 $0x0  }
0x135: {  	v31 =	vmov s21;
	vm0 =	veq.s32 @p2 v18, $0x0;
	v18 =	vnsel @p2 vm1, $0x0, v11;
	v30 =	vld @p2 [tilespmem:s29+$0x7EB0]  }
0x136: {  	v20 =	vnsel @p2 vm1, $0x0, v12;
	v21 =	vnsel @p2 vm1, $0x0, v14;
	v24 =	vld @p2 [tilespmem:s29+$0x7E90];
	v26 =	vnsel @p2 vm1, $0x0, v15  }
0x137: {  	v22 =	vld @p2 [tilespmem:s29+$0x7E60];
	v27 =	vnsel @p2 vm1, $0x0, v16;
	v19 =	vsel @p2 vm0, v3, v18;
	v18 =	vsel @p2 vm0, v4, v20  }
0x138: {  	v23 =	vld @p2 [tilespmem:s29+$0x7E70];
	v25 =	vsel @p2 vm0, v6, v21;
	v20 =	vnsel @p2 vm1, $0x0, v13;
	v32 =	vsel @p2 vm0, v8, v27  }
0x139: {  	v27 =	vnsel @p2 vm1, $0x0, v10;
	v21 =	vsel @p2 vm0, v5, v20;
	v20 =	vsel @p2 vm0, v7, v26;
	v26 =	vld @p2 [tilespmem:s29+$0x7E80]  }
0x13a: {  	s15 =	simm.s32 $0x200;
	s22 =	simm.s32 $0x400;
	v29 =	vnsel @p2 vm1, $0x0, v9;
	v28 =	vld @p2 [tilespmem:s29+$0x7EA0];
	v27 =	vsel @p2 vm0, v2, v27;
	v30 =	vadd.f32 @p2 v30, v32  }
.LBB2_8:
0x13b: {  	v31 =	vand.u32 $0x7F, v31;
	v29 =	vsel @p2 vm0, v1, v29;
	v32 =	vld @p2 [tilespmem:s29+$0x7E50];
	v24 =	vadd.f32 @p2 v24, v25;
	s2 =	smov.u32 s22;
	s22 =	sadd.s32 $0x200, s22  }
0x13c: {  	p3 =	sne.s32 s22, $0x10000;
	v25 =	vor.u32 v17, v31;
	v31 =	vld @p2 [tilespmem:s29+$0x7E40];
	v19 =	vadd.f32 @p2 v22, v19;
	[tilespmem:s29+$0x7EB0] =	vst @p2 v30  }
0x13d: {  	v22 =	vbroadcast v25, $0x0;
	v18 =	vadd.f32 @p2 v23, v18;
	[tilespmem:s29+$0x7E90] =	vst @p2 v24  }
0x13e: {  	[tilespmem:s29+$0x7E60] =	vst @p2 v19;
	v19 =	vadd.f32 @p2 v26, v21  }
0x13f: {  	[tilespmem:s29+$0x7E70] =	vst @p2 v18;
	v18 =	vadd.f32 @p2 v28, v20  }
0x140: {  	v20 =	vadd.f32 @p2 v32, v27;
	[tilespmem:s29+$0x7E80] =	vst @p2 v19  }
0x141: {  	v19 =	vadd.f32 @p2 v31, v29;
	[tilespmem:s29+$0x7EA0] =	vst @p2 v18  }
0x142: {  	[tilespmem:s29+$0x7E50] =	vst @p2 v20  }
0x143: {  	[tilespmem:s29+$0x7E40] =	vst @p2 v19  }
0x144: {  	v18 =	vld.idx.msk [tilespmem:v22+s7+$0x0], $0xffff;
	_ =	sdelay $0x5  }
0x145: {  	vm0 =	veq.s32 v18, $0x0;
	vm1 =	veq.s32 v18, $0x186A1  }
0x146: {  	vm0 =	vmor vm0, vm1  }
0x147: {  	v19 =	vsel vm0, $0x3F800000, v0  }
0x148: {  	(xrf0) =	vmax.scan.msk.f32 $0xffff, v19;
	_ =	sdelay $0x5  }
0x149: {  	v19, _, _ =	vpop (xrf0)  }
0x14a: {  	(v2sf) =	vpush v19, $0xF;
	_ =	sdelay $0xe  }
0x14b: {  	s14 =	spop (v2sf)  }
0x14c: {  	p2 =	sgt.f32 s14, $0.0e+00;
	_ =	sdelay $0x1  }
0x14d: {  	vm1 =	veq.s32 @p2 v18, $0x186A1;
	vm0 =	veq.s32 @p2 v18, $0x0;
	s29 =	sshra.s32 @p2 s15, $0x2;
	s15 =	smov.u32 s2  }
0x14e: {  	v18 =	vnsel @p2 vm1, $0x0, v11;
	v20 =	vnsel @p2 vm1, $0x0, v12;
	v21 =	vnsel @p2 vm1, $0x0, v14;
	v30 =	vld @p2 [tilespmem:s29+$0x7EB0]  }
.Ltmp5:
0x14f: {  	v19 =	vsel @p2 vm0, v3, v18;
	v18 =	vsel @p2 vm0, v4, v20;
	v24 =	vld @p2 [tilespmem:s29+$0x7E90];
	v25 =	vsel @p2 vm0, v6, v21;
	(pc) =	sbr.rel @p3 .LBB2_8-.Ltmp5, $4  }
0x150: {  	v26 =	vnsel @p2 vm1, $0x0, v15;
	v27 =	vnsel @p2 vm1, $0x0, v16;
	v20 =	vnsel @p2 vm1, $0x0, v13;
	v22 =	vld @p2 [tilespmem:s29+$0x7E60]  }
0x151: {  	v32 =	vsel @p2 vm0, v8, v27;
	v21 =	vsel @p2 vm0, v5, v20;
	v20 =	vsel @p2 vm0, v7, v26;
	v23 =	vld @p2 [tilespmem:s29+$0x7E70]  }
0x152: {  	s21 =	sadd.s32 $0x1, s21;
	v29 =	vnsel @p2 vm1, $0x0, v9;
	v27 =	vnsel @p2 vm1, $0x0, v10;
	v26 =	vld @p2 [tilespmem:s29+$0x7E80]  }
0x153: {  	v31 =	vmov s21;
	v27 =	vsel @p2 vm0, v2, v27;
	v28 =	vld @p2 [tilespmem:s29+$0x7EA0];
	v30 =	vadd.f32 @p2 v30, v32  }
0x154: {  	v32 =	vld @p2 [tilespmem:s29+$0x7E50];
	v24 =	vadd.f32 @p2 v24, v25  }
0x155: {  	v25 =	vld @p2 [tilespmem:s29+$0x7E40];
	v63 =	vand.u32 $0x7F, v31;
	v19 =	vadd.f32 @p2 v22, v19;
	[tilespmem:s29+$0x7EB0] =	vst @p2 v30  }
0x156: {  	v17 =	vor.u32 v17, v63;
	v18 =	vadd.f32 @p2 v23, v18;
	[tilespmem:s29+$0x7E90] =	vst @p2 v24  }
0x157: {  	v17 =	vbroadcast v17, $0x0;
	[tilespmem:s29+$0x7E60] =	vst @p2 v19;
	v19 =	vadd.f32 @p2 v26, v21  }
0x158: {  	[tilespmem:s29+$0x7E70] =	vst @p2 v18;
	v18 =	vadd.f32 @p2 v28, v20  }
0x159: {  	v20 =	vsel @p2 vm0, v1, v29;
	v21 =	vadd.f32 @p2 v32, v27;
	[tilespmem:s29+$0x7E80] =	vst @p2 v19  }
0x15a: {  	v19 =	vadd.f32 @p2 v25, v20;
	[tilespmem:s29+$0x7EA0] =	vst @p2 v18  }
0x15b: {  	[tilespmem:s29+$0x7E50] =	vst @p2 v21  }
0x15c: {  	[tilespmem:s29+$0x7E40] =	vst @p2 v19  }
0x15d: {  	v17 =	vld.idx.msk [tilespmem:v17+s7+$0x0], $0xffff;
	_ =	sdelay $0x4  }
0x15e: {  	vm15 =	veq.s32 v17, $0x0;
	vm1 =	veq.s32 v17, $0x186A1  }
0x15f: {  	vm0 =	vmor vm15, vm1  }
0x160: {  	v18 =	vsel vm0, $0x3F800000, v0  }
0x161: {  	(xrf0) =	vmax.scan.msk.f32 $0xffff, v18;
	_ =	sdelay $0x5  }
0x162: {  	v18, _, _ =	vpop (xrf0)  }
0x163: {  	(v2sf) =	vpush v18, $0xF;
	_ =	sdelay $0xe  }
0x164: {  	s2 =	spop (v2sf)  }
0x165: {  	p2 =	sgt.f32 s2, $0.0e+00;
	_ =	sdelay $0x1  }
0x166: {  	s2 =	sshra.s32 @p2 s15, $0x2  }
0x167: {  	v18 =	vld @p2 [tilespmem:s2+$0x7EB0]  }
0x168: {  	v19 =	vld @p2 [tilespmem:s2+$0x7E90]  }
0x169: {  	vm0 =	veq.s32 @p2 v17, $0x186A1;
	v20 =	vld @p2 [tilespmem:s2+$0x7E60]  }
0x16a: {  	vm1 =	veq.s32 @p2 v17, $0x0;
	v17 =	vnsel @p2 vm0, $0x0, v16;
	v21 =	vld @p2 [tilespmem:s2+$0x7E70]  }
0x16b: {  	v22 =	vnsel @p2 vm0, $0x0, v14;
	v23 =	vld @p2 [tilespmem:s2+$0x7E80];
	v17 =	vsel @p2 vm1, v8, v17  }
0x16c: {  	v24 =	vnsel @p2 vm0, $0x0, v11;
	v25 =	vld @p2 [tilespmem:s2+$0x7EA0];
	v22 =	vsel @p2 vm1, v6, v22;
	v17 =	vadd.f32 @p2 v18, v17  }
0x16d: {  	v26 =	vld @p2 [tilespmem:s2+$0x7E50];
	v24 =	vsel @p2 vm1, v3, v24;
	v18 =	vnsel @p2 vm0, $0x0, v12;
	v19 =	vadd.f32 @p2 v19, v22  }
0x16e: {  	v27 =	vld @p2 [tilespmem:s2+$0x7E40];
	v22 =	vnsel @p2 vm0, $0x0, v13;
	v20 =	vadd.f32 @p2 v20, v24;
	v18 =	vsel @p2 vm1, v4, v18;
	[tilespmem:s2+$0x7EB0] =	vst @p2 v17  }
0x16f: {  	v22 =	vsel @p2 vm1, v5, v22;
	v17 =	vnsel @p2 vm0, $0x0, v15;
	v18 =	vadd.f32 @p2 v21, v18;
	[tilespmem:s2+$0x7E90] =	vst @p2 v19  }
0x170: {  	v19 =	vnsel @p2 vm0, $0x0, v10;
	[tilespmem:s2+$0x7E60] =	vst @p2 v20;
	v20 =	vadd.f32 @p2 v23, v22;
	v17 =	vsel @p2 vm1, v7, v17  }
0x171: {  	v21 =	vnsel @p2 vm0, $0x0, v9;
	v19 =	vsel @p2 vm1, v2, v19;
	[tilespmem:s2+$0x7E70] =	vst @p2 v18;
	v17 =	vadd.f32 @p2 v25, v17  }
0x172: {  	v18 =	vsel @p2 vm1, v1, v21;
	v19 =	vadd.f32 @p2 v26, v19;
	[tilespmem:s2+$0x7E80] =	vst @p2 v20  }
0x173: {  	v18 =	vadd.f32 @p2 v27, v18;
	[tilespmem:s2+$0x7EA0] =	vst @p2 v17  }
0x174: {  	[tilespmem:s2+$0x7E50] =	vst @p2 v19  }
0x175: {  	[tilespmem:s2+$0x7E40] =	vst @p2 v18  }
.LBB2_10:
0x176: {  	s2 =	sadd.s32 s8, s12  }
0x177: {  	s12 =	sadd.s32 $0x4, s16;
	s2 =	sshll.u32 s2, $0xB  }
0x178: {  	s15 =	sshll.u32 s12, $0x7;
	s2 =	sand.u32 $0x1FFFF800, s2  }
0x179: {  	s14 =	smulhi.u32 $0x51EB851F, s15;
	s2 =	sadd.s32 s5, s2  }
0x17a: {  	[hbm4b:s2+s7] =	stream.linear.scatter [tilespmem:s25], [sflag:$0x7], $0x4000, $0x38;
	[tilespmem:$0x17E40] =	vst v63  }
0x17b: {  	s14 =	sshrl.u32 s14, $0x6  }
0x17c: {  	s2 =	smul.u32 $0xC8, s14  }
0x17d: {  	s14 =	simm.s32 @!p1 $0xA  }
0x17e: {  	_ =	swait.ge @!p1 [sflag:s14], $0x4000;
	s2 =	ssub.s32 s15, s2  }
0x17f: {  	[sflag:s14] =	ssyncset.done @!p1 $0x0;
	s2 =	sshll.u32 s2, $0x7  }
0x180: {  	[sflag:s14] =	ssyncadd.s32 @!p1 $0xFFFFC000;
	s2 =	sadd.s32 s2, s6  }
0x181: {  	[tilespmem:s0], [sflag:$0xB] =	stream.linear.gather [spmem:s2], $0x4000, $0x38;
	[tilespmem:$0x17E40] =	vst v63  }
0x182: {  	_ =	swait.ge [sflag:s17], $0x4000  }
0x183: {  	[sflag:s17] =	ssyncset.done $0x0  }
0x184: {  	s21 =	sadd.s32 $0x1900, s15;
	[sflag:s17] =	ssyncadd.s32 $0xFFFFC000  }
0x185: {  	[tilespmem:s0], [sflag:$0x5] =	stream.indirect.gather.add.f32 [hbm:s3], $0x80, s21, s24, $0xb8;
	[tilespmem:$0x17E40] =	vst v63  }
0x186: {  	s16 =	sadd.s32 $0x2, s16;
	_ =	swait.ge [sflag:s1], $0x4000  }
0x187: {  	s2 =	sshll.u32 s16, $0x7;
	[sflag:s1] =	ssyncset.done $0x0  }
0x188: {  	s22 =	sand.u32 $0x3FFFFF80, s2;
	[sflag:s1] =	ssyncadd.s32 $0xFFFFC000  }
0x189: {  	v17 =	vld [tilespmem:s22+$0x0]  }
0x18a: {  	v18 =	vld [tilespmem:s22+$0x10]  }
0x18b: {  	v19 =	vld [tilespmem:s22+$0x20]  }
0x18c: {  	v20 =	vld [tilespmem:s22+$0x30];
	_ =	sdelay $0x1  }
0x18d: {  	v63 =	vld [tilespmem:s22+$0x70]  }
0x18e: {  	vm0 =	veq.s32 v17, $0x0;
	vm1 =	veq.s32 v17, $0x186A1;
	vm2 =	veq.s32 v18, $0x0;
	v17 =	vld [tilespmem:s22+$0x40]  }
0x18f: {  	vm3 =	veq.s32 v18, $0x186A1;
	v18 =	vld [tilespmem:s22+$0x50];
	vm9 =	veq.s32 v19, $0x0;
	vm10 =	veq.s32 v19, $0x186A1  }
0x190: {  	vm11 =	veq.s32 v20, $0x0;
	v19 =	vld [tilespmem:s22+$0x60];
	vm0 =	vmor vm0, vm1;
	vm8 =	vmor vm2, vm3  }
0x191: {  	vm12 =	veq.s32 v20, $0x186A1;
	vm1 =	vmor vm9, vm10;
	vm0 =	vmor vm0, vm8  }
0x192: {  	vm13 =	vmor vm11, vm12;
	vm0 =	vmor vm0, vm1  }
0x193: {  	vm0 =	vmor vm0, vm13;
	vm13 =	veq.s32 v63, $0x0  }
0x194: {  	vm14 =	veq.s32 v17, $0x0;
	vm15 =	veq.s32 v17, $0x186A1;
	vm7 =	veq.s32 v18, $0x0  }
0x195: {  	vm8 =	veq.s32 v18, $0x186A1;
	vm10 =	veq.s32 v19, $0x0;
	vm6 =	vmor vm14, vm15  }
0x196: {  	vm11 =	veq.s32 v19, $0x186A1;
	vm9 =	vmor vm7, vm8;
	vm0 =	vmor vm0, vm6  }
0x197: {  	vm12 =	vmor vm10, vm11;
	vm14 =	veq.s32 v63, $0x186A1;
	vm0 =	vmor vm0, vm9  }
0x198: {  	vm15 =	vmor vm13, vm14;
	vm0 =	vmor vm0, vm12  }
0x199: {  	vm0 =	vmor vm0, vm15  }
0x19a: {  	v17 =	vsel vm0, $0x3F800000, v0  }
0x19b: {  	(xrf0) =	vmax.scan.msk.f32 $0xffff, v17;
	_ =	sdelay $0x5  }
0x19c: {  	v17, _, _ =	vpop (xrf0)  }
0x19d: {  	(v2sf) =	vpush v17, $0xF;
	_ =	sdelay $0xe  }
0x19e: {  	s29 =	spop (v2sf)  }
0x19f: {  	p1 =	sgt.f32 s29, $0.0e+00  }
.Ltmp6:
0x1a0: {  	_ = 	snop;
	(pc) =	sbr.rel @!p1 .LBB2_14-.Ltmp6, $1  }
0x1a1: {  	_ =	sdelay $0x3  }
0x1a2: {  	s14 =	simm.s32 $0x0  }
0x1a3: {  	v18 =	vmov s14  }
0x1a4: {  	v17 =	vmov s2;
	v18 =	vand.u32 $0x7F, v18  }
0x1a5: {  	v18 =	vor.u32 v17, v18  }
0x1a6: {  	v18 =	vbroadcast v18, $0x0;
	_ =	sdelay $0x5  }
0x1a7: {  	v18 =	vld.idx.msk [tilespmem:v18+s7+$0x0], $0xffff;
	_ =	sdelay $0x4  }
0x1a8: {  	vm0 =	veq.s32 v18, $0x0;
	vm1 =	veq.s32 v18, $0x186A1  }
0x1a9: {  	vm0 =	vmor vm0, vm1  }
0x1aa: {  	v19 =	vsel vm0, $0x3F800000, v0  }
0x1ab: {  	(xrf0) =	vmax.scan.msk.f32 $0xffff, v19;
	_ =	sdelay $0x5  }
0x1ac: {  	v19, _, _ =	vpop (xrf0)  }
0x1ad: {  	(v2sf) =	vpush v19, $0xF;
	_ =	sdelay $0xe  }
0x1ae: {  	s22 =	spop (v2sf)  }
0x1af: {  	p1 =	sgt.f32 s22, $0.0e+00;
	_ =	sdelay $0x1  }
0x1b0: {  	s22 =	simm.s32 $0x1;
	vm1 =	veq.s32 @p1 v18, $0x186A1;
	s2 =	simm.s32 @p1 $0x0  }
0x1b1: {  	v31 =	vmov s22;
	vm0 =	veq.s32 @p1 v18, $0x0;
	v18 =	vnsel @p1 vm1, $0x0, v11;
	v30 =	vld @p1 [tilespmem:s2+$0xBEB0]  }
0x1b2: {  	v20 =	vnsel @p1 vm1, $0x0, v12;
	v21 =	vnsel @p1 vm1, $0x0, v14;
	v24 =	vld @p1 [tilespmem:s2+$0xBE90];
	v26 =	vnsel @p1 vm1, $0x0, v15  }
0x1b3: {  	v22 =	vld @p1 [tilespmem:s2+$0xBE60];
	v27 =	vnsel @p1 vm1, $0x0, v16;
	v19 =	vsel @p1 vm0, v3, v18;
	v18 =	vsel @p1 vm0, v4, v20  }
0x1b4: {  	v23 =	vld @p1 [tilespmem:s2+$0xBE70];
	v25 =	vsel @p1 vm0, v6, v21;
	v20 =	vnsel @p1 vm1, $0x0, v13;
	v32 =	vsel @p1 vm0, v8, v27  }
0x1b5: {  	v27 =	vnsel @p1 vm1, $0x0, v10;
	v21 =	vsel @p1 vm0, v5, v20;
	v20 =	vsel @p1 vm0, v7, v26;
	v26 =	vld @p1 [tilespmem:s2+$0xBE80]  }
0x1b6: {  	s21 =	simm.s32 $0x200;
	s29 =	simm.s32 $0x400;
	v29 =	vnsel @p1 vm1, $0x0, v9;
	v28 =	vld @p1 [tilespmem:s2+$0xBEA0];
	v27 =	vsel @p1 vm0, v2, v27;
	v30 =	vadd.f32 @p1 v30, v32  }
.LBB2_12:
0x1b7: {  	v31 =	vand.u32 $0x7F, v31;
	v29 =	vsel @p1 vm0, v1, v29;
	v32 =	vld @p1 [tilespmem:s2+$0xBE50];
	v24 =	vadd.f32 @p1 v24, v25;
	s14 =	smov.u32 s29;
	s29 =	sadd.s32 $0x200, s29  }
0x1b8: {  	p2 =	sne.s32 s29, $0x10000;
	v25 =	vor.u32 v17, v31;
	v31 =	vld @p1 [tilespmem:s2+$0xBE40];
	v19 =	vadd.f32 @p1 v22, v19;
	[tilespmem:s2+$0xBEB0] =	vst @p1 v30  }
0x1b9: {  	v22 =	vbroadcast v25, $0x0;
	v18 =	vadd.f32 @p1 v23, v18;
	[tilespmem:s2+$0xBE90] =	vst @p1 v24  }
0x1ba: {  	[tilespmem:s2+$0xBE60] =	vst @p1 v19;
	v19 =	vadd.f32 @p1 v26, v21  }
0x1bb: {  	[tilespmem:s2+$0xBE70] =	vst @p1 v18;
	v18 =	vadd.f32 @p1 v28, v20  }
0x1bc: {  	v20 =	vadd.f32 @p1 v32, v27;
	[tilespmem:s2+$0xBE80] =	vst @p1 v19  }
0x1bd: {  	v19 =	vadd.f32 @p1 v31, v29;
	[tilespmem:s2+$0xBEA0] =	vst @p1 v18  }
0x1be: {  	[tilespmem:s2+$0xBE50] =	vst @p1 v20  }
0x1bf: {  	[tilespmem:s2+$0xBE40] =	vst @p1 v19  }
0x1c0: {  	v18 =	vld.idx.msk [tilespmem:v22+s7+$0x0], $0xffff;
	_ =	sdelay $0x5  }
0x1c1: {  	vm0 =	veq.s32 v18, $0x0;
	vm1 =	veq.s32 v18, $0x186A1  }
0x1c2: {  	vm0 =	vmor vm0, vm1  }
0x1c3: {  	v19 =	vsel vm0, $0x3F800000, v0  }
0x1c4: {  	(xrf0) =	vmax.scan.msk.f32 $0xffff, v19;
	_ =	sdelay $0x5  }
0x1c5: {  	v19, _, _ =	vpop (xrf0)  }
0x1c6: {  	(v2sf) =	vpush v19, $0xF;
	_ =	sdelay $0xe  }
0x1c7: {  	s2 =	spop (v2sf)  }
0x1c8: {  	p1 =	sgt.f32 s2, $0.0e+00;
	_ =	sdelay $0x1  }
0x1c9: {  	vm1 =	veq.s32 @p1 v18, $0x186A1;
	vm0 =	veq.s32 @p1 v18, $0x0;
	s2 =	sshra.s32 @p1 s21, $0x2;
	s21 =	smov.u32 s14  }
0x1ca: {  	v18 =	vnsel @p1 vm1, $0x0, v11;
	v20 =	vnsel @p1 vm1, $0x0, v12;
	v21 =	vnsel @p1 vm1, $0x0, v14;
	v30 =	vld @p1 [tilespmem:s2+$0xBEB0]  }
.Ltmp7:
0x1cb: {  	v19 =	vsel @p1 vm0, v3, v18;
	v18 =	vsel @p1 vm0, v4, v20;
	v24 =	vld @p1 [tilespmem:s2+$0xBE90];
	v25 =	vsel @p1 vm0, v6, v21;
	(pc) =	sbr.rel @p2 .LBB2_12-.Ltmp7, $4  }
0x1cc: {  	v26 =	vnsel @p1 vm1, $0x0, v15;
	v27 =	vnsel @p1 vm1, $0x0, v16;
	v20 =	vnsel @p1 vm1, $0x0, v13;
	v22 =	vld @p1 [tilespmem:s2+$0xBE60]  }
0x1cd: {  	v32 =	vsel @p1 vm0, v8, v27;
	v21 =	vsel @p1 vm0, v5, v20;
	v20 =	vsel @p1 vm0, v7, v26;
	v23 =	vld @p1 [tilespmem:s2+$0xBE70]  }
0x1ce: {  	s22 =	sadd.s32 $0x1, s22;
	v29 =	vnsel @p1 vm1, $0x0, v9;
	v27 =	vnsel @p1 vm1, $0x0, v10;
	v26 =	vld @p1 [tilespmem:s2+$0xBE80]  }
0x1cf: {  	v31 =	vmov s22;
	v27 =	vsel @p1 vm0, v2, v27;
	v28 =	vld @p1 [tilespmem:s2+$0xBEA0];
	v30 =	vadd.f32 @p1 v30, v32  }
0x1d0: {  	v32 =	vld @p1 [tilespmem:s2+$0xBE50];
	v24 =	vadd.f32 @p1 v24, v25  }
0x1d1: {  	v25 =	vld @p1 [tilespmem:s2+$0xBE40];
	v63 =	vand.u32 $0x7F, v31;
	v19 =	vadd.f32 @p1 v22, v19;
	[tilespmem:s2+$0xBEB0] =	vst @p1 v30  }
0x1d2: {  	v17 =	vor.u32 v17, v63;
	v18 =	vadd.f32 @p1 v23, v18;
	[tilespmem:s2+$0xBE90] =	vst @p1 v24  }
0x1d3: {  	v17 =	vbroadcast v17, $0x0;
	[tilespmem:s2+$0xBE60] =	vst @p1 v19;
	v19 =	vadd.f32 @p1 v26, v21  }
0x1d4: {  	[tilespmem:s2+$0xBE70] =	vst @p1 v18;
	v18 =	vadd.f32 @p1 v28, v20  }
0x1d5: {  	v20 =	vsel @p1 vm0, v1, v29;
	v21 =	vadd.f32 @p1 v32, v27;
	[tilespmem:s2+$0xBE80] =	vst @p1 v19  }
0x1d6: {  	v19 =	vadd.f32 @p1 v25, v20;
	[tilespmem:s2+$0xBEA0] =	vst @p1 v18  }
0x1d7: {  	[tilespmem:s2+$0xBE50] =	vst @p1 v21  }
0x1d8: {  	[tilespmem:s2+$0xBE40] =	vst @p1 v19  }
0x1d9: {  	v17 =	vld.idx.msk [tilespmem:v17+s7+$0x0], $0xffff;
	_ =	sdelay $0x4  }
0x1da: {  	vm15 =	veq.s32 v17, $0x0;
	vm1 =	veq.s32 v17, $0x186A1  }
0x1db: {  	vm0 =	vmor vm15, vm1  }
0x1dc: {  	v18 =	vsel vm0, $0x3F800000, v0  }
0x1dd: {  	(xrf0) =	vmax.scan.msk.f32 $0xffff, v18;
	_ =	sdelay $0x5  }
0x1de: {  	v18, _, _ =	vpop (xrf0)  }
0x1df: {  	(v2sf) =	vpush v18, $0xF;
	_ =	sdelay $0xe  }
0x1e0: {  	s29 =	spop (v2sf)  }
0x1e1: {  	p1 =	sgt.f32 s29, $0.0e+00;
	_ =	sdelay $0x1  }
0x1e2: {  	s2 =	sshra.s32 @p1 s21, $0x2  }
0x1e3: {  	v18 =	vld @p1 [tilespmem:s2+$0xBEB0]  }
0x1e4: {  	v19 =	vld @p1 [tilespmem:s2+$0xBE90]  }
0x1e5: {  	vm0 =	veq.s32 @p1 v17, $0x186A1;
	v20 =	vld @p1 [tilespmem:s2+$0xBE60]  }
0x1e6: {  	vm1 =	veq.s32 @p1 v17, $0x0;
	v17 =	vnsel @p1 vm0, $0x0, v16;
	v21 =	vld @p1 [tilespmem:s2+$0xBE70]  }
0x1e7: {  	v22 =	vnsel @p1 vm0, $0x0, v14;
	v23 =	vld @p1 [tilespmem:s2+$0xBE80];
	v17 =	vsel @p1 vm1, v8, v17  }
0x1e8: {  	v24 =	vnsel @p1 vm0, $0x0, v11;
	v25 =	vld @p1 [tilespmem:s2+$0xBEA0];
	v22 =	vsel @p1 vm1, v6, v22;
	v17 =	vadd.f32 @p1 v18, v17  }
0x1e9: {  	v26 =	vld @p1 [tilespmem:s2+$0xBE50];
	v24 =	vsel @p1 vm1, v3, v24;
	v18 =	vnsel @p1 vm0, $0x0, v12;
	v19 =	vadd.f32 @p1 v19, v22  }
0x1ea: {  	v27 =	vld @p1 [tilespmem:s2+$0xBE40];
	v22 =	vnsel @p1 vm0, $0x0, v13;
	v20 =	vadd.f32 @p1 v20, v24;
	v18 =	vsel @p1 vm1, v4, v18;
	[tilespmem:s2+$0xBEB0] =	vst @p1 v17  }
0x1eb: {  	v22 =	vsel @p1 vm1, v5, v22;
	v17 =	vnsel @p1 vm0, $0x0, v15;
	v18 =	vadd.f32 @p1 v21, v18;
	[tilespmem:s2+$0xBE90] =	vst @p1 v19  }
0x1ec: {  	v19 =	vnsel @p1 vm0, $0x0, v10;
	[tilespmem:s2+$0xBE60] =	vst @p1 v20;
	v20 =	vadd.f32 @p1 v23, v22;
	v17 =	vsel @p1 vm1, v7, v17  }
0x1ed: {  	v21 =	vnsel @p1 vm0, $0x0, v9;
	v19 =	vsel @p1 vm1, v2, v19;
	[tilespmem:s2+$0xBE70] =	vst @p1 v18;
	v17 =	vadd.f32 @p1 v25, v17  }
0x1ee: {  	v18 =	vsel @p1 vm1, v1, v21;
	v19 =	vadd.f32 @p1 v26, v19;
	[tilespmem:s2+$0xBE80] =	vst @p1 v20  }
0x1ef: {  	v18 =	vadd.f32 @p1 v27, v18;
	[tilespmem:s2+$0xBEA0] =	vst @p1 v17  }
0x1f0: {  	[tilespmem:s2+$0xBE50] =	vst @p1 v19  }
0x1f1: {  	[tilespmem:s2+$0xBE40] =	vst @p1 v18  }
.LBB2_14:
0x1f2: {  	s2 =	sadd.s32 s8, s16  }
0x1f3: {  	p1 =	seq.s32 s9, $0x9;
	s2 =	sshll.u32 s2, $0xB  }
0x1f4: {  	s14 =	sadd.s32 @!p1 $0x280, s10;
	s2 =	sand.u32 $0x1FFFF800, s2  }
0x1f5: {  	s16 =	smulhi.u32 @!p1 $0x51EB851F, s14;
	s2 =	sadd.s32 s5, s2  }
0x1f6: {  	[hbm4b:s2+s7] =	stream.linear.scatter [tilespmem:s28], [sflag:$0x8], $0x4000, $0x38;
	[tilespmem:$0x17E40] =	vst v63  }
0x1f7: {  	s2 =	sshrl.u32 @!p1 s16, $0x6  }
0x1f8: {  	s16 =	simm.s32 @!p1 $0x6;
	s2 =	smul.u32 @!p1 $0xC8, s2  }
0x1f9: {  	_ =	swait.ge @!p1 [sflag:s16], $0x4000  }
0x1fa: {  	[sflag:s16] =	ssyncset.done @!p1 $0x0;
	s2 =	ssub.s32 @!p1 s14, s2  }
0x1fb: {  	[sflag:s16] =	ssyncadd.s32 @!p1 $0xFFFFC000;
	s2 =	sshll.u32 @!p1 s2, $0x7  }
0x1fc: {  	s14 =	simm.s32 @!p1 $0x3E40;
	s16 =	simm.s32 @!p1 $0xB;
	s2 =	sadd.s32 @!p1 s2, s6  }
0x1fd: {  	[tilespmem:s14], [sflag:$0xB] =	stream.linear.gather @!p1 [spmem:s2], $0x4000, $0x38;
	[tilespmem:$0x17E40] =	vst v63  }
0x1fe: {  	_ =	swait.ge @!p1 [sflag:s16], $0x4000  }
0x1ff: {  	[sflag:s16] =	ssyncset.done @!p1 $0x0  }
0x200: {  	s21 =	simm.s32 @!p1 $0x80;
	s2 =	sadd.s32 @!p1 $0x1B80, s10;
	[sflag:s16] =	ssyncadd.s32 @!p1 $0xFFFFC000  }
0x201: {  	[tilespmem:s14], [sflag:$0x1] =	stream.indirect.gather.add.f32 @!p1 [hbm:s3], $0x80, s2, s21, $0xb8;
	[tilespmem:$0x17E40] =	vst v63  }
0x202: {  	_ =	swait.ge [sflag:s19], $0x4000  }
0x203: {  	[sflag:s19] =	ssyncset.done $0x0  }
0x204: {  	[sflag:s19] =	ssyncadd.s32 $0xFFFFC000  }
0x205: {  	v17 =	vld [tilespmem:s13+$0x0]  }
0x206: {  	v18 =	vld [tilespmem:s13+$0x10]  }
0x207: {  	v19 =	vld [tilespmem:s13+$0x20]  }
0x208: {  	v20 =	vld [tilespmem:s13+$0x30];
	_ =	sdelay $0x1  }
0x209: {  	v63 =	vld [tilespmem:s13+$0x70]  }
0x20a: {  	vm0 =	veq.s32 v17, $0x0;
	vm1 =	veq.s32 v17, $0x186A1;
	vm2 =	veq.s32 v18, $0x0;
	v17 =	vld [tilespmem:s13+$0x40]  }
0x20b: {  	vm3 =	veq.s32 v18, $0x186A1;
	v18 =	vld [tilespmem:s13+$0x50];
	vm9 =	veq.s32 v19, $0x0;
	vm10 =	veq.s32 v19, $0x186A1  }
0x20c: {  	vm11 =	veq.s32 v20, $0x0;
	v19 =	vld [tilespmem:s13+$0x60];
	vm0 =	vmor vm0, vm1;
	vm8 =	vmor vm2, vm3  }
0x20d: {  	vm12 =	veq.s32 v20, $0x186A1;
	vm1 =	vmor vm9, vm10;
	vm0 =	vmor vm0, vm8  }
0x20e: {  	vm13 =	vmor vm11, vm12;
	vm0 =	vmor vm0, vm1  }
0x20f: {  	vm0 =	vmor vm0, vm13;
	vm13 =	veq.s32 v63, $0x0  }
0x210: {  	vm14 =	veq.s32 v17, $0x0;
	vm15 =	veq.s32 v17, $0x186A1;
	vm7 =	veq.s32 v18, $0x0  }
0x211: {  	vm8 =	veq.s32 v18, $0x186A1;
	vm10 =	veq.s32 v19, $0x0;
	vm6 =	vmor vm14, vm15  }
0x212: {  	vm11 =	veq.s32 v19, $0x186A1;
	vm9 =	vmor vm7, vm8;
	vm0 =	vmor vm0, vm6  }
0x213: {  	vm12 =	vmor vm10, vm11;
	vm14 =	veq.s32 v63, $0x186A1;
	vm0 =	vmor vm0, vm9  }
0x214: {  	vm15 =	vmor vm13, vm14;
	vm0 =	vmor vm0, vm12  }
0x215: {  	vm0 =	vmor vm0, vm15  }
0x216: {  	v17 =	vsel vm0, $0x3F800000, v0  }
0x217: {  	(xrf0) =	vmax.scan.msk.f32 $0xffff, v17;
	_ =	sdelay $0x5  }
0x218: {  	v17, _, _ =	vpop (xrf0)  }
0x219: {  	(v2sf) =	vpush v17, $0xF;
	_ =	sdelay $0xe  }
0x21a: {  	s29 =	spop (v2sf)  }
0x21b: {  	p2 =	sgt.f32 s29, $0.0e+00  }
.Ltmp8:
0x21c: {  	_ = 	snop;
	(pc) =	sbr.rel @!p2 .LBB2_18-.Ltmp8, $1  }
0x21d: {  	_ =	sdelay $0x3  }
0x21e: {  	s2 =	simm.s32 $0x0  }
0x21f: {  	v18 =	vmov s2  }
0x220: {  	v17 =	vmov s13;
	v18 =	vand.u32 $0x7F, v18  }
0x221: {  	v18 =	vor.u32 v17, v18  }
0x222: {  	v18 =	vbroadcast v18, $0x0;
	_ =	sdelay $0x5  }
0x223: {  	v18 =	vld.idx.msk [tilespmem:v18+s7+$0x0], $0xffff;
	_ =	sdelay $0x4  }
0x224: {  	vm0 =	veq.s32 v18, $0x0;
	vm1 =	veq.s32 v18, $0x186A1  }
0x225: {  	vm0 =	vmor vm0, vm1  }
0x226: {  	v19 =	vsel vm0, $0x3F800000, v0  }
0x227: {  	(xrf0) =	vmax.scan.msk.f32 $0xffff, v19;
	_ =	sdelay $0x5  }
0x228: {  	v19, _, _ =	vpop (xrf0)  }
0x229: {  	(v2sf) =	vpush v19, $0xF;
	_ =	sdelay $0xe  }
0x22a: {  	s22 =	spop (v2sf)  }
0x22b: {  	p2 =	sgt.f32 s22, $0.0e+00;
	_ =	sdelay $0x1  }
0x22c: {  	s22 =	simm.s32 $0x1;
	vm1 =	veq.s32 @p2 v18, $0x186A1;
	s2 =	simm.s32 @p2 $0x0  }
0x22d: {  	v31 =	vmov s22;
	vm0 =	veq.s32 @p2 v18, $0x0;
	v18 =	vnsel @p2 vm1, $0x0, v11;
	v30 =	vld @p2 [tilespmem:s2+$0xFEB0]  }
0x22e: {  	v20 =	vnsel @p2 vm1, $0x0, v12;
	v21 =	vnsel @p2 vm1, $0x0, v14;
	v24 =	vld @p2 [tilespmem:s2+$0xFE90];
	v26 =	vnsel @p2 vm1, $0x0, v15  }
0x22f: {  	v22 =	vld @p2 [tilespmem:s2+$0xFE60];
	v27 =	vnsel @p2 vm1, $0x0, v16;
	v19 =	vsel @p2 vm0, v3, v18;
	v18 =	vsel @p2 vm0, v4, v20  }
0x230: {  	v23 =	vld @p2 [tilespmem:s2+$0xFE70];
	v25 =	vsel @p2 vm0, v6, v21;
	v20 =	vnsel @p2 vm1, $0x0, v13;
	v32 =	vsel @p2 vm0, v8, v27  }
0x231: {  	v27 =	vnsel @p2 vm1, $0x0, v10;
	v21 =	vsel @p2 vm0, v5, v20;
	v20 =	vsel @p2 vm0, v7, v26;
	v26 =	vld @p2 [tilespmem:s2+$0xFE80]  }
0x232: {  	s13 =	simm.s32 $0x200;
	s29 =	simm.s32 $0x400;
	v29 =	vnsel @p2 vm1, $0x0, v9;
	v28 =	vld @p2 [tilespmem:s2+$0xFEA0];
	v27 =	vsel @p2 vm0, v2, v27;
	v30 =	vadd.f32 @p2 v30, v32  }
.LBB2_16:
0x233: {  	v31 =	vand.u32 $0x7F, v31;
	v29 =	vsel @p2 vm0, v1, v29;
	v32 =	vld @p2 [tilespmem:s2+$0xFE50];
	v24 =	vadd.f32 @p2 v24, v25;
	s14 =	smov.u32 s29;
	s29 =	sadd.s32 $0x200, s29  }
0x234: {  	p3 =	sne.s32 s29, $0x10000;
	v25 =	vor.u32 v17, v31;
	v31 =	vld @p2 [tilespmem:s2+$0xFE40];
	v19 =	vadd.f32 @p2 v22, v19;
	[tilespmem:s2+$0xFEB0] =	vst @p2 v30  }
0x235: {  	v22 =	vbroadcast v25, $0x0;
	v18 =	vadd.f32 @p2 v23, v18;
	[tilespmem:s2+$0xFE90] =	vst @p2 v24  }
0x236: {  	[tilespmem:s2+$0xFE60] =	vst @p2 v19;
	v19 =	vadd.f32 @p2 v26, v21  }
0x237: {  	[tilespmem:s2+$0xFE70] =	vst @p2 v18;
	v18 =	vadd.f32 @p2 v28, v20  }
0x238: {  	v20 =	vadd.f32 @p2 v32, v27;
	[tilespmem:s2+$0xFE80] =	vst @p2 v19  }
0x239: {  	v19 =	vadd.f32 @p2 v31, v29;
	[tilespmem:s2+$0xFEA0] =	vst @p2 v18  }
0x23a: {  	[tilespmem:s2+$0xFE50] =	vst @p2 v20  }
0x23b: {  	[tilespmem:s2+$0xFE40] =	vst @p2 v19  }
0x23c: {  	v18 =	vld.idx.msk [tilespmem:v22+s7+$0x0], $0xffff;
	_ =	sdelay $0x5  }
0x23d: {  	vm0 =	veq.s32 v18, $0x0;
	vm1 =	veq.s32 v18, $0x186A1  }
0x23e: {  	vm0 =	vmor vm0, vm1  }
0x23f: {  	v19 =	vsel vm0, $0x3F800000, v0  }
0x240: {  	(xrf0) =	vmax.scan.msk.f32 $0xffff, v19;
	_ =	sdelay $0x5  }
0x241: {  	v19, _, _ =	vpop (xrf0)  }
0x242: {  	(v2sf) =	vpush v19, $0xF;
	_ =	sdelay $0xe  }
0x243: {  	s2 =	spop (v2sf)  }
0x244: {  	p2 =	sgt.f32 s2, $0.0e+00;
	_ =	sdelay $0x1  }
0x245: {  	vm1 =	veq.s32 @p2 v18, $0x186A1;
	vm0 =	veq.s32 @p2 v18, $0x0;
	s2 =	sshra.s32 @p2 s13, $0x2;
	s13 =	smov.u32 s14  }
0x246: {  	v18 =	vnsel @p2 vm1, $0x0, v11;
	v20 =	vnsel @p2 vm1, $0x0, v12;
	v21 =	vnsel @p2 vm1, $0x0, v14;
	v30 =	vld @p2 [tilespmem:s2+$0xFEB0]  }
.Ltmp9:
0x247: {  	v19 =	vsel @p2 vm0, v3, v18;
	v18 =	vsel @p2 vm0, v4, v20;
	v24 =	vld @p2 [tilespmem:s2+$0xFE90];
	v25 =	vsel @p2 vm0, v6, v21;
	(pc) =	sbr.rel @p3 .LBB2_16-.Ltmp9, $4  }
0x248: {  	v26 =	vnsel @p2 vm1, $0x0, v15;
	v27 =	vnsel @p2 vm1, $0x0, v16;
	v20 =	vnsel @p2 vm1, $0x0, v13;
	v22 =	vld @p2 [tilespmem:s2+$0xFE60]  }
0x249: {  	v32 =	vsel @p2 vm0, v8, v27;
	v21 =	vsel @p2 vm0, v5, v20;
	v20 =	vsel @p2 vm0, v7, v26;
	v23 =	vld @p2 [tilespmem:s2+$0xFE70]  }
0x24a: {  	s22 =	sadd.s32 $0x1, s22;
	v29 =	vnsel @p2 vm1, $0x0, v9;
	v27 =	vnsel @p2 vm1, $0x0, v10;
	v26 =	vld @p2 [tilespmem:s2+$0xFE80]  }
0x24b: {  	v31 =	vmov s22;
	v27 =	vsel @p2 vm0, v2, v27;
	v28 =	vld @p2 [tilespmem:s2+$0xFEA0];
	v30 =	vadd.f32 @p2 v30, v32  }
0x24c: {  	v32 =	vld @p2 [tilespmem:s2+$0xFE50];
	v24 =	vadd.f32 @p2 v24, v25  }
0x24d: {  	v25 =	vld @p2 [tilespmem:s2+$0xFE40];
	v63 =	vand.u32 $0x7F, v31;
	v19 =	vadd.f32 @p2 v22, v19;
	[tilespmem:s2+$0xFEB0] =	vst @p2 v30  }
0x24e: {  	v17 =	vor.u32 v17, v63;
	v18 =	vadd.f32 @p2 v23, v18;
	[tilespmem:s2+$0xFE90] =	vst @p2 v24  }
0x24f: {  	v17 =	vbroadcast v17, $0x0;
	[tilespmem:s2+$0xFE60] =	vst @p2 v19;
	v19 =	vadd.f32 @p2 v26, v21  }
0x250: {  	[tilespmem:s2+$0xFE70] =	vst @p2 v18;
	v18 =	vadd.f32 @p2 v28, v20  }
0x251: {  	v20 =	vsel @p2 vm0, v1, v29;
	v21 =	vadd.f32 @p2 v32, v27;
	[tilespmem:s2+$0xFE80] =	vst @p2 v19  }
0x252: {  	v19 =	vadd.f32 @p2 v25, v20;
	[tilespmem:s2+$0xFEA0] =	vst @p2 v18  }
0x253: {  	[tilespmem:s2+$0xFE50] =	vst @p2 v21  }
0x254: {  	[tilespmem:s2+$0xFE40] =	vst @p2 v19  }
0x255: {  	v17 =	vld.idx.msk [tilespmem:v17+s7+$0x0], $0xffff;
	_ =	sdelay $0x4  }
0x256: {  	vm15 =	veq.s32 v17, $0x0;
	vm1 =	veq.s32 v17, $0x186A1  }
0x257: {  	vm0 =	vmor vm15, vm1  }
0x258: {  	v18 =	vsel vm0, $0x3F800000, v0  }
0x259: {  	(xrf0) =	vmax.scan.msk.f32 $0xffff, v18;
	_ =	sdelay $0x5  }
0x25a: {  	v18, _, _ =	vpop (xrf0)  }
0x25b: {  	(v2sf) =	vpush v18, $0xF;
	_ =	sdelay $0xe  }
0x25c: {  	s29 =	spop (v2sf)  }
0x25d: {  	p2 =	sgt.f32 s29, $0.0e+00;
	_ =	sdelay $0x1  }
0x25e: {  	s2 =	sshra.s32 @p2 s13, $0x2  }
0x25f: {  	v18 =	vld @p2 [tilespmem:s2+$0xFEB0]  }
0x260: {  	v19 =	vld @p2 [tilespmem:s2+$0xFE90]  }
0x261: {  	vm0 =	veq.s32 @p2 v17, $0x186A1;
	v20 =	vld @p2 [tilespmem:s2+$0xFE60]  }
0x262: {  	vm1 =	veq.s32 @p2 v17, $0x0;
	v17 =	vnsel @p2 vm0, $0x0, v16;
	v21 =	vld @p2 [tilespmem:s2+$0xFE70]  }
0x263: {  	v22 =	vnsel @p2 vm0, $0x0, v14;
	v23 =	vld @p2 [tilespmem:s2+$0xFE80];
	v17 =	vsel @p2 vm1, v8, v17  }
0x264: {  	v24 =	vnsel @p2 vm0, $0x0, v11;
	v25 =	vld @p2 [tilespmem:s2+$0xFEA0];
	v22 =	vsel @p2 vm1, v6, v22;
	v17 =	vadd.f32 @p2 v18, v17  }
0x265: {  	v26 =	vld @p2 [tilespmem:s2+$0xFE50];
	v24 =	vsel @p2 vm1, v3, v24;
	v18 =	vnsel @p2 vm0, $0x0, v12;
	v19 =	vadd.f32 @p2 v19, v22  }
0x266: {  	v27 =	vld @p2 [tilespmem:s2+$0xFE40];
	v22 =	vnsel @p2 vm0, $0x0, v13;
	v20 =	vadd.f32 @p2 v20, v24;
	v18 =	vsel @p2 vm1, v4, v18;
	[tilespmem:s2+$0xFEB0] =	vst @p2 v17  }
0x267: {  	v22 =	vsel @p2 vm1, v5, v22;
	v17 =	vnsel @p2 vm0, $0x0, v15;
	v18 =	vadd.f32 @p2 v21, v18;
	[tilespmem:s2+$0xFE90] =	vst @p2 v19  }
0x268: {  	v19 =	vnsel @p2 vm0, $0x0, v10;
	[tilespmem:s2+$0xFE60] =	vst @p2 v20;
	v20 =	vadd.f32 @p2 v23, v22;
	v17 =	vsel @p2 vm1, v7, v17  }
0x269: {  	v21 =	vnsel @p2 vm0, $0x0, v9;
	v19 =	vsel @p2 vm1, v2, v19;
	[tilespmem:s2+$0xFE70] =	vst @p2 v18;
	v17 =	vadd.f32 @p2 v25, v17  }
0x26a: {  	v18 =	vsel @p2 vm1, v1, v21;
	v19 =	vadd.f32 @p2 v26, v19;
	[tilespmem:s2+$0xFE80] =	vst @p2 v20  }
0x26b: {  	v18 =	vadd.f32 @p2 v27, v18;
	[tilespmem:s2+$0xFEA0] =	vst @p2 v17  }
0x26c: {  	[tilespmem:s2+$0xFE50] =	vst @p2 v19  }
0x26d: {  	[tilespmem:s2+$0xFE40] =	vst @p2 v18  }
.LBB2_18:
0x26e: {  	s2 =	sadd.s32 s8, s11  }
0x26f: {  	s2 =	sshll.u32 s2, $0xB  }
0x270: {  	s11 =	sadd.s32 @!p1 $0x300, s10;
	s2 =	sand.u32 $0x1FFFF800, s2  }
0x271: {  	s13 =	smulhi.u32 @!p1 $0x51EB851F, s11;
	s2 =	sadd.s32 s5, s2  }
0x272: {  	[hbm4b:s2+s7] =	stream.linear.scatter [tilespmem:s31], [sflag:$0x9], $0x4000, $0x38;
	[tilespmem:$0x17E40] =	vst v63  }
0x273: {  	s2 =	sshrl.u32 @!p1 s13, $0x6  }
0x274: {  	s2 =	smul.u32 @!p1 $0xC8, s2  }
0x275: {  	s13 =	simm.s32 @!p1 $0x7  }
0x276: {  	_ =	swait.ge @!p1 [sflag:s13], $0x4000;
	s2 =	ssub.s32 @!p1 s11, s2  }
0x277: {  	[sflag:s13] =	ssyncset.done @!p1 $0x0;
	s2 =	sshll.u32 @!p1 s2, $0x7  }
0x278: {  	[sflag:s13] =	ssyncadd.s32 @!p1 $0xFFFFC000;
	s11 =	simm.s32 @!p1 $0x7E40;
	s2 =	sadd.s32 @!p1 s2, s6  }
0x279: {  	[tilespmem:s11], [sflag:$0xB] =	stream.linear.gather @!p1 [spmem:s2], $0x4000, $0x38;
	[tilespmem:$0x17E40] =	vst v63  }
0x27a: {  	_ =	swait.ge @!p1 [sflag:s16], $0x4000  }
0x27b: {  	[sflag:s16] =	ssyncset.done @!p1 $0x0  }
0x27c: {  	s2 =	sadd.s32 @!p1 $0x1C00, s10;
	[sflag:s16] =	ssyncadd.s32 @!p1 $0xFFFFC000  }
0x27d: {  	[tilespmem:s11], [sflag:$0x2] =	stream.indirect.gather.add.f32 @!p1 [hbm:s3], $0x80, s2, s21, $0xb8;
	[tilespmem:$0x17E40] =	vst v63  }
0x27e: {  	_ =	swait.ge [sflag:s20], $0x4000  }
0x27f: {  	[sflag:s20] =	ssyncset.done $0x0  }
0x280: {  	[sflag:s20] =	ssyncadd.s32 $0xFFFFC000  }
0x281: {  	v17 =	vld [tilespmem:s15+$0x0]  }
0x282: {  	v18 =	vld [tilespmem:s15+$0x10]  }
0x283: {  	v19 =	vld [tilespmem:s15+$0x20]  }
0x284: {  	v20 =	vld [tilespmem:s15+$0x30];
	_ =	sdelay $0x1  }
0x285: {  	v63 =	vld [tilespmem:s15+$0x70]  }
0x286: {  	vm0 =	veq.s32 v17, $0x0;
	vm1 =	veq.s32 v17, $0x186A1;
	vm2 =	veq.s32 v18, $0x0;
	v17 =	vld [tilespmem:s15+$0x40]  }
0x287: {  	vm3 =	veq.s32 v18, $0x186A1;
	v18 =	vld [tilespmem:s15+$0x50];
	vm9 =	veq.s32 v19, $0x0;
	vm10 =	veq.s32 v19, $0x186A1  }
0x288: {  	vm11 =	veq.s32 v20, $0x0;
	v19 =	vld [tilespmem:s15+$0x60];
	vm0 =	vmor vm0, vm1;
	vm8 =	vmor vm2, vm3  }
0x289: {  	vm12 =	veq.s32 v20, $0x186A1;
	vm1 =	vmor vm9, vm10;
	vm0 =	vmor vm0, vm8  }
0x28a: {  	vm13 =	vmor vm11, vm12;
	vm0 =	vmor vm0, vm1  }
0x28b: {  	vm0 =	vmor vm0, vm13;
	vm13 =	veq.s32 v63, $0x0  }
0x28c: {  	vm14 =	veq.s32 v17, $0x0;
	vm15 =	veq.s32 v17, $0x186A1;
	vm7 =	veq.s32 v18, $0x0  }
0x28d: {  	vm8 =	veq.s32 v18, $0x186A1;
	vm10 =	veq.s32 v19, $0x0;
	vm6 =	vmor vm14, vm15  }
0x28e: {  	vm11 =	veq.s32 v19, $0x186A1;
	vm9 =	vmor vm7, vm8;
	vm0 =	vmor vm0, vm6  }
0x28f: {  	vm12 =	vmor vm10, vm11;
	vm14 =	veq.s32 v63, $0x186A1;
	vm0 =	vmor vm0, vm9  }
0x290: {  	vm15 =	vmor vm13, vm14;
	vm0 =	vmor vm0, vm12  }
0x291: {  	vm0 =	vmor vm0, vm15  }
0x292: {  	v17 =	vsel vm0, $0x3F800000, v0  }
0x293: {  	(xrf0) =	vmax.scan.msk.f32 $0xffff, v17;
	_ =	sdelay $0x5  }
0x294: {  	v17, _, _ =	vpop (xrf0)  }
0x295: {  	(v2sf) =	vpush v17, $0xF;
	_ =	sdelay $0xe  }
0x296: {  	s29 =	spop (v2sf)  }
0x297: {  	p2 =	sgt.f32 s29, $0.0e+00  }
.Ltmp10:
0x298: {  	_ = 	snop;
	(pc) =	sbr.rel @!p2 .LBB2_22-.Ltmp10, $1  }
0x299: {  	_ =	sdelay $0x3  }
0x29a: {  	s2 =	simm.s32 $0x0  }
0x29b: {  	v18 =	vmov s2  }
0x29c: {  	v17 =	vmov s15;
	v18 =	vand.u32 $0x7F, v18  }
0x29d: {  	v18 =	vor.u32 v17, v18  }
0x29e: {  	v18 =	vbroadcast v18, $0x0;
	_ =	sdelay $0x5  }
0x29f: {  	v18 =	vld.idx.msk [tilespmem:v18+s7+$0x0], $0xffff;
	_ =	sdelay $0x4  }
0x2a0: {  	vm0 =	veq.s32 v18, $0x0;
	vm1 =	veq.s32 v18, $0x186A1  }
0x2a1: {  	vm0 =	vmor vm0, vm1  }
0x2a2: {  	v19 =	vsel vm0, $0x3F800000, v0  }
0x2a3: {  	(xrf0) =	vmax.scan.msk.f32 $0xffff, v19;
	_ =	sdelay $0x5  }
0x2a4: {  	v19, _, _ =	vpop (xrf0)  }
0x2a5: {  	(v2sf) =	vpush v19, $0xF;
	_ =	sdelay $0xe  }
0x2a6: {  	s29 =	spop (v2sf)  }
0x2a7: {  	p2 =	sgt.f32 s29, $0.0e+00;
	_ =	sdelay $0x1  }
0x2a8: {  	s13 =	simm.s32 $0x1;
	vm1 =	veq.s32 @p2 v18, $0x186A1;
	s2 =	simm.s32 @p2 $0x0  }
0x2a9: {  	v31 =	vmov s13;
	vm0 =	veq.s32 @p2 v18, $0x0;
	v18 =	vnsel @p2 vm1, $0x0, v11;
	v30 =	vld @p2 [tilespmem:s2+$0x13EB0]  }
0x2aa: {  	v20 =	vnsel @p2 vm1, $0x0, v12;
	v21 =	vnsel @p2 vm1, $0x0, v14;
	v24 =	vld @p2 [tilespmem:s2+$0x13E90];
	v26 =	vnsel @p2 vm1, $0x0, v15  }
0x2ab: {  	v22 =	vld @p2 [tilespmem:s2+$0x13E60];
	v27 =	vnsel @p2 vm1, $0x0, v16;
	v19 =	vsel @p2 vm0, v3, v18;
	v18 =	vsel @p2 vm0, v4, v20  }
0x2ac: {  	v23 =	vld @p2 [tilespmem:s2+$0x13E70];
	v25 =	vsel @p2 vm0, v6, v21;
	v20 =	vnsel @p2 vm1, $0x0, v13;
	v32 =	vsel @p2 vm0, v8, v27  }
0x2ad: {  	v27 =	vnsel @p2 vm1, $0x0, v10;
	v21 =	vsel @p2 vm0, v5, v20;
	v20 =	vsel @p2 vm0, v7, v26;
	v26 =	vld @p2 [tilespmem:s2+$0x13E80]  }
0x2ae: {  	s11 =	simm.s32 $0x200;
	s15 =	simm.s32 $0x400;
	v29 =	vnsel @p2 vm1, $0x0, v9;
	v28 =	vld @p2 [tilespmem:s2+$0x13EA0];
	v27 =	vsel @p2 vm0, v2, v27;
	v30 =	vadd.f32 @p2 v30, v32  }
.LBB2_20:
0x2af: {  	v31 =	vand.u32 $0x7F, v31;
	v29 =	vsel @p2 vm0, v1, v29;
	v32 =	vld @p2 [tilespmem:s2+$0x13E50];
	v24 =	vadd.f32 @p2 v24, v25;
	s14 =	smov.u32 s15;
	s15 =	sadd.s32 $0x200, s15  }
0x2b0: {  	p3 =	sne.s32 s15, $0x10000;
	v25 =	vor.u32 v17, v31;
	v31 =	vld @p2 [tilespmem:s2+$0x13E40];
	v19 =	vadd.f32 @p2 v22, v19;
	[tilespmem:s2+$0x13EB0] =	vst @p2 v30  }
0x2b1: {  	v22 =	vbroadcast v25, $0x0;
	v18 =	vadd.f32 @p2 v23, v18;
	[tilespmem:s2+$0x13E90] =	vst @p2 v24  }
0x2b2: {  	[tilespmem:s2+$0x13E60] =	vst @p2 v19;
	v19 =	vadd.f32 @p2 v26, v21  }
0x2b3: {  	[tilespmem:s2+$0x13E70] =	vst @p2 v18;
	v18 =	vadd.f32 @p2 v28, v20  }
0x2b4: {  	v20 =	vadd.f32 @p2 v32, v27;
	[tilespmem:s2+$0x13E80] =	vst @p2 v19  }
0x2b5: {  	v19 =	vadd.f32 @p2 v31, v29;
	[tilespmem:s2+$0x13EA0] =	vst @p2 v18  }
0x2b6: {  	[tilespmem:s2+$0x13E50] =	vst @p2 v20  }
0x2b7: {  	[tilespmem:s2+$0x13E40] =	vst @p2 v19  }
0x2b8: {  	v18 =	vld.idx.msk [tilespmem:v22+s7+$0x0], $0xffff;
	_ =	sdelay $0x5  }
0x2b9: {  	vm0 =	veq.s32 v18, $0x0;
	vm1 =	veq.s32 v18, $0x186A1  }
0x2ba: {  	vm0 =	vmor vm0, vm1  }
0x2bb: {  	v19 =	vsel vm0, $0x3F800000, v0  }
0x2bc: {  	(xrf0) =	vmax.scan.msk.f32 $0xffff, v19;
	_ =	sdelay $0x5  }
0x2bd: {  	v19, _, _ =	vpop (xrf0)  }
0x2be: {  	(v2sf) =	vpush v19, $0xF;
	_ =	sdelay $0xe  }
0x2bf: {  	s2 =	spop (v2sf)  }
0x2c0: {  	p2 =	sgt.f32 s2, $0.0e+00;
	_ =	sdelay $0x1  }
0x2c1: {  	vm1 =	veq.s32 @p2 v18, $0x186A1;
	vm0 =	veq.s32 @p2 v18, $0x0;
	s2 =	sshra.s32 @p2 s11, $0x2;
	s11 =	smov.u32 s14  }
0x2c2: {  	v18 =	vnsel @p2 vm1, $0x0, v11;
	v20 =	vnsel @p2 vm1, $0x0, v12;
	v21 =	vnsel @p2 vm1, $0x0, v14;
	v30 =	vld @p2 [tilespmem:s2+$0x13EB0]  }
.Ltmp11:
0x2c3: {  	v19 =	vsel @p2 vm0, v3, v18;
	v18 =	vsel @p2 vm0, v4, v20;
	v24 =	vld @p2 [tilespmem:s2+$0x13E90];
	v25 =	vsel @p2 vm0, v6, v21;
	(pc) =	sbr.rel @p3 .LBB2_20-.Ltmp11, $4  }
0x2c4: {  	v26 =	vnsel @p2 vm1, $0x0, v15;
	v27 =	vnsel @p2 vm1, $0x0, v16;
	v20 =	vnsel @p2 vm1, $0x0, v13;
	v22 =	vld @p2 [tilespmem:s2+$0x13E60]  }
0x2c5: {  	v32 =	vsel @p2 vm0, v8, v27;
	v21 =	vsel @p2 vm0, v5, v20;
	v20 =	vsel @p2 vm0, v7, v26;
	v23 =	vld @p2 [tilespmem:s2+$0x13E70]  }
0x2c6: {  	s13 =	sadd.s32 $0x1, s13;
	v29 =	vnsel @p2 vm1, $0x0, v9;
	v27 =	vnsel @p2 vm1, $0x0, v10;
	v26 =	vld @p2 [tilespmem:s2+$0x13E80]  }
0x2c7: {  	v31 =	vmov s13;
	v27 =	vsel @p2 vm0, v2, v27;
	v28 =	vld @p2 [tilespmem:s2+$0x13EA0];
	v30 =	vadd.f32 @p2 v30, v32  }
0x2c8: {  	v32 =	vld @p2 [tilespmem:s2+$0x13E50];
	v24 =	vadd.f32 @p2 v24, v25  }
0x2c9: {  	v25 =	vld @p2 [tilespmem:s2+$0x13E40];
	v63 =	vand.u32 $0x7F, v31;
	v19 =	vadd.f32 @p2 v22, v19;
	[tilespmem:s2+$0x13EB0] =	vst @p2 v30  }
0x2ca: {  	v17 =	vor.u32 v17, v63;
	v18 =	vadd.f32 @p2 v23, v18;
	[tilespmem:s2+$0x13E90] =	vst @p2 v24  }
0x2cb: {  	v17 =	vbroadcast v17, $0x0;
	[tilespmem:s2+$0x13E60] =	vst @p2 v19;
	v19 =	vadd.f32 @p2 v26, v21  }
0x2cc: {  	[tilespmem:s2+$0x13E70] =	vst @p2 v18;
	v18 =	vadd.f32 @p2 v28, v20  }
0x2cd: {  	v20 =	vsel @p2 vm0, v1, v29;
	v21 =	vadd.f32 @p2 v32, v27;
	[tilespmem:s2+$0x13E80] =	vst @p2 v19  }
0x2ce: {  	v19 =	vadd.f32 @p2 v25, v20;
	[tilespmem:s2+$0x13EA0] =	vst @p2 v18  }
0x2cf: {  	[tilespmem:s2+$0x13E50] =	vst @p2 v21  }
0x2d0: {  	[tilespmem:s2+$0x13E40] =	vst @p2 v19  }
0x2d1: {  	v17 =	vld.idx.msk [tilespmem:v17+s7+$0x0], $0xffff;
	_ =	sdelay $0x4  }
0x2d2: {  	vm15 =	veq.s32 v17, $0x0;
	vm1 =	veq.s32 v17, $0x186A1  }
0x2d3: {  	vm0 =	vmor vm15, vm1  }
0x2d4: {  	v18 =	vsel vm0, $0x3F800000, v0  }
0x2d5: {  	(xrf0) =	vmax.scan.msk.f32 $0xffff, v18;
	_ =	sdelay $0x5  }
0x2d6: {  	v18, _, _ =	vpop (xrf0)  }
0x2d7: {  	(v2sf) =	vpush v18, $0xF;
	_ =	sdelay $0xe  }
0x2d8: {  	s29 =	spop (v2sf)  }
0x2d9: {  	p2 =	sgt.f32 s29, $0.0e+00;
	_ =	sdelay $0x1  }
0x2da: {  	s2 =	sshra.s32 @p2 s11, $0x2  }
0x2db: {  	v18 =	vld @p2 [tilespmem:s2+$0x13EB0]  }
0x2dc: {  	v19 =	vld @p2 [tilespmem:s2+$0x13E90]  }
0x2dd: {  	vm0 =	veq.s32 @p2 v17, $0x186A1;
	v20 =	vld @p2 [tilespmem:s2+$0x13E60]  }
0x2de: {  	vm1 =	veq.s32 @p2 v17, $0x0;
	v17 =	vnsel @p2 vm0, $0x0, v16;
	v21 =	vld @p2 [tilespmem:s2+$0x13E70]  }
0x2df: {  	v22 =	vnsel @p2 vm0, $0x0, v14;
	v23 =	vld @p2 [tilespmem:s2+$0x13E80];
	v17 =	vsel @p2 vm1, v8, v17  }
0x2e0: {  	v24 =	vnsel @p2 vm0, $0x0, v11;
	v25 =	vld @p2 [tilespmem:s2+$0x13EA0];
	v22 =	vsel @p2 vm1, v6, v22;
	v17 =	vadd.f32 @p2 v18, v17  }
0x2e1: {  	v26 =	vld @p2 [tilespmem:s2+$0x13E50];
	v24 =	vsel @p2 vm1, v3, v24;
	v18 =	vnsel @p2 vm0, $0x0, v12;
	v19 =	vadd.f32 @p2 v19, v22  }
0x2e2: {  	v27 =	vld @p2 [tilespmem:s2+$0x13E40];
	v22 =	vnsel @p2 vm0, $0x0, v13;
	v20 =	vadd.f32 @p2 v20, v24;
	v18 =	vsel @p2 vm1, v4, v18;
	[tilespmem:s2+$0x13EB0] =	vst @p2 v17  }
0x2e3: {  	v22 =	vsel @p2 vm1, v5, v22;
	v17 =	vnsel @p2 vm0, $0x0, v15;
	v18 =	vadd.f32 @p2 v21, v18;
	[tilespmem:s2+$0x13E90] =	vst @p2 v19  }
0x2e4: {  	v19 =	vnsel @p2 vm0, $0x0, v10;
	[tilespmem:s2+$0x13E60] =	vst @p2 v20;
	v20 =	vadd.f32 @p2 v23, v22;
	v17 =	vsel @p2 vm1, v7, v17  }
0x2e5: {  	v21 =	vnsel @p2 vm0, $0x0, v9;
	v19 =	vsel @p2 vm1, v2, v19;
	[tilespmem:s2+$0x13E70] =	vst @p2 v18;
	v17 =	vadd.f32 @p2 v25, v17  }
0x2e6: {  	v18 =	vsel @p2 vm1, v1, v21;
	v19 =	vadd.f32 @p2 v26, v19;
	[tilespmem:s2+$0x13E80] =	vst @p2 v20  }
0x2e7: {  	v18 =	vadd.f32 @p2 v27, v18;
	[tilespmem:s2+$0x13EA0] =	vst @p2 v17  }
0x2e8: {  	[tilespmem:s2+$0x13E50] =	vst @p2 v19  }
0x2e9: {  	[tilespmem:s2+$0x13E40] =	vst @p2 v18  }
.LBB2_22:
.Ltmp12:
0x2ea: {  	s2 =	sadd.s32 s8, s12;
	(pc) =	sbr.rel @p1 .LBB2_24-.Ltmp12, $4  }
0x2eb: {  	s2 =	sshll.u32 s2, $0xB  }
0x2ec: {  	s2 =	sand.u32 $0x1FFFF800, s2  }
0x2ed: {  	s2 =	sadd.s32 s5, s2  }
0x2ee: {  	[hbm4b:s2+s7] =	stream.linear.scatter [tilespmem:s0], [sflag:$0xA], $0x4000, $0x38;
	[tilespmem:$0x17E40] =	vst v63  }
0x2ef: {  	s2 =	sadd.s32 $0x380, s10  }
0x2f0: {  	s11 =	smulhi.u32 $0x51EB851F, s2;
	_ =	sdelay $0x1  }
0x2f1: {  	s11 =	sshrl.u32 s11, $0x6  }
0x2f2: {  	s11 =	smul.u32 $0xC8, s11;
	_ =	sdelay $0x1  }
0x2f3: {  	_ =	swait.ge [sflag:s26], $0x4000;
	s2 =	ssub.s32 s2, s11  }
0x2f4: {  	[sflag:s26] =	ssyncset.done $0x0;
	s2 =	sshll.u32 s2, $0x7  }
0x2f5: {  	[sflag:s26] =	ssyncadd.s32 $0xFFFFC000;
	s2 =	sadd.s32 s2, s6  }
0x2f6: {  	[tilespmem:s28], [sflag:$0xB] =	stream.linear.gather [spmem:s2], $0x4000, $0x38;
	[tilespmem:$0x17E40] =	vst v63  }
.Ltmp13:
0x2f7: {  	_ = 	snop;
	(pc) =	sbr.rel .LBB2_2-.Ltmp13, $4  }
0x2f8: {  	_ =	swait.ge [sflag:s17], $0x4000  }
0x2f9: {  	[sflag:s17] =	ssyncset.done $0x0  }
0x2fa: {  	s29 =	sadd.s32 $0x1C80, s10;
	s9 =	sadd.s32 $0x1, s9;
	[sflag:s17] =	ssyncadd.s32 $0xFFFFC000  }
0x2fb: {  	[tilespmem:s28], [sflag:$0x3] =	stream.indirect.gather.add.f32 [hbm:s3], $0x80, s29, s24, $0xb8;
	[tilespmem:$0x17E40] =	vst v63  }
.LBB2_25:
0x2fc: {  	_ =	sfence.sel $0x180000  }
0x2fd: {  	[bflag:$0x0] =	sbarrier.arrive $0xFFFF  }
0x2fe: {  	_ =	strace $0x90000047  }
0x2ff: {  	[bflag:$0x2] =	sbarrier.arrive $0xFFFF  }
0x300: {  	s0 =	rddreg [dreg:$0x8]  }
0x301: {  	s0 =	sadd.s32 @!p0 $0x100000, s0  }
0x302: {  	[sflag:s0] =	ssyncadd.tile.s32 @!p0 $0x1;
	_ =	shalt  }
.Lfunc_end2:
_tile_overlayer_lowered:
.L_overlay_start_2:
0x303: {  	(tag) =	ssettag $0x2  }
0x304: {  	s0 =	rddreg [dreg:$0x0];
	s2 =	stileid.u32  }
0x305: {  	s1 =	rddreg [dreg:$0x1];
	p0 =	sne.s32 s2, $0x0  }
0x306: {  	s3 =	rddreg [dreg:$0x2];
	[bflag:$0x3] =	sbarrier.arrive $0xFFFF;
	s2 =	simm.s32 @!p0 $0x1C0B  }
0x307: {  	[timem:s3], [sflag:s2] =	dma.local @!p0 [hbm:s0], s1  }
0x308: {  	s0 =	simm.s32 @!p0 $0xB  }
0x309: {  	_ =	swait.ge @!p0 [sflag:s0], s1  }
0x30a: {  	s1 =	ssub.s32 @!p0 $0x0, s1;
	[sflag:s0] =	ssyncset.done @!p0 $0x0  }
0x30b: {  	[sflag:s0] =	ssyncadd.s32 @!p0 s1  }
0x30c: {  	[bflag:$0x3] =	sbarrier.arrive $0xFFFF  }
0x30d: {  	_ =	shalt  }

</sc_bundles>
